<compile_context>
chip_gen: v7x
topology: tpu7x:2x2x1
jax: 0.10.2.dev20260603
libtpu: 0.0.44.dev20260713+nightly
codegen_flags: <defaults>
</compile_context>

<pallas_src>
import jax
import jax.numpy as jnp
from jax import lax
from jax.experimental import pallas as pl
from jax.experimental.pallas import tpu as pltpu
from jax.experimental.pallas import tpu_sc as plsc

N = 10000
E = 320000
D = 128
H = 128
FC = 32

NC = 2
NS = 16
NW = NC * NS
CH = 128
NCH = 80
EPAD = NW * NCH * CH
NROW = EPAD // CH

SLAB = 640
NPDEG = NS * SLAB
NPA = 10128
HCH = NCH // 2

_SC_CALLS = {}


def _sc_calls():
  if not _SC_CALLS:
    mesh = plsc.VectorSubcoreMesh(
        core_axis_name="c", subcore_axis_name="s",
        num_cores=NC, num_subcores=NS)
    _SC_CALLS["deg"] = pl.kernel(
        _deg_body,
        out_type=(jax.ShapeDtypeStruct((NPDEG,), jnp.float32),
                  jax.ShapeDtypeStruct((NPDEG,), jnp.float32)),
        mesh=mesh,
        scratch_types=[
            pltpu.VMEM((NCH, CH), jnp.int32),
            pltpu.VMEM((CH,), jnp.float32),
            pltpu.VMEM((SLAB,), jnp.float32),
            pltpu.VMEM_SHARED((NPDEG,), jnp.float32),
        ],
    )
    _SC_CALLS["agg"] = pl.kernel(
        _agg_body,
        out_type=(jax.ShapeDtypeStruct((NPA, D), jnp.float32),
                  jax.ShapeDtypeStruct((NPA, D), jnp.float32)),
        mesh=mesh,
        scratch_types=[
            pltpu.VMEM((HCH, CH), jnp.int32),
            pltpu.VMEM((HCH, CH), jnp.int32),
            pltpu.VMEM((CH, D), jnp.float32),
            pltpu.VMEM((CH, D), jnp.float32),
            pltpu.VMEM_SHARED((NPA, D), jnp.float32),
            pltpu.SemaphoreType.DMA,
            pltpu.SemaphoreType.DMA,
        ],
    )
  return _SC_CALLS


def _deg_body(dst2_hbm, out0_hbm, out1_hbm, di_v, ones_v, zer_v, acc_sh):
  c = lax.axis_index("c")
  s = lax.axis_index("s")
  crow = (c * NS + s) * NCH

  def fill(i, _):
    ones_v[pl.ds(i * 16, 16)] = jnp.full((16,), 1.0, jnp.float32)
    return 0

  lax.fori_loop(0, CH // 16, fill, 0)

  def fillz(i, _):
    zer_v[pl.ds(i * 16, 16)] = jnp.zeros((16,), jnp.float32)
    return 0

  lax.fori_loop(0, SLAB // 16, fillz, 0)

  pltpu.sync_copy(zer_v, acc_sh.at[pl.ds(s * SLAB, SLAB)])
  pltpu.sync_copy(dst2_hbm.at[pl.ds(crow, NCH)], di_v)

  plsc.subcore_barrier()

  def body(j, _):
    pltpu.sync_copy(ones_v, acc_sh.at[di_v.at[j]], add=True)
    return 0

  lax.fori_loop(0, NCH, body, 0)

  plsc.subcore_barrier()

  @pl.when(c == 0)
  def _():
    pltpu.sync_copy(acc_sh.at[pl.ds(s * SLAB, SLAB)],
                    out0_hbm.at[pl.ds(s * SLAB, SLAB)])

  @pl.when(c == 1)
  def _():
    pltpu.sync_copy(acc_sh.at[pl.ds(s * SLAB, SLAB)],
                    out1_hbm.at[pl.ds(s * SLAB, SLAB)])




def _agg_body(t_hbm, src2_hbm, dst2_hbm, out0_hbm, out1_hbm,
              si_v, di_v, rows0, rows1, acc_sh, gs0, gs1):
  c = lax.axis_index("c")
  s = lax.axis_index("s")
  crow = (c * NS + s) * NCH
  row0 = s * SLAB
  last = s == NS - 1

  def fz(i, _):
    rows0[i // 8, pl.ds((i % 8) * 16, 16)] = jnp.zeros((16,), jnp.float32)
    return 0

  lax.fori_loop(0, CH * (D // 16), fz, 0)

  @pl.when(jnp.logical_not(last))
  def _():
    for k in range(SLAB // CH):
      pltpu.sync_copy(rows0, acc_sh.at[pl.ds(row0 + CH * k, CH)])

  @pl.when(last)
  def _():
    for k in range(3):
      pltpu.sync_copy(rows0, acc_sh.at[pl.ds(row0 + CH * k, CH)])
    pltpu.sync_copy(rows0.at[pl.ds(0, 32)],
                    acc_sh.at[pl.ds(row0 + 3 * CH, 32)])

  plsc.subcore_barrier()

  rows = (rows0, rows1)
  gs = (gs0, gs1)

  for phase in range(NCH // HCH):
    pltpu.sync_copy(src2_hbm.at[pl.ds(crow + phase * HCH, HCH)], si_v)
    pltpu.sync_copy(dst2_hbm.at[pl.ds(crow + phase * HCH, HCH)], di_v)

    pltpu.async_copy(t_hbm.at[si_v.at[0]], rows0, gs0).wait()

    def step(j, b):
      nb = 1 - b
      desc = pltpu.async_copy(t_hbm.at[si_v.at[j + 1]], rows[nb], gs[nb])
      pltpu.sync_copy(rows[b], acc_sh.at[di_v.at[j]], add=True)
      desc.wait()

    def outer(g, _):
      step(2 * g, 0)
      step(2 * g + 1, 1)
      return 0

    lax.fori_loop(0, HCH // 2 - 1, outer, 0)
    step(HCH - 2, 0)
    pltpu.sync_copy(rows1, acc_sh.at[di_v.at[HCH - 1]], add=True)

  plsc.subcore_barrier()

  def writeback(out_ref):
    @pl.when(jnp.logical_not(last))
    def _():
      for k in range(SLAB // CH):
        pltpu.sync_copy(acc_sh.at[pl.ds(row0 + CH * k, CH)],
                        out_ref.at[pl.ds(row0 + CH * k, CH)])

    @pl.when(last)
    def _():
      for k in range(3):
        pltpu.sync_copy(acc_sh.at[pl.ds(row0 + CH * k, CH)],
                        out_ref.at[pl.ds(row0 + CH * k, CH)])
      pltpu.sync_copy(acc_sh.at[pl.ds(row0 + 3 * CH, 16)],
                      out_ref.at[pl.ds(row0 + 3 * CH, 16)])

  @pl.when(c == 0)
  def _():
    writeback(out0_hbm)

  @pl.when(c == 1)
  def _():
    writeback(out1_hbm)




RB = 2000
_GRID = N // RB


def _rows(i):
  return (i, 0)


def _full(i):
  return (0, 0)


def _dis(d0_ref, d1_ref):
  return lax.rsqrt(1.0 + d0_ref[...] + d1_ref[...])


def _mm1_body(x_ref, w_ref, d0_ref, d1_ref, o_ref):
  o_ref[...] = jnp.dot(x_ref[...], w_ref[...],
                       preferred_element_type=jnp.float32) * _dis(d0_ref, d1_ref)


def _mm2_body(p0_ref, p1_ref, t_ref, d0_ref, d1_ref, b_ref, w_ref, o_ref):
  dis = _dis(d0_ref, d1_ref)
  h = jnp.maximum(dis * (p0_ref[...] + p1_ref[...] + t_ref[...]) + b_ref[...], 0.0)
  o_ref[...] = jnp.dot(h, w_ref[...], preferred_element_type=jnp.float32) * dis


def _head_body(p0_ref, p1_ref, t_ref, d0_ref, d1_ref, b_ref,
               wf_ref, bf_ref, wo_ref, bo_ref, o_ref):
  dis = _dis(d0_ref, d1_ref)
  h2 = jnp.maximum(dis * (p0_ref[...] + p1_ref[...] + t_ref[...]) + b_ref[...], 0.0)
  h3 = jnp.maximum(jnp.dot(h2, wf_ref[...], preferred_element_type=jnp.float32)
                   + bf_ref[...], 0.0)
  o_ref[...] = jnp.dot(h3, wo_ref[...], preferred_element_type=jnp.float32) + bo_ref[...]


def _row_spec(cols):
  return pl.BlockSpec((RB, cols), _rows)


def _w_spec(r, c):
  return pl.BlockSpec((r, c), _full)


_mm1 = pl.pallas_call(
    _mm1_body,
    grid=(_GRID,),
    in_specs=[_row_spec(D), _w_spec(D, H), _row_spec(1), _row_spec(1)],
    out_specs=_row_spec(H),
    out_shape=jax.ShapeDtypeStruct((N, H), jnp.float32),
)

_mm2 = pl.pallas_call(
    _mm2_body,
    grid=(_GRID,),
    in_specs=[_row_spec(H), _row_spec(H), _row_spec(H), _row_spec(1),
              _row_spec(1), _w_spec(1, H), _w_spec(H, H)],
    out_specs=_row_spec(H),
    out_shape=jax.ShapeDtypeStruct((N, H), jnp.float32),
)

_head = pl.pallas_call(
    _head_body,
    grid=(_GRID,),
    in_specs=[_row_spec(H), _row_spec(H), _row_spec(H), _row_spec(1),
              _row_spec(1), _w_spec(1, H), _w_spec(H, FC), _w_spec(1, FC),
              _w_spec(FC, 1), _w_spec(1, 1)],
    out_specs=_row_spec(1),
    out_shape=jax.ShapeDtypeStruct((N, 1), jnp.float32),
)


def kernel(x, edge_index, W1, b1, W2, b2, Wf, bf, Wo, bo):
  src = edge_index[0]
  dst = edge_index[1]
  pad = EPAD - E
  pad_i = jnp.arange(pad, dtype=jnp.int32) % 128
  src2 = jnp.concatenate([src, pad_i]).reshape(NROW, CH)
  dst2 = jnp.concatenate([dst, N + pad_i]).reshape(NROW, CH)

  sc = _sc_calls()
  deg0, deg1 = sc["deg"](dst2)
  d0 = deg0[:N, None]
  d1 = deg1[:N, None]

  t1 = _mm1(x, W1, d0, d1)
  p0, p1 = sc["agg"](t1, src2, dst2)
  t2 = _mm2(p0, p1, t1, d0, d1, b1[None, :], W2)
  q0, q1 = sc["agg"](t2, src2, dst2)
  return _head(q0, q1, t2, d0, d1, b2[None, :],
               Wf, bf[None, :], Wo, bo[None, :])

# --- scband reference (transcript-rebuilt; emitter-appended) ---
"""Pipeline reference for scband-gnn-20770461844169 (READ-ONLY COPY).

The authoritative reference and input builder live on the scoring server;
editing this copy changes nothing except your own understanding.
"""

import jax, jax.numpy as jnp
import numpy as np

N = 10000
E = 320000
D = 128
H = 128
FC = 32


def _glorot(key, shape):
    fan_in, fan_out = shape[0], shape[1]
    lim = jnp.sqrt(6.0 / (fan_in + fan_out))
    return jax.random.uniform(key, shape, dtype=jnp.float32, minval=-lim, maxval=lim)


def setup_inputs(seed: int = 0) -> dict:
    key = jax.random.key(seed)
    ks = jax.random.split(key, 12)
    x = jax.random.normal(ks[0], (N, D), dtype=jnp.float32)
    edge_index = jax.random.randint(ks[1], (2, E), 0, N, dtype=jnp.int32)
    W1 = _glorot(ks[2], (D, H))
    b1 = jnp.zeros((H,), dtype=jnp.float32)
    W2 = _glorot(ks[3], (H, H))
    b2 = jnp.zeros((H,), dtype=jnp.float32)
    Wf = _glorot(ks[4], (H, FC))
    bf = jnp.zeros((FC,), dtype=jnp.float32)
    Wo = _glorot(ks[5], (FC, 1))
    bo = jnp.zeros((1,), dtype=jnp.float32)
    return {"x": x, "edge_index": edge_index, "W1": W1, "b1": b1, "W2": W2, "b2": b2, "Wf": Wf, "bf": bf, "Wo": Wo, "bo": bo}


def gcn_conv(x, edge_index, W, b):
    n = x.shape[0]
    src = edge_index[0]
    dst = edge_index[1]
    loop = jnp.arange(n, dtype=src.dtype)
    src = jnp.concatenate([src, loop])
    dst = jnp.concatenate([dst, loop])
    deg = jnp.zeros((n,), dtype=x.dtype).at[dst].add(jnp.ones_like(dst, dtype=x.dtype))
    deg_inv_sqrt = jnp.where(deg > 0, jax.lax.rsqrt(jnp.maximum(deg, 1e-12)), 0.0)
    norm = deg_inv_sqrt[src] * deg_inv_sqrt[dst]
    h = x @ W
    msg = h[src] * norm[:, None]
    out = jnp.zeros_like(h).at[dst].add(msg)
    return out + b


def reference(x, edge_index, W1, b1, W2, b2, Wf, bf, Wo, bo):
    # conv1 -> relu -> (dropout: identity in eval) -> conv2 -> relu -> fc1 -> relu -> fc_out
    h = gcn_conv(x, edge_index, W1, b1)
    h = jax.nn.relu(h)
    h = gcn_conv(h, edge_index, W2, b2)
    h = jax.nn.relu(h)
    h = jax.nn.relu(h @ Wf + bf)
    return h @ Wo + bo

if __name__ == "__main__":
    import jax
    _d = setup_inputs()
    print(jax.jit(kernel)(*tuple(_d.values())))

</pallas_src>

<mosaic_0001>
#map = affine_map<(d0, d1) -> (0, 0)>
#map1 = affine_map<(d0, d1) -> (0)>
module attributes {stable_mosaic.version = 14 : i64} {
  func.func @_deg_body(%arg0: i32, %arg1: i32, %arg2: memref<2560x128xi32, #tpu.memory_space<hbm>>, %arg3: memref<10240xf32, #tpu.memory_space<hbm>>, %arg4: memref<10240xf32, #tpu.memory_space<hbm>>, %arg5: memref<80x128xi32, #tpu.memory_space<vmem>>, %arg6: memref<128xf32, #tpu.memory_space<vmem>>, %arg7: memref<640xf32, #tpu.memory_space<vmem>>, %arg8: memref<10240xf32, #tpu.memory_space<vmem_shared>>) attributes {dimension_semantics = [#tpu.dimension_semantics<core_parallel>, #tpu.dimension_semantics<subcore_parallel>], iteration_bounds = array<i64: 2, 16>, scalar_prefetch = 0 : i64, scratch_operands = 4 : i64, tpu.core_type = #tpu.core_type<sc_vector_subcore>, window_params = [{transform_indices = #map}, {transform_indices = #map1}, {transform_indices = #map1}]} {
    %mul3A = arith.constant 16 : i32
    %mul3A_0 = arith.muli %arg0, %mul3A : i32
    %add3A = arith.addi %mul3A_0, %arg1 : i32
    %mul3A_1 = arith.constant 80 : i32
    %mul3A_2 = arith.muli %add3A, %mul3A_1 : i32
    %scan3A = arith.constant 0 : i32
    %scan3A_3 = arith.constant 0 : i32
    %scan3A_4 = arith.constant 8 : i32
    %scan3A_5 = arith.addi %scan3A_3, %scan3A_4 : i32
    %scan3A_6 = arith.constant 1 : i32
    %scan3A_7 = scf.for %scan3A_33 = %scan3A_3 to %scan3A_5 step %scan3A_6 iter_args(%scan3A_34 = %scan3A) -> (i32)  : i32 {
      %broadcast_in_dim3A = arith.constant 1.000000e+00 : f32
      %broadcast_in_dim3A_35 = vector.broadcast %broadcast_in_dim3A : f32 to vector<16xf32>
      %mul3A_36 = arith.constant 16 : i32
      %mul3A_37 = arith.muli %scan3A_33, %mul3A_36 : i32
      %swap3A = arith.index_cast %mul3A_37 : i32 to index
      %swap3A_38 = tpu.vector_load %arg6[%swap3A] {strides = array<i32>} : memref<128xf32, #tpu.memory_space<vmem>>, vector<16xf32>,
      %swap3A_39 = vector.shape_cast %swap3A_38 : vector<16xf32> to vector<16xf32>
      %swap3A_40 = vector.shape_cast %broadcast_in_dim3A_35 : vector<16xf32> to vector<16xf32>
      tpu.vector_store %arg6[%swap3A], %swap3A_40 {strides = array<i32>} : memref<128xf32, #tpu.memory_space<vmem>>, vector<16xf32>,
      %scan3A_41 = arith.constant 0 : i32
      scf.yield %scan3A_41 : i32
    }
    %scan3A_8 = arith.constant 8 : i32
    %scan3A_9 = arith.constant 0 : i32
    %scan3A_10 = arith.constant 0 : i32
    %scan3A_11 = arith.constant 40 : i32
    %scan3A_12 = arith.addi %scan3A_10, %scan3A_11 : i32
    %scan3A_13 = arith.constant 1 : i32
    %scan3A_14 = scf.for %scan3A_33 = %scan3A_10 to %scan3A_12 step %scan3A_13 iter_args(%scan3A_34 = %scan3A_9) -> (i32)  : i32 {
      %broadcast_in_dim3A = arith.constant 0.000000e+00 : f32
      %broadcast_in_dim3A_35 = vector.broadcast %broadcast_in_dim3A : f32 to vector<16xf32>
      %mul3A_36 = arith.constant 16 : i32
      %mul3A_37 = arith.muli %scan3A_33, %mul3A_36 : i32
      %swap3A = arith.index_cast %mul3A_37 : i32 to index
      %swap3A_38 = tpu.vector_load %arg7[%swap3A] {strides = array<i32>} : memref<640xf32, #tpu.memory_space<vmem>>, vector<16xf32>,
      %swap3A_39 = vector.shape_cast %swap3A_38 : vector<16xf32> to vector<16xf32>
      %swap3A_40 = vector.shape_cast %broadcast_in_dim3A_35 : vector<16xf32> to vector<16xf32>
      tpu.vector_store %arg7[%swap3A], %swap3A_40 {strides = array<i32>} : memref<640xf32, #tpu.memory_space<vmem>>, vector<16xf32>,
      %scan3A_41 = arith.constant 0 : i32
      scf.yield %scan3A_41 : i32
    }
    %scan3A_15 = arith.constant 40 : i32
    %mul3A_16 = arith.constant 640 : i32
    %mul3A_17 = arith.muli %arg1, %mul3A_16 : i32
    "tpu.region"() ({
      %run_scoped3A = tpu.sem_alloc : memref<!tpu.dma_semaphore, #tpu.memory_space<semaphore_mem>>
      %dma_start3A = tpu.memref_slice %arg8[%mul3A_17] : memref<10240xf32, #tpu.memory_space<vmem_shared>> -> memref<640xf32, #tpu.memory_space<vmem_shared>>
      %dma_start3A_33 = tpu.memref_slice %arg8[%mul3A_17] : memref<10240xf32, #tpu.memory_space<vmem_shared>> -> memref<640xf32, #tpu.memory_space<vmem_shared>>
      tpu.enqueue_dma source(%arg7 : memref<640xf32, #tpu.memory_space<vmem>>) target(%dma_start3A_33 : memref<640xf32, #tpu.memory_space<vmem_shared>>) target_semaphore(%run_scoped3A : memref<!tpu.dma_semaphore, #tpu.memory_space<semaphore_mem>>)
      %dma_wait3A = tpu.memref_slice %arg8[%mul3A_17] : memref<10240xf32, #tpu.memory_space<vmem_shared>> -> memref<640xf32, #tpu.memory_space<vmem_shared>>
      %dma_wait3A_34 = tpu.memref_slice %arg8[%mul3A_17] : memref<10240xf32, #tpu.memory_space<vmem_shared>> -> memref<640xf32, #tpu.memory_space<vmem_shared>>
      tpu.wait_dma2 semaphore(%run_scoped3A : memref<!tpu.dma_semaphore, #tpu.memory_space<semaphore_mem>>) src(%arg7 : memref<640xf32, #tpu.memory_space<vmem>>) dst(%dma_wait3A_34 : memref<640xf32, #tpu.memory_space<vmem_shared>>)
      tpu.yield
    }) : () -> ()
    "tpu.region"() ({
      %run_scoped3A = tpu.sem_alloc : memref<!tpu.dma_semaphore, #tpu.memory_space<semaphore_mem>>
      %dma_start3A = arith.constant 0 : i32
      %dma_start3A_33 = tpu.memref_slice %arg2[%mul3A_2, %dma_start3A] : memref<2560x128xi32, #tpu.memory_space<hbm>> -> memref<80x128xi32, #tpu.memory_space<hbm>>
      %dma_start3A_34 = arith.constant 0 : i32
      %dma_start3A_35 = tpu.memref_slice %arg2[%mul3A_2, %dma_start3A_34] : memref<2560x128xi32, #tpu.memory_space<hbm>> -> memref<80x128xi32, #tpu.memory_space<hbm>>
      tpu.enqueue_dma source(%dma_start3A_35 : memref<80x128xi32, #tpu.memory_space<hbm>>) target(%arg5 : memref<80x128xi32, #tpu.memory_space<vmem>>) target_semaphore(%run_scoped3A : memref<!tpu.dma_semaphore, #tpu.memory_space<semaphore_mem>>)
      %dma_wait3A = arith.constant 0 : i32
      %dma_wait3A_36 = tpu.memref_slice %arg2[%mul3A_2, %dma_wait3A] : memref<2560x128xi32, #tpu.memory_space<hbm>> -> memref<80x128xi32, #tpu.memory_space<hbm>>
      %dma_wait3A_37 = arith.constant 0 : i32
      %dma_wait3A_38 = tpu.memref_slice %arg2[%mul3A_2, %dma_wait3A_37] : memref<2560x128xi32, #tpu.memory_space<hbm>> -> memref<80x128xi32, #tpu.memory_space<hbm>>
      tpu.wait_dma2 semaphore(%run_scoped3A : memref<!tpu.dma_semaphore, #tpu.memory_space<semaphore_mem>>) src(%dma_wait3A_38 : memref<80x128xi32, #tpu.memory_space<hbm>>) dst(%arg5 : memref<80x128xi32, #tpu.memory_space<vmem>>)
      tpu.yield
    }) : () -> ()
    %barrier3A = arith.constant 0 : index
    tpu.barrier barrier_id(%barrier3A)
    %scan3A_18 = arith.constant 0 : i32
    %scan3A_19 = arith.constant 0 : i32
    %scan3A_20 = arith.constant 80 : i32
    %scan3A_21 = arith.addi %scan3A_19, %scan3A_20 : i32
    %scan3A_22 = arith.constant 1 : i32
    %scan3A_23 = scf.for %scan3A_33 = %scan3A_19 to %scan3A_21 step %scan3A_22 iter_args(%scan3A_34 = %scan3A_18) -> (i32)  : i32 {
      "tpu.region"() ({
        %run_scoped3A = tpu.sem_alloc : memref<!tpu.dma_semaphore, #tpu.memory_space<semaphore_mem>>
        %dma_start3A = arith.constant 0 : i32
        %dma_start3A_36 = tpu.memref_slice %arg5[%scan3A_33, %dma_start3A] : memref<80x128xi32, #tpu.memory_space<vmem>> -> memref<1x128xi32, #tpu.memory_space<vmem>>
        %dma_start3A_37 = tpu.memref_squeeze %dma_start3A_36 : memref<1x128xi32, #tpu.memory_space<vmem>> -> memref<128xi32, #tpu.memory_space<vmem>>
        %dma_start3A_38 = arith.constant 0 : i32
        %dma_start3A_39 = tpu.memref_slice %arg8[%dma_start3A_38] : memref<10240xf32, #tpu.memory_space<vmem_shared>> -> memref<10240xf32, #tpu.memory_space<vmem_shared>>
        tpu.enqueue_indirect_dma source(%arg6 : memref<128xf32, #tpu.memory_space<vmem>>) target(%dma_start3A_39 : memref<10240xf32, #tpu.memory_space<vmem_shared>>) offsets(%dma_start3A_37 : memref<128xi32, #tpu.memory_space<vmem>>) semaphore(%run_scoped3A : memref<!tpu.dma_semaphore, #tpu.memory_space<semaphore_mem>>) {add = true}
        %dma_wait3A = arith.constant 0 : i32
        %dma_wait3A_40 = tpu.memref_slice %arg5[%scan3A_33, %dma_wait3A] : memref<80x128xi32, #tpu.memory_space<vmem>> -> memref<1x128xi32, #tpu.memory_space<vmem>>
        %dma_wait3A_41 = tpu.memref_squeeze %dma_wait3A_40 : memref<1x128xi32, #tpu.memory_space<vmem>> -> memref<128xi32, #tpu.memory_space<vmem>>
        %dma_wait3A_42 = arith.constant 0 : i32
        %dma_wait3A_43 = tpu.memref_slice %arg8[%dma_wait3A_42] : memref<10240xf32, #tpu.memory_space<vmem_shared>> -> memref<10240xf32, #tpu.memory_space<vmem_shared>>
        tpu.wait_indirect_dma semaphore(%run_scoped3A : memref<!tpu.dma_semaphore, #tpu.memory_space<semaphore_mem>>) src(%arg6 : memref<128xf32, #tpu.memory_space<vmem>>) dst(%dma_wait3A_43 : memref<10240xf32, #tpu.memory_space<vmem_shared>>)
        tpu.yield
      }) : () -> ()
      %scan3A_35 = arith.constant 0 : i32
      scf.yield %scan3A_35 : i32
    }
    %scan3A_24 = arith.constant 80 : i32
    %barrier3A_25 = arith.constant 0 : index
    tpu.barrier barrier_id(%barrier3A_25)
    %eq3A = arith.constant 0 : i32
    %eq3A_26 = arith.cmpi eq, %arg0, %eq3A : i32
    %convert_element_type3A = arith.extui %eq3A_26 : i1 to i32
    %cond3A = arith.constant 0 : i32
    %cond3A_27 = arith.cmpi ne, %convert_element_type3A, %cond3A : i32
    scf.if %cond3A_27 {
      %mul3A_33 = arith.constant 640 : i32
      %mul3A_34 = arith.muli %arg1, %mul3A_33 : i32
      %mul3A_35 = arith.constant 640 : i32
      %mul3A_36 = arith.muli %arg1, %mul3A_35 : i32
      "tpu.region"() ({
        %run_scoped3A = tpu.sem_alloc : memref<!tpu.dma_semaphore, #tpu.memory_space<semaphore_mem>>
        %dma_start3A = tpu.memref_slice %arg3[%mul3A_36] : memref<10240xf32, #tpu.memory_space<hbm>> -> memref<640xf32, #tpu.memory_space<hbm>>
        %dma_start3A_37 = tpu.memref_slice %arg8[%mul3A_34] : memref<10240xf32, #tpu.memory_space<vmem_shared>> -> memref<640xf32, #tpu.memory_space<vmem_shared>>
        tpu.enqueue_dma source(%dma_start3A_37 : memref<640xf32, #tpu.memory_space<vmem_shared>>) target(%dma_start3A : memref<640xf32, #tpu.memory_space<hbm>>) target_semaphore(%run_scoped3A : memref<!tpu.dma_semaphore, #tpu.memory_space<semaphore_mem>>)
        %dma_wait3A = tpu.memref_slice %arg3[%mul3A_36] : memref<10240xf32, #tpu.memory_space<hbm>> -> memref<640xf32, #tpu.memory_space<hbm>>
        %dma_wait3A_38 = tpu.memref_slice %arg8[%mul3A_34] : memref<10240xf32, #tpu.memory_space<vmem_shared>> -> memref<640xf32, #tpu.memory_space<vmem_shared>>
        tpu.wait_dma2 semaphore(%run_scoped3A : memref<!tpu.dma_semaphore, #tpu.memory_space<semaphore_mem>>) src(%dma_wait3A_38 : memref<640xf32, #tpu.memory_space<vmem_shared>>) dst(%dma_wait3A : memref<640xf32, #tpu.memory_space<hbm>>)
        tpu.yield
      }) : () -> ()
    } else {
    }
    %eq3A_28 = arith.constant 1 : i32
    %eq3A_29 = arith.cmpi eq, %arg0, %eq3A_28 : i32
    %convert_element_type3A_30 = arith.extui %eq3A_29 : i1 to i32
    %cond3A_31 = arith.constant 0 : i32
    %cond3A_32 = arith.cmpi ne, %convert_element_type3A_30, %cond3A_31 : i32
    scf.if %cond3A_32 {
      %mul3A_33 = arith.constant 640 : i32
      %mul3A_34 = arith.muli %arg1, %mul3A_33 : i32
      %mul3A_35 = arith.constant 640 : i32
      %mul3A_36 = arith.muli %arg1, %mul3A_35 : i32
      "tpu.region"() ({
        %run_scoped3A = tpu.sem_alloc : memref<!tpu.dma_semaphore, #tpu.memory_space<semaphore_mem>>
        %dma_start3A = tpu.memref_slice %arg4[%mul3A_36] : memref<10240xf32, #tpu.memory_space<hbm>> -> memref<640xf32, #tpu.memory_space<hbm>>
        %dma_start3A_37 = tpu.memref_slice %arg8[%mul3A_34] : memref<10240xf32, #tpu.memory_space<vmem_shared>> -> memref<640xf32, #tpu.memory_space<vmem_shared>>
        tpu.enqueue_dma source(%dma_start3A_37 : memref<640xf32, #tpu.memory_space<vmem_shared>>) target(%dma_start3A : memref<640xf32, #tpu.memory_space<hbm>>) target_semaphore(%run_scoped3A : memref<!tpu.dma_semaphore, #tpu.memory_space<semaphore_mem>>)
        %dma_wait3A = tpu.memref_slice %arg4[%mul3A_36] : memref<10240xf32, #tpu.memory_space<hbm>> -> memref<640xf32, #tpu.memory_space<hbm>>
        %dma_wait3A_38 = tpu.memref_slice %arg8[%mul3A_34] : memref<10240xf32, #tpu.memory_space<vmem_shared>> -> memref<640xf32, #tpu.memory_space<vmem_shared>>
        tpu.wait_dma2 semaphore(%run_scoped3A : memref<!tpu.dma_semaphore, #tpu.memory_space<semaphore_mem>>) src(%dma_wait3A_38 : memref<640xf32, #tpu.memory_space<vmem_shared>>) dst(%dma_wait3A : memref<640xf32, #tpu.memory_space<hbm>>)
        tpu.yield
      }) : () -> ()
    } else {
    }
    return
  }
}

#map = affine_map<(d0, d1) -> (0, 0)>
module attributes {stable_mosaic.version = 14 : i64} {
  func.func @_agg_body(%arg0: i32, %arg1: i32, %arg2: memref<10000x128xf32, #tpu.memory_space<hbm>>, %arg3: memref<2560x128xi32, #tpu.memory_space<hbm>>, %arg4: memref<2560x128xi32, #tpu.memory_space<hbm>>, %arg5: memref<10128x128xf32, #tpu.memory_space<hbm>>, %arg6: memref<10128x128xf32, #tpu.memory_space<hbm>>, %arg7: memref<40x128xi32, #tpu.memory_space<vmem>>, %arg8: memref<40x128xi32, #tpu.memory_space<vmem>>, %arg9: memref<128x128xf32, #tpu.memory_space<vmem>>, %arg10: memref<128x128xf32, #tpu.memory_space<vmem>>, %arg11: memref<10128x128xf32, #tpu.memory_space<vmem_shared>>, %arg12: memref<!tpu.dma_semaphore, #tpu.memory_space<semaphore_mem>>, %arg13: memref<!tpu.dma_semaphore, #tpu.memory_space<semaphore_mem>>) attributes {dimension_semantics = [#tpu.dimension_semantics<core_parallel>, #tpu.dimension_semantics<subcore_parallel>], iteration_bounds = array<i64: 2, 16>, scalar_prefetch = 0 : i64, scratch_operands = 7 : i64, tpu.core_type = #tpu.core_type<sc_vector_subcore>, window_params = [{transform_indices = #map}, {transform_indices = #map}, {transform_indices = #map}, {transform_indices = #map}, {transform_indices = #map}]} {
    %mul3A = arith.constant 16 : i32
    %mul3A_0 = arith.muli %arg0, %mul3A : i32
    %add3A = arith.addi %mul3A_0, %arg1 : i32
    %mul3A_1 = arith.constant 80 : i32
    %mul3A_2 = arith.muli %add3A, %mul3A_1 : i32
    %mul3A_3 = arith.constant 640 : i32
    %mul3A_4 = arith.muli %arg1, %mul3A_3 : i32
    %eq3A = arith.constant 15 : i32
    %eq3A_5 = arith.cmpi eq, %arg1, %eq3A : i32
    %scan3A = arith.constant 0 : i32
    %scan3A_6 = arith.constant 0 : i32
    %scan3A_7 = arith.constant 1024 : i32
    %scan3A_8 = arith.addi %scan3A_6, %scan3A_7 : i32
    %scan3A_9 = arith.constant 1 : i32
    %scan3A_10 = scf.for %scan3A_107 = %scan3A_6 to %scan3A_8 step %scan3A_9 iter_args(%scan3A_108 = %scan3A) -> (i32)  : i32 {
      %broadcast_in_dim3A = arith.constant 0.000000e+00 : f32
      %broadcast_in_dim3A_109 = vector.broadcast %broadcast_in_dim3A : f32 to vector<16xf32>
      %jit3A = arith.constant 8 : i32
      %div3A = arith.divsi %scan3A_107, %jit3A : i32
      %sign3A = arith.constant 0 : i32
      %sign3A_110 = arith.cmpi sgt, %scan3A_107, %sign3A : i32
      %sign3A_111 = arith.extui %sign3A_110 : i1 to i32
      %sign3A_112 = arith.constant 0 : i32
      %sign3A_113 = arith.cmpi slt, %scan3A_107, %sign3A_112 : i32
      %sign3A_114 = arith.extui %sign3A_113 : i1 to i32
      %sign3A_115 = arith.subi %sign3A_111, %sign3A_114 : i32
      %sign3A_116 = arith.constant 0 : i32
      %sign3A_117 = arith.cmpi sgt, %jit3A, %sign3A_116 : i32
      %sign3A_118 = arith.extui %sign3A_117 : i1 to i32
      %sign3A_119 = arith.constant 0 : i32
      %sign3A_120 = arith.cmpi slt, %jit3A, %sign3A_119 : i32
      %sign3A_121 = arith.extui %sign3A_120 : i1 to i32
      %sign3A_122 = arith.subi %sign3A_118, %sign3A_121 : i32
      %ne3A = arith.cmpi ne, %sign3A_115, %sign3A_122 : i32
      %rem3A = arith.remsi %scan3A_107, %jit3A : i32
      %ne3A_123 = arith.constant 0 : i32
      %ne3A_124 = arith.cmpi ne, %rem3A, %ne3A_123 : i32
      %and3A = arith.andi %ne3A, %ne3A_124 : i1
      %sub3A = arith.constant 1 : i32
      %sub3A_125 = arith.subi %div3A, %sub3A : i32
      %select_n3A = arith.select %and3A, %sub3A_125, %div3A : i32
      %jit3A_126 = arith.constant 8 : i32
      %eq3A_127 = arith.constant 0 : i32
      %eq3A_128 = arith.cmpi eq, %jit3A_126, %eq3A_127 : i32
      %jit3A_129 = arith.constant 1 : i32
      %select_n3A_130 = arith.select %eq3A_128, %jit3A_129, %jit3A_126 : i32
      %rem3A_131 = arith.remsi %scan3A_107, %select_n3A_130 : i32
      %ne3A_132 = arith.constant 0 : i32
      %ne3A_133 = arith.cmpi ne, %rem3A_131, %ne3A_132 : i32
      %lt3A = arith.constant 0 : i32
      %lt3A_134 = arith.cmpi slt, %rem3A_131, %lt3A : i32
      %lt3A_135 = arith.constant 0 : i32
      %lt3A_136 = arith.cmpi slt, %select_n3A_130, %lt3A_135 : i32
      %ne3A_137 = arith.xori %lt3A_134, %lt3A_136 : i1
      %and3A_138 = arith.andi %ne3A_137, %ne3A_133 : i1
      %add3A_139 = arith.addi %rem3A_131, %select_n3A_130 : i32
      %select_n3A_140 = arith.select %and3A_138, %add3A_139, %rem3A_131 : i32
      %mul3A_141 = arith.constant 16 : i32
      %mul3A_142 = arith.muli %select_n3A_140, %mul3A_141 : i32
      %swap3A = arith.index_cast %select_n3A : i32 to index
      %swap3A_143 = arith.index_cast %mul3A_142 : i32 to index
      %swap3A_144 = tpu.vector_load %arg9[%swap3A, %swap3A_143] {strides = array<i32>} : memref<128x128xf32, #tpu.memory_space<vmem>>, vector<1x16xf32>,
      %swap3A_145 = vector.shape_cast %swap3A_144 : vector<1x16xf32> to vector<16xf32>
      %swap3A_146 = vector.shape_cast %broadcast_in_dim3A_109 : vector<16xf32> to vector<1x16xf32>
      tpu.vector_store %arg9[%swap3A, %swap3A_143], %swap3A_146 {strides = array<i32>} : memref<128x128xf32, #tpu.memory_space<vmem>>, vector<1x16xf32>,
      %scan3A_147 = arith.constant 0 : i32
      scf.yield %scan3A_147 : i32
    }
    %scan3A_11 = arith.constant 1024 : i32
    %not3A = arith.constant true
    %not3A_12 = arith.xori %eq3A_5, %not3A : i1
    %convert_element_type3A = arith.extui %not3A_12 : i1 to i32
    %cond3A = arith.constant 0 : i32
    %cond3A_13 = arith.cmpi ne, %convert_element_type3A, %cond3A : i32
    scf.if %cond3A_13 {
      %add3A_107 = arith.constant 0 : i32
      %add3A_108 = arith.addi %mul3A_4, %add3A_107 : i32
      "tpu.region"() ({
        %run_scoped3A_117 = tpu.sem_alloc : memref<!tpu.dma_semaphore, #tpu.memory_space<semaphore_mem>>
        %dma_start3A_118 = arith.constant 0 : i32
        %dma_start3A_119 = tpu.memref_slice %arg11[%add3A_108, %dma_start3A_118] : memref<10128x128xf32, #tpu.memory_space<vmem_shared>> -> memref<128x128xf32, #tpu.memory_space<vmem_shared>>
        %dma_start3A_120 = arith.constant 0 : i32
        %dma_start3A_121 = tpu.memref_slice %arg11[%add3A_108, %dma_start3A_120] : memref<10128x128xf32, #tpu.memory_space<vmem_shared>> -> memref<128x128xf32, #tpu.memory_space<vmem_shared>>
        tpu.enqueue_dma source(%arg9 : memref<128x128xf32, #tpu.memory_space<vmem>>) target(%dma_start3A_121 : memref<128x128xf32, #tpu.memory_space<vmem_shared>>) target_semaphore(%run_scoped3A_117 : memref<!tpu.dma_semaphore, #tpu.memory_space<semaphore_mem>>)
        %dma_wait3A_122 = arith.constant 0 : i32
        %dma_wait3A_123 = tpu.memref_slice %arg11[%add3A_108, %dma_wait3A_122] : memref<10128x128xf32, #tpu.memory_space<vmem_shared>> -> memref<128x128xf32, #tpu.memory_space<vmem_shared>>
        %dma_wait3A_124 = arith.constant 0 : i32
        %dma_wait3A_125 = tpu.memref_slice %arg11[%add3A_108, %dma_wait3A_124] : memref<10128x128xf32, #tpu.memory_space<vmem_shared>> -> memref<128x128xf32, #tpu.memory_space<vmem_shared>>
        tpu.wait_dma2 semaphore(%run_scoped3A_117 : memref<!tpu.dma_semaphore, #tpu.memory_space<semaphore_mem>>) src(%arg9 : memref<128x128xf32, #tpu.memory_space<vmem>>) dst(%dma_wait3A_125 : memref<128x128xf32, #tpu.memory_space<vmem_shared>>)
        tpu.yield
      }) : () -> ()
      %add3A_109 = arith.constant 128 : i32
      %add3A_110 = arith.addi %mul3A_4, %add3A_109 : i32
      "tpu.region"() ({
        %run_scoped3A_117 = tpu.sem_alloc : memref<!tpu.dma_semaphore, #tpu.memory_space<semaphore_mem>>
        %dma_start3A_118 = arith.constant 0 : i32
        %dma_start3A_119 = tpu.memref_slice %arg11[%add3A_110, %dma_start3A_118] : memref<10128x128xf32, #tpu.memory_space<vmem_shared>> -> memref<128x128xf32, #tpu.memory_space<vmem_shared>>
        %dma_start3A_120 = arith.constant 0 : i32
        %dma_start3A_121 = tpu.memref_slice %arg11[%add3A_110, %dma_start3A_120] : memref<10128x128xf32, #tpu.memory_space<vmem_shared>> -> memref<128x128xf32, #tpu.memory_space<vmem_shared>>
        tpu.enqueue_dma source(%arg9 : memref<128x128xf32, #tpu.memory_space<vmem>>) target(%dma_start3A_121 : memref<128x128xf32, #tpu.memory_space<vmem_shared>>) target_semaphore(%run_scoped3A_117 : memref<!tpu.dma_semaphore, #tpu.memory_space<semaphore_mem>>)
        %dma_wait3A_122 = arith.constant 0 : i32
        %dma_wait3A_123 = tpu.memref_slice %arg11[%add3A_110, %dma_wait3A_122] : memref<10128x128xf32, #tpu.memory_space<vmem_shared>> -> memref<128x128xf32, #tpu.memory_space<vmem_shared>>
        %dma_wait3A_124 = arith.constant 0 : i32
        %dma_wait3A_125 = tpu.memref_slice %arg11[%add3A_110, %dma_wait3A_124] : memref<10128x128xf32, #tpu.memory_space<vmem_shared>> -> memref<128x128xf32, #tpu.memory_space<vmem_shared>>
        tpu.wait_dma2 semaphore(%run_scoped3A_117 : memref<!tpu.dma_semaphore, #tpu.memory_space<semaphore_mem>>) src(%arg9 : memref<128x128xf32, #tpu.memory_space<vmem>>) dst(%dma_wait3A_125 : memref<128x128xf32, #tpu.memory_space<vmem_shared>>)
        tpu.yield
      }) : () -> ()
      %add3A_111 = arith.constant 256 : i32
      %add3A_112 = arith.addi %mul3A_4, %add3A_111 : i32
      "tpu.region"() ({
        %run_scoped3A_117 = tpu.sem_alloc : memref<!tpu.dma_semaphore, #tpu.memory_space<semaphore_mem>>
        %dma_start3A_118 = arith.constant 0 : i32
        %dma_start3A_119 = tpu.memref_slice %arg11[%add3A_112, %dma_start3A_118] : memref<10128x128xf32, #tpu.memory_space<vmem_shared>> -> memref<128x128xf32, #tpu.memory_space<vmem_shared>>
        %dma_start3A_120 = arith.constant 0 : i32
        %dma_start3A_121 = tpu.memref_slice %arg11[%add3A_112, %dma_start3A_120] : memref<10128x128xf32, #tpu.memory_space<vmem_shared>> -> memref<128x128xf32, #tpu.memory_space<vmem_shared>>
        tpu.enqueue_dma source(%arg9 : memref<128x128xf32, #tpu.memory_space<vmem>>) target(%dma_start3A_121 : memref<128x128xf32, #tpu.memory_space<vmem_shared>>) target_semaphore(%run_scoped3A_117 : memref<!tpu.dma_semaphore, #tpu.memory_space<semaphore_mem>>)
        %dma_wait3A_122 = arith.constant 0 : i32
        %dma_wait3A_123 = tpu.memref_slice %arg11[%add3A_112, %dma_wait3A_122] : memref<10128x128xf32, #tpu.memory_space<vmem_shared>> -> memref<128x128xf32, #tpu.memory_space<vmem_shared>>
        %dma_wait3A_124 = arith.constant 0 : i32
        %dma_wait3A_125 = tpu.memref_slice %arg11[%add3A_112, %dma_wait3A_124] : memref<10128x128xf32, #tpu.memory_space<vmem_shared>> -> memref<128x128xf32, #tpu.memory_space<vmem_shared>>
        tpu.wait_dma2 semaphore(%run_scoped3A_117 : memref<!tpu.dma_semaphore, #tpu.memory_space<semaphore_mem>>) src(%arg9 : memref<128x128xf32, #tpu.memory_space<vmem>>) dst(%dma_wait3A_125 : memref<128x128xf32, #tpu.memory_space<vmem_shared>>)
        tpu.yield
      }) : () -> ()
      %add3A_113 = arith.constant 384 : i32
      %add3A_114 = arith.addi %mul3A_4, %add3A_113 : i32
      "tpu.region"() ({
        %run_scoped3A_117 = tpu.sem_alloc : memref<!tpu.dma_semaphore, #tpu.memory_space<semaphore_mem>>
        %dma_start3A_118 = arith.constant 0 : i32
        %dma_start3A_119 = tpu.memref_slice %arg11[%add3A_114, %dma_start3A_118] : memref<10128x128xf32, #tpu.memory_space<vmem_shared>> -> memref<128x128xf32, #tpu.memory_space<vmem_shared>>
        %dma_start3A_120 = arith.constant 0 : i32
        %dma_start3A_121 = tpu.memref_slice %arg11[%add3A_114, %dma_start3A_120] : memref<10128x128xf32, #tpu.memory_space<vmem_shared>> -> memref<128x128xf32, #tpu.memory_space<vmem_shared>>
        tpu.enqueue_dma source(%arg9 : memref<128x128xf32, #tpu.memory_space<vmem>>) target(%dma_start3A_121 : memref<128x128xf32, #tpu.memory_space<vmem_shared>>) target_semaphore(%run_scoped3A_117 : memref<!tpu.dma_semaphore, #tpu.memory_space<semaphore_mem>>)
        %dma_wait3A_122 = arith.constant 0 : i32
        %dma_wait3A_123 = tpu.memref_slice %arg11[%add3A_114, %dma_wait3A_122] : memref<10128x128xf32, #tpu.memory_space<vmem_shared>> -> memref<128x128xf32, #tpu.memory_space<vmem_shared>>
        %dma_wait3A_124 = arith.constant 0 : i32
        %dma_wait3A_125 = tpu.memref_slice %arg11[%add3A_114, %dma_wait3A_124] : memref<10128x128xf32, #tpu.memory_space<vmem_shared>> -> memref<128x128xf32, #tpu.memory_space<vmem_shared>>
        tpu.wait_dma2 semaphore(%run_scoped3A_117 : memref<!tpu.dma_semaphore, #tpu.memory_space<semaphore_mem>>) src(%arg9 : memref<128x128xf32, #tpu.memory_space<vmem>>) dst(%dma_wait3A_125 : memref<128x128xf32, #tpu.memory_space<vmem_shared>>)
        tpu.yield
      }) : () -> ()
      %add3A_115 = arith.constant 512 : i32
      %add3A_116 = arith.addi %mul3A_4, %add3A_115 : i32
      "tpu.region"() ({
        %run_scoped3A_117 = tpu.sem_alloc : memref<!tpu.dma_semaphore, #tpu.memory_space<semaphore_mem>>
        %dma_start3A_118 = arith.constant 0 : i32
        %dma_start3A_119 = tpu.memref_slice %arg11[%add3A_116, %dma_start3A_118] : memref<10128x128xf32, #tpu.memory_space<vmem_shared>> -> memref<128x128xf32, #tpu.memory_space<vmem_shared>>
        %dma_start3A_120 = arith.constant 0 : i32
        %dma_start3A_121 = tpu.memref_slice %arg11[%add3A_116, %dma_start3A_120] : memref<10128x128xf32, #tpu.memory_space<vmem_shared>> -> memref<128x128xf32, #tpu.memory_space<vmem_shared>>
        tpu.enqueue_dma source(%arg9 : memref<128x128xf32, #tpu.memory_space<vmem>>) target(%dma_start3A_121 : memref<128x128xf32, #tpu.memory_space<vmem_shared>>) target_semaphore(%run_scoped3A_117 : memref<!tpu.dma_semaphore, #tpu.memory_space<semaphore_mem>>)
        %dma_wait3A_122 = arith.constant 0 : i32
        %dma_wait3A_123 = tpu.memref_slice %arg11[%add3A_116, %dma_wait3A_122] : memref<10128x128xf32, #tpu.memory_space<vmem_shared>> -> memref<128x128xf32, #tpu.memory_space<vmem_shared>>
        %dma_wait3A_124 = arith.constant 0 : i32
        %dma_wait3A_125 = tpu.memref_slice %arg11[%add3A_116, %dma_wait3A_124] : memref<10128x128xf32, #tpu.memory_space<vmem_shared>> -> memref<128x128xf32, #tpu.memory_space<vmem_shared>>
        tpu.wait_dma2 semaphore(%run_scoped3A_117 : memref<!tpu.dma_semaphore, #tpu.memory_space<semaphore_mem>>) src(%arg9 : memref<128x128xf32, #tpu.memory_space<vmem>>) dst(%dma_wait3A_125 : memref<128x128xf32, #tpu.memory_space<vmem_shared>>)
        tpu.yield
      }) : () -> ()
    } else {
    }
    %convert_element_type3A_14 = arith.extui %eq3A_5 : i1 to i32
    %cond3A_15 = arith.constant 0 : i32
    %cond3A_16 = arith.cmpi ne, %convert_element_type3A_14, %cond3A_15 : i32
    scf.if %cond3A_16 {
      %add3A_107 = arith.constant 0 : i32
      %add3A_108 = arith.addi %mul3A_4, %add3A_107 : i32
      "tpu.region"() ({
        %run_scoped3A_115 = tpu.sem_alloc : memref<!tpu.dma_semaphore, #tpu.memory_space<semaphore_mem>>
        %dma_start3A_116 = arith.constant 0 : i32
        %dma_start3A_117 = tpu.memref_slice %arg11[%add3A_108, %dma_start3A_116] : memref<10128x128xf32, #tpu.memory_space<vmem_shared>> -> memref<128x128xf32, #tpu.memory_space<vmem_shared>>
        %dma_start3A_118 = arith.constant 0 : i32
        %dma_start3A_119 = tpu.memref_slice %arg11[%add3A_108, %dma_start3A_118] : memref<10128x128xf32, #tpu.memory_space<vmem_shared>> -> memref<128x128xf32, #tpu.memory_space<vmem_shared>>
        tpu.enqueue_dma source(%arg9 : memref<128x128xf32, #tpu.memory_space<vmem>>) target(%dma_start3A_119 : memref<128x128xf32, #tpu.memory_space<vmem_shared>>) target_semaphore(%run_scoped3A_115 : memref<!tpu.dma_semaphore, #tpu.memory_space<semaphore_mem>>)
        %dma_wait3A_120 = arith.constant 0 : i32
        %dma_wait3A_121 = tpu.memref_slice %arg11[%add3A_108, %dma_wait3A_120] : memref<10128x128xf32, #tpu.memory_space<vmem_shared>> -> memref<128x128xf32, #tpu.memory_space<vmem_shared>>
        %dma_wait3A_122 = arith.constant 0 : i32
        %dma_wait3A_123 = tpu.memref_slice %arg11[%add3A_108, %dma_wait3A_122] : memref<10128x128xf32, #tpu.memory_space<vmem_shared>> -> memref<128x128xf32, #tpu.memory_space<vmem_shared>>
        tpu.wait_dma2 semaphore(%run_scoped3A_115 : memref<!tpu.dma_semaphore, #tpu.memory_space<semaphore_mem>>) src(%arg9 : memref<128x128xf32, #tpu.memory_space<vmem>>) dst(%dma_wait3A_123 : memref<128x128xf32, #tpu.memory_space<vmem_shared>>)
        tpu.yield
      }) : () -> ()
      %add3A_109 = arith.constant 128 : i32
      %add3A_110 = arith.addi %mul3A_4, %add3A_109 : i32
      "tpu.region"() ({
        %run_scoped3A_115 = tpu.sem_alloc : memref<!tpu.dma_semaphore, #tpu.memory_space<semaphore_mem>>
        %dma_start3A_116 = arith.constant 0 : i32
        %dma_start3A_117 = tpu.memref_slice %arg11[%add3A_110, %dma_start3A_116] : memref<10128x128xf32, #tpu.memory_space<vmem_shared>> -> memref<128x128xf32, #tpu.memory_space<vmem_shared>>
        %dma_start3A_118 = arith.constant 0 : i32
        %dma_start3A_119 = tpu.memref_slice %arg11[%add3A_110, %dma_start3A_118] : memref<10128x128xf32, #tpu.memory_space<vmem_shared>> -> memref<128x128xf32, #tpu.memory_space<vmem_shared>>
        tpu.enqueue_dma source(%arg9 : memref<128x128xf32, #tpu.memory_space<vmem>>) target(%dma_start3A_119 : memref<128x128xf32, #tpu.memory_space<vmem_shared>>) target_semaphore(%run_scoped3A_115 : memref<!tpu.dma_semaphore, #tpu.memory_space<semaphore_mem>>)
        %dma_wait3A_120 = arith.constant 0 : i32
        %dma_wait3A_121 = tpu.memref_slice %arg11[%add3A_110, %dma_wait3A_120] : memref<10128x128xf32, #tpu.memory_space<vmem_shared>> -> memref<128x128xf32, #tpu.memory_space<vmem_shared>>
        %dma_wait3A_122 = arith.constant 0 : i32
        %dma_wait3A_123 = tpu.memref_slice %arg11[%add3A_110, %dma_wait3A_122] : memref<10128x128xf32, #tpu.memory_space<vmem_shared>> -> memref<128x128xf32, #tpu.memory_space<vmem_shared>>
        tpu.wait_dma2 semaphore(%run_scoped3A_115 : memref<!tpu.dma_semaphore, #tpu.memory_space<semaphore_mem>>) src(%arg9 : memref<128x128xf32, #tpu.memory_space<vmem>>) dst(%dma_wait3A_123 : memref<128x128xf32, #tpu.memory_space<vmem_shared>>)
        tpu.yield
      }) : () -> ()
      %add3A_111 = arith.constant 256 : i32
      %add3A_112 = arith.addi %mul3A_4, %add3A_111 : i32
      "tpu.region"() ({
        %run_scoped3A_115 = tpu.sem_alloc : memref<!tpu.dma_semaphore, #tpu.memory_space<semaphore_mem>>
        %dma_start3A_116 = arith.constant 0 : i32
        %dma_start3A_117 = tpu.memref_slice %arg11[%add3A_112, %dma_start3A_116] : memref<10128x128xf32, #tpu.memory_space<vmem_shared>> -> memref<128x128xf32, #tpu.memory_space<vmem_shared>>
        %dma_start3A_118 = arith.constant 0 : i32
        %dma_start3A_119 = tpu.memref_slice %arg11[%add3A_112, %dma_start3A_118] : memref<10128x128xf32, #tpu.memory_space<vmem_shared>> -> memref<128x128xf32, #tpu.memory_space<vmem_shared>>
        tpu.enqueue_dma source(%arg9 : memref<128x128xf32, #tpu.memory_space<vmem>>) target(%dma_start3A_119 : memref<128x128xf32, #tpu.memory_space<vmem_shared>>) target_semaphore(%run_scoped3A_115 : memref<!tpu.dma_semaphore, #tpu.memory_space<semaphore_mem>>)
        %dma_wait3A_120 = arith.constant 0 : i32
        %dma_wait3A_121 = tpu.memref_slice %arg11[%add3A_112, %dma_wait3A_120] : memref<10128x128xf32, #tpu.memory_space<vmem_shared>> -> memref<128x128xf32, #tpu.memory_space<vmem_shared>>
        %dma_wait3A_122 = arith.constant 0 : i32
        %dma_wait3A_123 = tpu.memref_slice %arg11[%add3A_112, %dma_wait3A_122] : memref<10128x128xf32, #tpu.memory_space<vmem_shared>> -> memref<128x128xf32, #tpu.memory_space<vmem_shared>>
        tpu.wait_dma2 semaphore(%run_scoped3A_115 : memref<!tpu.dma_semaphore, #tpu.memory_space<semaphore_mem>>) src(%arg9 : memref<128x128xf32, #tpu.memory_space<vmem>>) dst(%dma_wait3A_123 : memref<128x128xf32, #tpu.memory_space<vmem_shared>>)
        tpu.yield
      }) : () -> ()
      %add3A_113 = arith.constant 384 : i32
      %add3A_114 = arith.addi %mul3A_4, %add3A_113 : i32
      "tpu.region"() ({
        %run_scoped3A_115 = tpu.sem_alloc : memref<!tpu.dma_semaphore, #tpu.memory_space<semaphore_mem>>
        %dma_start3A_116 = arith.constant 0 : i32
        %dma_start3A_117 = arith.constant 0 : i32
        %dma_start3A_118 = tpu.memref_slice %arg9[%dma_start3A_116, %dma_start3A_117] : memref<128x128xf32, #tpu.memory_space<vmem>> -> memref<32x128xf32, #tpu.memory_space<vmem>>
        %dma_start3A_119 = arith.constant 0 : i32
        %dma_start3A_120 = tpu.memref_slice %arg11[%add3A_114, %dma_start3A_119] : memref<10128x128xf32, #tpu.memory_space<vmem_shared>> -> memref<32x128xf32, #tpu.memory_space<vmem_shared>>
        %dma_start3A_121 = arith.constant 0 : i32
        %dma_start3A_122 = tpu.memref_slice %arg11[%add3A_114, %dma_start3A_121] : memref<10128x128xf32, #tpu.memory_space<vmem_shared>> -> memref<32x128xf32, #tpu.memory_space<vmem_shared>>
        %dma_start3A_123 = arith.constant 0 : i32
        %dma_start3A_124 = arith.constant 0 : i32
        %dma_start3A_125 = tpu.memref_slice %arg9[%dma_start3A_123, %dma_start3A_124] : memref<128x128xf32, #tpu.memory_space<vmem>> -> memref<32x128xf32, #tpu.memory_space<vmem>>
        tpu.enqueue_dma source(%dma_start3A_125 : memref<32x128xf32, #tpu.memory_space<vmem>>) target(%dma_start3A_122 : memref<32x128xf32, #tpu.memory_space<vmem_shared>>) target_semaphore(%run_scoped3A_115 : memref<!tpu.dma_semaphore, #tpu.memory_space<semaphore_mem>>)
        %dma_wait3A_126 = arith.constant 0 : i32
        %dma_wait3A_127 = arith.constant 0 : i32
        %dma_wait3A_128 = tpu.memref_slice %arg9[%dma_wait3A_126, %dma_wait3A_127] : memref<128x128xf32, #tpu.memory_space<vmem>> -> memref<32x128xf32, #tpu.memory_space<vmem>>
        %dma_wait3A_129 = arith.constant 0 : i32
        %dma_wait3A_130 = tpu.memref_slice %arg11[%add3A_114, %dma_wait3A_129] : memref<10128x128xf32, #tpu.memory_space<vmem_shared>> -> memref<32x128xf32, #tpu.memory_space<vmem_shared>>
        %dma_wait3A_131 = arith.constant 0 : i32
        %dma_wait3A_132 = tpu.memref_slice %arg11[%add3A_114, %dma_wait3A_131] : memref<10128x128xf32, #tpu.memory_space<vmem_shared>> -> memref<32x128xf32, #tpu.memory_space<vmem_shared>>
        %dma_wait3A_133 = arith.constant 0 : i32
        %dma_wait3A_134 = arith.constant 0 : i32
        %dma_wait3A_135 = tpu.memref_slice %arg9[%dma_wait3A_133, %dma_wait3A_134] : memref<128x128xf32, #tpu.memory_space<vmem>> -> memref<32x128xf32, #tpu.memory_space<vmem>>
        tpu.wait_dma2 semaphore(%run_scoped3A_115 : memref<!tpu.dma_semaphore, #tpu.memory_space<semaphore_mem>>) src(%dma_wait3A_135 : memref<32x128xf32, #tpu.memory_space<vmem>>) dst(%dma_wait3A_132 : memref<32x128xf32, #tpu.memory_space<vmem_shared>>)
        tpu.yield
      }) : () -> ()
    } else {
    }
    %barrier3A = arith.constant 0 : index
    tpu.barrier barrier_id(%barrier3A)
    %add3A_17 = arith.constant 0 : i32
    %add3A_18 = arith.addi %mul3A_2, %add3A_17 : i32
    "tpu.region"() ({
      %run_scoped3A_107 = tpu.sem_alloc : memref<!tpu.dma_semaphore, #tpu.memory_space<semaphore_mem>>
      %dma_start3A_108 = arith.constant 0 : i32
      %dma_start3A_109 = tpu.memref_slice %arg3[%add3A_18, %dma_start3A_108] : memref<2560x128xi32, #tpu.memory_space<hbm>> -> memref<40x128xi32, #tpu.memory_space<hbm>>
      %dma_start3A_110 = arith.constant 0 : i32
      %dma_start3A_111 = tpu.memref_slice %arg3[%add3A_18, %dma_start3A_110] : memref<2560x128xi32, #tpu.memory_space<hbm>> -> memref<40x128xi32, #tpu.memory_space<hbm>>
      tpu.enqueue_dma source(%dma_start3A_111 : memref<40x128xi32, #tpu.memory_space<hbm>>) target(%arg7 : memref<40x128xi32, #tpu.memory_space<vmem>>) target_semaphore(%run_scoped3A_107 : memref<!tpu.dma_semaphore, #tpu.memory_space<semaphore_mem>>)
      %dma_wait3A_112 = arith.constant 0 : i32
      %dma_wait3A_113 = tpu.memref_slice %arg3[%add3A_18, %dma_wait3A_112] : memref<2560x128xi32, #tpu.memory_space<hbm>> -> memref<40x128xi32, #tpu.memory_space<hbm>>
      %dma_wait3A_114 = arith.constant 0 : i32
      %dma_wait3A_115 = tpu.memref_slice %arg3[%add3A_18, %dma_wait3A_114] : memref<2560x128xi32, #tpu.memory_space<hbm>> -> memref<40x128xi32, #tpu.memory_space<hbm>>
      tpu.wait_dma2 semaphore(%run_scoped3A_107 : memref<!tpu.dma_semaphore, #tpu.memory_space<semaphore_mem>>) src(%dma_wait3A_115 : memref<40x128xi32, #tpu.memory_space<hbm>>) dst(%arg7 : memref<40x128xi32, #tpu.memory_space<vmem>>)
      tpu.yield
    }) : () -> ()
    %add3A_19 = arith.constant 0 : i32
    %add3A_20 = arith.addi %mul3A_2, %add3A_19 : i32
    "tpu.region"() ({
      %run_scoped3A_107 = tpu.sem_alloc : memref<!tpu.dma_semaphore, #tpu.memory_space<semaphore_mem>>
      %dma_start3A_108 = arith.constant 0 : i32
      %dma_start3A_109 = tpu.memref_slice %arg4[%add3A_20, %dma_start3A_108] : memref<2560x128xi32, #tpu.memory_space<hbm>> -> memref<40x128xi32, #tpu.memory_space<hbm>>
      %dma_start3A_110 = arith.constant 0 : i32
      %dma_start3A_111 = tpu.memref_slice %arg4[%add3A_20, %dma_start3A_110] : memref<2560x128xi32, #tpu.memory_space<hbm>> -> memref<40x128xi32, #tpu.memory_space<hbm>>
      tpu.enqueue_dma source(%dma_start3A_111 : memref<40x128xi32, #tpu.memory_space<hbm>>) target(%arg8 : memref<40x128xi32, #tpu.memory_space<vmem>>) target_semaphore(%run_scoped3A_107 : memref<!tpu.dma_semaphore, #tpu.memory_space<semaphore_mem>>)
      %dma_wait3A_112 = arith.constant 0 : i32
      %dma_wait3A_113 = tpu.memref_slice %arg4[%add3A_20, %dma_wait3A_112] : memref<2560x128xi32, #tpu.memory_space<hbm>> -> memref<40x128xi32, #tpu.memory_space<hbm>>
      %dma_wait3A_114 = arith.constant 0 : i32
      %dma_wait3A_115 = tpu.memref_slice %arg4[%add3A_20, %dma_wait3A_114] : memref<2560x128xi32, #tpu.memory_space<hbm>> -> memref<40x128xi32, #tpu.memory_space<hbm>>
      tpu.wait_dma2 semaphore(%run_scoped3A_107 : memref<!tpu.dma_semaphore, #tpu.memory_space<semaphore_mem>>) src(%dma_wait3A_115 : memref<40x128xi32, #tpu.memory_space<hbm>>) dst(%arg8 : memref<40x128xi32, #tpu.memory_space<vmem>>)
      tpu.yield
    }) : () -> ()
    %dma_start3A = arith.constant 0 : i32
    %dma_start3A_21 = arith.constant 0 : i32
    %dma_start3A_22 = tpu.memref_slice %arg7[%dma_start3A, %dma_start3A_21] : memref<40x128xi32, #tpu.memory_space<vmem>> -> memref<1x128xi32, #tpu.memory_space<vmem>>
    %dma_start3A_23 = tpu.memref_squeeze %dma_start3A_22 : memref<1x128xi32, #tpu.memory_space<vmem>> -> memref<128xi32, #tpu.memory_space<vmem>>
    %dma_start3A_24 = arith.constant 0 : i32
    %dma_start3A_25 = arith.constant 0 : i32
    %dma_start3A_26 = tpu.memref_slice %arg2[%dma_start3A_24, %dma_start3A_25] : memref<10000x128xf32, #tpu.memory_space<hbm>> -> memref<10000x128xf32, #tpu.memory_space<hbm>>
    tpu.enqueue_indirect_dma source(%dma_start3A_26 : memref<10000x128xf32, #tpu.memory_space<hbm>>) target(%arg9 : memref<128x128xf32, #tpu.memory_space<vmem>>) offsets(%dma_start3A_23 : memref<128xi32, #tpu.memory_space<vmem>>) semaphore(%arg12 : memref<!tpu.dma_semaphore, #tpu.memory_space<semaphore_mem>>)
    %dma_wait3A = arith.constant 0 : i32
    %dma_wait3A_27 = arith.constant 0 : i32
    %dma_wait3A_28 = tpu.memref_slice %arg7[%dma_wait3A, %dma_wait3A_27] : memref<40x128xi32, #tpu.memory_space<vmem>> -> memref<1x128xi32, #tpu.memory_space<vmem>>
    %dma_wait3A_29 = tpu.memref_squeeze %dma_wait3A_28 : memref<1x128xi32, #tpu.memory_space<vmem>> -> memref<128xi32, #tpu.memory_space<vmem>>
    %dma_wait3A_30 = arith.constant 0 : i32
    %dma_wait3A_31 = arith.constant 0 : i32
    %dma_wait3A_32 = tpu.memref_slice %arg2[%dma_wait3A_30, %dma_wait3A_31] : memref<10000x128xf32, #tpu.memory_space<hbm>> -> memref<10000x128xf32, #tpu.memory_space<hbm>>
    tpu.wait_indirect_dma semaphore(%arg12 : memref<!tpu.dma_semaphore, #tpu.memory_space<semaphore_mem>>) src(%dma_wait3A_32 : memref<10000x128xf32, #tpu.memory_space<hbm>>) dst(%arg9 : memref<128x128xf32, #tpu.memory_space<vmem>>)
    %scan3A_33 = arith.constant 0 : i32
    %scan3A_34 = arith.constant 0 : i32
    %scan3A_35 = arith.constant 19 : i32
    %scan3A_36 = arith.addi %scan3A_34, %scan3A_35 : i32
    %scan3A_37 = arith.constant 1 : i32
    %scan3A_38 = scf.for %scan3A_107 = %scan3A_34 to %scan3A_36 step %scan3A_37 iter_args(%scan3A_108 = %scan3A_33) -> (i32)  : i32 {
      %mul3A_109 = arith.constant 2 : i32
      %mul3A_110 = arith.muli %mul3A_109, %scan3A_107 : i32
      %add3A_111 = arith.constant 1 : i32
      %add3A_112 = arith.addi %mul3A_110, %add3A_111 : i32
      %dma_start3A_113 = arith.constant 0 : i32
      %dma_start3A_114 = tpu.memref_slice %arg7[%add3A_112, %dma_start3A_113] : memref<40x128xi32, #tpu.memory_space<vmem>> -> memref<1x128xi32, #tpu.memory_space<vmem>>
      %dma_start3A_115 = tpu.memref_squeeze %dma_start3A_114 : memref<1x128xi32, #tpu.memory_space<vmem>> -> memref<128xi32, #tpu.memory_space<vmem>>
      %dma_start3A_116 = arith.constant 0 : i32
      %dma_start3A_117 = arith.constant 0 : i32
      %dma_start3A_118 = tpu.memref_slice %arg2[%dma_start3A_116, %dma_start3A_117] : memref<10000x128xf32, #tpu.memory_space<hbm>> -> memref<10000x128xf32, #tpu.memory_space<hbm>>
      tpu.enqueue_indirect_dma source(%dma_start3A_118 : memref<10000x128xf32, #tpu.memory_space<hbm>>) target(%arg10 : memref<128x128xf32, #tpu.memory_space<vmem>>) offsets(%dma_start3A_115 : memref<128xi32, #tpu.memory_space<vmem>>) semaphore(%arg13 : memref<!tpu.dma_semaphore, #tpu.memory_space<semaphore_mem>>)
      "tpu.region"() ({
        %run_scoped3A_144 = tpu.sem_alloc : memref<!tpu.dma_semaphore, #tpu.memory_space<semaphore_mem>>
        %dma_start3A_145 = arith.constant 0 : i32
        %dma_start3A_146 = tpu.memref_slice %arg8[%mul3A_110, %dma_start3A_145] : memref<40x128xi32, #tpu.memory_space<vmem>> -> memref<1x128xi32, #tpu.memory_space<vmem>>
        %dma_start3A_147 = tpu.memref_squeeze %dma_start3A_146 : memref<1x128xi32, #tpu.memory_space<vmem>> -> memref<128xi32, #tpu.memory_space<vmem>>
        %dma_start3A_148 = arith.constant 0 : i32
        %dma_start3A_149 = arith.constant 0 : i32
        %dma_start3A_150 = tpu.memref_slice %arg11[%dma_start3A_148, %dma_start3A_149] : memref<10128x128xf32, #tpu.memory_space<vmem_shared>> -> memref<10128x128xf32, #tpu.memory_space<vmem_shared>>
        tpu.enqueue_indirect_dma source(%arg9 : memref<128x128xf32, #tpu.memory_space<vmem>>) target(%dma_start3A_150 : memref<10128x128xf32, #tpu.memory_space<vmem_shared>>) offsets(%dma_start3A_147 : memref<128xi32, #tpu.memory_space<vmem>>) semaphore(%run_scoped3A_144 : memref<!tpu.dma_semaphore, #tpu.memory_space<semaphore_mem>>) {add = true}
        %dma_wait3A_151 = arith.constant 0 : i32
        %dma_wait3A_152 = tpu.memref_slice %arg8[%mul3A_110, %dma_wait3A_151] : memref<40x128xi32, #tpu.memory_space<vmem>> -> memref<1x128xi32, #tpu.memory_space<vmem>>
        %dma_wait3A_153 = tpu.memref_squeeze %dma_wait3A_152 : memref<1x128xi32, #tpu.memory_space<vmem>> -> memref<128xi32, #tpu.memory_space<vmem>>
        %dma_wait3A_154 = arith.constant 0 : i32
        %dma_wait3A_155 = arith.constant 0 : i32
        %dma_wait3A_156 = tpu.memref_slice %arg11[%dma_wait3A_154, %dma_wait3A_155] : memref<10128x128xf32, #tpu.memory_space<vmem_shared>> -> memref<10128x128xf32, #tpu.memory_space<vmem_shared>>
        tpu.wait_indirect_dma semaphore(%run_scoped3A_144 : memref<!tpu.dma_semaphore, #tpu.memory_space<semaphore_mem>>) src(%arg9 : memref<128x128xf32, #tpu.memory_space<vmem>>) dst(%dma_wait3A_156 : memref<10128x128xf32, #tpu.memory_space<vmem_shared>>)
        tpu.yield
      }) : () -> ()
      %dma_wait3A_119 = arith.constant 0 : i32
      %dma_wait3A_120 = tpu.memref_slice %arg7[%add3A_112, %dma_wait3A_119] : memref<40x128xi32, #tpu.memory_space<vmem>> -> memref<1x128xi32, #tpu.memory_space<vmem>>
      %dma_wait3A_121 = tpu.memref_squeeze %dma_wait3A_120 : memref<1x128xi32, #tpu.memory_space<vmem>> -> memref<128xi32, #tpu.memory_space<vmem>>
      %dma_wait3A_122 = arith.constant 0 : i32
      %dma_wait3A_123 = arith.constant 0 : i32
      %dma_wait3A_124 = tpu.memref_slice %arg2[%dma_wait3A_122, %dma_wait3A_123] : memref<10000x128xf32, #tpu.memory_space<hbm>> -> memref<10000x128xf32, #tpu.memory_space<hbm>>
      tpu.wait_indirect_dma semaphore(%arg13 : memref<!tpu.dma_semaphore, #tpu.memory_space<semaphore_mem>>) src(%dma_wait3A_124 : memref<10000x128xf32, #tpu.memory_space<hbm>>) dst(%arg10 : memref<128x128xf32, #tpu.memory_space<vmem>>)
      %mul3A_125 = arith.constant 2 : i32
      %mul3A_126 = arith.muli %mul3A_125, %scan3A_107 : i32
      %add3A_127 = arith.constant 1 : i32
      %add3A_128 = arith.addi %mul3A_126, %add3A_127 : i32
      %add3A_129 = arith.constant 1 : i32
      %add3A_130 = arith.addi %add3A_128, %add3A_129 : i32
      %dma_start3A_131 = arith.constant 0 : i32
      %dma_start3A_132 = tpu.memref_slice %arg7[%add3A_130, %dma_start3A_131] : memref<40x128xi32, #tpu.memory_space<vmem>> -> memref<1x128xi32, #tpu.memory_space<vmem>>
      %dma_start3A_133 = tpu.memref_squeeze %dma_start3A_132 : memref<1x128xi32, #tpu.memory_space<vmem>> -> memref<128xi32, #tpu.memory_space<vmem>>
      %dma_start3A_134 = arith.constant 0 : i32
      %dma_start3A_135 = arith.constant 0 : i32
      %dma_start3A_136 = tpu.memref_slice %arg2[%dma_start3A_134, %dma_start3A_135] : memref<10000x128xf32, #tpu.memory_space<hbm>> -> memref<10000x128xf32, #tpu.memory_space<hbm>>
      tpu.enqueue_indirect_dma source(%dma_start3A_136 : memref<10000x128xf32, #tpu.memory_space<hbm>>) target(%arg9 : memref<128x128xf32, #tpu.memory_space<vmem>>) offsets(%dma_start3A_133 : memref<128xi32, #tpu.memory_space<vmem>>) semaphore(%arg12 : memref<!tpu.dma_semaphore, #tpu.memory_space<semaphore_mem>>)
      "tpu.region"() ({
        %run_scoped3A_144 = tpu.sem_alloc : memref<!tpu.dma_semaphore, #tpu.memory_space<semaphore_mem>>
        %dma_start3A_145 = arith.constant 0 : i32
        %dma_start3A_146 = tpu.memref_slice %arg8[%add3A_128, %dma_start3A_145] : memref<40x128xi32, #tpu.memory_space<vmem>> -> memref<1x128xi32, #tpu.memory_space<vmem>>
        %dma_start3A_147 = tpu.memref_squeeze %dma_start3A_146 : memref<1x128xi32, #tpu.memory_space<vmem>> -> memref<128xi32, #tpu.memory_space<vmem>>
        %dma_start3A_148 = arith.constant 0 : i32
        %dma_start3A_149 = arith.constant 0 : i32
        %dma_start3A_150 = tpu.memref_slice %arg11[%dma_start3A_148, %dma_start3A_149] : memref<10128x128xf32, #tpu.memory_space<vmem_shared>> -> memref<10128x128xf32, #tpu.memory_space<vmem_shared>>
        tpu.enqueue_indirect_dma source(%arg10 : memref<128x128xf32, #tpu.memory_space<vmem>>) target(%dma_start3A_150 : memref<10128x128xf32, #tpu.memory_space<vmem_shared>>) offsets(%dma_start3A_147 : memref<128xi32, #tpu.memory_space<vmem>>) semaphore(%run_scoped3A_144 : memref<!tpu.dma_semaphore, #tpu.memory_space<semaphore_mem>>) {add = true}
        %dma_wait3A_151 = arith.constant 0 : i32
        %dma_wait3A_152 = tpu.memref_slice %arg8[%add3A_128, %dma_wait3A_151] : memref<40x128xi32, #tpu.memory_space<vmem>> -> memref<1x128xi32, #tpu.memory_space<vmem>>
        %dma_wait3A_153 = tpu.memref_squeeze %dma_wait3A_152 : memref<1x128xi32, #tpu.memory_space<vmem>> -> memref<128xi32, #tpu.memory_space<vmem>>
        %dma_wait3A_154 = arith.constant 0 : i32
        %dma_wait3A_155 = arith.constant 0 : i32
        %dma_wait3A_156 = tpu.memref_slice %arg11[%dma_wait3A_154, %dma_wait3A_155] : memref<10128x128xf32, #tpu.memory_space<vmem_shared>> -> memref<10128x128xf32, #tpu.memory_space<vmem_shared>>
        tpu.wait_indirect_dma semaphore(%run_scoped3A_144 : memref<!tpu.dma_semaphore, #tpu.memory_space<semaphore_mem>>) src(%arg10 : memref<128x128xf32, #tpu.memory_space<vmem>>) dst(%dma_wait3A_156 : memref<10128x128xf32, #tpu.memory_space<vmem_shared>>)
        tpu.yield
      }) : () -> ()
      %dma_wait3A_137 = arith.constant 0 : i32
      %dma_wait3A_138 = tpu.memref_slice %arg7[%add3A_130, %dma_wait3A_137] : memref<40x128xi32, #tpu.memory_space<vmem>> -> memref<1x128xi32, #tpu.memory_space<vmem>>
      %dma_wait3A_139 = tpu.memref_squeeze %dma_wait3A_138 : memref<1x128xi32, #tpu.memory_space<vmem>> -> memref<128xi32, #tpu.memory_space<vmem>>
      %dma_wait3A_140 = arith.constant 0 : i32
      %dma_wait3A_141 = arith.constant 0 : i32
      %dma_wait3A_142 = tpu.memref_slice %arg2[%dma_wait3A_140, %dma_wait3A_141] : memref<10000x128xf32, #tpu.memory_space<hbm>> -> memref<10000x128xf32, #tpu.memory_space<hbm>>
      tpu.wait_indirect_dma semaphore(%arg12 : memref<!tpu.dma_semaphore, #tpu.memory_space<semaphore_mem>>) src(%dma_wait3A_142 : memref<10000x128xf32, #tpu.memory_space<hbm>>) dst(%arg9 : memref<128x128xf32, #tpu.memory_space<vmem>>)
      %scan3A_143 = arith.constant 0 : i32
      scf.yield %scan3A_143 : i32
    }
    %scan3A_39 = arith.constant 19 : i32
    %dma_start3A_40 = arith.constant 39 : i32
    %dma_start3A_41 = arith.constant 0 : i32
    %dma_start3A_42 = tpu.memref_slice %arg7[%dma_start3A_40, %dma_start3A_41] : memref<40x128xi32, #tpu.memory_space<vmem>> -> memref<1x128xi32, #tpu.memory_space<vmem>>
    %dma_start3A_43 = tpu.memref_squeeze %dma_start3A_42 : memref<1x128xi32, #tpu.memory_space<vmem>> -> memref<128xi32, #tpu.memory_space<vmem>>
    %dma_start3A_44 = arith.constant 0 : i32
    %dma_start3A_45 = arith.constant 0 : i32
    %dma_start3A_46 = tpu.memref_slice %arg2[%dma_start3A_44, %dma_start3A_45] : memref<10000x128xf32, #tpu.memory_space<hbm>> -> memref<10000x128xf32, #tpu.memory_space<hbm>>
    tpu.enqueue_indirect_dma source(%dma_start3A_46 : memref<10000x128xf32, #tpu.memory_space<hbm>>) target(%arg10 : memref<128x128xf32, #tpu.memory_space<vmem>>) offsets(%dma_start3A_43 : memref<128xi32, #tpu.memory_space<vmem>>) semaphore(%arg13 : memref<!tpu.dma_semaphore, #tpu.memory_space<semaphore_mem>>)
    %run_scoped3A = arith.constant 38 : i32
    "tpu.region"() ({
      %run_scoped3A_107 = tpu.sem_alloc : memref<!tpu.dma_semaphore, #tpu.memory_space<semaphore_mem>>
      %dma_start3A_108 = arith.constant 0 : i32
      %dma_start3A_109 = tpu.memref_slice %arg8[%run_scoped3A, %dma_start3A_108] : memref<40x128xi32, #tpu.memory_space<vmem>> -> memref<1x128xi32, #tpu.memory_space<vmem>>
      %dma_start3A_110 = tpu.memref_squeeze %dma_start3A_109 : memref<1x128xi32, #tpu.memory_space<vmem>> -> memref<128xi32, #tpu.memory_space<vmem>>
      %dma_start3A_111 = arith.constant 0 : i32
      %dma_start3A_112 = arith.constant 0 : i32
      %dma_start3A_113 = tpu.memref_slice %arg11[%dma_start3A_111, %dma_start3A_112] : memref<10128x128xf32, #tpu.memory_space<vmem_shared>> -> memref<10128x128xf32, #tpu.memory_space<vmem_shared>>
      tpu.enqueue_indirect_dma source(%arg9 : memref<128x128xf32, #tpu.memory_space<vmem>>) target(%dma_start3A_113 : memref<10128x128xf32, #tpu.memory_space<vmem_shared>>) offsets(%dma_start3A_110 : memref<128xi32, #tpu.memory_space<vmem>>) semaphore(%run_scoped3A_107 : memref<!tpu.dma_semaphore, #tpu.memory_space<semaphore_mem>>) {add = true}
      %dma_wait3A_114 = arith.constant 0 : i32
      %dma_wait3A_115 = tpu.memref_slice %arg8[%run_scoped3A, %dma_wait3A_114] : memref<40x128xi32, #tpu.memory_space<vmem>> -> memref<1x128xi32, #tpu.memory_space<vmem>>
      %dma_wait3A_116 = tpu.memref_squeeze %dma_wait3A_115 : memref<1x128xi32, #tpu.memory_space<vmem>> -> memref<128xi32, #tpu.memory_space<vmem>>
      %dma_wait3A_117 = arith.constant 0 : i32
      %dma_wait3A_118 = arith.constant 0 : i32
      %dma_wait3A_119 = tpu.memref_slice %arg11[%dma_wait3A_117, %dma_wait3A_118] : memref<10128x128xf32, #tpu.memory_space<vmem_shared>> -> memref<10128x128xf32, #tpu.memory_space<vmem_shared>>
      tpu.wait_indirect_dma semaphore(%run_scoped3A_107 : memref<!tpu.dma_semaphore, #tpu.memory_space<semaphore_mem>>) src(%arg9 : memref<128x128xf32, #tpu.memory_space<vmem>>) dst(%dma_wait3A_119 : memref<10128x128xf32, #tpu.memory_space<vmem_shared>>)
      tpu.yield
    }) : () -> ()
    %dma_wait3A_47 = arith.constant 39 : i32
    %dma_wait3A_48 = arith.constant 0 : i32
    %dma_wait3A_49 = tpu.memref_slice %arg7[%dma_wait3A_47, %dma_wait3A_48] : memref<40x128xi32, #tpu.memory_space<vmem>> -> memref<1x128xi32, #tpu.memory_space<vmem>>
    %dma_wait3A_50 = tpu.memref_squeeze %dma_wait3A_49 : memref<1x128xi32, #tpu.memory_space<vmem>> -> memref<128xi32, #tpu.memory_space<vmem>>
    %dma_wait3A_51 = arith.constant 0 : i32
    %dma_wait3A_52 = arith.constant 0 : i32
    %dma_wait3A_53 = tpu.memref_slice %arg2[%dma_wait3A_51, %dma_wait3A_52] : memref<10000x128xf32, #tpu.memory_space<hbm>> -> memref<10000x128xf32, #tpu.memory_space<hbm>>
    tpu.wait_indirect_dma semaphore(%arg13 : memref<!tpu.dma_semaphore, #tpu.memory_space<semaphore_mem>>) src(%dma_wait3A_53 : memref<10000x128xf32, #tpu.memory_space<hbm>>) dst(%arg10 : memref<128x128xf32, #tpu.memory_space<vmem>>)
    %run_scoped3A_54 = arith.constant 39 : i32
    "tpu.region"() ({
      %run_scoped3A_107 = tpu.sem_alloc : memref<!tpu.dma_semaphore, #tpu.memory_space<semaphore_mem>>
      %dma_start3A_108 = arith.constant 0 : i32
      %dma_start3A_109 = tpu.memref_slice %arg8[%run_scoped3A_54, %dma_start3A_108] : memref<40x128xi32, #tpu.memory_space<vmem>> -> memref<1x128xi32, #tpu.memory_space<vmem>>
      %dma_start3A_110 = tpu.memref_squeeze %dma_start3A_109 : memref<1x128xi32, #tpu.memory_space<vmem>> -> memref<128xi32, #tpu.memory_space<vmem>>
      %dma_start3A_111 = arith.constant 0 : i32
      %dma_start3A_112 = arith.constant 0 : i32
      %dma_start3A_113 = tpu.memref_slice %arg11[%dma_start3A_111, %dma_start3A_112] : memref<10128x128xf32, #tpu.memory_space<vmem_shared>> -> memref<10128x128xf32, #tpu.memory_space<vmem_shared>>
      tpu.enqueue_indirect_dma source(%arg10 : memref<128x128xf32, #tpu.memory_space<vmem>>) target(%dma_start3A_113 : memref<10128x128xf32, #tpu.memory_space<vmem_shared>>) offsets(%dma_start3A_110 : memref<128xi32, #tpu.memory_space<vmem>>) semaphore(%run_scoped3A_107 : memref<!tpu.dma_semaphore, #tpu.memory_space<semaphore_mem>>) {add = true}
      %dma_wait3A_114 = arith.constant 0 : i32
      %dma_wait3A_115 = tpu.memref_slice %arg8[%run_scoped3A_54, %dma_wait3A_114] : memref<40x128xi32, #tpu.memory_space<vmem>> -> memref<1x128xi32, #tpu.memory_space<vmem>>
      %dma_wait3A_116 = tpu.memref_squeeze %dma_wait3A_115 : memref<1x128xi32, #tpu.memory_space<vmem>> -> memref<128xi32, #tpu.memory_space<vmem>>
      %dma_wait3A_117 = arith.constant 0 : i32
      %dma_wait3A_118 = arith.constant 0 : i32
      %dma_wait3A_119 = tpu.memref_slice %arg11[%dma_wait3A_117, %dma_wait3A_118] : memref<10128x128xf32, #tpu.memory_space<vmem_shared>> -> memref<10128x128xf32, #tpu.memory_space<vmem_shared>>
      tpu.wait_indirect_dma semaphore(%run_scoped3A_107 : memref<!tpu.dma_semaphore, #tpu.memory_space<semaphore_mem>>) src(%arg10 : memref<128x128xf32, #tpu.memory_space<vmem>>) dst(%dma_wait3A_119 : memref<10128x128xf32, #tpu.memory_space<vmem_shared>>)
      tpu.yield
    }) : () -> ()
    %add3A_55 = arith.constant 40 : i32
    %add3A_56 = arith.addi %mul3A_2, %add3A_55 : i32
    "tpu.region"() ({
      %run_scoped3A_107 = tpu.sem_alloc : memref<!tpu.dma_semaphore, #tpu.memory_space<semaphore_mem>>
      %dma_start3A_108 = arith.constant 0 : i32
      %dma_start3A_109 = tpu.memref_slice %arg3[%add3A_56, %dma_start3A_108] : memref<2560x128xi32, #tpu.memory_space<hbm>> -> memref<40x128xi32, #tpu.memory_space<hbm>>
      %dma_start3A_110 = arith.constant 0 : i32
      %dma_start3A_111 = tpu.memref_slice %arg3[%add3A_56, %dma_start3A_110] : memref<2560x128xi32, #tpu.memory_space<hbm>> -> memref<40x128xi32, #tpu.memory_space<hbm>>
      tpu.enqueue_dma source(%dma_start3A_111 : memref<40x128xi32, #tpu.memory_space<hbm>>) target(%arg7 : memref<40x128xi32, #tpu.memory_space<vmem>>) target_semaphore(%run_scoped3A_107 : memref<!tpu.dma_semaphore, #tpu.memory_space<semaphore_mem>>)
      %dma_wait3A_112 = arith.constant 0 : i32
      %dma_wait3A_113 = tpu.memref_slice %arg3[%add3A_56, %dma_wait3A_112] : memref<2560x128xi32, #tpu.memory_space<hbm>> -> memref<40x128xi32, #tpu.memory_space<hbm>>
      %dma_wait3A_114 = arith.constant 0 : i32
      %dma_wait3A_115 = tpu.memref_slice %arg3[%add3A_56, %dma_wait3A_114] : memref<2560x128xi32, #tpu.memory_space<hbm>> -> memref<40x128xi32, #tpu.memory_space<hbm>>
      tpu.wait_dma2 semaphore(%run_scoped3A_107 : memref<!tpu.dma_semaphore, #tpu.memory_space<semaphore_mem>>) src(%dma_wait3A_115 : memref<40x128xi32, #tpu.memory_space<hbm>>) dst(%arg7 : memref<40x128xi32, #tpu.memory_space<vmem>>)
      tpu.yield
    }) : () -> ()
    %add3A_57 = arith.constant 40 : i32
    %add3A_58 = arith.addi %mul3A_2, %add3A_57 : i32
    "tpu.region"() ({
      %run_scoped3A_107 = tpu.sem_alloc : memref<!tpu.dma_semaphore, #tpu.memory_space<semaphore_mem>>
      %dma_start3A_108 = arith.constant 0 : i32
      %dma_start3A_109 = tpu.memref_slice %arg4[%add3A_58, %dma_start3A_108] : memref<2560x128xi32, #tpu.memory_space<hbm>> -> memref<40x128xi32, #tpu.memory_space<hbm>>
      %dma_start3A_110 = arith.constant 0 : i32
      %dma_start3A_111 = tpu.memref_slice %arg4[%add3A_58, %dma_start3A_110] : memref<2560x128xi32, #tpu.memory_space<hbm>> -> memref<40x128xi32, #tpu.memory_space<hbm>>
      tpu.enqueue_dma source(%dma_start3A_111 : memref<40x128xi32, #tpu.memory_space<hbm>>) target(%arg8 : memref<40x128xi32, #tpu.memory_space<vmem>>) target_semaphore(%run_scoped3A_107 : memref<!tpu.dma_semaphore, #tpu.memory_space<semaphore_mem>>)
      %dma_wait3A_112 = arith.constant 0 : i32
      %dma_wait3A_113 = tpu.memref_slice %arg4[%add3A_58, %dma_wait3A_112] : memref<2560x128xi32, #tpu.memory_space<hbm>> -> memref<40x128xi32, #tpu.memory_space<hbm>>
      %dma_wait3A_114 = arith.constant 0 : i32
      %dma_wait3A_115 = tpu.memref_slice %arg4[%add3A_58, %dma_wait3A_114] : memref<2560x128xi32, #tpu.memory_space<hbm>> -> memref<40x128xi32, #tpu.memory_space<hbm>>
      tpu.wait_dma2 semaphore(%run_scoped3A_107 : memref<!tpu.dma_semaphore, #tpu.memory_space<semaphore_mem>>) src(%dma_wait3A_115 : memref<40x128xi32, #tpu.memory_space<hbm>>) dst(%arg8 : memref<40x128xi32, #tpu.memory_space<vmem>>)
      tpu.yield
    }) : () -> ()
    %dma_start3A_59 = arith.constant 0 : i32
    %dma_start3A_60 = arith.constant 0 : i32
    %dma_start3A_61 = tpu.memref_slice %arg7[%dma_start3A_59, %dma_start3A_60] : memref<40x128xi32, #tpu.memory_space<vmem>> -> memref<1x128xi32, #tpu.memory_space<vmem>>
    %dma_start3A_62 = tpu.memref_squeeze %dma_start3A_61 : memref<1x128xi32, #tpu.memory_space<vmem>> -> memref<128xi32, #tpu.memory_space<vmem>>
    %dma_start3A_63 = arith.constant 0 : i32
    %dma_start3A_64 = arith.constant 0 : i32
    %dma_start3A_65 = tpu.memref_slice %arg2[%dma_start3A_63, %dma_start3A_64] : memref<10000x128xf32, #tpu.memory_space<hbm>> -> memref<10000x128xf32, #tpu.memory_space<hbm>>
    tpu.enqueue_indirect_dma source(%dma_start3A_65 : memref<10000x128xf32, #tpu.memory_space<hbm>>) target(%arg9 : memref<128x128xf32, #tpu.memory_space<vmem>>) offsets(%dma_start3A_62 : memref<128xi32, #tpu.memory_space<vmem>>) semaphore(%arg12 : memref<!tpu.dma_semaphore, #tpu.memory_space<semaphore_mem>>)
    %dma_wait3A_66 = arith.constant 0 : i32
    %dma_wait3A_67 = arith.constant 0 : i32
    %dma_wait3A_68 = tpu.memref_slice %arg7[%dma_wait3A_66, %dma_wait3A_67] : memref<40x128xi32, #tpu.memory_space<vmem>> -> memref<1x128xi32, #tpu.memory_space<vmem>>
    %dma_wait3A_69 = tpu.memref_squeeze %dma_wait3A_68 : memref<1x128xi32, #tpu.memory_space<vmem>> -> memref<128xi32, #tpu.memory_space<vmem>>
    %dma_wait3A_70 = arith.constant 0 : i32
    %dma_wait3A_71 = arith.constant 0 : i32
    %dma_wait3A_72 = tpu.memref_slice %arg2[%dma_wait3A_70, %dma_wait3A_71] : memref<10000x128xf32, #tpu.memory_space<hbm>> -> memref<10000x128xf32, #tpu.memory_space<hbm>>
    tpu.wait_indirect_dma semaphore(%arg12 : memref<!tpu.dma_semaphore, #tpu.memory_space<semaphore_mem>>) src(%dma_wait3A_72 : memref<10000x128xf32, #tpu.memory_space<hbm>>) dst(%arg9 : memref<128x128xf32, #tpu.memory_space<vmem>>)
    %scan3A_73 = arith.constant 0 : i32
    %scan3A_74 = arith.constant 0 : i32
    %scan3A_75 = arith.constant 19 : i32
    %scan3A_76 = arith.addi %scan3A_74, %scan3A_75 : i32
    %scan3A_77 = arith.constant 1 : i32
    %scan3A_78 = scf.for %scan3A_107 = %scan3A_74 to %scan3A_76 step %scan3A_77 iter_args(%scan3A_108 = %scan3A_73) -> (i32)  : i32 {
      %mul3A_109 = arith.constant 2 : i32
      %mul3A_110 = arith.muli %mul3A_109, %scan3A_107 : i32
      %add3A_111 = arith.constant 1 : i32
      %add3A_112 = arith.addi %mul3A_110, %add3A_111 : i32
      %dma_start3A_113 = arith.constant 0 : i32
      %dma_start3A_114 = tpu.memref_slice %arg7[%add3A_112, %dma_start3A_113] : memref<40x128xi32, #tpu.memory_space<vmem>> -> memref<1x128xi32, #tpu.memory_space<vmem>>
      %dma_start3A_115 = tpu.memref_squeeze %dma_start3A_114 : memref<1x128xi32, #tpu.memory_space<vmem>> -> memref<128xi32, #tpu.memory_space<vmem>>
      %dma_start3A_116 = arith.constant 0 : i32
      %dma_start3A_117 = arith.constant 0 : i32
      %dma_start3A_118 = tpu.memref_slice %arg2[%dma_start3A_116, %dma_start3A_117] : memref<10000x128xf32, #tpu.memory_space<hbm>> -> memref<10000x128xf32, #tpu.memory_space<hbm>>
      tpu.enqueue_indirect_dma source(%dma_start3A_118 : memref<10000x128xf32, #tpu.memory_space<hbm>>) target(%arg10 : memref<128x128xf32, #tpu.memory_space<vmem>>) offsets(%dma_start3A_115 : memref<128xi32, #tpu.memory_space<vmem>>) semaphore(%arg13 : memref<!tpu.dma_semaphore, #tpu.memory_space<semaphore_mem>>)
      "tpu.region"() ({
        %run_scoped3A_144 = tpu.sem_alloc : memref<!tpu.dma_semaphore, #tpu.memory_space<semaphore_mem>>
        %dma_start3A_145 = arith.constant 0 : i32
        %dma_start3A_146 = tpu.memref_slice %arg8[%mul3A_110, %dma_start3A_145] : memref<40x128xi32, #tpu.memory_space<vmem>> -> memref<1x128xi32, #tpu.memory_space<vmem>>
        %dma_start3A_147 = tpu.memref_squeeze %dma_start3A_146 : memref<1x128xi32, #tpu.memory_space<vmem>> -> memref<128xi32, #tpu.memory_space<vmem>>
        %dma_start3A_148 = arith.constant 0 : i32
        %dma_start3A_149 = arith.constant 0 : i32
        %dma_start3A_150 = tpu.memref_slice %arg11[%dma_start3A_148, %dma_start3A_149] : memref<10128x128xf32, #tpu.memory_space<vmem_shared>> -> memref<10128x128xf32, #tpu.memory_space<vmem_shared>>
        tpu.enqueue_indirect_dma source(%arg9 : memref<128x128xf32, #tpu.memory_space<vmem>>) target(%dma_start3A_150 : memref<10128x128xf32, #tpu.memory_space<vmem_shared>>) offsets(%dma_start3A_147 : memref<128xi32, #tpu.memory_space<vmem>>) semaphore(%run_scoped3A_144 : memref<!tpu.dma_semaphore, #tpu.memory_space<semaphore_mem>>) {add = true}
        %dma_wait3A_151 = arith.constant 0 : i32
        %dma_wait3A_152 = tpu.memref_slice %arg8[%mul3A_110, %dma_wait3A_151] : memref<40x128xi32, #tpu.memory_space<vmem>> -> memref<1x128xi32, #tpu.memory_space<vmem>>
        %dma_wait3A_153 = tpu.memref_squeeze %dma_wait3A_152 : memref<1x128xi32, #tpu.memory_space<vmem>> -> memref<128xi32, #tpu.memory_space<vmem>>
        %dma_wait3A_154 = arith.constant 0 : i32
        %dma_wait3A_155 = arith.constant 0 : i32
        %dma_wait3A_156 = tpu.memref_slice %arg11[%dma_wait3A_154, %dma_wait3A_155] : memref<10128x128xf32, #tpu.memory_space<vmem_shared>> -> memref<10128x128xf32, #tpu.memory_space<vmem_shared>>
        tpu.wait_indirect_dma semaphore(%run_scoped3A_144 : memref<!tpu.dma_semaphore, #tpu.memory_space<semaphore_mem>>) src(%arg9 : memref<128x128xf32, #tpu.memory_space<vmem>>) dst(%dma_wait3A_156 : memref<10128x128xf32, #tpu.memory_space<vmem_shared>>)
        tpu.yield
      }) : () -> ()
      %dma_wait3A_119 = arith.constant 0 : i32
      %dma_wait3A_120 = tpu.memref_slice %arg7[%add3A_112, %dma_wait3A_119] : memref<40x128xi32, #tpu.memory_space<vmem>> -> memref<1x128xi32, #tpu.memory_space<vmem>>
      %dma_wait3A_121 = tpu.memref_squeeze %dma_wait3A_120 : memref<1x128xi32, #tpu.memory_space<vmem>> -> memref<128xi32, #tpu.memory_space<vmem>>
      %dma_wait3A_122 = arith.constant 0 : i32
      %dma_wait3A_123 = arith.constant 0 : i32
      %dma_wait3A_124 = tpu.memref_slice %arg2[%dma_wait3A_122, %dma_wait3A_123] : memref<10000x128xf32, #tpu.memory_space<hbm>> -> memref<10000x128xf32, #tpu.memory_space<hbm>>
      tpu.wait_indirect_dma semaphore(%arg13 : memref<!tpu.dma_semaphore, #tpu.memory_space<semaphore_mem>>) src(%dma_wait3A_124 : memref<10000x128xf32, #tpu.memory_space<hbm>>) dst(%arg10 : memref<128x128xf32, #tpu.memory_space<vmem>>)
      %mul3A_125 = arith.constant 2 : i32
      %mul3A_126 = arith.muli %mul3A_125, %scan3A_107 : i32
      %add3A_127 = arith.constant 1 : i32
      %add3A_128 = arith.addi %mul3A_126, %add3A_127 : i32
      %add3A_129 = arith.constant 1 : i32
      %add3A_130 = arith.addi %add3A_128, %add3A_129 : i32
      %dma_start3A_131 = arith.constant 0 : i32
      %dma_start3A_132 = tpu.memref_slice %arg7[%add3A_130, %dma_start3A_131] : memref<40x128xi32, #tpu.memory_space<vmem>> -> memref<1x128xi32, #tpu.memory_space<vmem>>
      %dma_start3A_133 = tpu.memref_squeeze %dma_start3A_132 : memref<1x128xi32, #tpu.memory_space<vmem>> -> memref<128xi32, #tpu.memory_space<vmem>>
      %dma_start3A_134 = arith.constant 0 : i32
      %dma_start3A_135 = arith.constant 0 : i32
      %dma_start3A_136 = tpu.memref_slice %arg2[%dma_start3A_134, %dma_start3A_135] : memref<10000x128xf32, #tpu.memory_space<hbm>> -> memref<10000x128xf32, #tpu.memory_space<hbm>>
      tpu.enqueue_indirect_dma source(%dma_start3A_136 : memref<10000x128xf32, #tpu.memory_space<hbm>>) target(%arg9 : memref<128x128xf32, #tpu.memory_space<vmem>>) offsets(%dma_start3A_133 : memref<128xi32, #tpu.memory_space<vmem>>) semaphore(%arg12 : memref<!tpu.dma_semaphore, #tpu.memory_space<semaphore_mem>>)
      "tpu.region"() ({
        %run_scoped3A_144 = tpu.sem_alloc : memref<!tpu.dma_semaphore, #tpu.memory_space<semaphore_mem>>
        %dma_start3A_145 = arith.constant 0 : i32
        %dma_start3A_146 = tpu.memref_slice %arg8[%add3A_128, %dma_start3A_145] : memref<40x128xi32, #tpu.memory_space<vmem>> -> memref<1x128xi32, #tpu.memory_space<vmem>>
        %dma_start3A_147 = tpu.memref_squeeze %dma_start3A_146 : memref<1x128xi32, #tpu.memory_space<vmem>> -> memref<128xi32, #tpu.memory_space<vmem>>
        %dma_start3A_148 = arith.constant 0 : i32
        %dma_start3A_149 = arith.constant 0 : i32
        %dma_start3A_150 = tpu.memref_slice %arg11[%dma_start3A_148, %dma_start3A_149] : memref<10128x128xf32, #tpu.memory_space<vmem_shared>> -> memref<10128x128xf32, #tpu.memory_space<vmem_shared>>
        tpu.enqueue_indirect_dma source(%arg10 : memref<128x128xf32, #tpu.memory_space<vmem>>) target(%dma_start3A_150 : memref<10128x128xf32, #tpu.memory_space<vmem_shared>>) offsets(%dma_start3A_147 : memref<128xi32, #tpu.memory_space<vmem>>) semaphore(%run_scoped3A_144 : memref<!tpu.dma_semaphore, #tpu.memory_space<semaphore_mem>>) {add = true}
        %dma_wait3A_151 = arith.constant 0 : i32
        %dma_wait3A_152 = tpu.memref_slice %arg8[%add3A_128, %dma_wait3A_151] : memref<40x128xi32, #tpu.memory_space<vmem>> -> memref<1x128xi32, #tpu.memory_space<vmem>>
        %dma_wait3A_153 = tpu.memref_squeeze %dma_wait3A_152 : memref<1x128xi32, #tpu.memory_space<vmem>> -> memref<128xi32, #tpu.memory_space<vmem>>
        %dma_wait3A_154 = arith.constant 0 : i32
        %dma_wait3A_155 = arith.constant 0 : i32
        %dma_wait3A_156 = tpu.memref_slice %arg11[%dma_wait3A_154, %dma_wait3A_155] : memref<10128x128xf32, #tpu.memory_space<vmem_shared>> -> memref<10128x128xf32, #tpu.memory_space<vmem_shared>>
        tpu.wait_indirect_dma semaphore(%run_scoped3A_144 : memref<!tpu.dma_semaphore, #tpu.memory_space<semaphore_mem>>) src(%arg10 : memref<128x128xf32, #tpu.memory_space<vmem>>) dst(%dma_wait3A_156 : memref<10128x128xf32, #tpu.memory_space<vmem_shared>>)
        tpu.yield
      }) : () -> ()
      %dma_wait3A_137 = arith.constant 0 : i32
      %dma_wait3A_138 = tpu.memref_slice %arg7[%add3A_130, %dma_wait3A_137] : memref<40x128xi32, #tpu.memory_space<vmem>> -> memref<1x128xi32, #tpu.memory_space<vmem>>
      %dma_wait3A_139 = tpu.memref_squeeze %dma_wait3A_138 : memref<1x128xi32, #tpu.memory_space<vmem>> -> memref<128xi32, #tpu.memory_space<vmem>>
      %dma_wait3A_140 = arith.constant 0 : i32
      %dma_wait3A_141 = arith.constant 0 : i32
      %dma_wait3A_142 = tpu.memref_slice %arg2[%dma_wait3A_140, %dma_wait3A_141] : memref<10000x128xf32, #tpu.memory_space<hbm>> -> memref<10000x128xf32, #tpu.memory_space<hbm>>
      tpu.wait_indirect_dma semaphore(%arg12 : memref<!tpu.dma_semaphore, #tpu.memory_space<semaphore_mem>>) src(%dma_wait3A_142 : memref<10000x128xf32, #tpu.memory_space<hbm>>) dst(%arg9 : memref<128x128xf32, #tpu.memory_space<vmem>>)
      %scan3A_143 = arith.constant 0 : i32
      scf.yield %scan3A_143 : i32
    }
    %scan3A_79 = arith.constant 19 : i32
    %dma_start3A_80 = arith.constant 39 : i32
    %dma_start3A_81 = arith.constant 0 : i32
    %dma_start3A_82 = tpu.memref_slice %arg7[%dma_start3A_80, %dma_start3A_81] : memref<40x128xi32, #tpu.memory_space<vmem>> -> memref<1x128xi32, #tpu.memory_space<vmem>>
    %dma_start3A_83 = tpu.memref_squeeze %dma_start3A_82 : memref<1x128xi32, #tpu.memory_space<vmem>> -> memref<128xi32, #tpu.memory_space<vmem>>
    %dma_start3A_84 = arith.constant 0 : i32
    %dma_start3A_85 = arith.constant 0 : i32
    %dma_start3A_86 = tpu.memref_slice %arg2[%dma_start3A_84, %dma_start3A_85] : memref<10000x128xf32, #tpu.memory_space<hbm>> -> memref<10000x128xf32, #tpu.memory_space<hbm>>
    tpu.enqueue_indirect_dma source(%dma_start3A_86 : memref<10000x128xf32, #tpu.memory_space<hbm>>) target(%arg10 : memref<128x128xf32, #tpu.memory_space<vmem>>) offsets(%dma_start3A_83 : memref<128xi32, #tpu.memory_space<vmem>>) semaphore(%arg13 : memref<!tpu.dma_semaphore, #tpu.memory_space<semaphore_mem>>)
    %run_scoped3A_87 = arith.constant 38 : i32
    "tpu.region"() ({
      %run_scoped3A_107 = tpu.sem_alloc : memref<!tpu.dma_semaphore, #tpu.memory_space<semaphore_mem>>
      %dma_start3A_108 = arith.constant 0 : i32
      %dma_start3A_109 = tpu.memref_slice %arg8[%run_scoped3A_87, %dma_start3A_108] : memref<40x128xi32, #tpu.memory_space<vmem>> -> memref<1x128xi32, #tpu.memory_space<vmem>>
      %dma_start3A_110 = tpu.memref_squeeze %dma_start3A_109 : memref<1x128xi32, #tpu.memory_space<vmem>> -> memref<128xi32, #tpu.memory_space<vmem>>
      %dma_start3A_111 = arith.constant 0 : i32
      %dma_start3A_112 = arith.constant 0 : i32
      %dma_start3A_113 = tpu.memref_slice %arg11[%dma_start3A_111, %dma_start3A_112] : memref<10128x128xf32, #tpu.memory_space<vmem_shared>> -> memref<10128x128xf32, #tpu.memory_space<vmem_shared>>
      tpu.enqueue_indirect_dma source(%arg9 : memref<128x128xf32, #tpu.memory_space<vmem>>) target(%dma_start3A_113 : memref<10128x128xf32, #tpu.memory_space<vmem_shared>>) offsets(%dma_start3A_110 : memref<128xi32, #tpu.memory_space<vmem>>) semaphore(%run_scoped3A_107 : memref<!tpu.dma_semaphore, #tpu.memory_space<semaphore_mem>>) {add = true}
      %dma_wait3A_114 = arith.constant 0 : i32
      %dma_wait3A_115 = tpu.memref_slice %arg8[%run_scoped3A_87, %dma_wait3A_114] : memref<40x128xi32, #tpu.memory_space<vmem>> -> memref<1x128xi32, #tpu.memory_space<vmem>>
      %dma_wait3A_116 = tpu.memref_squeeze %dma_wait3A_115 : memref<1x128xi32, #tpu.memory_space<vmem>> -> memref<128xi32, #tpu.memory_space<vmem>>
      %dma_wait3A_117 = arith.constant 0 : i32
      %dma_wait3A_118 = arith.constant 0 : i32
      %dma_wait3A_119 = tpu.memref_slice %arg11[%dma_wait3A_117, %dma_wait3A_118] : memref<10128x128xf32, #tpu.memory_space<vmem_shared>> -> memref<10128x128xf32, #tpu.memory_space<vmem_shared>>
      tpu.wait_indirect_dma semaphore(%run_scoped3A_107 : memref<!tpu.dma_semaphore, #tpu.memory_space<semaphore_mem>>) src(%arg9 : memref<128x128xf32, #tpu.memory_space<vmem>>) dst(%dma_wait3A_119 : memref<10128x128xf32, #tpu.memory_space<vmem_shared>>)
      tpu.yield
    }) : () -> ()
    %dma_wait3A_88 = arith.constant 39 : i32
    %dma_wait3A_89 = arith.constant 0 : i32
    %dma_wait3A_90 = tpu.memref_slice %arg7[%dma_wait3A_88, %dma_wait3A_89] : memref<40x128xi32, #tpu.memory_space<vmem>> -> memref<1x128xi32, #tpu.memory_space<vmem>>
    %dma_wait3A_91 = tpu.memref_squeeze %dma_wait3A_90 : memref<1x128xi32, #tpu.memory_space<vmem>> -> memref<128xi32, #tpu.memory_space<vmem>>
    %dma_wait3A_92 = arith.constant 0 : i32
    %dma_wait3A_93 = arith.constant 0 : i32
    %dma_wait3A_94 = tpu.memref_slice %arg2[%dma_wait3A_92, %dma_wait3A_93] : memref<10000x128xf32, #tpu.memory_space<hbm>> -> memref<10000x128xf32, #tpu.memory_space<hbm>>
    tpu.wait_indirect_dma semaphore(%arg13 : memref<!tpu.dma_semaphore, #tpu.memory_space<semaphore_mem>>) src(%dma_wait3A_94 : memref<10000x128xf32, #tpu.memory_space<hbm>>) dst(%arg10 : memref<128x128xf32, #tpu.memory_space<vmem>>)
    %run_scoped3A_95 = arith.constant 39 : i32
    "tpu.region"() ({
      %run_scoped3A_107 = tpu.sem_alloc : memref<!tpu.dma_semaphore, #tpu.memory_space<semaphore_mem>>
      %dma_start3A_108 = arith.constant 0 : i32
      %dma_start3A_109 = tpu.memref_slice %arg8[%run_scoped3A_95, %dma_start3A_108] : memref<40x128xi32, #tpu.memory_space<vmem>> -> memref<1x128xi32, #tpu.memory_space<vmem>>
      %dma_start3A_110 = tpu.memref_squeeze %dma_start3A_109 : memref<1x128xi32, #tpu.memory_space<vmem>> -> memref<128xi32, #tpu.memory_space<vmem>>
      %dma_start3A_111 = arith.constant 0 : i32
      %dma_start3A_112 = arith.constant 0 : i32
      %dma_start3A_113 = tpu.memref_slice %arg11[%dma_start3A_111, %dma_start3A_112] : memref<10128x128xf32, #tpu.memory_space<vmem_shared>> -> memref<10128x128xf32, #tpu.memory_space<vmem_shared>>
      tpu.enqueue_indirect_dma source(%arg10 : memref<128x128xf32, #tpu.memory_space<vmem>>) target(%dma_start3A_113 : memref<10128x128xf32, #tpu.memory_space<vmem_shared>>) offsets(%dma_start3A_110 : memref<128xi32, #tpu.memory_space<vmem>>) semaphore(%run_scoped3A_107 : memref<!tpu.dma_semaphore, #tpu.memory_space<semaphore_mem>>) {add = true}
      %dma_wait3A_114 = arith.constant 0 : i32
      %dma_wait3A_115 = tpu.memref_slice %arg8[%run_scoped3A_95, %dma_wait3A_114] : memref<40x128xi32, #tpu.memory_space<vmem>> -> memref<1x128xi32, #tpu.memory_space<vmem>>
      %dma_wait3A_116 = tpu.memref_squeeze %dma_wait3A_115 : memref<1x128xi32, #tpu.memory_space<vmem>> -> memref<128xi32, #tpu.memory_space<vmem>>
      %dma_wait3A_117 = arith.constant 0 : i32
      %dma_wait3A_118 = arith.constant 0 : i32
      %dma_wait3A_119 = tpu.memref_slice %arg11[%dma_wait3A_117, %dma_wait3A_118] : memref<10128x128xf32, #tpu.memory_space<vmem_shared>> -> memref<10128x128xf32, #tpu.memory_space<vmem_shared>>
      tpu.wait_indirect_dma semaphore(%run_scoped3A_107 : memref<!tpu.dma_semaphore, #tpu.memory_space<semaphore_mem>>) src(%arg10 : memref<128x128xf32, #tpu.memory_space<vmem>>) dst(%dma_wait3A_119 : memref<10128x128xf32, #tpu.memory_space<vmem_shared>>)
      tpu.yield
    }) : () -> ()
    %barrier3A_96 = arith.constant 0 : index
    tpu.barrier barrier_id(%barrier3A_96)
    %eq3A_97 = arith.constant 0 : i32
    %eq3A_98 = arith.cmpi eq, %arg0, %eq3A_97 : i32
    %convert_element_type3A_99 = arith.extui %eq3A_98 : i1 to i32
    %cond3A_100 = arith.constant 0 : i32
    %cond3A_101 = arith.cmpi ne, %convert_element_type3A_99, %cond3A_100 : i32
    scf.if %cond3A_101 {
      %not3A_107 = arith.constant true
      %not3A_108 = arith.xori %eq3A_5, %not3A_107 : i1
      %convert_element_type3A_109 = arith.extui %not3A_108 : i1 to i32
      %cond3A_110 = arith.constant 0 : i32
      %cond3A_111 = arith.cmpi ne, %convert_element_type3A_109, %cond3A_110 : i32
      scf.if %cond3A_111 {
        %add3A_115 = arith.constant 0 : i32
        %add3A_116 = arith.addi %mul3A_4, %add3A_115 : i32
        %add3A_117 = arith.constant 0 : i32
        %add3A_118 = arith.addi %mul3A_4, %add3A_117 : i32
        "tpu.region"() ({
          %run_scoped3A_135 = tpu.sem_alloc : memref<!tpu.dma_semaphore, #tpu.memory_space<semaphore_mem>>
          %dma_start3A_136 = arith.constant 0 : i32
          %dma_start3A_137 = tpu.memref_slice %arg5[%add3A_118, %dma_start3A_136] : memref<10128x128xf32, #tpu.memory_space<hbm>> -> memref<128x128xf32, #tpu.memory_space<hbm>>
          %dma_start3A_138 = arith.constant 0 : i32
          %dma_start3A_139 = tpu.memref_slice %arg11[%add3A_116, %dma_start3A_138] : memref<10128x128xf32, #tpu.memory_space<vmem_shared>> -> memref<128x128xf32, #tpu.memory_space<vmem_shared>>
          tpu.enqueue_dma source(%dma_start3A_139 : memref<128x128xf32, #tpu.memory_space<vmem_shared>>) target(%dma_start3A_137 : memref<128x128xf32, #tpu.memory_space<hbm>>) target_semaphore(%run_scoped3A_135 : memref<!tpu.dma_semaphore, #tpu.memory_space<semaphore_mem>>)
          %dma_wait3A_140 = arith.constant 0 : i32
          %dma_wait3A_141 = tpu.memref_slice %arg5[%add3A_118, %dma_wait3A_140] : memref<10128x128xf32, #tpu.memory_space<hbm>> -> memref<128x128xf32, #tpu.memory_space<hbm>>
          %dma_wait3A_142 = arith.constant 0 : i32
          %dma_wait3A_143 = tpu.memref_slice %arg11[%add3A_116, %dma_wait3A_142] : memref<10128x128xf32, #tpu.memory_space<vmem_shared>> -> memref<128x128xf32, #tpu.memory_space<vmem_shared>>
          tpu.wait_dma2 semaphore(%run_scoped3A_135 : memref<!tpu.dma_semaphore, #tpu.memory_space<semaphore_mem>>) src(%dma_wait3A_143 : memref<128x128xf32, #tpu.memory_space<vmem_shared>>) dst(%dma_wait3A_141 : memref<128x128xf32, #tpu.memory_space<hbm>>)
          tpu.yield
        }) : () -> ()
        %add3A_119 = arith.constant 128 : i32
        %add3A_120 = arith.addi %mul3A_4, %add3A_119 : i32
        %add3A_121 = arith.constant 128 : i32
        %add3A_122 = arith.addi %mul3A_4, %add3A_121 : i32
        "tpu.region"() ({
          %run_scoped3A_135 = tpu.sem_alloc : memref<!tpu.dma_semaphore, #tpu.memory_space<semaphore_mem>>
          %dma_start3A_136 = arith.constant 0 : i32
          %dma_start3A_137 = tpu.memref_slice %arg5[%add3A_122, %dma_start3A_136] : memref<10128x128xf32, #tpu.memory_space<hbm>> -> memref<128x128xf32, #tpu.memory_space<hbm>>
          %dma_start3A_138 = arith.constant 0 : i32
          %dma_start3A_139 = tpu.memref_slice %arg11[%add3A_120, %dma_start3A_138] : memref<10128x128xf32, #tpu.memory_space<vmem_shared>> -> memref<128x128xf32, #tpu.memory_space<vmem_shared>>
          tpu.enqueue_dma source(%dma_start3A_139 : memref<128x128xf32, #tpu.memory_space<vmem_shared>>) target(%dma_start3A_137 : memref<128x128xf32, #tpu.memory_space<hbm>>) target_semaphore(%run_scoped3A_135 : memref<!tpu.dma_semaphore, #tpu.memory_space<semaphore_mem>>)
          %dma_wait3A_140 = arith.constant 0 : i32
          %dma_wait3A_141 = tpu.memref_slice %arg5[%add3A_122, %dma_wait3A_140] : memref<10128x128xf32, #tpu.memory_space<hbm>> -> memref<128x128xf32, #tpu.memory_space<hbm>>
          %dma_wait3A_142 = arith.constant 0 : i32
          %dma_wait3A_143 = tpu.memref_slice %arg11[%add3A_120, %dma_wait3A_142] : memref<10128x128xf32, #tpu.memory_space<vmem_shared>> -> memref<128x128xf32, #tpu.memory_space<vmem_shared>>
          tpu.wait_dma2 semaphore(%run_scoped3A_135 : memref<!tpu.dma_semaphore, #tpu.memory_space<semaphore_mem>>) src(%dma_wait3A_143 : memref<128x128xf32, #tpu.memory_space<vmem_shared>>) dst(%dma_wait3A_141 : memref<128x128xf32, #tpu.memory_space<hbm>>)
          tpu.yield
        }) : () -> ()
        %add3A_123 = arith.constant 256 : i32
        %add3A_124 = arith.addi %mul3A_4, %add3A_123 : i32
        %add3A_125 = arith.constant 256 : i32
        %add3A_126 = arith.addi %mul3A_4, %add3A_125 : i32
        "tpu.region"() ({
          %run_scoped3A_135 = tpu.sem_alloc : memref<!tpu.dma_semaphore, #tpu.memory_space<semaphore_mem>>
          %dma_start3A_136 = arith.constant 0 : i32
          %dma_start3A_137 = tpu.memref_slice %arg5[%add3A_126, %dma_start3A_136] : memref<10128x128xf32, #tpu.memory_space<hbm>> -> memref<128x128xf32, #tpu.memory_space<hbm>>
          %dma_start3A_138 = arith.constant 0 : i32
          %dma_start3A_139 = tpu.memref_slice %arg11[%add3A_124, %dma_start3A_138] : memref<10128x128xf32, #tpu.memory_space<vmem_shared>> -> memref<128x128xf32, #tpu.memory_space<vmem_shared>>
          tpu.enqueue_dma source(%dma_start3A_139 : memref<128x128xf32, #tpu.memory_space<vmem_shared>>) target(%dma_start3A_137 : memref<128x128xf32, #tpu.memory_space<hbm>>) target_semaphore(%run_scoped3A_135 : memref<!tpu.dma_semaphore, #tpu.memory_space<semaphore_mem>>)
          %dma_wait3A_140 = arith.constant 0 : i32
          %dma_wait3A_141 = tpu.memref_slice %arg5[%add3A_126, %dma_wait3A_140] : memref<10128x128xf32, #tpu.memory_space<hbm>> -> memref<128x128xf32, #tpu.memory_space<hbm>>
          %dma_wait3A_142 = arith.constant 0 : i32
          %dma_wait3A_143 = tpu.memref_slice %arg11[%add3A_124, %dma_wait3A_142] : memref<10128x128xf32, #tpu.memory_space<vmem_shared>> -> memref<128x128xf32, #tpu.memory_space<vmem_shared>>
          tpu.wait_dma2 semaphore(%run_scoped3A_135 : memref<!tpu.dma_semaphore, #tpu.memory_space<semaphore_mem>>) src(%dma_wait3A_143 : memref<128x128xf32, #tpu.memory_space<vmem_shared>>) dst(%dma_wait3A_141 : memref<128x128xf32, #tpu.memory_space<hbm>>)
          tpu.yield
        }) : () -> ()
        %add3A_127 = arith.constant 384 : i32
        %add3A_128 = arith.addi %mul3A_4, %add3A_127 : i32
        %add3A_129 = arith.constant 384 : i32
        %add3A_130 = arith.addi %mul3A_4, %add3A_129 : i32
        "tpu.region"() ({
          %run_scoped3A_135 = tpu.sem_alloc : memref<!tpu.dma_semaphore, #tpu.memory_space<semaphore_mem>>
          %dma_start3A_136 = arith.constant 0 : i32
          %dma_start3A_137 = tpu.memref_slice %arg5[%add3A_130, %dma_start3A_136] : memref<10128x128xf32, #tpu.memory_space<hbm>> -> memref<128x128xf32, #tpu.memory_space<hbm>>
          %dma_start3A_138 = arith.constant 0 : i32
          %dma_start3A_139 = tpu.memref_slice %arg11[%add3A_128, %dma_start3A_138] : memref<10128x128xf32, #tpu.memory_space<vmem_shared>> -> memref<128x128xf32, #tpu.memory_space<vmem_shared>>
          tpu.enqueue_dma source(%dma_start3A_139 : memref<128x128xf32, #tpu.memory_space<vmem_shared>>) target(%dma_start3A_137 : memref<128x128xf32, #tpu.memory_space<hbm>>) target_semaphore(%run_scoped3A_135 : memref<!tpu.dma_semaphore, #tpu.memory_space<semaphore_mem>>)
          %dma_wait3A_140 = arith.constant 0 : i32
          %dma_wait3A_141 = tpu.memref_slice %arg5[%add3A_130, %dma_wait3A_140] : memref<10128x128xf32, #tpu.memory_space<hbm>> -> memref<128x128xf32, #tpu.memory_space<hbm>>
          %dma_wait3A_142 = arith.constant 0 : i32
          %dma_wait3A_143 = tpu.memref_slice %arg11[%add3A_128, %dma_wait3A_142] : memref<10128x128xf32, #tpu.memory_space<vmem_shared>> -> memref<128x128xf32, #tpu.memory_space<vmem_shared>>
          tpu.wait_dma2 semaphore(%run_scoped3A_135 : memref<!tpu.dma_semaphore, #tpu.memory_space<semaphore_mem>>) src(%dma_wait3A_143 : memref<128x128xf32, #tpu.memory_space<vmem_shared>>) dst(%dma_wait3A_141 : memref<128x128xf32, #tpu.memory_space<hbm>>)
          tpu.yield
        }) : () -> ()
        %add3A_131 = arith.constant 512 : i32
        %add3A_132 = arith.addi %mul3A_4, %add3A_131 : i32
        %add3A_133 = arith.constant 512 : i32
        %add3A_134 = arith.addi %mul3A_4, %add3A_133 : i32
        "tpu.region"() ({
          %run_scoped3A_135 = tpu.sem_alloc : memref<!tpu.dma_semaphore, #tpu.memory_space<semaphore_mem>>
          %dma_start3A_136 = arith.constant 0 : i32
          %dma_start3A_137 = tpu.memref_slice %arg5[%add3A_134, %dma_start3A_136] : memref<10128x128xf32, #tpu.memory_space<hbm>> -> memref<128x128xf32, #tpu.memory_space<hbm>>
          %dma_start3A_138 = arith.constant 0 : i32
          %dma_start3A_139 = tpu.memref_slice %arg11[%add3A_132, %dma_start3A_138] : memref<10128x128xf32, #tpu.memory_space<vmem_shared>> -> memref<128x128xf32, #tpu.memory_space<vmem_shared>>
          tpu.enqueue_dma source(%dma_start3A_139 : memref<128x128xf32, #tpu.memory_space<vmem_shared>>) target(%dma_start3A_137 : memref<128x128xf32, #tpu.memory_space<hbm>>) target_semaphore(%run_scoped3A_135 : memref<!tpu.dma_semaphore, #tpu.memory_space<semaphore_mem>>)
          %dma_wait3A_140 = arith.constant 0 : i32
          %dma_wait3A_141 = tpu.memref_slice %arg5[%add3A_134, %dma_wait3A_140] : memref<10128x128xf32, #tpu.memory_space<hbm>> -> memref<128x128xf32, #tpu.memory_space<hbm>>
          %dma_wait3A_142 = arith.constant 0 : i32
          %dma_wait3A_143 = tpu.memref_slice %arg11[%add3A_132, %dma_wait3A_142] : memref<10128x128xf32, #tpu.memory_space<vmem_shared>> -> memref<128x128xf32, #tpu.memory_space<vmem_shared>>
          tpu.wait_dma2 semaphore(%run_scoped3A_135 : memref<!tpu.dma_semaphore, #tpu.memory_space<semaphore_mem>>) src(%dma_wait3A_143 : memref<128x128xf32, #tpu.memory_space<vmem_shared>>) dst(%dma_wait3A_141 : memref<128x128xf32, #tpu.memory_space<hbm>>)
          tpu.yield
        }) : () -> ()
      } else {
      }
      %convert_element_type3A_112 = arith.extui %eq3A_5 : i1 to i32
      %cond3A_113 = arith.constant 0 : i32
      %cond3A_114 = arith.cmpi ne, %convert_element_type3A_112, %cond3A_113 : i32
      scf.if %cond3A_114 {
        %add3A_115 = arith.constant 0 : i32
        %add3A_116 = arith.addi %mul3A_4, %add3A_115 : i32
        %add3A_117 = arith.constant 0 : i32
        %add3A_118 = arith.addi %mul3A_4, %add3A_117 : i32
        "tpu.region"() ({
          %run_scoped3A_131 = tpu.sem_alloc : memref<!tpu.dma_semaphore, #tpu.memory_space<semaphore_mem>>
          %dma_start3A_132 = arith.constant 0 : i32
          %dma_start3A_133 = tpu.memref_slice %arg5[%add3A_118, %dma_start3A_132] : memref<10128x128xf32, #tpu.memory_space<hbm>> -> memref<128x128xf32, #tpu.memory_space<hbm>>
          %dma_start3A_134 = arith.constant 0 : i32
          %dma_start3A_135 = tpu.memref_slice %arg11[%add3A_116, %dma_start3A_134] : memref<10128x128xf32, #tpu.memory_space<vmem_shared>> -> memref<128x128xf32, #tpu.memory_space<vmem_shared>>
          tpu.enqueue_dma source(%dma_start3A_135 : memref<128x128xf32, #tpu.memory_space<vmem_shared>>) target(%dma_start3A_133 : memref<128x128xf32, #tpu.memory_space<hbm>>) target_semaphore(%run_scoped3A_131 : memref<!tpu.dma_semaphore, #tpu.memory_space<semaphore_mem>>)
          %dma_wait3A_136 = arith.constant 0 : i32
          %dma_wait3A_137 = tpu.memref_slice %arg5[%add3A_118, %dma_wait3A_136] : memref<10128x128xf32, #tpu.memory_space<hbm>> -> memref<128x128xf32, #tpu.memory_space<hbm>>
          %dma_wait3A_138 = arith.constant 0 : i32
          %dma_wait3A_139 = tpu.memref_slice %arg11[%add3A_116, %dma_wait3A_138] : memref<10128x128xf32, #tpu.memory_space<vmem_shared>> -> memref<128x128xf32, #tpu.memory_space<vmem_shared>>
          tpu.wait_dma2 semaphore(%run_scoped3A_131 : memref<!tpu.dma_semaphore, #tpu.memory_space<semaphore_mem>>) src(%dma_wait3A_139 : memref<128x128xf32, #tpu.memory_space<vmem_shared>>) dst(%dma_wait3A_137 : memref<128x128xf32, #tpu.memory_space<hbm>>)
          tpu.yield
        }) : () -> ()
        %add3A_119 = arith.constant 128 : i32
        %add3A_120 = arith.addi %mul3A_4, %add3A_119 : i32
        %add3A_121 = arith.constant 128 : i32
        %add3A_122 = arith.addi %mul3A_4, %add3A_121 : i32
        "tpu.region"() ({
          %run_scoped3A_131 = tpu.sem_alloc : memref<!tpu.dma_semaphore, #tpu.memory_space<semaphore_mem>>
          %dma_start3A_132 = arith.constant 0 : i32
          %dma_start3A_133 = tpu.memref_slice %arg5[%add3A_122, %dma_start3A_132] : memref<10128x128xf32, #tpu.memory_space<hbm>> -> memref<128x128xf32, #tpu.memory_space<hbm>>
          %dma_start3A_134 = arith.constant 0 : i32
          %dma_start3A_135 = tpu.memref_slice %arg11[%add3A_120, %dma_start3A_134] : memref<10128x128xf32, #tpu.memory_space<vmem_shared>> -> memref<128x128xf32, #tpu.memory_space<vmem_shared>>
          tpu.enqueue_dma source(%dma_start3A_135 : memref<128x128xf32, #tpu.memory_space<vmem_shared>>) target(%dma_start3A_133 : memref<128x128xf32, #tpu.memory_space<hbm>>) target_semaphore(%run_scoped3A_131 : memref<!tpu.dma_semaphore, #tpu.memory_space<semaphore_mem>>)
          %dma_wait3A_136 = arith.constant 0 : i32
          %dma_wait3A_137 = tpu.memref_slice %arg5[%add3A_122, %dma_wait3A_136] : memref<10128x128xf32, #tpu.memory_space<hbm>> -> memref<128x128xf32, #tpu.memory_space<hbm>>
          %dma_wait3A_138 = arith.constant 0 : i32
          %dma_wait3A_139 = tpu.memref_slice %arg11[%add3A_120, %dma_wait3A_138] : memref<10128x128xf32, #tpu.memory_space<vmem_shared>> -> memref<128x128xf32, #tpu.memory_space<vmem_shared>>
          tpu.wait_dma2 semaphore(%run_scoped3A_131 : memref<!tpu.dma_semaphore, #tpu.memory_space<semaphore_mem>>) src(%dma_wait3A_139 : memref<128x128xf32, #tpu.memory_space<vmem_shared>>) dst(%dma_wait3A_137 : memref<128x128xf32, #tpu.memory_space<hbm>>)
          tpu.yield
        }) : () -> ()
        %add3A_123 = arith.constant 256 : i32
        %add3A_124 = arith.addi %mul3A_4, %add3A_123 : i32
        %add3A_125 = arith.constant 256 : i32
        %add3A_126 = arith.addi %mul3A_4, %add3A_125 : i32
        "tpu.region"() ({
          %run_scoped3A_131 = tpu.sem_alloc : memref<!tpu.dma_semaphore, #tpu.memory_space<semaphore_mem>>
          %dma_start3A_132 = arith.constant 0 : i32
          %dma_start3A_133 = tpu.memref_slice %arg5[%add3A_126, %dma_start3A_132] : memref<10128x128xf32, #tpu.memory_space<hbm>> -> memref<128x128xf32, #tpu.memory_space<hbm>>
          %dma_start3A_134 = arith.constant 0 : i32
          %dma_start3A_135 = tpu.memref_slice %arg11[%add3A_124, %dma_start3A_134] : memref<10128x128xf32, #tpu.memory_space<vmem_shared>> -> memref<128x128xf32, #tpu.memory_space<vmem_shared>>
          tpu.enqueue_dma source(%dma_start3A_135 : memref<128x128xf32, #tpu.memory_space<vmem_shared>>) target(%dma_start3A_133 : memref<128x128xf32, #tpu.memory_space<hbm>>) target_semaphore(%run_scoped3A_131 : memref<!tpu.dma_semaphore, #tpu.memory_space<semaphore_mem>>)
          %dma_wait3A_136 = arith.constant 0 : i32
          %dma_wait3A_137 = tpu.memref_slice %arg5[%add3A_126, %dma_wait3A_136] : memref<10128x128xf32, #tpu.memory_space<hbm>> -> memref<128x128xf32, #tpu.memory_space<hbm>>
          %dma_wait3A_138 = arith.constant 0 : i32
          %dma_wait3A_139 = tpu.memref_slice %arg11[%add3A_124, %dma_wait3A_138] : memref<10128x128xf32, #tpu.memory_space<vmem_shared>> -> memref<128x128xf32, #tpu.memory_space<vmem_shared>>
          tpu.wait_dma2 semaphore(%run_scoped3A_131 : memref<!tpu.dma_semaphore, #tpu.memory_space<semaphore_mem>>) src(%dma_wait3A_139 : memref<128x128xf32, #tpu.memory_space<vmem_shared>>) dst(%dma_wait3A_137 : memref<128x128xf32, #tpu.memory_space<hbm>>)
          tpu.yield
        }) : () -> ()
        %add3A_127 = arith.constant 384 : i32
        %add3A_128 = arith.addi %mul3A_4, %add3A_127 : i32
        %add3A_129 = arith.constant 384 : i32
        %add3A_130 = arith.addi %mul3A_4, %add3A_129 : i32
        "tpu.region"() ({
          %run_scoped3A_131 = tpu.sem_alloc : memref<!tpu.dma_semaphore, #tpu.memory_space<semaphore_mem>>
          %dma_start3A_132 = arith.constant 0 : i32
          %dma_start3A_133 = tpu.memref_slice %arg5[%add3A_130, %dma_start3A_132] : memref<10128x128xf32, #tpu.memory_space<hbm>> -> memref<16x128xf32, #tpu.memory_space<hbm>>
          %dma_start3A_134 = arith.constant 0 : i32
          %dma_start3A_135 = tpu.memref_slice %arg11[%add3A_128, %dma_start3A_134] : memref<10128x128xf32, #tpu.memory_space<vmem_shared>> -> memref<16x128xf32, #tpu.memory_space<vmem_shared>>
          tpu.enqueue_dma source(%dma_start3A_135 : memref<16x128xf32, #tpu.memory_space<vmem_shared>>) target(%dma_start3A_133 : memref<16x128xf32, #tpu.memory_space<hbm>>) target_semaphore(%run_scoped3A_131 : memref<!tpu.dma_semaphore, #tpu.memory_space<semaphore_mem>>)
          %dma_wait3A_136 = arith.constant 0 : i32
          %dma_wait3A_137 = tpu.memref_slice %arg5[%add3A_130, %dma_wait3A_136] : memref<10128x128xf32, #tpu.memory_space<hbm>> -> memref<16x128xf32, #tpu.memory_space<hbm>>
          %dma_wait3A_138 = arith.constant 0 : i32
          %dma_wait3A_139 = tpu.memref_slice %arg11[%add3A_128, %dma_wait3A_138] : memref<10128x128xf32, #tpu.memory_space<vmem_shared>> -> memref<16x128xf32, #tpu.memory_space<vmem_shared>>
          tpu.wait_dma2 semaphore(%run_scoped3A_131 : memref<!tpu.dma_semaphore, #tpu.memory_space<semaphore_mem>>) src(%dma_wait3A_139 : memref<16x128xf32, #tpu.memory_space<vmem_shared>>) dst(%dma_wait3A_137 : memref<16x128xf32, #tpu.memory_space<hbm>>)
          tpu.yield
        }) : () -> ()
      } else {
      }
    } else {
    }
    %eq3A_102 = arith.constant 1 : i32
    %eq3A_103 = arith.cmpi eq, %arg0, %eq3A_102 : i32
    %convert_element_type3A_104 = arith.extui %eq3A_103 : i1 to i32
    %cond3A_105 = arith.constant 0 : i32
    %cond3A_106 = arith.cmpi ne, %convert_element_type3A_104, %cond3A_105 : i32
    scf.if %cond3A_106 {
      %not3A_107 = arith.constant true
      %not3A_108 = arith.xori %eq3A_5, %not3A_107 : i1
      %convert_element_type3A_109 = arith.extui %not3A_108 : i1 to i32
      %cond3A_110 = arith.constant 0 : i32
      %cond3A_111 = arith.cmpi ne, %convert_element_type3A_109, %cond3A_110 : i32
      scf.if %cond3A_111 {
        %add3A_115 = arith.constant 0 : i32
        %add3A_116 = arith.addi %mul3A_4, %add3A_115 : i32
        %add3A_117 = arith.constant 0 : i32
        %add3A_118 = arith.addi %mul3A_4, %add3A_117 : i32
        "tpu.region"() ({
          %run_scoped3A_135 = tpu.sem_alloc : memref<!tpu.dma_semaphore, #tpu.memory_space<semaphore_mem>>
          %dma_start3A_136 = arith.constant 0 : i32
          %dma_start3A_137 = tpu.memref_slice %arg6[%add3A_118, %dma_start3A_136] : memref<10128x128xf32, #tpu.memory_space<hbm>> -> memref<128x128xf32, #tpu.memory_space<hbm>>
          %dma_start3A_138 = arith.constant 0 : i32
          %dma_start3A_139 = tpu.memref_slice %arg11[%add3A_116, %dma_start3A_138] : memref<10128x128xf32, #tpu.memory_space<vmem_shared>> -> memref<128x128xf32, #tpu.memory_space<vmem_shared>>
          tpu.enqueue_dma source(%dma_start3A_139 : memref<128x128xf32, #tpu.memory_space<vmem_shared>>) target(%dma_start3A_137 : memref<128x128xf32, #tpu.memory_space<hbm>>) target_semaphore(%run_scoped3A_135 : memref<!tpu.dma_semaphore, #tpu.memory_space<semaphore_mem>>)
          %dma_wait3A_140 = arith.constant 0 : i32
          %dma_wait3A_141 = tpu.memref_slice %arg6[%add3A_118, %dma_wait3A_140] : memref<10128x128xf32, #tpu.memory_space<hbm>> -> memref<128x128xf32, #tpu.memory_space<hbm>>
          %dma_wait3A_142 = arith.constant 0 : i32
          %dma_wait3A_143 = tpu.memref_slice %arg11[%add3A_116, %dma_wait3A_142] : memref<10128x128xf32, #tpu.memory_space<vmem_shared>> -> memref<128x128xf32, #tpu.memory_space<vmem_shared>>
          tpu.wait_dma2 semaphore(%run_scoped3A_135 : memref<!tpu.dma_semaphore, #tpu.memory_space<semaphore_mem>>) src(%dma_wait3A_143 : memref<128x128xf32, #tpu.memory_space<vmem_shared>>) dst(%dma_wait3A_141 : memref<128x128xf32, #tpu.memory_space<hbm>>)
          tpu.yield
        }) : () -> ()
        %add3A_119 = arith.constant 128 : i32
        %add3A_120 = arith.addi %mul3A_4, %add3A_119 : i32
        %add3A_121 = arith.constant 128 : i32
        %add3A_122 = arith.addi %mul3A_4, %add3A_121 : i32
        "tpu.region"() ({
          %run_scoped3A_135 = tpu.sem_alloc : memref<!tpu.dma_semaphore, #tpu.memory_space<semaphore_mem>>
          %dma_start3A_136 = arith.constant 0 : i32
          %dma_start3A_137 = tpu.memref_slice %arg6[%add3A_122, %dma_start3A_136] : memref<10128x128xf32, #tpu.memory_space<hbm>> -> memref<128x128xf32, #tpu.memory_space<hbm>>
          %dma_start3A_138 = arith.constant 0 : i32
          %dma_start3A_139 = tpu.memref_slice %arg11[%add3A_120, %dma_start3A_138] : memref<10128x128xf32, #tpu.memory_space<vmem_shared>> -> memref<128x128xf32, #tpu.memory_space<vmem_shared>>
          tpu.enqueue_dma source(%dma_start3A_139 : memref<128x128xf32, #tpu.memory_space<vmem_shared>>) target(%dma_start3A_137 : memref<128x128xf32, #tpu.memory_space<hbm>>) target_semaphore(%run_scoped3A_135 : memref<!tpu.dma_semaphore, #tpu.memory_space<semaphore_mem>>)
          %dma_wait3A_140 = arith.constant 0 : i32
          %dma_wait3A_141 = tpu.memref_slice %arg6[%add3A_122, %dma_wait3A_140] : memref<10128x128xf32, #tpu.memory_space<hbm>> -> memref<128x128xf32, #tpu.memory_space<hbm>>
          %dma_wait3A_142 = arith.constant 0 : i32
          %dma_wait3A_143 = tpu.memref_slice %arg11[%add3A_120, %dma_wait3A_142] : memref<10128x128xf32, #tpu.memory_space<vmem_shared>> -> memref<128x128xf32, #tpu.memory_space<vmem_shared>>
          tpu.wait_dma2 semaphore(%run_scoped3A_135 : memref<!tpu.dma_semaphore, #tpu.memory_space<semaphore_mem>>) src(%dma_wait3A_143 : memref<128x128xf32, #tpu.memory_space<vmem_shared>>) dst(%dma_wait3A_141 : memref<128x128xf32, #tpu.memory_space<hbm>>)
          tpu.yield
        }) : () -> ()
        %add3A_123 = arith.constant 256 : i32
        %add3A_124 = arith.addi %mul3A_4, %add3A_123 : i32
        %add3A_125 = arith.constant 256 : i32
        %add3A_126 = arith.addi %mul3A_4, %add3A_125 : i32
        "tpu.region"() ({
          %run_scoped3A_135 = tpu.sem_alloc : memref<!tpu.dma_semaphore, #tpu.memory_space<semaphore_mem>>
          %dma_start3A_136 = arith.constant 0 : i32
          %dma_start3A_137 = tpu.memref_slice %arg6[%add3A_126, %dma_start3A_136] : memref<10128x128xf32, #tpu.memory_space<hbm>> -> memref<128x128xf32, #tpu.memory_space<hbm>>
          %dma_start3A_138 = arith.constant 0 : i32
          %dma_start3A_139 = tpu.memref_slice %arg11[%add3A_124, %dma_start3A_138] : memref<10128x128xf32, #tpu.memory_space<vmem_shared>> -> memref<128x128xf32, #tpu.memory_space<vmem_shared>>
          tpu.enqueue_dma source(%dma_start3A_139 : memref<128x128xf32, #tpu.memory_space<vmem_shared>>) target(%dma_start3A_137 : memref<128x128xf32, #tpu.memory_space<hbm>>) target_semaphore(%run_scoped3A_135 : memref<!tpu.dma_semaphore, #tpu.memory_space<semaphore_mem>>)
          %dma_wait3A_140 = arith.constant 0 : i32
          %dma_wait3A_141 = tpu.memref_slice %arg6[%add3A_126, %dma_wait3A_140] : memref<10128x128xf32, #tpu.memory_space<hbm>> -> memref<128x128xf32, #tpu.memory_space<hbm>>
          %dma_wait3A_142 = arith.constant 0 : i32
          %dma_wait3A_143 = tpu.memref_slice %arg11[%add3A_124, %dma_wait3A_142] : memref<10128x128xf32, #tpu.memory_space<vmem_shared>> -> memref<128x128xf32, #tpu.memory_space<vmem_shared>>
          tpu.wait_dma2 semaphore(%run_scoped3A_135 : memref<!tpu.dma_semaphore, #tpu.memory_space<semaphore_mem>>) src(%dma_wait3A_143 : memref<128x128xf32, #tpu.memory_space<vmem_shared>>) dst(%dma_wait3A_141 : memref<128x128xf32, #tpu.memory_space<hbm>>)
          tpu.yield
        }) : () -> ()
        %add3A_127 = arith.constant 384 : i32
        %add3A_128 = arith.addi %mul3A_4, %add3A_127 : i32
        %add3A_129 = arith.constant 384 : i32
        %add3A_130 = arith.addi %mul3A_4, %add3A_129 : i32
        "tpu.region"() ({
          %run_scoped3A_135 = tpu.sem_alloc : memref<!tpu.dma_semaphore, #tpu.memory_space<semaphore_mem>>
          %dma_start3A_136 = arith.constant 0 : i32
          %dma_start3A_137 = tpu.memref_slice %arg6[%add3A_130, %dma_start3A_136] : memref<10128x128xf32, #tpu.memory_space<hbm>> -> memref<128x128xf32, #tpu.memory_space<hbm>>
          %dma_start3A_138 = arith.constant 0 : i32
          %dma_start3A_139 = tpu.memref_slice %arg11[%add3A_128, %dma_start3A_138] : memref<10128x128xf32, #tpu.memory_space<vmem_shared>> -> memref<128x128xf32, #tpu.memory_space<vmem_shared>>
          tpu.enqueue_dma source(%dma_start3A_139 : memref<128x128xf32, #tpu.memory_space<vmem_shared>>) target(%dma_start3A_137 : memref<128x128xf32, #tpu.memory_space<hbm>>) target_semaphore(%run_scoped3A_135 : memref<!tpu.dma_semaphore, #tpu.memory_space<semaphore_mem>>)
          %dma_wait3A_140 = arith.constant 0 : i32
          %dma_wait3A_141 = tpu.memref_slice %arg6[%add3A_130, %dma_wait3A_140] : memref<10128x128xf32, #tpu.memory_space<hbm>> -> memref<128x128xf32, #tpu.memory_space<hbm>>
          %dma_wait3A_142 = arith.constant 0 : i32
          %dma_wait3A_143 = tpu.memref_slice %arg11[%add3A_128, %dma_wait3A_142] : memref<10128x128xf32, #tpu.memory_space<vmem_shared>> -> memref<128x128xf32, #tpu.memory_space<vmem_shared>>
          tpu.wait_dma2 semaphore(%run_scoped3A_135 : memref<!tpu.dma_semaphore, #tpu.memory_space<semaphore_mem>>) src(%dma_wait3A_143 : memref<128x128xf32, #tpu.memory_space<vmem_shared>>) dst(%dma_wait3A_141 : memref<128x128xf32, #tpu.memory_space<hbm>>)
          tpu.yield
        }) : () -> ()
        %add3A_131 = arith.constant 512 : i32
        %add3A_132 = arith.addi %mul3A_4, %add3A_131 : i32
        %add3A_133 = arith.constant 512 : i32
        %add3A_134 = arith.addi %mul3A_4, %add3A_133 : i32
        "tpu.region"() ({
          %run_scoped3A_135 = tpu.sem_alloc : memref<!tpu.dma_semaphore, #tpu.memory_space<semaphore_mem>>
          %dma_start3A_136 = arith.constant 0 : i32
          %dma_start3A_137 = tpu.memref_slice %arg6[%add3A_134, %dma_start3A_136] : memref<10128x128xf32, #tpu.memory_space<hbm>> -> memref<128x128xf32, #tpu.memory_space<hbm>>
          %dma_start3A_138 = arith.constant 0 : i32
          %dma_start3A_139 = tpu.memref_slice %arg11[%add3A_132, %dma_start3A_138] : memref<10128x128xf32, #tpu.memory_space<vmem_shared>> -> memref<128x128xf32, #tpu.memory_space<vmem_shared>>
          tpu.enqueue_dma source(%dma_start3A_139 : memref<128x128xf32, #tpu.memory_space<vmem_shared>>) target(%dma_start3A_137 : memref<128x128xf32, #tpu.memory_space<hbm>>) target_semaphore(%run_scoped3A_135 : memref<!tpu.dma_semaphore, #tpu.memory_space<semaphore_mem>>)
          %dma_wait3A_140 = arith.constant 0 : i32
          %dma_wait3A_141 = tpu.memref_slice %arg6[%add3A_134, %dma_wait3A_140] : memref<10128x128xf32, #tpu.memory_space<hbm>> -> memref<128x128xf32, #tpu.memory_space<hbm>>
          %dma_wait3A_142 = arith.constant 0 : i32
          %dma_wait3A_143 = tpu.memref_slice %arg11[%add3A_132, %dma_wait3A_142] : memref<10128x128xf32, #tpu.memory_space<vmem_shared>> -> memref<128x128xf32, #tpu.memory_space<vmem_shared>>
          tpu.wait_dma2 semaphore(%run_scoped3A_135 : memref<!tpu.dma_semaphore, #tpu.memory_space<semaphore_mem>>) src(%dma_wait3A_143 : memref<128x128xf32, #tpu.memory_space<vmem_shared>>) dst(%dma_wait3A_141 : memref<128x128xf32, #tpu.memory_space<hbm>>)
          tpu.yield
        }) : () -> ()
      } else {
      }
      %convert_element_type3A_112 = arith.extui %eq3A_5 : i1 to i32
      %cond3A_113 = arith.constant 0 : i32
      %cond3A_114 = arith.cmpi ne, %convert_element_type3A_112, %cond3A_113 : i32
      scf.if %cond3A_114 {
        %add3A_115 = arith.constant 0 : i32
        %add3A_116 = arith.addi %mul3A_4, %add3A_115 : i32
        %add3A_117 = arith.constant 0 : i32
        %add3A_118 = arith.addi %mul3A_4, %add3A_117 : i32
        "tpu.region"() ({
          %run_scoped3A_131 = tpu.sem_alloc : memref<!tpu.dma_semaphore, #tpu.memory_space<semaphore_mem>>
          %dma_start3A_132 = arith.constant 0 : i32
          %dma_start3A_133 = tpu.memref_slice %arg6[%add3A_118, %dma_start3A_132] : memref<10128x128xf32, #tpu.memory_space<hbm>> -> memref<128x128xf32, #tpu.memory_space<hbm>>
          %dma_start3A_134 = arith.constant 0 : i32
          %dma_start3A_135 = tpu.memref_slice %arg11[%add3A_116, %dma_start3A_134] : memref<10128x128xf32, #tpu.memory_space<vmem_shared>> -> memref<128x128xf32, #tpu.memory_space<vmem_shared>>
          tpu.enqueue_dma source(%dma_start3A_135 : memref<128x128xf32, #tpu.memory_space<vmem_shared>>) target(%dma_start3A_133 : memref<128x128xf32, #tpu.memory_space<hbm>>) target_semaphore(%run_scoped3A_131 : memref<!tpu.dma_semaphore, #tpu.memory_space<semaphore_mem>>)
          %dma_wait3A_136 = arith.constant 0 : i32
          %dma_wait3A_137 = tpu.memref_slice %arg6[%add3A_118, %dma_wait3A_136] : memref<10128x128xf32, #tpu.memory_space<hbm>> -> memref<128x128xf32, #tpu.memory_space<hbm>>
          %dma_wait3A_138 = arith.constant 0 : i32
          %dma_wait3A_139 = tpu.memref_slice %arg11[%add3A_116, %dma_wait3A_138] : memref<10128x128xf32, #tpu.memory_space<vmem_shared>> -> memref<128x128xf32, #tpu.memory_space<vmem_shared>>
          tpu.wait_dma2 semaphore(%run_scoped3A_131 : memref<!tpu.dma_semaphore, #tpu.memory_space<semaphore_mem>>) src(%dma_wait3A_139 : memref<128x128xf32, #tpu.memory_space<vmem_shared>>) dst(%dma_wait3A_137 : memref<128x128xf32, #tpu.memory_space<hbm>>)
          tpu.yield
        }) : () -> ()
        %add3A_119 = arith.constant 128 : i32
        %add3A_120 = arith.addi %mul3A_4, %add3A_119 : i32
        %add3A_121 = arith.constant 128 : i32
        %add3A_122 = arith.addi %mul3A_4, %add3A_121 : i32
        "tpu.region"() ({
          %run_scoped3A_131 = tpu.sem_alloc : memref<!tpu.dma_semaphore, #tpu.memory_space<semaphore_mem>>
          %dma_start3A_132 = arith.constant 0 : i32
          %dma_start3A_133 = tpu.memref_slice %arg6[%add3A_122, %dma_start3A_132] : memref<10128x128xf32, #tpu.memory_space<hbm>> -> memref<128x128xf32, #tpu.memory_space<hbm>>
          %dma_start3A_134 = arith.constant 0 : i32
          %dma_start3A_135 = tpu.memref_slice %arg11[%add3A_120, %dma_start3A_134] : memref<10128x128xf32, #tpu.memory_space<vmem_shared>> -> memref<128x128xf32, #tpu.memory_space<vmem_shared>>
          tpu.enqueue_dma source(%dma_start3A_135 : memref<128x128xf32, #tpu.memory_space<vmem_shared>>) target(%dma_start3A_133 : memref<128x128xf32, #tpu.memory_space<hbm>>) target_semaphore(%run_scoped3A_131 : memref<!tpu.dma_semaphore, #tpu.memory_space<semaphore_mem>>)
          %dma_wait3A_136 = arith.constant 0 : i32
          %dma_wait3A_137 = tpu.memref_slice %arg6[%add3A_122, %dma_wait3A_136] : memref<10128x128xf32, #tpu.memory_space<hbm>> -> memref<128x128xf32, #tpu.memory_space<hbm>>
          %dma_wait3A_138 = arith.constant 0 : i32
          %dma_wait3A_139 = tpu.memref_slice %arg11[%add3A_120, %dma_wait3A_138] : memref<10128x128xf32, #tpu.memory_space<vmem_shared>> -> memref<128x128xf32, #tpu.memory_space<vmem_shared>>
          tpu.wait_dma2 semaphore(%run_scoped3A_131 : memref<!tpu.dma_semaphore, #tpu.memory_space<semaphore_mem>>) src(%dma_wait3A_139 : memref<128x128xf32, #tpu.memory_space<vmem_shared>>) dst(%dma_wait3A_137 : memref<128x128xf32, #tpu.memory_space<hbm>>)
          tpu.yield
        }) : () -> ()
        %add3A_123 = arith.constant 256 : i32
        %add3A_124 = arith.addi %mul3A_4, %add3A_123 : i32
        %add3A_125 = arith.constant 256 : i32
        %add3A_126 = arith.addi %mul3A_4, %add3A_125 : i32
        "tpu.region"() ({
          %run_scoped3A_131 = tpu.sem_alloc : memref<!tpu.dma_semaphore, #tpu.memory_space<semaphore_mem>>
          %dma_start3A_132 = arith.constant 0 : i32
          %dma_start3A_133 = tpu.memref_slice %arg6[%add3A_126, %dma_start3A_132] : memref<10128x128xf32, #tpu.memory_space<hbm>> -> memref<128x128xf32, #tpu.memory_space<hbm>>
          %dma_start3A_134 = arith.constant 0 : i32
          %dma_start3A_135 = tpu.memref_slice %arg11[%add3A_124, %dma_start3A_134] : memref<10128x128xf32, #tpu.memory_space<vmem_shared>> -> memref<128x128xf32, #tpu.memory_space<vmem_shared>>
          tpu.enqueue_dma source(%dma_start3A_135 : memref<128x128xf32, #tpu.memory_space<vmem_shared>>) target(%dma_start3A_133 : memref<128x128xf32, #tpu.memory_space<hbm>>) target_semaphore(%run_scoped3A_131 : memref<!tpu.dma_semaphore, #tpu.memory_space<semaphore_mem>>)
          %dma_wait3A_136 = arith.constant 0 : i32
          %dma_wait3A_137 = tpu.memref_slice %arg6[%add3A_126, %dma_wait3A_136] : memref<10128x128xf32, #tpu.memory_space<hbm>> -> memref<128x128xf32, #tpu.memory_space<hbm>>
          %dma_wait3A_138 = arith.constant 0 : i32
          %dma_wait3A_139 = tpu.memref_slice %arg11[%add3A_124, %dma_wait3A_138] : memref<10128x128xf32, #tpu.memory_space<vmem_shared>> -> memref<128x128xf32, #tpu.memory_space<vmem_shared>>
          tpu.wait_dma2 semaphore(%run_scoped3A_131 : memref<!tpu.dma_semaphore, #tpu.memory_space<semaphore_mem>>) src(%dma_wait3A_139 : memref<128x128xf32, #tpu.memory_space<vmem_shared>>) dst(%dma_wait3A_137 : memref<128x128xf32, #tpu.memory_space<hbm>>)
          tpu.yield
        }) : () -> ()
        %add3A_127 = arith.constant 384 : i32
        %add3A_128 = arith.addi %mul3A_4, %add3A_127 : i32
        %add3A_129 = arith.constant 384 : i32
        %add3A_130 = arith.addi %mul3A_4, %add3A_129 : i32
        "tpu.region"() ({
          %run_scoped3A_131 = tpu.sem_alloc : memref<!tpu.dma_semaphore, #tpu.memory_space<semaphore_mem>>
          %dma_start3A_132 = arith.constant 0 : i32
          %dma_start3A_133 = tpu.memref_slice %arg6[%add3A_130, %dma_start3A_132] : memref<10128x128xf32, #tpu.memory_space<hbm>> -> memref<16x128xf32, #tpu.memory_space<hbm>>
          %dma_start3A_134 = arith.constant 0 : i32
          %dma_start3A_135 = tpu.memref_slice %arg11[%add3A_128, %dma_start3A_134] : memref<10128x128xf32, #tpu.memory_space<vmem_shared>> -> memref<16x128xf32, #tpu.memory_space<vmem_shared>>
          tpu.enqueue_dma source(%dma_start3A_135 : memref<16x128xf32, #tpu.memory_space<vmem_shared>>) target(%dma_start3A_133 : memref<16x128xf32, #tpu.memory_space<hbm>>) target_semaphore(%run_scoped3A_131 : memref<!tpu.dma_semaphore, #tpu.memory_space<semaphore_mem>>)
          %dma_wait3A_136 = arith.constant 0 : i32
          %dma_wait3A_137 = tpu.memref_slice %arg6[%add3A_130, %dma_wait3A_136] : memref<10128x128xf32, #tpu.memory_space<hbm>> -> memref<16x128xf32, #tpu.memory_space<hbm>>
          %dma_wait3A_138 = arith.constant 0 : i32
          %dma_wait3A_139 = tpu.memref_slice %arg11[%add3A_128, %dma_wait3A_138] : memref<10128x128xf32, #tpu.memory_space<vmem_shared>> -> memref<16x128xf32, #tpu.memory_space<vmem_shared>>
          tpu.wait_dma2 semaphore(%run_scoped3A_131 : memref<!tpu.dma_semaphore, #tpu.memory_space<semaphore_mem>>) src(%dma_wait3A_139 : memref<16x128xf32, #tpu.memory_space<vmem_shared>>) dst(%dma_wait3A_137 : memref<16x128xf32, #tpu.memory_space<hbm>>)
          tpu.yield
        }) : () -> ()
      } else {
      }
    } else {
    }
    return
  }
}

#map = affine_map<(d0, d1) -> (0, 0)>
module attributes {stable_mosaic.version = 14 : i64} {
  func.func @_agg_body(%arg0: i32, %arg1: i32, %arg2: memref<10000x128xf32, #tpu.memory_space<hbm>>, %arg3: memref<2560x128xi32, #tpu.memory_space<hbm>>, %arg4: memref<2560x128xi32, #tpu.memory_space<hbm>>, %arg5: memref<10128x128xf32, #tpu.memory_space<hbm>>, %arg6: memref<10128x128xf32, #tpu.memory_space<hbm>>, %arg7: memref<40x128xi32, #tpu.memory_space<vmem>>, %arg8: memref<40x128xi32, #tpu.memory_space<vmem>>, %arg9: memref<128x128xf32, #tpu.memory_space<vmem>>, %arg10: memref<128x128xf32, #tpu.memory_space<vmem>>, %arg11: memref<10128x128xf32, #tpu.memory_space<vmem_shared>>, %arg12: memref<!tpu.dma_semaphore, #tpu.memory_space<semaphore_mem>>, %arg13: memref<!tpu.dma_semaphore, #tpu.memory_space<semaphore_mem>>) attributes {dimension_semantics = [#tpu.dimension_semantics<core_parallel>, #tpu.dimension_semantics<subcore_parallel>], iteration_bounds = array<i64: 2, 16>, scalar_prefetch = 0 : i64, scratch_operands = 7 : i64, tpu.core_type = #tpu.core_type<sc_vector_subcore>, window_params = [{transform_indices = #map}, {transform_indices = #map}, {transform_indices = #map}, {transform_indices = #map}, {transform_indices = #map}]} {
    %mul3A = arith.constant 16 : i32
    %mul3A_0 = arith.muli %arg0, %mul3A : i32
    %add3A = arith.addi %mul3A_0, %arg1 : i32
    %mul3A_1 = arith.constant 80 : i32
    %mul3A_2 = arith.muli %add3A, %mul3A_1 : i32
    %mul3A_3 = arith.constant 640 : i32
    %mul3A_4 = arith.muli %arg1, %mul3A_3 : i32
    %eq3A = arith.constant 15 : i32
    %eq3A_5 = arith.cmpi eq, %arg1, %eq3A : i32
    %scan3A = arith.constant 0 : i32
    %scan3A_6 = arith.constant 0 : i32
    %scan3A_7 = arith.constant 1024 : i32
    %scan3A_8 = arith.addi %scan3A_6, %scan3A_7 : i32
    %scan3A_9 = arith.constant 1 : i32
    %scan3A_10 = scf.for %scan3A_107 = %scan3A_6 to %scan3A_8 step %scan3A_9 iter_args(%scan3A_108 = %scan3A) -> (i32)  : i32 {
      %broadcast_in_dim3A = arith.constant 0.000000e+00 : f32
      %broadcast_in_dim3A_109 = vector.broadcast %broadcast_in_dim3A : f32 to vector<16xf32>
      %jit3A = arith.constant 8 : i32
      %div3A = arith.divsi %scan3A_107, %jit3A : i32
      %sign3A = arith.constant 0 : i32
      %sign3A_110 = arith.cmpi sgt, %scan3A_107, %sign3A : i32
      %sign3A_111 = arith.extui %sign3A_110 : i1 to i32
      %sign3A_112 = arith.constant 0 : i32
      %sign3A_113 = arith.cmpi slt, %scan3A_107, %sign3A_112 : i32
      %sign3A_114 = arith.extui %sign3A_113 : i1 to i32
      %sign3A_115 = arith.subi %sign3A_111, %sign3A_114 : i32
      %sign3A_116 = arith.constant 0 : i32
      %sign3A_117 = arith.cmpi sgt, %jit3A, %sign3A_116 : i32
      %sign3A_118 = arith.extui %sign3A_117 : i1 to i32
      %sign3A_119 = arith.constant 0 : i32
      %sign3A_120 = arith.cmpi slt, %jit3A, %sign3A_119 : i32
      %sign3A_121 = arith.extui %sign3A_120 : i1 to i32
      %sign3A_122 = arith.subi %sign3A_118, %sign3A_121 : i32
      %ne3A = arith.cmpi ne, %sign3A_115, %sign3A_122 : i32
      %rem3A = arith.remsi %scan3A_107, %jit3A : i32
      %ne3A_123 = arith.constant 0 : i32
      %ne3A_124 = arith.cmpi ne, %rem3A, %ne3A_123 : i32
      %and3A = arith.andi %ne3A, %ne3A_124 : i1
      %sub3A = arith.constant 1 : i32
      %sub3A_125 = arith.subi %div3A, %sub3A : i32
      %select_n3A = arith.select %and3A, %sub3A_125, %div3A : i32
      %jit3A_126 = arith.constant 8 : i32
      %eq3A_127 = arith.constant 0 : i32
      %eq3A_128 = arith.cmpi eq, %jit3A_126, %eq3A_127 : i32
      %jit3A_129 = arith.constant 1 : i32
      %select_n3A_130 = arith.select %eq3A_128, %jit3A_129, %jit3A_126 : i32
      %rem3A_131 = arith.remsi %scan3A_107, %select_n3A_130 : i32
      %ne3A_132 = arith.constant 0 : i32
      %ne3A_133 = arith.cmpi ne, %rem3A_131, %ne3A_132 : i32
      %lt3A = arith.constant 0 : i32
      %lt3A_134 = arith.cmpi slt, %rem3A_131, %lt3A : i32
      %lt3A_135 = arith.constant 0 : i32
      %lt3A_136 = arith.cmpi slt, %select_n3A_130, %lt3A_135 : i32
      %ne3A_137 = arith.xori %lt3A_134, %lt3A_136 : i1
      %and3A_138 = arith.andi %ne3A_137, %ne3A_133 : i1
      %add3A_139 = arith.addi %rem3A_131, %select_n3A_130 : i32
      %select_n3A_140 = arith.select %and3A_138, %add3A_139, %rem3A_131 : i32
      %mul3A_141 = arith.constant 16 : i32
      %mul3A_142 = arith.muli %select_n3A_140, %mul3A_141 : i32
      %swap3A = arith.index_cast %select_n3A : i32 to index
      %swap3A_143 = arith.index_cast %mul3A_142 : i32 to index
      %swap3A_144 = tpu.vector_load %arg9[%swap3A, %swap3A_143] {strides = array<i32>} : memref<128x128xf32, #tpu.memory_space<vmem>>, vector<1x16xf32>,
      %swap3A_145 = vector.shape_cast %swap3A_144 : vector<1x16xf32> to vector<16xf32>
      %swap3A_146 = vector.shape_cast %broadcast_in_dim3A_109 : vector<16xf32> to vector<1x16xf32>
      tpu.vector_store %arg9[%swap3A, %swap3A_143], %swap3A_146 {strides = array<i32>} : memref<128x128xf32, #tpu.memory_space<vmem>>, vector<1x16xf32>,
      %scan3A_147 = arith.constant 0 : i32
      scf.yield %scan3A_147 : i32
    }
    %scan3A_11 = arith.constant 1024 : i32
    %not3A = arith.constant true
    %not3A_12 = arith.xori %eq3A_5, %not3A : i1
    %convert_element_type3A = arith.extui %not3A_12 : i1 to i32
    %cond3A = arith.constant 0 : i32
    %cond3A_13 = arith.cmpi ne, %convert_element_type3A, %cond3A : i32
    scf.if %cond3A_13 {
      %add3A_107 = arith.constant 0 : i32
      %add3A_108 = arith.addi %mul3A_4, %add3A_107 : i32
      "tpu.region"() ({
        %run_scoped3A_117 = tpu.sem_alloc : memref<!tpu.dma_semaphore, #tpu.memory_space<semaphore_mem>>
        %dma_start3A_118 = arith.constant 0 : i32
        %dma_start3A_119 = tpu.memref_slice %arg11[%add3A_108, %dma_start3A_118] : memref<10128x128xf32, #tpu.memory_space<vmem_shared>> -> memref<128x128xf32, #tpu.memory_space<vmem_shared>>
        %dma_start3A_120 = arith.constant 0 : i32
        %dma_start3A_121 = tpu.memref_slice %arg11[%add3A_108, %dma_start3A_120] : memref<10128x128xf32, #tpu.memory_space<vmem_shared>> -> memref<128x128xf32, #tpu.memory_space<vmem_shared>>
        tpu.enqueue_dma source(%arg9 : memref<128x128xf32, #tpu.memory_space<vmem>>) target(%dma_start3A_121 : memref<128x128xf32, #tpu.memory_space<vmem_shared>>) target_semaphore(%run_scoped3A_117 : memref<!tpu.dma_semaphore, #tpu.memory_space<semaphore_mem>>)
        %dma_wait3A_122 = arith.constant 0 : i32
        %dma_wait3A_123 = tpu.memref_slice %arg11[%add3A_108, %dma_wait3A_122] : memref<10128x128xf32, #tpu.memory_space<vmem_shared>> -> memref<128x128xf32, #tpu.memory_space<vmem_shared>>
        %dma_wait3A_124 = arith.constant 0 : i32
        %dma_wait3A_125 = tpu.memref_slice %arg11[%add3A_108, %dma_wait3A_124] : memref<10128x128xf32, #tpu.memory_space<vmem_shared>> -> memref<128x128xf32, #tpu.memory_space<vmem_shared>>
        tpu.wait_dma2 semaphore(%run_scoped3A_117 : memref<!tpu.dma_semaphore, #tpu.memory_space<semaphore_mem>>) src(%arg9 : memref<128x128xf32, #tpu.memory_space<vmem>>) dst(%dma_wait3A_125 : memref<128x128xf32, #tpu.memory_space<vmem_shared>>)
        tpu.yield
      }) : () -> ()
      %add3A_109 = arith.constant 128 : i32
      %add3A_110 = arith.addi %mul3A_4, %add3A_109 : i32
      "tpu.region"() ({
        %run_scoped3A_117 = tpu.sem_alloc : memref<!tpu.dma_semaphore, #tpu.memory_space<semaphore_mem>>
        %dma_start3A_118 = arith.constant 0 : i32
        %dma_start3A_119 = tpu.memref_slice %arg11[%add3A_110, %dma_start3A_118] : memref<10128x128xf32, #tpu.memory_space<vmem_shared>> -> memref<128x128xf32, #tpu.memory_space<vmem_shared>>
        %dma_start3A_120 = arith.constant 0 : i32
        %dma_start3A_121 = tpu.memref_slice %arg11[%add3A_110, %dma_start3A_120] : memref<10128x128xf32, #tpu.memory_space<vmem_shared>> -> memref<128x128xf32, #tpu.memory_space<vmem_shared>>
        tpu.enqueue_dma source(%arg9 : memref<128x128xf32, #tpu.memory_space<vmem>>) target(%dma_start3A_121 : memref<128x128xf32, #tpu.memory_space<vmem_shared>>) target_semaphore(%run_scoped3A_117 : memref<!tpu.dma_semaphore, #tpu.memory_space<semaphore_mem>>)
        %dma_wait3A_122 = arith.constant 0 : i32
        %dma_wait3A_123 = tpu.memref_slice %arg11[%add3A_110, %dma_wait3A_122] : memref<10128x128xf32, #tpu.memory_space<vmem_shared>> -> memref<128x128xf32, #tpu.memory_space<vmem_shared>>
        %dma_wait3A_124 = arith.constant 0 : i32
        %dma_wait3A_125 = tpu.memref_slice %arg11[%add3A_110, %dma_wait3A_124] : memref<10128x128xf32, #tpu.memory_space<vmem_shared>> -> memref<128x128xf32, #tpu.memory_space<vmem_shared>>
        tpu.wait_dma2 semaphore(%run_scoped3A_117 : memref<!tpu.dma_semaphore, #tpu.memory_space<semaphore_mem>>) src(%arg9 : memref<128x128xf32, #tpu.memory_space<vmem>>) dst(%dma_wait3A_125 : memref<128x128xf32, #tpu.memory_space<vmem_shared>>)
        tpu.yield
      }) : () -> ()
      %add3A_111 = arith.constant 256 : i32
      %add3A_112 = arith.addi %mul3A_4, %add3A_111 : i32
      "tpu.region"() ({
        %run_scoped3A_117 = tpu.sem_alloc : memref<!tpu.dma_semaphore, #tpu.memory_space<semaphore_mem>>
        %dma_start3A_118 = arith.constant 0 : i32
        %dma_start3A_119 = tpu.memref_slice %arg11[%add3A_112, %dma_start3A_118] : memref<10128x128xf32, #tpu.memory_space<vmem_shared>> -> memref<128x128xf32, #tpu.memory_space<vmem_shared>>
        %dma_start3A_120 = arith.constant 0 : i32
        %dma_start3A_121 = tpu.memref_slice %arg11[%add3A_112, %dma_start3A_120] : memref<10128x128xf32, #tpu.memory_space<vmem_shared>> -> memref<128x128xf32, #tpu.memory_space<vmem_shared>>
        tpu.enqueue_dma source(%arg9 : memref<128x128xf32, #tpu.memory_space<vmem>>) target(%dma_start3A_121 : memref<128x128xf32, #tpu.memory_space<vmem_shared>>) target_semaphore(%run_scoped3A_117 : memref<!tpu.dma_semaphore, #tpu.memory_space<semaphore_mem>>)
        %dma_wait3A_122 = arith.constant 0 : i32
        %dma_wait3A_123 = tpu.memref_slice %arg11[%add3A_112, %dma_wait3A_122] : memref<10128x128xf32, #tpu.memory_space<vmem_shared>> -> memref<128x128xf32, #tpu.memory_space<vmem_shared>>
        %dma_wait3A_124 = arith.constant 0 : i32
        %dma_wait3A_125 = tpu.memref_slice %arg11[%add3A_112, %dma_wait3A_124] : memref<10128x128xf32, #tpu.memory_space<vmem_shared>> -> memref<128x128xf32, #tpu.memory_space<vmem_shared>>
        tpu.wait_dma2 semaphore(%run_scoped3A_117 : memref<!tpu.dma_semaphore, #tpu.memory_space<semaphore_mem>>) src(%arg9 : memref<128x128xf32, #tpu.memory_space<vmem>>) dst(%dma_wait3A_125 : memref<128x128xf32, #tpu.memory_space<vmem_shared>>)
        tpu.yield
      }) : () -> ()
      %add3A_113 = arith.constant 384 : i32
      %add3A_114 = arith.addi %mul3A_4, %add3A_113 : i32
      "tpu.region"() ({
        %run_scoped3A_117 = tpu.sem_alloc : memref<!tpu.dma_semaphore, #tpu.memory_space<semaphore_mem>>
        %dma_start3A_118 = arith.constant 0 : i32
        %dma_start3A_119 = tpu.memref_slice %arg11[%add3A_114, %dma_start3A_118] : memref<10128x128xf32, #tpu.memory_space<vmem_shared>> -> memref<128x128xf32, #tpu.memory_space<vmem_shared>>
        %dma_start3A_120 = arith.constant 0 : i32
        %dma_start3A_121 = tpu.memref_slice %arg11[%add3A_114, %dma_start3A_120] : memref<10128x128xf32, #tpu.memory_space<vmem_shared>> -> memref<128x128xf32, #tpu.memory_space<vmem_shared>>
        tpu.enqueue_dma source(%arg9 : memref<128x128xf32, #tpu.memory_space<vmem>>) target(%dma_start3A_121 : memref<128x128xf32, #tpu.memory_space<vmem_shared>>) target_semaphore(%run_scoped3A_117 : memref<!tpu.dma_semaphore, #tpu.memory_space<semaphore_mem>>)
        %dma_wait3A_122 = arith.constant 0 : i32
        %dma_wait3A_123 = tpu.memref_slice %arg11[%add3A_114, %dma_wait3A_122] : memref<10128x128xf32, #tpu.memory_space<vmem_shared>> -> memref<128x128xf32, #tpu.memory_space<vmem_shared>>
        %dma_wait3A_124 = arith.constant 0 : i32
        %dma_wait3A_125 = tpu.memref_slice %arg11[%add3A_114, %dma_wait3A_124] : memref<10128x128xf32, #tpu.memory_space<vmem_shared>> -> memref<128x128xf32, #tpu.memory_space<vmem_shared>>
        tpu.wait_dma2 semaphore(%run_scoped3A_117 : memref<!tpu.dma_semaphore, #tpu.memory_space<semaphore_mem>>) src(%arg9 : memref<128x128xf32, #tpu.memory_space<vmem>>) dst(%dma_wait3A_125 : memref<128x128xf32, #tpu.memory_space<vmem_shared>>)
        tpu.yield
      }) : () -> ()
      %add3A_115 = arith.constant 512 : i32
      %add3A_116 = arith.addi %mul3A_4, %add3A_115 : i32
      "tpu.region"() ({
        %run_scoped3A_117 = tpu.sem_alloc : memref<!tpu.dma_semaphore, #tpu.memory_space<semaphore_mem>>
        %dma_start3A_118 = arith.constant 0 : i32
        %dma_start3A_119 = tpu.memref_slice %arg11[%add3A_116, %dma_start3A_118] : memref<10128x128xf32, #tpu.memory_space<vmem_shared>> -> memref<128x128xf32, #tpu.memory_space<vmem_shared>>
        %dma_start3A_120 = arith.constant 0 : i32
        %dma_start3A_121 = tpu.memref_slice %arg11[%add3A_116, %dma_start3A_120] : memref<10128x128xf32, #tpu.memory_space<vmem_shared>> -> memref<128x128xf32, #tpu.memory_space<vmem_shared>>
        tpu.enqueue_dma source(%arg9 : memref<128x128xf32, #tpu.memory_space<vmem>>) target(%dma_start3A_121 : memref<128x128xf32, #tpu.memory_space<vmem_shared>>) target_semaphore(%run_scoped3A_117 : memref<!tpu.dma_semaphore, #tpu.memory_space<semaphore_mem>>)
        %dma_wait3A_122 = arith.constant 0 : i32
        %dma_wait3A_123 = tpu.memref_slice %arg11[%add3A_116, %dma_wait3A_122] : memref<10128x128xf32, #tpu.memory_space<vmem_shared>> -> memref<128x128xf32, #tpu.memory_space<vmem_shared>>
        %dma_wait3A_124 = arith.constant 0 : i32
        %dma_wait3A_125 = tpu.memref_slice %arg11[%add3A_116, %dma_wait3A_124] : memref<10128x128xf32, #tpu.memory_space<vmem_shared>> -> memref<128x128xf32, #tpu.memory_space<vmem_shared>>
        tpu.wait_dma2 semaphore(%run_scoped3A_117 : memref<!tpu.dma_semaphore, #tpu.memory_space<semaphore_mem>>) src(%arg9 : memref<128x128xf32, #tpu.memory_space<vmem>>) dst(%dma_wait3A_125 : memref<128x128xf32, #tpu.memory_space<vmem_shared>>)
        tpu.yield
      }) : () -> ()
    } else {
    }
    %convert_element_type3A_14 = arith.extui %eq3A_5 : i1 to i32
    %cond3A_15 = arith.constant 0 : i32
    %cond3A_16 = arith.cmpi ne, %convert_element_type3A_14, %cond3A_15 : i32
    scf.if %cond3A_16 {
      %add3A_107 = arith.constant 0 : i32
      %add3A_108 = arith.addi %mul3A_4, %add3A_107 : i32
      "tpu.region"() ({
        %run_scoped3A_115 = tpu.sem_alloc : memref<!tpu.dma_semaphore, #tpu.memory_space<semaphore_mem>>
        %dma_start3A_116 = arith.constant 0 : i32
        %dma_start3A_117 = tpu.memref_slice %arg11[%add3A_108, %dma_start3A_116] : memref<10128x128xf32, #tpu.memory_space<vmem_shared>> -> memref<128x128xf32, #tpu.memory_space<vmem_shared>>
        %dma_start3A_118 = arith.constant 0 : i32
        %dma_start3A_119 = tpu.memref_slice %arg11[%add3A_108, %dma_start3A_118] : memref<10128x128xf32, #tpu.memory_space<vmem_shared>> -> memref<128x128xf32, #tpu.memory_space<vmem_shared>>
        tpu.enqueue_dma source(%arg9 : memref<128x128xf32, #tpu.memory_space<vmem>>) target(%dma_start3A_119 : memref<128x128xf32, #tpu.memory_space<vmem_shared>>) target_semaphore(%run_scoped3A_115 : memref<!tpu.dma_semaphore, #tpu.memory_space<semaphore_mem>>)
        %dma_wait3A_120 = arith.constant 0 : i32
        %dma_wait3A_121 = tpu.memref_slice %arg11[%add3A_108, %dma_wait3A_120] : memref<10128x128xf32, #tpu.memory_space<vmem_shared>> -> memref<128x128xf32, #tpu.memory_space<vmem_shared>>
        %dma_wait3A_122 = arith.constant 0 : i32
        %dma_wait3A_123 = tpu.memref_slice %arg11[%add3A_108, %dma_wait3A_122] : memref<10128x128xf32, #tpu.memory_space<vmem_shared>> -> memref<128x128xf32, #tpu.memory_space<vmem_shared>>
        tpu.wait_dma2 semaphore(%run_scoped3A_115 : memref<!tpu.dma_semaphore, #tpu.memory_space<semaphore_mem>>) src(%arg9 : memref<128x128xf32, #tpu.memory_space<vmem>>) dst(%dma_wait3A_123 : memref<128x128xf32, #tpu.memory_space<vmem_shared>>)
        tpu.yield
      }) : () -> ()
      %add3A_109 = arith.constant 128 : i32
      %add3A_110 = arith.addi %mul3A_4, %add3A_109 : i32
      "tpu.region"() ({
        %run_scoped3A_115 = tpu.sem_alloc : memref<!tpu.dma_semaphore, #tpu.memory_space<semaphore_mem>>
        %dma_start3A_116 = arith.constant 0 : i32
        %dma_start3A_117 = tpu.memref_slice %arg11[%add3A_110, %dma_start3A_116] : memref<10128x128xf32, #tpu.memory_space<vmem_shared>> -> memref<128x128xf32, #tpu.memory_space<vmem_shared>>
        %dma_start3A_118 = arith.constant 0 : i32
        %dma_start3A_119 = tpu.memref_slice %arg11[%add3A_110, %dma_start3A_118] : memref<10128x128xf32, #tpu.memory_space<vmem_shared>> -> memref<128x128xf32, #tpu.memory_space<vmem_shared>>
        tpu.enqueue_dma source(%arg9 : memref<128x128xf32, #tpu.memory_space<vmem>>) target(%dma_start3A_119 : memref<128x128xf32, #tpu.memory_space<vmem_shared>>) target_semaphore(%run_scoped3A_115 : memref<!tpu.dma_semaphore, #tpu.memory_space<semaphore_mem>>)
        %dma_wait3A_120 = arith.constant 0 : i32
        %dma_wait3A_121 = tpu.memref_slice %arg11[%add3A_110, %dma_wait3A_120] : memref<10128x128xf32, #tpu.memory_space<vmem_shared>> -> memref<128x128xf32, #tpu.memory_space<vmem_shared>>
        %dma_wait3A_122 = arith.constant 0 : i32
        %dma_wait3A_123 = tpu.memref_slice %arg11[%add3A_110, %dma_wait3A_122] : memref<10128x128xf32, #tpu.memory_space<vmem_shared>> -> memref<128x128xf32, #tpu.memory_space<vmem_shared>>
        tpu.wait_dma2 semaphore(%run_scoped3A_115 : memref<!tpu.dma_semaphore, #tpu.memory_space<semaphore_mem>>) src(%arg9 : memref<128x128xf32, #tpu.memory_space<vmem>>) dst(%dma_wait3A_123 : memref<128x128xf32, #tpu.memory_space<vmem_shared>>)
        tpu.yield
      }) : () -> ()
      %add3A_111 = arith.constant 256 : i32
      %add3A_112 = arith.addi %mul3A_4, %add3A_111 : i32
      "tpu.region"() ({
        %run_scoped3A_115 = tpu.sem_alloc : memref<!tpu.dma_semaphore, #tpu.memory_space<semaphore_mem>>
        %dma_start3A_116 = arith.constant 0 : i32
        %dma_start3A_117 = tpu.memref_slice %arg11[%add3A_112, %dma_start3A_116] : memref<10128x128xf32, #tpu.memory_space<vmem_shared>> -> memref<128x128xf32, #tpu.memory_space<vmem_shared>>
        %dma_start3A_118 = arith.constant 0 : i32
        %dma_start3A_119 = tpu.memref_slice %arg11[%add3A_112, %dma_start3A_118] : memref<10128x128xf32, #tpu.memory_space<vmem_shared>> -> memref<128x128xf32, #tpu.memory_space<vmem_shared>>
        tpu.enqueue_dma source(%arg9 : memref<128x128xf32, #tpu.memory_space<vmem>>) target(%dma_start3A_119 : memref<128x128xf32, #tpu.memory_space<vmem_shared>>) target_semaphore(%run_scoped3A_115 : memref<!tpu.dma_semaphore, #tpu.memory_space<semaphore_mem>>)
        %dma_wait3A_120 = arith.constant 0 : i32
        %dma_wait3A_121 = tpu.memref_slice %arg11[%add3A_112, %dma_wait3A_120] : memref<10128x128xf32, #tpu.memory_space<vmem_shared>> -> memref<128x128xf32, #tpu.memory_space<vmem_shared>>
        %dma_wait3A_122 = arith.constant 0 : i32
        %dma_wait3A_123 = tpu.memref_slice %arg11[%add3A_112, %dma_wait3A_122] : memref<10128x128xf32, #tpu.memory_space<vmem_shared>> -> memref<128x128xf32, #tpu.memory_space<vmem_shared>>
        tpu.wait_dma2 semaphore(%run_scoped3A_115 : memref<!tpu.dma_semaphore, #tpu.memory_space<semaphore_mem>>) src(%arg9 : memref<128x128xf32, #tpu.memory_space<vmem>>) dst(%dma_wait3A_123 : memref<128x128xf32, #tpu.memory_space<vmem_shared>>)
        tpu.yield
      }) : () -> ()
      %add3A_113 = arith.constant 384 : i32
      %add3A_114 = arith.addi %mul3A_4, %add3A_113 : i32
      "tpu.region"() ({
        %run_scoped3A_115 = tpu.sem_alloc : memref<!tpu.dma_semaphore, #tpu.memory_space<semaphore_mem>>
        %dma_start3A_116 = arith.constant 0 : i32
        %dma_start3A_117 = arith.constant 0 : i32
        %dma_start3A_118 = tpu.memref_slice %arg9[%dma_start3A_116, %dma_start3A_117] : memref<128x128xf32, #tpu.memory_space<vmem>> -> memref<32x128xf32, #tpu.memory_space<vmem>>
        %dma_start3A_119 = arith.constant 0 : i32
        %dma_start3A_120 = tpu.memref_slice %arg11[%add3A_114, %dma_start3A_119] : memref<10128x128xf32, #tpu.memory_space<vmem_shared>> -> memref<32x128xf32, #tpu.memory_space<vmem_shared>>
        %dma_start3A_121 = arith.constant 0 : i32
        %dma_start3A_122 = tpu.memref_slice %arg11[%add3A_114, %dma_start3A_121] : memref<10128x128xf32, #tpu.memory_space<vmem_shared>> -> memref<32x128xf32, #tpu.memory_space<vmem_shared>>
        %dma_start3A_123 = arith.constant 0 : i32
        %dma_start3A_124 = arith.constant 0 : i32
        %dma_start3A_125 = tpu.memref_slice %arg9[%dma_start3A_123, %dma_start3A_124] : memref<128x128xf32, #tpu.memory_space<vmem>> -> memref<32x128xf32, #tpu.memory_space<vmem>>
        tpu.enqueue_dma source(%dma_start3A_125 : memref<32x128xf32, #tpu.memory_space<vmem>>) target(%dma_start3A_122 : memref<32x128xf32, #tpu.memory_space<vmem_shared>>) target_semaphore(%run_scoped3A_115 : memref<!tpu.dma_semaphore, #tpu.memory_space<semaphore_mem>>)
        %dma_wait3A_126 = arith.constant 0 : i32
        %dma_wait3A_127 = arith.constant 0 : i32
        %dma_wait3A_128 = tpu.memref_slice %arg9[%dma_wait3A_126, %dma_wait3A_127] : memref<128x128xf32, #tpu.memory_space<vmem>> -> memref<32x128xf32, #tpu.memory_space<vmem>>
        %dma_wait3A_129 = arith.constant 0 : i32
        %dma_wait3A_130 = tpu.memref_slice %arg11[%add3A_114, %dma_wait3A_129] : memref<10128x128xf32, #tpu.memory_space<vmem_shared>> -> memref<32x128xf32, #tpu.memory_space<vmem_shared>>
        %dma_wait3A_131 = arith.constant 0 : i32
        %dma_wait3A_132 = tpu.memref_slice %arg11[%add3A_114, %dma_wait3A_131] : memref<10128x128xf32, #tpu.memory_space<vmem_shared>> -> memref<32x128xf32, #tpu.memory_space<vmem_shared>>
        %dma_wait3A_133 = arith.constant 0 : i32
        %dma_wait3A_134 = arith.constant 0 : i32
        %dma_wait3A_135 = tpu.memref_slice %arg9[%dma_wait3A_133, %dma_wait3A_134] : memref<128x128xf32, #tpu.memory_space<vmem>> -> memref<32x128xf32, #tpu.memory_space<vmem>>
        tpu.wait_dma2 semaphore(%run_scoped3A_115 : memref<!tpu.dma_semaphore, #tpu.memory_space<semaphore_mem>>) src(%dma_wait3A_135 : memref<32x128xf32, #tpu.memory_space<vmem>>) dst(%dma_wait3A_132 : memref<32x128xf32, #tpu.memory_space<vmem_shared>>)
        tpu.yield
      }) : () -> ()
    } else {
    }
    %barrier3A = arith.constant 0 : index
    tpu.barrier barrier_id(%barrier3A)
    %add3A_17 = arith.constant 0 : i32
    %add3A_18 = arith.addi %mul3A_2, %add3A_17 : i32
    "tpu.region"() ({
      %run_scoped3A_107 = tpu.sem_alloc : memref<!tpu.dma_semaphore, #tpu.memory_space<semaphore_mem>>
      %dma_start3A_108 = arith.constant 0 : i32
      %dma_start3A_109 = tpu.memref_slice %arg3[%add3A_18, %dma_start3A_108] : memref<2560x128xi32, #tpu.memory_space<hbm>> -> memref<40x128xi32, #tpu.memory_space<hbm>>
      %dma_start3A_110 = arith.constant 0 : i32
      %dma_start3A_111 = tpu.memref_slice %arg3[%add3A_18, %dma_start3A_110] : memref<2560x128xi32, #tpu.memory_space<hbm>> -> memref<40x128xi32, #tpu.memory_space<hbm>>
      tpu.enqueue_dma source(%dma_start3A_111 : memref<40x128xi32, #tpu.memory_space<hbm>>) target(%arg7 : memref<40x128xi32, #tpu.memory_space<vmem>>) target_semaphore(%run_scoped3A_107 : memref<!tpu.dma_semaphore, #tpu.memory_space<semaphore_mem>>)
      %dma_wait3A_112 = arith.constant 0 : i32
      %dma_wait3A_113 = tpu.memref_slice %arg3[%add3A_18, %dma_wait3A_112] : memref<2560x128xi32, #tpu.memory_space<hbm>> -> memref<40x128xi32, #tpu.memory_space<hbm>>
      %dma_wait3A_114 = arith.constant 0 : i32
      %dma_wait3A_115 = tpu.memref_slice %arg3[%add3A_18, %dma_wait3A_114] : memref<2560x128xi32, #tpu.memory_space<hbm>> -> memref<40x128xi32, #tpu.memory_space<hbm>>
      tpu.wait_dma2 semaphore(%run_scoped3A_107 : memref<!tpu.dma_semaphore, #tpu.memory_space<semaphore_mem>>) src(%dma_wait3A_115 : memref<40x128xi32, #tpu.memory_space<hbm>>) dst(%arg7 : memref<40x128xi32, #tpu.memory_space<vmem>>)
      tpu.yield
    }) : () -> ()
    %add3A_19 = arith.constant 0 : i32
    %add3A_20 = arith.addi %mul3A_2, %add3A_19 : i32
    "tpu.region"() ({
      %run_scoped3A_107 = tpu.sem_alloc : memref<!tpu.dma_semaphore, #tpu.memory_space<semaphore_mem>>
      %dma_start3A_108 = arith.constant 0 : i32
      %dma_start3A_109 = tpu.memref_slice %arg4[%add3A_20, %dma_start3A_108] : memref<2560x128xi32, #tpu.memory_space<hbm>> -> memref<40x128xi32, #tpu.memory_space<hbm>>
      %dma_start3A_110 = arith.constant 0 : i32
      %dma_start3A_111 = tpu.memref_slice %arg4[%add3A_20, %dma_start3A_110] : memref<2560x128xi32, #tpu.memory_space<hbm>> -> memref<40x128xi32, #tpu.memory_space<hbm>>
      tpu.enqueue_dma source(%dma_start3A_111 : memref<40x128xi32, #tpu.memory_space<hbm>>) target(%arg8 : memref<40x128xi32, #tpu.memory_space<vmem>>) target_semaphore(%run_scoped3A_107 : memref<!tpu.dma_semaphore, #tpu.memory_space<semaphore_mem>>)
      %dma_wait3A_112 = arith.constant 0 : i32
      %dma_wait3A_113 = tpu.memref_slice %arg4[%add3A_20, %dma_wait3A_112] : memref<2560x128xi32, #tpu.memory_space<hbm>> -> memref<40x128xi32, #tpu.memory_space<hbm>>
      %dma_wait3A_114 = arith.constant 0 : i32
      %dma_wait3A_115 = tpu.memref_slice %arg4[%add3A_20, %dma_wait3A_114] : memref<2560x128xi32, #tpu.memory_space<hbm>> -> memref<40x128xi32, #tpu.memory_space<hbm>>
      tpu.wait_dma2 semaphore(%run_scoped3A_107 : memref<!tpu.dma_semaphore, #tpu.memory_space<semaphore_mem>>) src(%dma_wait3A_115 : memref<40x128xi32, #tpu.memory_space<hbm>>) dst(%arg8 : memref<40x128xi32, #tpu.memory_space<vmem>>)
      tpu.yield
    }) : () -> ()
    %dma_start3A = arith.constant 0 : i32
    %dma_start3A_21 = arith.constant 0 : i32
    %dma_start3A_22 = tpu.memref_slice %arg7[%dma_start3A, %dma_start3A_21] : memref<40x128xi32, #tpu.memory_space<vmem>> -> memref<1x128xi32, #tpu.memory_space<vmem>>
    %dma_start3A_23 = tpu.memref_squeeze %dma_start3A_22 : memref<1x128xi32, #tpu.memory_space<vmem>> -> memref<128xi32, #tpu.memory_space<vmem>>
    %dma_start3A_24 = arith.constant 0 : i32
    %dma_start3A_25 = arith.constant 0 : i32
    %dma_start3A_26 = tpu.memref_slice %arg2[%dma_start3A_24, %dma_start3A_25] : memref<10000x128xf32, #tpu.memory_space<hbm>> -> memref<10000x128xf32, #tpu.memory_space<hbm>>
    tpu.enqueue_indirect_dma source(%dma_start3A_26 : memref<10000x128xf32, #tpu.memory_space<hbm>>) target(%arg9 : memref<128x128xf32, #tpu.memory_space<vmem>>) offsets(%dma_start3A_23 : memref<128xi32, #tpu.memory_space<vmem>>) semaphore(%arg12 : memref<!tpu.dma_semaphore, #tpu.memory_space<semaphore_mem>>)
    %dma_wait3A = arith.constant 0 : i32
    %dma_wait3A_27 = arith.constant 0 : i32
    %dma_wait3A_28 = tpu.memref_slice %arg7[%dma_wait3A, %dma_wait3A_27] : memref<40x128xi32, #tpu.memory_space<vmem>> -> memref<1x128xi32, #tpu.memory_space<vmem>>
    %dma_wait3A_29 = tpu.memref_squeeze %dma_wait3A_28 : memref<1x128xi32, #tpu.memory_space<vmem>> -> memref<128xi32, #tpu.memory_space<vmem>>
    %dma_wait3A_30 = arith.constant 0 : i32
    %dma_wait3A_31 = arith.constant 0 : i32
    %dma_wait3A_32 = tpu.memref_slice %arg2[%dma_wait3A_30, %dma_wait3A_31] : memref<10000x128xf32, #tpu.memory_space<hbm>> -> memref<10000x128xf32, #tpu.memory_space<hbm>>
    tpu.wait_indirect_dma semaphore(%arg12 : memref<!tpu.dma_semaphore, #tpu.memory_space<semaphore_mem>>) src(%dma_wait3A_32 : memref<10000x128xf32, #tpu.memory_space<hbm>>) dst(%arg9 : memref<128x128xf32, #tpu.memory_space<vmem>>)
    %scan3A_33 = arith.constant 0 : i32
    %scan3A_34 = arith.constant 0 : i32
    %scan3A_35 = arith.constant 19 : i32
    %scan3A_36 = arith.addi %scan3A_34, %scan3A_35 : i32
    %scan3A_37 = arith.constant 1 : i32
    %scan3A_38 = scf.for %scan3A_107 = %scan3A_34 to %scan3A_36 step %scan3A_37 iter_args(%scan3A_108 = %scan3A_33) -> (i32)  : i32 {
      %mul3A_109 = arith.constant 2 : i32
      %mul3A_110 = arith.muli %mul3A_109, %scan3A_107 : i32
      %add3A_111 = arith.constant 1 : i32
      %add3A_112 = arith.addi %mul3A_110, %add3A_111 : i32
      %dma_start3A_113 = arith.constant 0 : i32
      %dma_start3A_114 = tpu.memref_slice %arg7[%add3A_112, %dma_start3A_113] : memref<40x128xi32, #tpu.memory_space<vmem>> -> memref<1x128xi32, #tpu.memory_space<vmem>>
      %dma_start3A_115 = tpu.memref_squeeze %dma_start3A_114 : memref<1x128xi32, #tpu.memory_space<vmem>> -> memref<128xi32, #tpu.memory_space<vmem>>
      %dma_start3A_116 = arith.constant 0 : i32
      %dma_start3A_117 = arith.constant 0 : i32
      %dma_start3A_118 = tpu.memref_slice %arg2[%dma_start3A_116, %dma_start3A_117] : memref<10000x128xf32, #tpu.memory_space<hbm>> -> memref<10000x128xf32, #tpu.memory_space<hbm>>
      tpu.enqueue_indirect_dma source(%dma_start3A_118 : memref<10000x128xf32, #tpu.memory_space<hbm>>) target(%arg10 : memref<128x128xf32, #tpu.memory_space<vmem>>) offsets(%dma_start3A_115 : memref<128xi32, #tpu.memory_space<vmem>>) semaphore(%arg13 : memref<!tpu.dma_semaphore, #tpu.memory_space<semaphore_mem>>)
      "tpu.region"() ({
        %run_scoped3A_144 = tpu.sem_alloc : memref<!tpu.dma_semaphore, #tpu.memory_space<semaphore_mem>>
        %dma_start3A_145 = arith.constant 0 : i32
        %dma_start3A_146 = tpu.memref_slice %arg8[%mul3A_110, %dma_start3A_145] : memref<40x128xi32, #tpu.memory_space<vmem>> -> memref<1x128xi32, #tpu.memory_space<vmem>>
        %dma_start3A_147 = tpu.memref_squeeze %dma_start3A_146 : memref<1x128xi32, #tpu.memory_space<vmem>> -> memref<128xi32, #tpu.memory_space<vmem>>
        %dma_start3A_148 = arith.constant 0 : i32
        %dma_start3A_149 = arith.constant 0 : i32
        %dma_start3A_150 = tpu.memref_slice %arg11[%dma_start3A_148, %dma_start3A_149] : memref<10128x128xf32, #tpu.memory_space<vmem_shared>> -> memref<10128x128xf32, #tpu.memory_space<vmem_shared>>
        tpu.enqueue_indirect_dma source(%arg9 : memref<128x128xf32, #tpu.memory_space<vmem>>) target(%dma_start3A_150 : memref<10128x128xf32, #tpu.memory_space<vmem_shared>>) offsets(%dma_start3A_147 : memref<128xi32, #tpu.memory_space<vmem>>) semaphore(%run_scoped3A_144 : memref<!tpu.dma_semaphore, #tpu.memory_space<semaphore_mem>>) {add = true}
        %dma_wait3A_151 = arith.constant 0 : i32
        %dma_wait3A_152 = tpu.memref_slice %arg8[%mul3A_110, %dma_wait3A_151] : memref<40x128xi32, #tpu.memory_space<vmem>> -> memref<1x128xi32, #tpu.memory_space<vmem>>
        %dma_wait3A_153 = tpu.memref_squeeze %dma_wait3A_152 : memref<1x128xi32, #tpu.memory_space<vmem>> -> memref<128xi32, #tpu.memory_space<vmem>>
        %dma_wait3A_154 = arith.constant 0 : i32
        %dma_wait3A_155 = arith.constant 0 : i32
        %dma_wait3A_156 = tpu.memref_slice %arg11[%dma_wait3A_154, %dma_wait3A_155] : memref<10128x128xf32, #tpu.memory_space<vmem_shared>> -> memref<10128x128xf32, #tpu.memory_space<vmem_shared>>
        tpu.wait_indirect_dma semaphore(%run_scoped3A_144 : memref<!tpu.dma_semaphore, #tpu.memory_space<semaphore_mem>>) src(%arg9 : memref<128x128xf32, #tpu.memory_space<vmem>>) dst(%dma_wait3A_156 : memref<10128x128xf32, #tpu.memory_space<vmem_shared>>)
        tpu.yield
      }) : () -> ()
      %dma_wait3A_119 = arith.constant 0 : i32
      %dma_wait3A_120 = tpu.memref_slice %arg7[%add3A_112, %dma_wait3A_119] : memref<40x128xi32, #tpu.memory_space<vmem>> -> memref<1x128xi32, #tpu.memory_space<vmem>>
      %dma_wait3A_121 = tpu.memref_squeeze %dma_wait3A_120 : memref<1x128xi32, #tpu.memory_space<vmem>> -> memref<128xi32, #tpu.memory_space<vmem>>
      %dma_wait3A_122 = arith.constant 0 : i32
      %dma_wait3A_123 = arith.constant 0 : i32
      %dma_wait3A_124 = tpu.memref_slice %arg2[%dma_wait3A_122, %dma_wait3A_123] : memref<10000x128xf32, #tpu.memory_space<hbm>> -> memref<10000x128xf32, #tpu.memory_space<hbm>>
      tpu.wait_indirect_dma semaphore(%arg13 : memref<!tpu.dma_semaphore, #tpu.memory_space<semaphore_mem>>) src(%dma_wait3A_124 : memref<10000x128xf32, #tpu.memory_space<hbm>>) dst(%arg10 : memref<128x128xf32, #tpu.memory_space<vmem>>)
      %mul3A_125 = arith.constant 2 : i32
      %mul3A_126 = arith.muli %mul3A_125, %scan3A_107 : i32
      %add3A_127 = arith.constant 1 : i32
      %add3A_128 = arith.addi %mul3A_126, %add3A_127 : i32
      %add3A_129 = arith.constant 1 : i32
      %add3A_130 = arith.addi %add3A_128, %add3A_129 : i32
      %dma_start3A_131 = arith.constant 0 : i32
      %dma_start3A_132 = tpu.memref_slice %arg7[%add3A_130, %dma_start3A_131] : memref<40x128xi32, #tpu.memory_space<vmem>> -> memref<1x128xi32, #tpu.memory_space<vmem>>
      %dma_start3A_133 = tpu.memref_squeeze %dma_start3A_132 : memref<1x128xi32, #tpu.memory_space<vmem>> -> memref<128xi32, #tpu.memory_space<vmem>>
      %dma_start3A_134 = arith.constant 0 : i32
      %dma_start3A_135 = arith.constant 0 : i32
      %dma_start3A_136 = tpu.memref_slice %arg2[%dma_start3A_134, %dma_start3A_135] : memref<10000x128xf32, #tpu.memory_space<hbm>> -> memref<10000x128xf32, #tpu.memory_space<hbm>>
      tpu.enqueue_indirect_dma source(%dma_start3A_136 : memref<10000x128xf32, #tpu.memory_space<hbm>>) target(%arg9 : memref<128x128xf32, #tpu.memory_space<vmem>>) offsets(%dma_start3A_133 : memref<128xi32, #tpu.memory_space<vmem>>) semaphore(%arg12 : memref<!tpu.dma_semaphore, #tpu.memory_space<semaphore_mem>>)
      "tpu.region"() ({
        %run_scoped3A_144 = tpu.sem_alloc : memref<!tpu.dma_semaphore, #tpu.memory_space<semaphore_mem>>
        %dma_start3A_145 = arith.constant 0 : i32
        %dma_start3A_146 = tpu.memref_slice %arg8[%add3A_128, %dma_start3A_145] : memref<40x128xi32, #tpu.memory_space<vmem>> -> memref<1x128xi32, #tpu.memory_space<vmem>>
        %dma_start3A_147 = tpu.memref_squeeze %dma_start3A_146 : memref<1x128xi32, #tpu.memory_space<vmem>> -> memref<128xi32, #tpu.memory_space<vmem>>
        %dma_start3A_148 = arith.constant 0 : i32
        %dma_start3A_149 = arith.constant 0 : i32
        %dma_start3A_150 = tpu.memref_slice %arg11[%dma_start3A_148, %dma_start3A_149] : memref<10128x128xf32, #tpu.memory_space<vmem_shared>> -> memref<10128x128xf32, #tpu.memory_space<vmem_shared>>
        tpu.enqueue_indirect_dma source(%arg10 : memref<128x128xf32, #tpu.memory_space<vmem>>) target(%dma_start3A_150 : memref<10128x128xf32, #tpu.memory_space<vmem_shared>>) offsets(%dma_start3A_147 : memref<128xi32, #tpu.memory_space<vmem>>) semaphore(%run_scoped3A_144 : memref<!tpu.dma_semaphore, #tpu.memory_space<semaphore_mem>>) {add = true}
        %dma_wait3A_151 = arith.constant 0 : i32
        %dma_wait3A_152 = tpu.memref_slice %arg8[%add3A_128, %dma_wait3A_151] : memref<40x128xi32, #tpu.memory_space<vmem>> -> memref<1x128xi32, #tpu.memory_space<vmem>>
        %dma_wait3A_153 = tpu.memref_squeeze %dma_wait3A_152 : memref<1x128xi32, #tpu.memory_space<vmem>> -> memref<128xi32, #tpu.memory_space<vmem>>
        %dma_wait3A_154 = arith.constant 0 : i32
        %dma_wait3A_155 = arith.constant 0 : i32
        %dma_wait3A_156 = tpu.memref_slice %arg11[%dma_wait3A_154, %dma_wait3A_155] : memref<10128x128xf32, #tpu.memory_space<vmem_shared>> -> memref<10128x128xf32, #tpu.memory_space<vmem_shared>>
        tpu.wait_indirect_dma semaphore(%run_scoped3A_144 : memref<!tpu.dma_semaphore, #tpu.memory_space<semaphore_mem>>) src(%arg10 : memref<128x128xf32, #tpu.memory_space<vmem>>) dst(%dma_wait3A_156 : memref<10128x128xf32, #tpu.memory_space<vmem_shared>>)
        tpu.yield
      }) : () -> ()
      %dma_wait3A_137 = arith.constant 0 : i32
      %dma_wait3A_138 = tpu.memref_slice %arg7[%add3A_130, %dma_wait3A_137] : memref<40x128xi32, #tpu.memory_space<vmem>> -> memref<1x128xi32, #tpu.memory_space<vmem>>
      %dma_wait3A_139 = tpu.memref_squeeze %dma_wait3A_138 : memref<1x128xi32, #tpu.memory_space<vmem>> -> memref<128xi32, #tpu.memory_space<vmem>>
      %dma_wait3A_140 = arith.constant 0 : i32
      %dma_wait3A_141 = arith.constant 0 : i32
      %dma_wait3A_142 = tpu.memref_slice %arg2[%dma_wait3A_140, %dma_wait3A_141] : memref<10000x128xf32, #tpu.memory_space<hbm>> -> memref<10000x128xf32, #tpu.memory_space<hbm>>
      tpu.wait_indirect_dma semaphore(%arg12 : memref<!tpu.dma_semaphore, #tpu.memory_space<semaphore_mem>>) src(%dma_wait3A_142 : memref<10000x128xf32, #tpu.memory_space<hbm>>) dst(%arg9 : memref<128x128xf32, #tpu.memory_space<vmem>>)
      %scan3A_143 = arith.constant 0 : i32
      scf.yield %scan3A_143 : i32
    }
    %scan3A_39 = arith.constant 19 : i32
    %dma_start3A_40 = arith.constant 39 : i32
    %dma_start3A_41 = arith.constant 0 : i32
    %dma_start3A_42 = tpu.memref_slice %arg7[%dma_start3A_40, %dma_start3A_41] : memref<40x128xi32, #tpu.memory_space<vmem>> -> memref<1x128xi32, #tpu.memory_space<vmem>>
    %dma_start3A_43 = tpu.memref_squeeze %dma_start3A_42 : memref<1x128xi32, #tpu.memory_space<vmem>> -> memref<128xi32, #tpu.memory_space<vmem>>
    %dma_start3A_44 = arith.constant 0 : i32
    %dma_start3A_45 = arith.constant 0 : i32
    %dma_start3A_46 = tpu.memref_slice %arg2[%dma_start3A_44, %dma_start3A_45] : memref<10000x128xf32, #tpu.memory_space<hbm>> -> memref<10000x128xf32, #tpu.memory_space<hbm>>
    tpu.enqueue_indirect_dma source(%dma_start3A_46 : memref<10000x128xf32, #tpu.memory_space<hbm>>) target(%arg10 : memref<128x128xf32, #tpu.memory_space<vmem>>) offsets(%dma_start3A_43 : memref<128xi32, #tpu.memory_space<vmem>>) semaphore(%arg13 : memref<!tpu.dma_semaphore, #tpu.memory_space<semaphore_mem>>)
    %run_scoped3A = arith.constant 38 : i32
    "tpu.region"() ({
      %run_scoped3A_107 = tpu.sem_alloc : memref<!tpu.dma_semaphore, #tpu.memory_space<semaphore_mem>>
      %dma_start3A_108 = arith.constant 0 : i32
      %dma_start3A_109 = tpu.memref_slice %arg8[%run_scoped3A, %dma_start3A_108] : memref<40x128xi32, #tpu.memory_space<vmem>> -> memref<1x128xi32, #tpu.memory_space<vmem>>
      %dma_start3A_110 = tpu.memref_squeeze %dma_start3A_109 : memref<1x128xi32, #tpu.memory_space<vmem>> -> memref<128xi32, #tpu.memory_space<vmem>>
      %dma_start3A_111 = arith.constant 0 : i32
      %dma_start3A_112 = arith.constant 0 : i32
      %dma_start3A_113 = tpu.memref_slice %arg11[%dma_start3A_111, %dma_start3A_112] : memref<10128x128xf32, #tpu.memory_space<vmem_shared>> -> memref<10128x128xf32, #tpu.memory_space<vmem_shared>>
      tpu.enqueue_indirect_dma source(%arg9 : memref<128x128xf32, #tpu.memory_space<vmem>>) target(%dma_start3A_113 : memref<10128x128xf32, #tpu.memory_space<vmem_shared>>) offsets(%dma_start3A_110 : memref<128xi32, #tpu.memory_space<vmem>>) semaphore(%run_scoped3A_107 : memref<!tpu.dma_semaphore, #tpu.memory_space<semaphore_mem>>) {add = true}
      %dma_wait3A_114 = arith.constant 0 : i32
      %dma_wait3A_115 = tpu.memref_slice %arg8[%run_scoped3A, %dma_wait3A_114] : memref<40x128xi32, #tpu.memory_space<vmem>> -> memref<1x128xi32, #tpu.memory_space<vmem>>
      %dma_wait3A_116 = tpu.memref_squeeze %dma_wait3A_115 : memref<1x128xi32, #tpu.memory_space<vmem>> -> memref<128xi32, #tpu.memory_space<vmem>>
      %dma_wait3A_117 = arith.constant 0 : i32
      %dma_wait3A_118 = arith.constant 0 : i32
      %dma_wait3A_119 = tpu.memref_slice %arg11[%dma_wait3A_117, %dma_wait3A_118] : memref<10128x128xf32, #tpu.memory_space<vmem_shared>> -> memref<10128x128xf32, #tpu.memory_space<vmem_shared>>
      tpu.wait_indirect_dma semaphore(%run_scoped3A_107 : memref<!tpu.dma_semaphore, #tpu.memory_space<semaphore_mem>>) src(%arg9 : memref<128x128xf32, #tpu.memory_space<vmem>>) dst(%dma_wait3A_119 : memref<10128x128xf32, #tpu.memory_space<vmem_shared>>)
      tpu.yield
    }) : () -> ()
    %dma_wait3A_47 = arith.constant 39 : i32
    %dma_wait3A_48 = arith.constant 0 : i32
    %dma_wait3A_49 = tpu.memref_slice %arg7[%dma_wait3A_47, %dma_wait3A_48] : memref<40x128xi32, #tpu.memory_space<vmem>> -> memref<1x128xi32, #tpu.memory_space<vmem>>
    %dma_wait3A_50 = tpu.memref_squeeze %dma_wait3A_49 : memref<1x128xi32, #tpu.memory_space<vmem>> -> memref<128xi32, #tpu.memory_space<vmem>>
    %dma_wait3A_51 = arith.constant 0 : i32
    %dma_wait3A_52 = arith.constant 0 : i32
    %dma_wait3A_53 = tpu.memref_slice %arg2[%dma_wait3A_51, %dma_wait3A_52] : memref<10000x128xf32, #tpu.memory_space<hbm>> -> memref<10000x128xf32, #tpu.memory_space<hbm>>
    tpu.wait_indirect_dma semaphore(%arg13 : memref<!tpu.dma_semaphore, #tpu.memory_space<semaphore_mem>>) src(%dma_wait3A_53 : memref<10000x128xf32, #tpu.memory_space<hbm>>) dst(%arg10 : memref<128x128xf32, #tpu.memory_space<vmem>>)
    %run_scoped3A_54 = arith.constant 39 : i32
    "tpu.region"() ({
      %run_scoped3A_107 = tpu.sem_alloc : memref<!tpu.dma_semaphore, #tpu.memory_space<semaphore_mem>>
      %dma_start3A_108 = arith.constant 0 : i32
      %dma_start3A_109 = tpu.memref_slice %arg8[%run_scoped3A_54, %dma_start3A_108] : memref<40x128xi32, #tpu.memory_space<vmem>> -> memref<1x128xi32, #tpu.memory_space<vmem>>
      %dma_start3A_110 = tpu.memref_squeeze %dma_start3A_109 : memref<1x128xi32, #tpu.memory_space<vmem>> -> memref<128xi32, #tpu.memory_space<vmem>>
      %dma_start3A_111 = arith.constant 0 : i32
      %dma_start3A_112 = arith.constant 0 : i32
      %dma_start3A_113 = tpu.memref_slice %arg11[%dma_start3A_111, %dma_start3A_112] : memref<10128x128xf32, #tpu.memory_space<vmem_shared>> -> memref<10128x128xf32, #tpu.memory_space<vmem_shared>>
      tpu.enqueue_indirect_dma source(%arg10 : memref<128x128xf32, #tpu.memory_space<vmem>>) target(%dma_start3A_113 : memref<10128x128xf32, #tpu.memory_space<vmem_shared>>) offsets(%dma_start3A_110 : memref<128xi32, #tpu.memory_space<vmem>>) semaphore(%run_scoped3A_107 : memref<!tpu.dma_semaphore, #tpu.memory_space<semaphore_mem>>) {add = true}
      %dma_wait3A_114 = arith.constant 0 : i32
      %dma_wait3A_115 = tpu.memref_slice %arg8[%run_scoped3A_54, %dma_wait3A_114] : memref<40x128xi32, #tpu.memory_space<vmem>> -> memref<1x128xi32, #tpu.memory_space<vmem>>
      %dma_wait3A_116 = tpu.memref_squeeze %dma_wait3A_115 : memref<1x128xi32, #tpu.memory_space<vmem>> -> memref<128xi32, #tpu.memory_space<vmem>>
      %dma_wait3A_117 = arith.constant 0 : i32
      %dma_wait3A_118 = arith.constant 0 : i32
      %dma_wait3A_119 = tpu.memref_slice %arg11[%dma_wait3A_117, %dma_wait3A_118] : memref<10128x128xf32, #tpu.memory_space<vmem_shared>> -> memref<10128x128xf32, #tpu.memory_space<vmem_shared>>
      tpu.wait_indirect_dma semaphore(%run_scoped3A_107 : memref<!tpu.dma_semaphore, #tpu.memory_space<semaphore_mem>>) src(%arg10 : memref<128x128xf32, #tpu.memory_space<vmem>>) dst(%dma_wait3A_119 : memref<10128x128xf32, #tpu.memory_space<vmem_shared>>)
      tpu.yield
    }) : () -> ()
    %add3A_55 = arith.constant 40 : i32
    %add3A_56 = arith.addi %mul3A_2, %add3A_55 : i32
    "tpu.region"() ({
      %run_scoped3A_107 = tpu.sem_alloc : memref<!tpu.dma_semaphore, #tpu.memory_space<semaphore_mem>>
      %dma_start3A_108 = arith.constant 0 : i32
      %dma_start3A_109 = tpu.memref_slice %arg3[%add3A_56, %dma_start3A_108] : memref<2560x128xi32, #tpu.memory_space<hbm>> -> memref<40x128xi32, #tpu.memory_space<hbm>>
      %dma_start3A_110 = arith.constant 0 : i32
      %dma_start3A_111 = tpu.memref_slice %arg3[%add3A_56, %dma_start3A_110] : memref<2560x128xi32, #tpu.memory_space<hbm>> -> memref<40x128xi32, #tpu.memory_space<hbm>>
      tpu.enqueue_dma source(%dma_start3A_111 : memref<40x128xi32, #tpu.memory_space<hbm>>) target(%arg7 : memref<40x128xi32, #tpu.memory_space<vmem>>) target_semaphore(%run_scoped3A_107 : memref<!tpu.dma_semaphore, #tpu.memory_space<semaphore_mem>>)
      %dma_wait3A_112 = arith.constant 0 : i32
      %dma_wait3A_113 = tpu.memref_slice %arg3[%add3A_56, %dma_wait3A_112] : memref<2560x128xi32, #tpu.memory_space<hbm>> -> memref<40x128xi32, #tpu.memory_space<hbm>>
      %dma_wait3A_114 = arith.constant 0 : i32
      %dma_wait3A_115 = tpu.memref_slice %arg3[%add3A_56, %dma_wait3A_114] : memref<2560x128xi32, #tpu.memory_space<hbm>> -> memref<40x128xi32, #tpu.memory_space<hbm>>
      tpu.wait_dma2 semaphore(%run_scoped3A_107 : memref<!tpu.dma_semaphore, #tpu.memory_space<semaphore_mem>>) src(%dma_wait3A_115 : memref<40x128xi32, #tpu.memory_space<hbm>>) dst(%arg7 : memref<40x128xi32, #tpu.memory_space<vmem>>)
      tpu.yield
    }) : () -> ()
    %add3A_57 = arith.constant 40 : i32
    %add3A_58 = arith.addi %mul3A_2, %add3A_57 : i32
    "tpu.region"() ({
      %run_scoped3A_107 = tpu.sem_alloc : memref<!tpu.dma_semaphore, #tpu.memory_space<semaphore_mem>>
      %dma_start3A_108 = arith.constant 0 : i32
      %dma_start3A_109 = tpu.memref_slice %arg4[%add3A_58, %dma_start3A_108] : memref<2560x128xi32, #tpu.memory_space<hbm>> -> memref<40x128xi32, #tpu.memory_space<hbm>>
      %dma_start3A_110 = arith.constant 0 : i32
      %dma_start3A_111 = tpu.memref_slice %arg4[%add3A_58, %dma_start3A_110] : memref<2560x128xi32, #tpu.memory_space<hbm>> -> memref<40x128xi32, #tpu.memory_space<hbm>>
      tpu.enqueue_dma source(%dma_start3A_111 : memref<40x128xi32, #tpu.memory_space<hbm>>) target(%arg8 : memref<40x128xi32, #tpu.memory_space<vmem>>) target_semaphore(%run_scoped3A_107 : memref<!tpu.dma_semaphore, #tpu.memory_space<semaphore_mem>>)
      %dma_wait3A_112 = arith.constant 0 : i32
      %dma_wait3A_113 = tpu.memref_slice %arg4[%add3A_58, %dma_wait3A_112] : memref<2560x128xi32, #tpu.memory_space<hbm>> -> memref<40x128xi32, #tpu.memory_space<hbm>>
      %dma_wait3A_114 = arith.constant 0 : i32
      %dma_wait3A_115 = tpu.memref_slice %arg4[%add3A_58, %dma_wait3A_114] : memref<2560x128xi32, #tpu.memory_space<hbm>> -> memref<40x128xi32, #tpu.memory_space<hbm>>
      tpu.wait_dma2 semaphore(%run_scoped3A_107 : memref<!tpu.dma_semaphore, #tpu.memory_space<semaphore_mem>>) src(%dma_wait3A_115 : memref<40x128xi32, #tpu.memory_space<hbm>>) dst(%arg8 : memref<40x128xi32, #tpu.memory_space<vmem>>)
      tpu.yield
    }) : () -> ()
    %dma_start3A_59 = arith.constant 0 : i32
    %dma_start3A_60 = arith.constant 0 : i32
    %dma_start3A_61 = tpu.memref_slice %arg7[%dma_start3A_59, %dma_start3A_60] : memref<40x128xi32, #tpu.memory_space<vmem>> -> memref<1x128xi32, #tpu.memory_space<vmem>>
    %dma_start3A_62 = tpu.memref_squeeze %dma_start3A_61 : memref<1x128xi32, #tpu.memory_space<vmem>> -> memref<128xi32, #tpu.memory_space<vmem>>
    %dma_start3A_63 = arith.constant 0 : i32
    %dma_start3A_64 = arith.constant 0 : i32
    %dma_start3A_65 = tpu.memref_slice %arg2[%dma_start3A_63, %dma_start3A_64] : memref<10000x128xf32, #tpu.memory_space<hbm>> -> memref<10000x128xf32, #tpu.memory_space<hbm>>
    tpu.enqueue_indirect_dma source(%dma_start3A_65 : memref<10000x128xf32, #tpu.memory_space<hbm>>) target(%arg9 : memref<128x128xf32, #tpu.memory_space<vmem>>) offsets(%dma_start3A_62 : memref<128xi32, #tpu.memory_space<vmem>>) semaphore(%arg12 : memref<!tpu.dma_semaphore, #tpu.memory_space<semaphore_mem>>)
    %dma_wait3A_66 = arith.constant 0 : i32
    %dma_wait3A_67 = arith.constant 0 : i32
    %dma_wait3A_68 = tpu.memref_slice %arg7[%dma_wait3A_66, %dma_wait3A_67] : memref<40x128xi32, #tpu.memory_space<vmem>> -> memref<1x128xi32, #tpu.memory_space<vmem>>
    %dma_wait3A_69 = tpu.memref_squeeze %dma_wait3A_68 : memref<1x128xi32, #tpu.memory_space<vmem>> -> memref<128xi32, #tpu.memory_space<vmem>>
    %dma_wait3A_70 = arith.constant 0 : i32
    %dma_wait3A_71 = arith.constant 0 : i32
    %dma_wait3A_72 = tpu.memref_slice %arg2[%dma_wait3A_70, %dma_wait3A_71] : memref<10000x128xf32, #tpu.memory_space<hbm>> -> memref<10000x128xf32, #tpu.memory_space<hbm>>
    tpu.wait_indirect_dma semaphore(%arg12 : memref<!tpu.dma_semaphore, #tpu.memory_space<semaphore_mem>>) src(%dma_wait3A_72 : memref<10000x128xf32, #tpu.memory_space<hbm>>) dst(%arg9 : memref<128x128xf32, #tpu.memory_space<vmem>>)
    %scan3A_73 = arith.constant 0 : i32
    %scan3A_74 = arith.constant 0 : i32
    %scan3A_75 = arith.constant 19 : i32
    %scan3A_76 = arith.addi %scan3A_74, %scan3A_75 : i32
    %scan3A_77 = arith.constant 1 : i32
    %scan3A_78 = scf.for %scan3A_107 = %scan3A_74 to %scan3A_76 step %scan3A_77 iter_args(%scan3A_108 = %scan3A_73) -> (i32)  : i32 {
      %mul3A_109 = arith.constant 2 : i32
      %mul3A_110 = arith.muli %mul3A_109, %scan3A_107 : i32
      %add3A_111 = arith.constant 1 : i32
      %add3A_112 = arith.addi %mul3A_110, %add3A_111 : i32
      %dma_start3A_113 = arith.constant 0 : i32
      %dma_start3A_114 = tpu.memref_slice %arg7[%add3A_112, %dma_start3A_113] : memref<40x128xi32, #tpu.memory_space<vmem>> -> memref<1x128xi32, #tpu.memory_space<vmem>>
      %dma_start3A_115 = tpu.memref_squeeze %dma_start3A_114 : memref<1x128xi32, #tpu.memory_space<vmem>> -> memref<128xi32, #tpu.memory_space<vmem>>
      %dma_start3A_116 = arith.constant 0 : i32
      %dma_start3A_117 = arith.constant 0 : i32
      %dma_start3A_118 = tpu.memref_slice %arg2[%dma_start3A_116, %dma_start3A_117] : memref<10000x128xf32, #tpu.memory_space<hbm>> -> memref<10000x128xf32, #tpu.memory_space<hbm>>
      tpu.enqueue_indirect_dma source(%dma_start3A_118 : memref<10000x128xf32, #tpu.memory_space<hbm>>) target(%arg10 : memref<128x128xf32, #tpu.memory_space<vmem>>) offsets(%dma_start3A_115 : memref<128xi32, #tpu.memory_space<vmem>>) semaphore(%arg13 : memref<!tpu.dma_semaphore, #tpu.memory_space<semaphore_mem>>)
      "tpu.region"() ({
        %run_scoped3A_144 = tpu.sem_alloc : memref<!tpu.dma_semaphore, #tpu.memory_space<semaphore_mem>>
        %dma_start3A_145 = arith.constant 0 : i32
        %dma_start3A_146 = tpu.memref_slice %arg8[%mul3A_110, %dma_start3A_145] : memref<40x128xi32, #tpu.memory_space<vmem>> -> memref<1x128xi32, #tpu.memory_space<vmem>>
        %dma_start3A_147 = tpu.memref_squeeze %dma_start3A_146 : memref<1x128xi32, #tpu.memory_space<vmem>> -> memref<128xi32, #tpu.memory_space<vmem>>
        %dma_start3A_148 = arith.constant 0 : i32
        %dma_start3A_149 = arith.constant 0 : i32
        %dma_start3A_150 = tpu.memref_slice %arg11[%dma_start3A_148, %dma_start3A_149] : memref<10128x128xf32, #tpu.memory_space<vmem_shared>> -> memref<10128x128xf32, #tpu.memory_space<vmem_shared>>
        tpu.enqueue_indirect_dma source(%arg9 : memref<128x128xf32, #tpu.memory_space<vmem>>) target(%dma_start3A_150 : memref<10128x128xf32, #tpu.memory_space<vmem_shared>>) offsets(%dma_start3A_147 : memref<128xi32, #tpu.memory_space<vmem>>) semaphore(%run_scoped3A_144 : memref<!tpu.dma_semaphore, #tpu.memory_space<semaphore_mem>>) {add = true}
        %dma_wait3A_151 = arith.constant 0 : i32
        %dma_wait3A_152 = tpu.memref_slice %arg8[%mul3A_110, %dma_wait3A_151] : memref<40x128xi32, #tpu.memory_space<vmem>> -> memref<1x128xi32, #tpu.memory_space<vmem>>
        %dma_wait3A_153 = tpu.memref_squeeze %dma_wait3A_152 : memref<1x128xi32, #tpu.memory_space<vmem>> -> memref<128xi32, #tpu.memory_space<vmem>>
        %dma_wait3A_154 = arith.constant 0 : i32
        %dma_wait3A_155 = arith.constant 0 : i32
        %dma_wait3A_156 = tpu.memref_slice %arg11[%dma_wait3A_154, %dma_wait3A_155] : memref<10128x128xf32, #tpu.memory_space<vmem_shared>> -> memref<10128x128xf32, #tpu.memory_space<vmem_shared>>
        tpu.wait_indirect_dma semaphore(%run_scoped3A_144 : memref<!tpu.dma_semaphore, #tpu.memory_space<semaphore_mem>>) src(%arg9 : memref<128x128xf32, #tpu.memory_space<vmem>>) dst(%dma_wait3A_156 : memref<10128x128xf32, #tpu.memory_space<vmem_shared>>)
        tpu.yield
      }) : () -> ()
      %dma_wait3A_119 = arith.constant 0 : i32
      %dma_wait3A_120 = tpu.memref_slice %arg7[%add3A_112, %dma_wait3A_119] : memref<40x128xi32, #tpu.memory_space<vmem>> -> memref<1x128xi32, #tpu.memory_space<vmem>>
      %dma_wait3A_121 = tpu.memref_squeeze %dma_wait3A_120 : memref<1x128xi32, #tpu.memory_space<vmem>> -> memref<128xi32, #tpu.memory_space<vmem>>
      %dma_wait3A_122 = arith.constant 0 : i32
      %dma_wait3A_123 = arith.constant 0 : i32
      %dma_wait3A_124 = tpu.memref_slice %arg2[%dma_wait3A_122, %dma_wait3A_123] : memref<10000x128xf32, #tpu.memory_space<hbm>> -> memref<10000x128xf32, #tpu.memory_space<hbm>>
      tpu.wait_indirect_dma semaphore(%arg13 : memref<!tpu.dma_semaphore, #tpu.memory_space<semaphore_mem>>) src(%dma_wait3A_124 : memref<10000x128xf32, #tpu.memory_space<hbm>>) dst(%arg10 : memref<128x128xf32, #tpu.memory_space<vmem>>)
      %mul3A_125 = arith.constant 2 : i32
      %mul3A_126 = arith.muli %mul3A_125, %scan3A_107 : i32
      %add3A_127 = arith.constant 1 : i32
      %add3A_128 = arith.addi %mul3A_126, %add3A_127 : i32
      %add3A_129 = arith.constant 1 : i32
      %add3A_130 = arith.addi %add3A_128, %add3A_129 : i32
      %dma_start3A_131 = arith.constant 0 : i32
      %dma_start3A_132 = tpu.memref_slice %arg7[%add3A_130, %dma_start3A_131] : memref<40x128xi32, #tpu.memory_space<vmem>> -> memref<1x128xi32, #tpu.memory_space<vmem>>
      %dma_start3A_133 = tpu.memref_squeeze %dma_start3A_132 : memref<1x128xi32, #tpu.memory_space<vmem>> -> memref<128xi32, #tpu.memory_space<vmem>>
      %dma_start3A_134 = arith.constant 0 : i32
      %dma_start3A_135 = arith.constant 0 : i32
      %dma_start3A_136 = tpu.memref_slice %arg2[%dma_start3A_134, %dma_start3A_135] : memref<10000x128xf32, #tpu.memory_space<hbm>> -> memref<10000x128xf32, #tpu.memory_space<hbm>>
      tpu.enqueue_indirect_dma source(%dma_start3A_136 : memref<10000x128xf32, #tpu.memory_space<hbm>>) target(%arg9 : memref<128x128xf32, #tpu.memory_space<vmem>>) offsets(%dma_start3A_133 : memref<128xi32, #tpu.memory_space<vmem>>) semaphore(%arg12 : memref<!tpu.dma_semaphore, #tpu.memory_space<semaphore_mem>>)
      "tpu.region"() ({
        %run_scoped3A_144 = tpu.sem_alloc : memref<!tpu.dma_semaphore, #tpu.memory_space<semaphore_mem>>
        %dma_start3A_145 = arith.constant 0 : i32
        %dma_start3A_146 = tpu.memref_slice %arg8[%add3A_128, %dma_start3A_145] : memref<40x128xi32, #tpu.memory_space<vmem>> -> memref<1x128xi32, #tpu.memory_space<vmem>>
        %dma_start3A_147 = tpu.memref_squeeze %dma_start3A_146 : memref<1x128xi32, #tpu.memory_space<vmem>> -> memref<128xi32, #tpu.memory_space<vmem>>
        %dma_start3A_148 = arith.constant 0 : i32
        %dma_start3A_149 = arith.constant 0 : i32
        %dma_start3A_150 = tpu.memref_slice %arg11[%dma_start3A_148, %dma_start3A_149] : memref<10128x128xf32, #tpu.memory_space<vmem_shared>> -> memref<10128x128xf32, #tpu.memory_space<vmem_shared>>
        tpu.enqueue_indirect_dma source(%arg10 : memref<128x128xf32, #tpu.memory_space<vmem>>) target(%dma_start3A_150 : memref<10128x128xf32, #tpu.memory_space<vmem_shared>>) offsets(%dma_start3A_147 : memref<128xi32, #tpu.memory_space<vmem>>) semaphore(%run_scoped3A_144 : memref<!tpu.dma_semaphore, #tpu.memory_space<semaphore_mem>>) {add = true}
        %dma_wait3A_151 = arith.constant 0 : i32
        %dma_wait3A_152 = tpu.memref_slice %arg8[%add3A_128, %dma_wait3A_151] : memref<40x128xi32, #tpu.memory_space<vmem>> -> memref<1x128xi32, #tpu.memory_space<vmem>>
        %dma_wait3A_153 = tpu.memref_squeeze %dma_wait3A_152 : memref<1x128xi32, #tpu.memory_space<vmem>> -> memref<128xi32, #tpu.memory_space<vmem>>
        %dma_wait3A_154 = arith.constant 0 : i32
        %dma_wait3A_155 = arith.constant 0 : i32
        %dma_wait3A_156 = tpu.memref_slice %arg11[%dma_wait3A_154, %dma_wait3A_155] : memref<10128x128xf32, #tpu.memory_space<vmem_shared>> -> memref<10128x128xf32, #tpu.memory_space<vmem_shared>>
        tpu.wait_indirect_dma semaphore(%run_scoped3A_144 : memref<!tpu.dma_semaphore, #tpu.memory_space<semaphore_mem>>) src(%arg10 : memref<128x128xf32, #tpu.memory_space<vmem>>) dst(%dma_wait3A_156 : memref<10128x128xf32, #tpu.memory_space<vmem_shared>>)
        tpu.yield
      }) : () -> ()
      %dma_wait3A_137 = arith.constant 0 : i32
      %dma_wait3A_138 = tpu.memref_slice %arg7[%add3A_130, %dma_wait3A_137] : memref<40x128xi32, #tpu.memory_space<vmem>> -> memref<1x128xi32, #tpu.memory_space<vmem>>
      %dma_wait3A_139 = tpu.memref_squeeze %dma_wait3A_138 : memref<1x128xi32, #tpu.memory_space<vmem>> -> memref<128xi32, #tpu.memory_space<vmem>>
      %dma_wait3A_140 = arith.constant 0 : i32
      %dma_wait3A_141 = arith.constant 0 : i32
      %dma_wait3A_142 = tpu.memref_slice %arg2[%dma_wait3A_140, %dma_wait3A_141] : memref<10000x128xf32, #tpu.memory_space<hbm>> -> memref<10000x128xf32, #tpu.memory_space<hbm>>
      tpu.wait_indirect_dma semaphore(%arg12 : memref<!tpu.dma_semaphore, #tpu.memory_space<semaphore_mem>>) src(%dma_wait3A_142 : memref<10000x128xf32, #tpu.memory_space<hbm>>) dst(%arg9 : memref<128x128xf32, #tpu.memory_space<vmem>>)
      %scan3A_143 = arith.constant 0 : i32
      scf.yield %scan3A_143 : i32
    }
    %scan3A_79 = arith.constant 19 : i32
    %dma_start3A_80 = arith.constant 39 : i32
    %dma_start3A_81 = arith.constant 0 : i32
    %dma_start3A_82 = tpu.memref_slice %arg7[%dma_start3A_80, %dma_start3A_81] : memref<40x128xi32, #tpu.memory_space<vmem>> -> memref<1x128xi32, #tpu.memory_space<vmem>>
    %dma_start3A_83 = tpu.memref_squeeze %dma_start3A_82 : memref<1x128xi32, #tpu.memory_space<vmem>> -> memref<128xi32, #tpu.memory_space<vmem>>
    %dma_start3A_84 = arith.constant 0 : i32
    %dma_start3A_85 = arith.constant 0 : i32
    %dma_start3A_86 = tpu.memref_slice %arg2[%dma_start3A_84, %dma_start3A_85] : memref<10000x128xf32, #tpu.memory_space<hbm>> -> memref<10000x128xf32, #tpu.memory_space<hbm>>
    tpu.enqueue_indirect_dma source(%dma_start3A_86 : memref<10000x128xf32, #tpu.memory_space<hbm>>) target(%arg10 : memref<128x128xf32, #tpu.memory_space<vmem>>) offsets(%dma_start3A_83 : memref<128xi32, #tpu.memory_space<vmem>>) semaphore(%arg13 : memref<!tpu.dma_semaphore, #tpu.memory_space<semaphore_mem>>)
    %run_scoped3A_87 = arith.constant 38 : i32
    "tpu.region"() ({
      %run_scoped3A_107 = tpu.sem_alloc : memref<!tpu.dma_semaphore, #tpu.memory_space<semaphore_mem>>
      %dma_start3A_108 = arith.constant 0 : i32
      %dma_start3A_109 = tpu.memref_slice %arg8[%run_scoped3A_87, %dma_start3A_108] : memref<40x128xi32, #tpu.memory_space<vmem>> -> memref<1x128xi32, #tpu.memory_space<vmem>>
      %dma_start3A_110 = tpu.memref_squeeze %dma_start3A_109 : memref<1x128xi32, #tpu.memory_space<vmem>> -> memref<128xi32, #tpu.memory_space<vmem>>
      %dma_start3A_111 = arith.constant 0 : i32
      %dma_start3A_112 = arith.constant 0 : i32
      %dma_start3A_113 = tpu.memref_slice %arg11[%dma_start3A_111, %dma_start3A_112] : memref<10128x128xf32, #tpu.memory_space<vmem_shared>> -> memref<10128x128xf32, #tpu.memory_space<vmem_shared>>
      tpu.enqueue_indirect_dma source(%arg9 : memref<128x128xf32, #tpu.memory_space<vmem>>) target(%dma_start3A_113 : memref<10128x128xf32, #tpu.memory_space<vmem_shared>>) offsets(%dma_start3A_110 : memref<128xi32, #tpu.memory_space<vmem>>) semaphore(%run_scoped3A_107 : memref<!tpu.dma_semaphore, #tpu.memory_space<semaphore_mem>>) {add = true}
      %dma_wait3A_114 = arith.constant 0 : i32
      %dma_wait3A_115 = tpu.memref_slice %arg8[%run_scoped3A_87, %dma_wait3A_114] : memref<40x128xi32, #tpu.memory_space<vmem>> -> memref<1x128xi32, #tpu.memory_space<vmem>>
      %dma_wait3A_116 = tpu.memref_squeeze %dma_wait3A_115 : memref<1x128xi32, #tpu.memory_space<vmem>> -> memref<128xi32, #tpu.memory_space<vmem>>
      %dma_wait3A_117 = arith.constant 0 : i32
      %dma_wait3A_118 = arith.constant 0 : i32
      %dma_wait3A_119 = tpu.memref_slice %arg11[%dma_wait3A_117, %dma_wait3A_118] : memref<10128x128xf32, #tpu.memory_space<vmem_shared>> -> memref<10128x128xf32, #tpu.memory_space<vmem_shared>>
      tpu.wait_indirect_dma semaphore(%run_scoped3A_107 : memref<!tpu.dma_semaphore, #tpu.memory_space<semaphore_mem>>) src(%arg9 : memref<128x128xf32, #tpu.memory_space<vmem>>) dst(%dma_wait3A_119 : memref<10128x128xf32, #tpu.memory_space<vmem_shared>>)
      tpu.yield
    }) : () -> ()
    %dma_wait3A_88 = arith.constant 39 : i32
    %dma_wait3A_89 = arith.constant 0 : i32
    %dma_wait3A_90 = tpu.memref_slice %arg7[%dma_wait3A_88, %dma_wait3A_89] : memref<40x128xi32, #tpu.memory_space<vmem>> -> memref<1x128xi32, #tpu.memory_space<vmem>>
    %dma_wait3A_91 = tpu.memref_squeeze %dma_wait3A_90 : memref<1x128xi32, #tpu.memory_space<vmem>> -> memref<128xi32, #tpu.memory_space<vmem>>
    %dma_wait3A_92 = arith.constant 0 : i32
    %dma_wait3A_93 = arith.constant 0 : i32
    %dma_wait3A_94 = tpu.memref_slice %arg2[%dma_wait3A_92, %dma_wait3A_93] : memref<10000x128xf32, #tpu.memory_space<hbm>> -> memref<10000x128xf32, #tpu.memory_space<hbm>>
    tpu.wait_indirect_dma semaphore(%arg13 : memref<!tpu.dma_semaphore, #tpu.memory_space<semaphore_mem>>) src(%dma_wait3A_94 : memref<10000x128xf32, #tpu.memory_space<hbm>>) dst(%arg10 : memref<128x128xf32, #tpu.memory_space<vmem>>)
    %run_scoped3A_95 = arith.constant 39 : i32
    "tpu.region"() ({
      %run_scoped3A_107 = tpu.sem_alloc : memref<!tpu.dma_semaphore, #tpu.memory_space<semaphore_mem>>
      %dma_start3A_108 = arith.constant 0 : i32
      %dma_start3A_109 = tpu.memref_slice %arg8[%run_scoped3A_95, %dma_start3A_108] : memref<40x128xi32, #tpu.memory_space<vmem>> -> memref<1x128xi32, #tpu.memory_space<vmem>>
      %dma_start3A_110 = tpu.memref_squeeze %dma_start3A_109 : memref<1x128xi32, #tpu.memory_space<vmem>> -> memref<128xi32, #tpu.memory_space<vmem>>
      %dma_start3A_111 = arith.constant 0 : i32
      %dma_start3A_112 = arith.constant 0 : i32
      %dma_start3A_113 = tpu.memref_slice %arg11[%dma_start3A_111, %dma_start3A_112] : memref<10128x128xf32, #tpu.memory_space<vmem_shared>> -> memref<10128x128xf32, #tpu.memory_space<vmem_shared>>
      tpu.enqueue_indirect_dma source(%arg10 : memref<128x128xf32, #tpu.memory_space<vmem>>) target(%dma_start3A_113 : memref<10128x128xf32, #tpu.memory_space<vmem_shared>>) offsets(%dma_start3A_110 : memref<128xi32, #tpu.memory_space<vmem>>) semaphore(%run_scoped3A_107 : memref<!tpu.dma_semaphore, #tpu.memory_space<semaphore_mem>>) {add = true}
      %dma_wait3A_114 = arith.constant 0 : i32
      %dma_wait3A_115 = tpu.memref_slice %arg8[%run_scoped3A_95, %dma_wait3A_114] : memref<40x128xi32, #tpu.memory_space<vmem>> -> memref<1x128xi32, #tpu.memory_space<vmem>>
      %dma_wait3A_116 = tpu.memref_squeeze %dma_wait3A_115 : memref<1x128xi32, #tpu.memory_space<vmem>> -> memref<128xi32, #tpu.memory_space<vmem>>
      %dma_wait3A_117 = arith.constant 0 : i32
      %dma_wait3A_118 = arith.constant 0 : i32
      %dma_wait3A_119 = tpu.memref_slice %arg11[%dma_wait3A_117, %dma_wait3A_118] : memref<10128x128xf32, #tpu.memory_space<vmem_shared>> -> memref<10128x128xf32, #tpu.memory_space<vmem_shared>>
      tpu.wait_indirect_dma semaphore(%run_scoped3A_107 : memref<!tpu.dma_semaphore, #tpu.memory_space<semaphore_mem>>) src(%arg10 : memref<128x128xf32, #tpu.memory_space<vmem>>) dst(%dma_wait3A_119 : memref<10128x128xf32, #tpu.memory_space<vmem_shared>>)
      tpu.yield
    }) : () -> ()
    %barrier3A_96 = arith.constant 0 : index
    tpu.barrier barrier_id(%barrier3A_96)
    %eq3A_97 = arith.constant 0 : i32
    %eq3A_98 = arith.cmpi eq, %arg0, %eq3A_97 : i32
    %convert_element_type3A_99 = arith.extui %eq3A_98 : i1 to i32
    %cond3A_100 = arith.constant 0 : i32
    %cond3A_101 = arith.cmpi ne, %convert_element_type3A_99, %cond3A_100 : i32
    scf.if %cond3A_101 {
      %not3A_107 = arith.constant true
      %not3A_108 = arith.xori %eq3A_5, %not3A_107 : i1
      %convert_element_type3A_109 = arith.extui %not3A_108 : i1 to i32
      %cond3A_110 = arith.constant 0 : i32
      %cond3A_111 = arith.cmpi ne, %convert_element_type3A_109, %cond3A_110 : i32
      scf.if %cond3A_111 {
        %add3A_115 = arith.constant 0 : i32
        %add3A_116 = arith.addi %mul3A_4, %add3A_115 : i32
        %add3A_117 = arith.constant 0 : i32
        %add3A_118 = arith.addi %mul3A_4, %add3A_117 : i32
        "tpu.region"() ({
          %run_scoped3A_135 = tpu.sem_alloc : memref<!tpu.dma_semaphore, #tpu.memory_space<semaphore_mem>>
          %dma_start3A_136 = arith.constant 0 : i32
          %dma_start3A_137 = tpu.memref_slice %arg5[%add3A_118, %dma_start3A_136] : memref<10128x128xf32, #tpu.memory_space<hbm>> -> memref<128x128xf32, #tpu.memory_space<hbm>>
          %dma_start3A_138 = arith.constant 0 : i32
          %dma_start3A_139 = tpu.memref_slice %arg11[%add3A_116, %dma_start3A_138] : memref<10128x128xf32, #tpu.memory_space<vmem_shared>> -> memref<128x128xf32, #tpu.memory_space<vmem_shared>>
          tpu.enqueue_dma source(%dma_start3A_139 : memref<128x128xf32, #tpu.memory_space<vmem_shared>>) target(%dma_start3A_137 : memref<128x128xf32, #tpu.memory_space<hbm>>) target_semaphore(%run_scoped3A_135 : memref<!tpu.dma_semaphore, #tpu.memory_space<semaphore_mem>>)
          %dma_wait3A_140 = arith.constant 0 : i32
          %dma_wait3A_141 = tpu.memref_slice %arg5[%add3A_118, %dma_wait3A_140] : memref<10128x128xf32, #tpu.memory_space<hbm>> -> memref<128x128xf32, #tpu.memory_space<hbm>>
          %dma_wait3A_142 = arith.constant 0 : i32
          %dma_wait3A_143 = tpu.memref_slice %arg11[%add3A_116, %dma_wait3A_142] : memref<10128x128xf32, #tpu.memory_space<vmem_shared>> -> memref<128x128xf32, #tpu.memory_space<vmem_shared>>
          tpu.wait_dma2 semaphore(%run_scoped3A_135 : memref<!tpu.dma_semaphore, #tpu.memory_space<semaphore_mem>>) src(%dma_wait3A_143 : memref<128x128xf32, #tpu.memory_space<vmem_shared>>) dst(%dma_wait3A_141 : memref<128x128xf32, #tpu.memory_space<hbm>>)
          tpu.yield
        }) : () -> ()
        %add3A_119 = arith.constant 128 : i32
        %add3A_120 = arith.addi %mul3A_4, %add3A_119 : i32
        %add3A_121 = arith.constant 128 : i32
        %add3A_122 = arith.addi %mul3A_4, %add3A_121 : i32
        "tpu.region"() ({
          %run_scoped3A_135 = tpu.sem_alloc : memref<!tpu.dma_semaphore, #tpu.memory_space<semaphore_mem>>
          %dma_start3A_136 = arith.constant 0 : i32
          %dma_start3A_137 = tpu.memref_slice %arg5[%add3A_122, %dma_start3A_136] : memref<10128x128xf32, #tpu.memory_space<hbm>> -> memref<128x128xf32, #tpu.memory_space<hbm>>
          %dma_start3A_138 = arith.constant 0 : i32
          %dma_start3A_139 = tpu.memref_slice %arg11[%add3A_120, %dma_start3A_138] : memref<10128x128xf32, #tpu.memory_space<vmem_shared>> -> memref<128x128xf32, #tpu.memory_space<vmem_shared>>
          tpu.enqueue_dma source(%dma_start3A_139 : memref<128x128xf32, #tpu.memory_space<vmem_shared>>) target(%dma_start3A_137 : memref<128x128xf32, #tpu.memory_space<hbm>>) target_semaphore(%run_scoped3A_135 : memref<!tpu.dma_semaphore, #tpu.memory_space<semaphore_mem>>)
          %dma_wait3A_140 = arith.constant 0 : i32
          %dma_wait3A_141 = tpu.memref_slice %arg5[%add3A_122, %dma_wait3A_140] : memref<10128x128xf32, #tpu.memory_space<hbm>> -> memref<128x128xf32, #tpu.memory_space<hbm>>
          %dma_wait3A_142 = arith.constant 0 : i32
          %dma_wait3A_143 = tpu.memref_slice %arg11[%add3A_120, %dma_wait3A_142] : memref<10128x128xf32, #tpu.memory_space<vmem_shared>> -> memref<128x128xf32, #tpu.memory_space<vmem_shared>>
          tpu.wait_dma2 semaphore(%run_scoped3A_135 : memref<!tpu.dma_semaphore, #tpu.memory_space<semaphore_mem>>) src(%dma_wait3A_143 : memref<128x128xf32, #tpu.memory_space<vmem_shared>>) dst(%dma_wait3A_141 : memref<128x128xf32, #tpu.memory_space<hbm>>)
          tpu.yield
        }) : () -> ()
        %add3A_123 = arith.constant 256 : i32
        %add3A_124 = arith.addi %mul3A_4, %add3A_123 : i32
        %add3A_125 = arith.constant 256 : i32
        %add3A_126 = arith.addi %mul3A_4, %add3A_125 : i32
        "tpu.region"() ({
          %run_scoped3A_135 = tpu.sem_alloc : memref<!tpu.dma_semaphore, #tpu.memory_space<semaphore_mem>>
          %dma_start3A_136 = arith.constant 0 : i32
          %dma_start3A_137 = tpu.memref_slice %arg5[%add3A_126, %dma_start3A_136] : memref<10128x128xf32, #tpu.memory_space<hbm>> -> memref<128x128xf32, #tpu.memory_space<hbm>>
          %dma_start3A_138 = arith.constant 0 : i32
          %dma_start3A_139 = tpu.memref_slice %arg11[%add3A_124, %dma_start3A_138] : memref<10128x128xf32, #tpu.memory_space<vmem_shared>> -> memref<128x128xf32, #tpu.memory_space<vmem_shared>>
          tpu.enqueue_dma source(%dma_start3A_139 : memref<128x128xf32, #tpu.memory_space<vmem_shared>>) target(%dma_start3A_137 : memref<128x128xf32, #tpu.memory_space<hbm>>) target_semaphore(%run_scoped3A_135 : memref<!tpu.dma_semaphore, #tpu.memory_space<semaphore_mem>>)
          %dma_wait3A_140 = arith.constant 0 : i32
          %dma_wait3A_141 = tpu.memref_slice %arg5[%add3A_126, %dma_wait3A_140] : memref<10128x128xf32, #tpu.memory_space<hbm>> -> memref<128x128xf32, #tpu.memory_space<hbm>>
          %dma_wait3A_142 = arith.constant 0 : i32
          %dma_wait3A_143 = tpu.memref_slice %arg11[%add3A_124, %dma_wait3A_142] : memref<10128x128xf32, #tpu.memory_space<vmem_shared>> -> memref<128x128xf32, #tpu.memory_space<vmem_shared>>
          tpu.wait_dma2 semaphore(%run_scoped3A_135 : memref<!tpu.dma_semaphore, #tpu.memory_space<semaphore_mem>>) src(%dma_wait3A_143 : memref<128x128xf32, #tpu.memory_space<vmem_shared>>) dst(%dma_wait3A_141 : memref<128x128xf32, #tpu.memory_space<hbm>>)
          tpu.yield
        }) : () -> ()
        %add3A_127 = arith.constant 384 : i32
        %add3A_128 = arith.addi %mul3A_4, %add3A_127 : i32
        %add3A_129 = arith.constant 384 : i32
        %add3A_130 = arith.addi %mul3A_4, %add3A_129 : i32
        "tpu.region"() ({
          %run_scoped3A_135 = tpu.sem_alloc : memref<!tpu.dma_semaphore, #tpu.memory_space<semaphore_mem>>
          %dma_start3A_136 = arith.constant 0 : i32
          %dma_start3A_137 = tpu.memref_slice %arg5[%add3A_130, %dma_start3A_136] : memref<10128x128xf32, #tpu.memory_space<hbm>> -> memref<128x128xf32, #tpu.memory_space<hbm>>
          %dma_start3A_138 = arith.constant 0 : i32
          %dma_start3A_139 = tpu.memref_slice %arg11[%add3A_128, %dma_start3A_138] : memref<10128x128xf32, #tpu.memory_space<vmem_shared>> -> memref<128x128xf32, #tpu.memory_space<vmem_shared>>
          tpu.enqueue_dma source(%dma_start3A_139 : memref<128x128xf32, #tpu.memory_space<vmem_shared>>) target(%dma_start3A_137 : memref<128x128xf32, #tpu.memory_space<hbm>>) target_semaphore(%run_scoped3A_135 : memref<!tpu.dma_semaphore, #tpu.memory_space<semaphore_mem>>)
          %dma_wait3A_140 = arith.constant 0 : i32
          %dma_wait3A_141 = tpu.memref_slice %arg5[%add3A_130, %dma_wait3A_140] : memref<10128x128xf32, #tpu.memory_space<hbm>> -> memref<128x128xf32, #tpu.memory_space<hbm>>
          %dma_wait3A_142 = arith.constant 0 : i32
          %dma_wait3A_143 = tpu.memref_slice %arg11[%add3A_128, %dma_wait3A_142] : memref<10128x128xf32, #tpu.memory_space<vmem_shared>> -> memref<128x128xf32, #tpu.memory_space<vmem_shared>>
          tpu.wait_dma2 semaphore(%run_scoped3A_135 : memref<!tpu.dma_semaphore, #tpu.memory_space<semaphore_mem>>) src(%dma_wait3A_143 : memref<128x128xf32, #tpu.memory_space<vmem_shared>>) dst(%dma_wait3A_141 : memref<128x128xf32, #tpu.memory_space<hbm>>)
          tpu.yield
        }) : () -> ()
        %add3A_131 = arith.constant 512 : i32
        %add3A_132 = arith.addi %mul3A_4, %add3A_131 : i32
        %add3A_133 = arith.constant 512 : i32
        %add3A_134 = arith.addi %mul3A_4, %add3A_133 : i32
        "tpu.region"() ({
          %run_scoped3A_135 = tpu.sem_alloc : memref<!tpu.dma_semaphore, #tpu.memory_space<semaphore_mem>>
          %dma_start3A_136 = arith.constant 0 : i32
          %dma_start3A_137 = tpu.memref_slice %arg5[%add3A_134, %dma_start3A_136] : memref<10128x128xf32, #tpu.memory_space<hbm>> -> memref<128x128xf32, #tpu.memory_space<hbm>>
          %dma_start3A_138 = arith.constant 0 : i32
          %dma_start3A_139 = tpu.memref_slice %arg11[%add3A_132, %dma_start3A_138] : memref<10128x128xf32, #tpu.memory_space<vmem_shared>> -> memref<128x128xf32, #tpu.memory_space<vmem_shared>>
          tpu.enqueue_dma source(%dma_start3A_139 : memref<128x128xf32, #tpu.memory_space<vmem_shared>>) target(%dma_start3A_137 : memref<128x128xf32, #tpu.memory_space<hbm>>) target_semaphore(%run_scoped3A_135 : memref<!tpu.dma_semaphore, #tpu.memory_space<semaphore_mem>>)
          %dma_wait3A_140 = arith.constant 0 : i32
          %dma_wait3A_141 = tpu.memref_slice %arg5[%add3A_134, %dma_wait3A_140] : memref<10128x128xf32, #tpu.memory_space<hbm>> -> memref<128x128xf32, #tpu.memory_space<hbm>>
          %dma_wait3A_142 = arith.constant 0 : i32
          %dma_wait3A_143 = tpu.memref_slice %arg11[%add3A_132, %dma_wait3A_142] : memref<10128x128xf32, #tpu.memory_space<vmem_shared>> -> memref<128x128xf32, #tpu.memory_space<vmem_shared>>
          tpu.wait_dma2 semaphore(%run_scoped3A_135 : memref<!tpu.dma_semaphore, #tpu.memory_space<semaphore_mem>>) src(%dma_wait3A_143 : memref<128x128xf32, #tpu.memory_space<vmem_shared>>) dst(%dma_wait3A_141 : memref<128x128xf32, #tpu.memory_space<hbm>>)
          tpu.yield
        }) : () -> ()
      } else {
      }
      %convert_element_type3A_112 = arith.extui %eq3A_5 : i1 to i32
      %cond3A_113 = arith.constant 0 : i32
      %cond3A_114 = arith.cmpi ne, %convert_element_type3A_112, %cond3A_113 : i32
      scf.if %cond3A_114 {
        %add3A_115 = arith.constant 0 : i32
        %add3A_116 = arith.addi %mul3A_4, %add3A_115 : i32
        %add3A_117 = arith.constant 0 : i32
        %add3A_118 = arith.addi %mul3A_4, %add3A_117 : i32
        "tpu.region"() ({
          %run_scoped3A_131 = tpu.sem_alloc : memref<!tpu.dma_semaphore, #tpu.memory_space<semaphore_mem>>
          %dma_start3A_132 = arith.constant 0 : i32
          %dma_start3A_133 = tpu.memref_slice %arg5[%add3A_118, %dma_start3A_132] : memref<10128x128xf32, #tpu.memory_space<hbm>> -> memref<128x128xf32, #tpu.memory_space<hbm>>
          %dma_start3A_134 = arith.constant 0 : i32
          %dma_start3A_135 = tpu.memref_slice %arg11[%add3A_116, %dma_start3A_134] : memref<10128x128xf32, #tpu.memory_space<vmem_shared>> -> memref<128x128xf32, #tpu.memory_space<vmem_shared>>
          tpu.enqueue_dma source(%dma_start3A_135 : memref<128x128xf32, #tpu.memory_space<vmem_shared>>) target(%dma_start3A_133 : memref<128x128xf32, #tpu.memory_space<hbm>>) target_semaphore(%run_scoped3A_131 : memref<!tpu.dma_semaphore, #tpu.memory_space<semaphore_mem>>)
          %dma_wait3A_136 = arith.constant 0 : i32
          %dma_wait3A_137 = tpu.memref_slice %arg5[%add3A_118, %dma_wait3A_136] : memref<10128x128xf32, #tpu.memory_space<hbm>> -> memref<128x128xf32, #tpu.memory_space<hbm>>
          %dma_wait3A_138 = arith.constant 0 : i32
          %dma_wait3A_139 = tpu.memref_slice %arg11[%add3A_116, %dma_wait3A_138] : memref<10128x128xf32, #tpu.memory_space<vmem_shared>> -> memref<128x128xf32, #tpu.memory_space<vmem_shared>>
          tpu.wait_dma2 semaphore(%run_scoped3A_131 : memref<!tpu.dma_semaphore, #tpu.memory_space<semaphore_mem>>) src(%dma_wait3A_139 : memref<128x128xf32, #tpu.memory_space<vmem_shared>>) dst(%dma_wait3A_137 : memref<128x128xf32, #tpu.memory_space<hbm>>)
          tpu.yield
        }) : () -> ()
        %add3A_119 = arith.constant 128 : i32
        %add3A_120 = arith.addi %mul3A_4, %add3A_119 : i32
        %add3A_121 = arith.constant 128 : i32
        %add3A_122 = arith.addi %mul3A_4, %add3A_121 : i32
        "tpu.region"() ({
          %run_scoped3A_131 = tpu.sem_alloc : memref<!tpu.dma_semaphore, #tpu.memory_space<semaphore_mem>>
          %dma_start3A_132 = arith.constant 0 : i32
          %dma_start3A_133 = tpu.memref_slice %arg5[%add3A_122, %dma_start3A_132] : memref<10128x128xf32, #tpu.memory_space<hbm>> -> memref<128x128xf32, #tpu.memory_space<hbm>>
          %dma_start3A_134 = arith.constant 0 : i32
          %dma_start3A_135 = tpu.memref_slice %arg11[%add3A_120, %dma_start3A_134] : memref<10128x128xf32, #tpu.memory_space<vmem_shared>> -> memref<128x128xf32, #tpu.memory_space<vmem_shared>>
          tpu.enqueue_dma source(%dma_start3A_135 : memref<128x128xf32, #tpu.memory_space<vmem_shared>>) target(%dma_start3A_133 : memref<128x128xf32, #tpu.memory_space<hbm>>) target_semaphore(%run_scoped3A_131 : memref<!tpu.dma_semaphore, #tpu.memory_space<semaphore_mem>>)
          %dma_wait3A_136 = arith.constant 0 : i32
          %dma_wait3A_137 = tpu.memref_slice %arg5[%add3A_122, %dma_wait3A_136] : memref<10128x128xf32, #tpu.memory_space<hbm>> -> memref<128x128xf32, #tpu.memory_space<hbm>>
          %dma_wait3A_138 = arith.constant 0 : i32
          %dma_wait3A_139 = tpu.memref_slice %arg11[%add3A_120, %dma_wait3A_138] : memref<10128x128xf32, #tpu.memory_space<vmem_shared>> -> memref<128x128xf32, #tpu.memory_space<vmem_shared>>
          tpu.wait_dma2 semaphore(%run_scoped3A_131 : memref<!tpu.dma_semaphore, #tpu.memory_space<semaphore_mem>>) src(%dma_wait3A_139 : memref<128x128xf32, #tpu.memory_space<vmem_shared>>) dst(%dma_wait3A_137 : memref<128x128xf32, #tpu.memory_space<hbm>>)
          tpu.yield
        }) : () -> ()
        %add3A_123 = arith.constant 256 : i32
        %add3A_124 = arith.addi %mul3A_4, %add3A_123 : i32
        %add3A_125 = arith.constant 256 : i32
        %add3A_126 = arith.addi %mul3A_4, %add3A_125 : i32
        "tpu.region"() ({
          %run_scoped3A_131 = tpu.sem_alloc : memref<!tpu.dma_semaphore, #tpu.memory_space<semaphore_mem>>
          %dma_start3A_132 = arith.constant 0 : i32
          %dma_start3A_133 = tpu.memref_slice %arg5[%add3A_126, %dma_start3A_132] : memref<10128x128xf32, #tpu.memory_space<hbm>> -> memref<128x128xf32, #tpu.memory_space<hbm>>
          %dma_start3A_134 = arith.constant 0 : i32
          %dma_start3A_135 = tpu.memref_slice %arg11[%add3A_124, %dma_start3A_134] : memref<10128x128xf32, #tpu.memory_space<vmem_shared>> -> memref<128x128xf32, #tpu.memory_space<vmem_shared>>
          tpu.enqueue_dma source(%dma_start3A_135 : memref<128x128xf32, #tpu.memory_space<vmem_shared>>) target(%dma_start3A_133 : memref<128x128xf32, #tpu.memory_space<hbm>>) target_semaphore(%run_scoped3A_131 : memref<!tpu.dma_semaphore, #tpu.memory_space<semaphore_mem>>)
          %dma_wait3A_136 = arith.constant 0 : i32
          %dma_wait3A_137 = tpu.memref_slice %arg5[%add3A_126, %dma_wait3A_136] : memref<10128x128xf32, #tpu.memory_space<hbm>> -> memref<128x128xf32, #tpu.memory_space<hbm>>
          %dma_wait3A_138 = arith.constant 0 : i32
          %dma_wait3A_139 = tpu.memref_slice %arg11[%add3A_124, %dma_wait3A_138] : memref<10128x128xf32, #tpu.memory_space<vmem_shared>> -> memref<128x128xf32, #tpu.memory_space<vmem_shared>>
          tpu.wait_dma2 semaphore(%run_scoped3A_131 : memref<!tpu.dma_semaphore, #tpu.memory_space<semaphore_mem>>) src(%dma_wait3A_139 : memref<128x128xf32, #tpu.memory_space<vmem_shared>>) dst(%dma_wait3A_137 : memref<128x128xf32, #tpu.memory_space<hbm>>)
          tpu.yield
        }) : () -> ()
        %add3A_127 = arith.constant 384 : i32
        %add3A_128 = arith.addi %mul3A_4, %add3A_127 : i32
        %add3A_129 = arith.constant 384 : i32
        %add3A_130 = arith.addi %mul3A_4, %add3A_129 : i32
        "tpu.region"() ({
          %run_scoped3A_131 = tpu.sem_alloc : memref<!tpu.dma_semaphore, #tpu.memory_space<semaphore_mem>>
          %dma_start3A_132 = arith.constant 0 : i32
          %dma_start3A_133 = tpu.memref_slice %arg5[%add3A_130, %dma_start3A_132] : memref<10128x128xf32, #tpu.memory_space<hbm>> -> memref<16x128xf32, #tpu.memory_space<hbm>>
          %dma_start3A_134 = arith.constant 0 : i32
          %dma_start3A_135 = tpu.memref_slice %arg11[%add3A_128, %dma_start3A_134] : memref<10128x128xf32, #tpu.memory_space<vmem_shared>> -> memref<16x128xf32, #tpu.memory_space<vmem_shared>>
          tpu.enqueue_dma source(%dma_start3A_135 : memref<16x128xf32, #tpu.memory_space<vmem_shared>>) target(%dma_start3A_133 : memref<16x128xf32, #tpu.memory_space<hbm>>) target_semaphore(%run_scoped3A_131 : memref<!tpu.dma_semaphore, #tpu.memory_space<semaphore_mem>>)
          %dma_wait3A_136 = arith.constant 0 : i32
          %dma_wait3A_137 = tpu.memref_slice %arg5[%add3A_130, %dma_wait3A_136] : memref<10128x128xf32, #tpu.memory_space<hbm>> -> memref<16x128xf32, #tpu.memory_space<hbm>>
          %dma_wait3A_138 = arith.constant 0 : i32
          %dma_wait3A_139 = tpu.memref_slice %arg11[%add3A_128, %dma_wait3A_138] : memref<10128x128xf32, #tpu.memory_space<vmem_shared>> -> memref<16x128xf32, #tpu.memory_space<vmem_shared>>
          tpu.wait_dma2 semaphore(%run_scoped3A_131 : memref<!tpu.dma_semaphore, #tpu.memory_space<semaphore_mem>>) src(%dma_wait3A_139 : memref<16x128xf32, #tpu.memory_space<vmem_shared>>) dst(%dma_wait3A_137 : memref<16x128xf32, #tpu.memory_space<hbm>>)
          tpu.yield
        }) : () -> ()
      } else {
      }
    } else {
    }
    %eq3A_102 = arith.constant 1 : i32
    %eq3A_103 = arith.cmpi eq, %arg0, %eq3A_102 : i32
    %convert_element_type3A_104 = arith.extui %eq3A_103 : i1 to i32
    %cond3A_105 = arith.constant 0 : i32
    %cond3A_106 = arith.cmpi ne, %convert_element_type3A_104, %cond3A_105 : i32
    scf.if %cond3A_106 {
      %not3A_107 = arith.constant true
      %not3A_108 = arith.xori %eq3A_5, %not3A_107 : i1
      %convert_element_type3A_109 = arith.extui %not3A_108 : i1 to i32
      %cond3A_110 = arith.constant 0 : i32
      %cond3A_111 = arith.cmpi ne, %convert_element_type3A_109, %cond3A_110 : i32
      scf.if %cond3A_111 {
        %add3A_115 = arith.constant 0 : i32
        %add3A_116 = arith.addi %mul3A_4, %add3A_115 : i32
        %add3A_117 = arith.constant 0 : i32
        %add3A_118 = arith.addi %mul3A_4, %add3A_117 : i32
        "tpu.region"() ({
          %run_scoped3A_135 = tpu.sem_alloc : memref<!tpu.dma_semaphore, #tpu.memory_space<semaphore_mem>>
          %dma_start3A_136 = arith.constant 0 : i32
          %dma_start3A_137 = tpu.memref_slice %arg6[%add3A_118, %dma_start3A_136] : memref<10128x128xf32, #tpu.memory_space<hbm>> -> memref<128x128xf32, #tpu.memory_space<hbm>>
          %dma_start3A_138 = arith.constant 0 : i32
          %dma_start3A_139 = tpu.memref_slice %arg11[%add3A_116, %dma_start3A_138] : memref<10128x128xf32, #tpu.memory_space<vmem_shared>> -> memref<128x128xf32, #tpu.memory_space<vmem_shared>>
          tpu.enqueue_dma source(%dma_start3A_139 : memref<128x128xf32, #tpu.memory_space<vmem_shared>>) target(%dma_start3A_137 : memref<128x128xf32, #tpu.memory_space<hbm>>) target_semaphore(%run_scoped3A_135 : memref<!tpu.dma_semaphore, #tpu.memory_space<semaphore_mem>>)
          %dma_wait3A_140 = arith.constant 0 : i32
          %dma_wait3A_141 = tpu.memref_slice %arg6[%add3A_118, %dma_wait3A_140] : memref<10128x128xf32, #tpu.memory_space<hbm>> -> memref<128x128xf32, #tpu.memory_space<hbm>>
          %dma_wait3A_142 = arith.constant 0 : i32
          %dma_wait3A_143 = tpu.memref_slice %arg11[%add3A_116, %dma_wait3A_142] : memref<10128x128xf32, #tpu.memory_space<vmem_shared>> -> memref<128x128xf32, #tpu.memory_space<vmem_shared>>
          tpu.wait_dma2 semaphore(%run_scoped3A_135 : memref<!tpu.dma_semaphore, #tpu.memory_space<semaphore_mem>>) src(%dma_wait3A_143 : memref<128x128xf32, #tpu.memory_space<vmem_shared>>) dst(%dma_wait3A_141 : memref<128x128xf32, #tpu.memory_space<hbm>>)
          tpu.yield
        }) : () -> ()
        %add3A_119 = arith.constant 128 : i32
        %add3A_120 = arith.addi %mul3A_4, %add3A_119 : i32
        %add3A_121 = arith.constant 128 : i32
        %add3A_122 = arith.addi %mul3A_4, %add3A_121 : i32
        "tpu.region"() ({
          %run_scoped3A_135 = tpu.sem_alloc : memref<!tpu.dma_semaphore, #tpu.memory_space<semaphore_mem>>
          %dma_start3A_136 = arith.constant 0 : i32
          %dma_start3A_137 = tpu.memref_slice %arg6[%add3A_122, %dma_start3A_136] : memref<10128x128xf32, #tpu.memory_space<hbm>> -> memref<128x128xf32, #tpu.memory_space<hbm>>
          %dma_start3A_138 = arith.constant 0 : i32
          %dma_start3A_139 = tpu.memref_slice %arg11[%add3A_120, %dma_start3A_138] : memref<10128x128xf32, #tpu.memory_space<vmem_shared>> -> memref<128x128xf32, #tpu.memory_space<vmem_shared>>
          tpu.enqueue_dma source(%dma_start3A_139 : memref<128x128xf32, #tpu.memory_space<vmem_shared>>) target(%dma_start3A_137 : memref<128x128xf32, #tpu.memory_space<hbm>>) target_semaphore(%run_scoped3A_135 : memref<!tpu.dma_semaphore, #tpu.memory_space<semaphore_mem>>)
          %dma_wait3A_140 = arith.constant 0 : i32
          %dma_wait3A_141 = tpu.memref_slice %arg6[%add3A_122, %dma_wait3A_140] : memref<10128x128xf32, #tpu.memory_space<hbm>> -> memref<128x128xf32, #tpu.memory_space<hbm>>
          %dma_wait3A_142 = arith.constant 0 : i32
          %dma_wait3A_143 = tpu.memref_slice %arg11[%add3A_120, %dma_wait3A_142] : memref<10128x128xf32, #tpu.memory_space<vmem_shared>> -> memref<128x128xf32, #tpu.memory_space<vmem_shared>>
          tpu.wait_dma2 semaphore(%run_scoped3A_135 : memref<!tpu.dma_semaphore, #tpu.memory_space<semaphore_mem>>) src(%dma_wait3A_143 : memref<128x128xf32, #tpu.memory_space<vmem_shared>>) dst(%dma_wait3A_141 : memref<128x128xf32, #tpu.memory_space<hbm>>)
          tpu.yield
        }) : () -> ()
        %add3A_123 = arith.constant 256 : i32
        %add3A_124 = arith.addi %mul3A_4, %add3A_123 : i32
        %add3A_125 = arith.constant 256 : i32
        %add3A_126 = arith.addi %mul3A_4, %add3A_125 : i32
        "tpu.region"() ({
          %run_scoped3A_135 = tpu.sem_alloc : memref<!tpu.dma_semaphore, #tpu.memory_space<semaphore_mem>>
          %dma_start3A_136 = arith.constant 0 : i32
          %dma_start3A_137 = tpu.memref_slice %arg6[%add3A_126, %dma_start3A_136] : memref<10128x128xf32, #tpu.memory_space<hbm>> -> memref<128x128xf32, #tpu.memory_space<hbm>>
          %dma_start3A_138 = arith.constant 0 : i32
          %dma_start3A_139 = tpu.memref_slice %arg11[%add3A_124, %dma_start3A_138] : memref<10128x128xf32, #tpu.memory_space<vmem_shared>> -> memref<128x128xf32, #tpu.memory_space<vmem_shared>>
          tpu.enqueue_dma source(%dma_start3A_139 : memref<128x128xf32, #tpu.memory_space<vmem_shared>>) target(%dma_start3A_137 : memref<128x128xf32, #tpu.memory_space<hbm>>) target_semaphore(%run_scoped3A_135 : memref<!tpu.dma_semaphore, #tpu.memory_space<semaphore_mem>>)
          %dma_wait3A_140 = arith.constant 0 : i32
          %dma_wait3A_141 = tpu.memref_slice %arg6[%add3A_126, %dma_wait3A_140] : memref<10128x128xf32, #tpu.memory_space<hbm>> -> memref<128x128xf32, #tpu.memory_space<hbm>>
          %dma_wait3A_142 = arith.constant 0 : i32
          %dma_wait3A_143 = tpu.memref_slice %arg11[%add3A_124, %dma_wait3A_142] : memref<10128x128xf32, #tpu.memory_space<vmem_shared>> -> memref<128x128xf32, #tpu.memory_space<vmem_shared>>
          tpu.wait_dma2 semaphore(%run_scoped3A_135 : memref<!tpu.dma_semaphore, #tpu.memory_space<semaphore_mem>>) src(%dma_wait3A_143 : memref<128x128xf32, #tpu.memory_space<vmem_shared>>) dst(%dma_wait3A_141 : memref<128x128xf32, #tpu.memory_space<hbm>>)
          tpu.yield
        }) : () -> ()
        %add3A_127 = arith.constant 384 : i32
        %add3A_128 = arith.addi %mul3A_4, %add3A_127 : i32
        %add3A_129 = arith.constant 384 : i32
        %add3A_130 = arith.addi %mul3A_4, %add3A_129 : i32
        "tpu.region"() ({
          %run_scoped3A_135 = tpu.sem_alloc : memref<!tpu.dma_semaphore, #tpu.memory_space<semaphore_mem>>
          %dma_start3A_136 = arith.constant 0 : i32
          %dma_start3A_137 = tpu.memref_slice %arg6[%add3A_130, %dma_start3A_136] : memref<10128x128xf32, #tpu.memory_space<hbm>> -> memref<128x128xf32, #tpu.memory_space<hbm>>
          %dma_start3A_138 = arith.constant 0 : i32
          %dma_start3A_139 = tpu.memref_slice %arg11[%add3A_128, %dma_start3A_138] : memref<10128x128xf32, #tpu.memory_space<vmem_shared>> -> memref<128x128xf32, #tpu.memory_space<vmem_shared>>
          tpu.enqueue_dma source(%dma_start3A_139 : memref<128x128xf32, #tpu.memory_space<vmem_shared>>) target(%dma_start3A_137 : memref<128x128xf32, #tpu.memory_space<hbm>>) target_semaphore(%run_scoped3A_135 : memref<!tpu.dma_semaphore, #tpu.memory_space<semaphore_mem>>)
          %dma_wait3A_140 = arith.constant 0 : i32
          %dma_wait3A_141 = tpu.memref_slice %arg6[%add3A_130, %dma_wait3A_140] : memref<10128x128xf32, #tpu.memory_space<hbm>> -> memref<128x128xf32, #tpu.memory_space<hbm>>
          %dma_wait3A_142 = arith.constant 0 : i32
          %dma_wait3A_143 = tpu.memref_slice %arg11[%add3A_128, %dma_wait3A_142] : memref<10128x128xf32, #tpu.memory_space<vmem_shared>> -> memref<128x128xf32, #tpu.memory_space<vmem_shared>>
          tpu.wait_dma2 semaphore(%run_scoped3A_135 : memref<!tpu.dma_semaphore, #tpu.memory_space<semaphore_mem>>) src(%dma_wait3A_143 : memref<128x128xf32, #tpu.memory_space<vmem_shared>>) dst(%dma_wait3A_141 : memref<128x128xf32, #tpu.memory_space<hbm>>)
          tpu.yield
        }) : () -> ()
        %add3A_131 = arith.constant 512 : i32
        %add3A_132 = arith.addi %mul3A_4, %add3A_131 : i32
        %add3A_133 = arith.constant 512 : i32
        %add3A_134 = arith.addi %mul3A_4, %add3A_133 : i32
        "tpu.region"() ({
          %run_scoped3A_135 = tpu.sem_alloc : memref<!tpu.dma_semaphore, #tpu.memory_space<semaphore_mem>>
          %dma_start3A_136 = arith.constant 0 : i32
          %dma_start3A_137 = tpu.memref_slice %arg6[%add3A_134, %dma_start3A_136] : memref<10128x128xf32, #tpu.memory_space<hbm>> -> memref<128x128xf32, #tpu.memory_space<hbm>>
          %dma_start3A_138 = arith.constant 0 : i32
          %dma_start3A_139 = tpu.memref_slice %arg11[%add3A_132, %dma_start3A_138] : memref<10128x128xf32, #tpu.memory_space<vmem_shared>> -> memref<128x128xf32, #tpu.memory_space<vmem_shared>>
          tpu.enqueue_dma source(%dma_start3A_139 : memref<128x128xf32, #tpu.memory_space<vmem_shared>>) target(%dma_start3A_137 : memref<128x128xf32, #tpu.memory_space<hbm>>) target_semaphore(%run_scoped3A_135 : memref<!tpu.dma_semaphore, #tpu.memory_space<semaphore_mem>>)
          %dma_wait3A_140 = arith.constant 0 : i32
          %dma_wait3A_141 = tpu.memref_slice %arg6[%add3A_134, %dma_wait3A_140] : memref<10128x128xf32, #tpu.memory_space<hbm>> -> memref<128x128xf32, #tpu.memory_space<hbm>>
          %dma_wait3A_142 = arith.constant 0 : i32
          %dma_wait3A_143 = tpu.memref_slice %arg11[%add3A_132, %dma_wait3A_142] : memref<10128x128xf32, #tpu.memory_space<vmem_shared>> -> memref<128x128xf32, #tpu.memory_space<vmem_shared>>
          tpu.wait_dma2 semaphore(%run_scoped3A_135 : memref<!tpu.dma_semaphore, #tpu.memory_space<semaphore_mem>>) src(%dma_wait3A_143 : memref<128x128xf32, #tpu.memory_space<vmem_shared>>) dst(%dma_wait3A_141 : memref<128x128xf32, #tpu.memory_space<hbm>>)
          tpu.yield
        }) : () -> ()
      } else {
      }
      %convert_element_type3A_112 = arith.extui %eq3A_5 : i1 to i32
      %cond3A_113 = arith.constant 0 : i32
      %cond3A_114 = arith.cmpi ne, %convert_element_type3A_112, %cond3A_113 : i32
      scf.if %cond3A_114 {
        %add3A_115 = arith.constant 0 : i32
        %add3A_116 = arith.addi %mul3A_4, %add3A_115 : i32
        %add3A_117 = arith.constant 0 : i32
        %add3A_118 = arith.addi %mul3A_4, %add3A_117 : i32
        "tpu.region"() ({
          %run_scoped3A_131 = tpu.sem_alloc : memref<!tpu.dma_semaphore, #tpu.memory_space<semaphore_mem>>
          %dma_start3A_132 = arith.constant 0 : i32
          %dma_start3A_133 = tpu.memref_slice %arg6[%add3A_118, %dma_start3A_132] : memref<10128x128xf32, #tpu.memory_space<hbm>> -> memref<128x128xf32, #tpu.memory_space<hbm>>
          %dma_start3A_134 = arith.constant 0 : i32
          %dma_start3A_135 = tpu.memref_slice %arg11[%add3A_116, %dma_start3A_134] : memref<10128x128xf32, #tpu.memory_space<vmem_shared>> -> memref<128x128xf32, #tpu.memory_space<vmem_shared>>
          tpu.enqueue_dma source(%dma_start3A_135 : memref<128x128xf32, #tpu.memory_space<vmem_shared>>) target(%dma_start3A_133 : memref<128x128xf32, #tpu.memory_space<hbm>>) target_semaphore(%run_scoped3A_131 : memref<!tpu.dma_semaphore, #tpu.memory_space<semaphore_mem>>)
          %dma_wait3A_136 = arith.constant 0 : i32
          %dma_wait3A_137 = tpu.memref_slice %arg6[%add3A_118, %dma_wait3A_136] : memref<10128x128xf32, #tpu.memory_space<hbm>> -> memref<128x128xf32, #tpu.memory_space<hbm>>
          %dma_wait3A_138 = arith.constant 0 : i32
          %dma_wait3A_139 = tpu.memref_slice %arg11[%add3A_116, %dma_wait3A_138] : memref<10128x128xf32, #tpu.memory_space<vmem_shared>> -> memref<128x128xf32, #tpu.memory_space<vmem_shared>>
          tpu.wait_dma2 semaphore(%run_scoped3A_131 : memref<!tpu.dma_semaphore, #tpu.memory_space<semaphore_mem>>) src(%dma_wait3A_139 : memref<128x128xf32, #tpu.memory_space<vmem_shared>>) dst(%dma_wait3A_137 : memref<128x128xf32, #tpu.memory_space<hbm>>)
          tpu.yield
        }) : () -> ()
        %add3A_119 = arith.constant 128 : i32
        %add3A_120 = arith.addi %mul3A_4, %add3A_119 : i32
        %add3A_121 = arith.constant 128 : i32
        %add3A_122 = arith.addi %mul3A_4, %add3A_121 : i32
        "tpu.region"() ({
          %run_scoped3A_131 = tpu.sem_alloc : memref<!tpu.dma_semaphore, #tpu.memory_space<semaphore_mem>>
          %dma_start3A_132 = arith.constant 0 : i32
          %dma_start3A_133 = tpu.memref_slice %arg6[%add3A_122, %dma_start3A_132] : memref<10128x128xf32, #tpu.memory_space<hbm>> -> memref<128x128xf32, #tpu.memory_space<hbm>>
          %dma_start3A_134 = arith.constant 0 : i32
          %dma_start3A_135 = tpu.memref_slice %arg11[%add3A_120, %dma_start3A_134] : memref<10128x128xf32, #tpu.memory_space<vmem_shared>> -> memref<128x128xf32, #tpu.memory_space<vmem_shared>>
          tpu.enqueue_dma source(%dma_start3A_135 : memref<128x128xf32, #tpu.memory_space<vmem_shared>>) target(%dma_start3A_133 : memref<128x128xf32, #tpu.memory_space<hbm>>) target_semaphore(%run_scoped3A_131 : memref<!tpu.dma_semaphore, #tpu.memory_space<semaphore_mem>>)
          %dma_wait3A_136 = arith.constant 0 : i32
          %dma_wait3A_137 = tpu.memref_slice %arg6[%add3A_122, %dma_wait3A_136] : memref<10128x128xf32, #tpu.memory_space<hbm>> -> memref<128x128xf32, #tpu.memory_space<hbm>>
          %dma_wait3A_138 = arith.constant 0 : i32
          %dma_wait3A_139 = tpu.memref_slice %arg11[%add3A_120, %dma_wait3A_138] : memref<10128x128xf32, #tpu.memory_space<vmem_shared>> -> memref<128x128xf32, #tpu.memory_space<vmem_shared>>
          tpu.wait_dma2 semaphore(%run_scoped3A_131 : memref<!tpu.dma_semaphore, #tpu.memory_space<semaphore_mem>>) src(%dma_wait3A_139 : memref<128x128xf32, #tpu.memory_space<vmem_shared>>) dst(%dma_wait3A_137 : memref<128x128xf32, #tpu.memory_space<hbm>>)
          tpu.yield
        }) : () -> ()
        %add3A_123 = arith.constant 256 : i32
        %add3A_124 = arith.addi %mul3A_4, %add3A_123 : i32
        %add3A_125 = arith.constant 256 : i32
        %add3A_126 = arith.addi %mul3A_4, %add3A_125 : i32
        "tpu.region"() ({
          %run_scoped3A_131 = tpu.sem_alloc : memref<!tpu.dma_semaphore, #tpu.memory_space<semaphore_mem>>
          %dma_start3A_132 = arith.constant 0 : i32
          %dma_start3A_133 = tpu.memref_slice %arg6[%add3A_126, %dma_start3A_132] : memref<10128x128xf32, #tpu.memory_space<hbm>> -> memref<128x128xf32, #tpu.memory_space<hbm>>
          %dma_start3A_134 = arith.constant 0 : i32
          %dma_start3A_135 = tpu.memref_slice %arg11[%add3A_124, %dma_start3A_134] : memref<10128x128xf32, #tpu.memory_space<vmem_shared>> -> memref<128x128xf32, #tpu.memory_space<vmem_shared>>
          tpu.enqueue_dma source(%dma_start3A_135 : memref<128x128xf32, #tpu.memory_space<vmem_shared>>) target(%dma_start3A_133 : memref<128x128xf32, #tpu.memory_space<hbm>>) target_semaphore(%run_scoped3A_131 : memref<!tpu.dma_semaphore, #tpu.memory_space<semaphore_mem>>)
          %dma_wait3A_136 = arith.constant 0 : i32
          %dma_wait3A_137 = tpu.memref_slice %arg6[%add3A_126, %dma_wait3A_136] : memref<10128x128xf32, #tpu.memory_space<hbm>> -> memref<128x128xf32, #tpu.memory_space<hbm>>
          %dma_wait3A_138 = arith.constant 0 : i32
          %dma_wait3A_139 = tpu.memref_slice %arg11[%add3A_124, %dma_wait3A_138] : memref<10128x128xf32, #tpu.memory_space<vmem_shared>> -> memref<128x128xf32, #tpu.memory_space<vmem_shared>>
          tpu.wait_dma2 semaphore(%run_scoped3A_131 : memref<!tpu.dma_semaphore, #tpu.memory_space<semaphore_mem>>) src(%dma_wait3A_139 : memref<128x128xf32, #tpu.memory_space<vmem_shared>>) dst(%dma_wait3A_137 : memref<128x128xf32, #tpu.memory_space<hbm>>)
          tpu.yield
        }) : () -> ()
        %add3A_127 = arith.constant 384 : i32
        %add3A_128 = arith.addi %mul3A_4, %add3A_127 : i32
        %add3A_129 = arith.constant 384 : i32
        %add3A_130 = arith.addi %mul3A_4, %add3A_129 : i32
        "tpu.region"() ({
          %run_scoped3A_131 = tpu.sem_alloc : memref<!tpu.dma_semaphore, #tpu.memory_space<semaphore_mem>>
          %dma_start3A_132 = arith.constant 0 : i32
          %dma_start3A_133 = tpu.memref_slice %arg6[%add3A_130, %dma_start3A_132] : memref<10128x128xf32, #tpu.memory_space<hbm>> -> memref<16x128xf32, #tpu.memory_space<hbm>>
          %dma_start3A_134 = arith.constant 0 : i32
          %dma_start3A_135 = tpu.memref_slice %arg11[%add3A_128, %dma_start3A_134] : memref<10128x128xf32, #tpu.memory_space<vmem_shared>> -> memref<16x128xf32, #tpu.memory_space<vmem_shared>>
          tpu.enqueue_dma source(%dma_start3A_135 : memref<16x128xf32, #tpu.memory_space<vmem_shared>>) target(%dma_start3A_133 : memref<16x128xf32, #tpu.memory_space<hbm>>) target_semaphore(%run_scoped3A_131 : memref<!tpu.dma_semaphore, #tpu.memory_space<semaphore_mem>>)
          %dma_wait3A_136 = arith.constant 0 : i32
          %dma_wait3A_137 = tpu.memref_slice %arg6[%add3A_130, %dma_wait3A_136] : memref<10128x128xf32, #tpu.memory_space<hbm>> -> memref<16x128xf32, #tpu.memory_space<hbm>>
          %dma_wait3A_138 = arith.constant 0 : i32
          %dma_wait3A_139 = tpu.memref_slice %arg11[%add3A_128, %dma_wait3A_138] : memref<10128x128xf32, #tpu.memory_space<vmem_shared>> -> memref<16x128xf32, #tpu.memory_space<vmem_shared>>
          tpu.wait_dma2 semaphore(%run_scoped3A_131 : memref<!tpu.dma_semaphore, #tpu.memory_space<semaphore_mem>>) src(%dma_wait3A_139 : memref<16x128xf32, #tpu.memory_space<vmem_shared>>) dst(%dma_wait3A_137 : memref<16x128xf32, #tpu.memory_space<hbm>>)
          tpu.yield
        }) : () -> ()
      } else {
      }
    } else {
    }
    return
  }
}

module attributes {stable_mosaic.version = 14 : i64} {
  func.func @_mm1_body(%arg0: i32, %arg1: memref<2000x128xf32, #tpu.memory_space<vmem>>, %arg2: memref<128x128xf32, #tpu.memory_space<vmem>>, %arg3: memref<2000x1xf32, #tpu.memory_space<vmem>>, %arg4: memref<2000x1xf32, #tpu.memory_space<vmem>>, %arg5: memref<2000x128xf32, #tpu.memory_space<vmem>>) attributes {dimension_semantics = [#tpu.dimension_semantics<arbitrary>], iteration_bounds = array<i64: 5>, scalar_prefetch = 0 : i64, scratch_operands = 0 : i64, tpu.core_type = #tpu.core_type<tc>, window_params = [{transform_indices = @transform_0, window_bounds = array<i64: 2000, 128>}, {pipeline_mode = #tpu.pipeline_mode<synchronous>, transform_indices = @transform_1, window_bounds = array<i64: 128, 128>}, {transform_indices = @transform_2, window_bounds = array<i64: 2000, 1>}, {transform_indices = @transform_3, window_bounds = array<i64: 2000, 1>}, {transform_indices = @transform_4, window_bounds = array<i64: 2000, 128>}]} {
    %get3A = arith.constant 0 : index
    %get3A_0 = arith.constant 0 : index
    %get3A_1 = vector.load %arg1[%get3A, %get3A_0] : memref<2000x128xf32, #tpu.memory_space<vmem>>, vector<2000x128xf32>
    %get3A_2 = arith.constant 0 : index
    %get3A_3 = arith.constant 0 : index
    %get3A_4 = vector.load %arg2[%get3A_2, %get3A_3] : memref<128x128xf32, #tpu.memory_space<vmem>>, vector<128x128xf32>
    %dot_general3A = arith.constant dense<0.000000e+00> : vector<2000x128xf32>
    %dot_general3A_5 = tpu.matmul %get3A_1, %get3A_4, %dot_general3A {dimension_numbers = #tpu.dot_dimension_numbers<[1], [0], [0], [1], [0, 0, 1, 1], [], []>, transpose_lhs_hint = false} : vector<2000x128xf32>, vector<128x128xf32>, vector<2000x128xf32> -> vector<2000x128xf32>
    %get3A_6 = arith.constant 0 : index
    %get3A_7 = arith.constant 0 : index
    %get3A_8 = vector.load %arg3[%get3A_6, %get3A_7] : memref<2000x1xf32, #tpu.memory_space<vmem>>, vector<2000x1xf32>
    %add3A = arith.constant 1.000000e+00 : f32
    %add3A_9 = vector.broadcast %add3A : f32 to vector<2000x1xf32>
    %add3A_10 = arith.addf %add3A_9, %get3A_8 : vector<2000x1xf32>
    %get3A_11 = arith.constant 0 : index
    %get3A_12 = arith.constant 0 : index
    %get3A_13 = vector.load %arg4[%get3A_11, %get3A_12] : memref<2000x1xf32, #tpu.memory_space<vmem>>, vector<2000x1xf32>
    %add3A_14 = arith.addf %add3A_10, %get3A_13 : vector<2000x1xf32>
    %rsqrt3A = math.rsqrt %add3A_14 : vector<2000x1xf32>
    %mul3A = vector.broadcast %rsqrt3A : vector<2000x1xf32> to vector<2000x128xf32>
    %mul3A_15 = arith.mulf %dot_general3A_5, %mul3A : vector<2000x128xf32>
    %swap3A = arith.constant 0 : index
    %swap3A_16 = arith.constant 0 : index
    %swap3A_17 = vector.load %arg5[%swap3A, %swap3A_16] : memref<2000x128xf32, #tpu.memory_space<vmem>>, vector<2000x128xf32>
    tpu.vector_store %arg5[%swap3A, %swap3A_16], %mul3A_15 {strides = array<i32>} : memref<2000x128xf32, #tpu.memory_space<vmem>>, vector<2000x128xf32>,
    return
  }
  func.func @transform_0(%arg0: i32) -> (i32, i32) {
    %c0_i32 = arith.constant 0 : i32
    %c0_i32_0 = arith.constant 0 : i32
    return %arg0, %c0_i32 : i32, i32
  }
  func.func @transform_1(%arg0: i32) -> (i32, i32) {
    %c0_i32 = arith.constant 0 : i32
    %c0_i32_0 = arith.constant 0 : i32
    %c0_i32_1 = arith.constant 0 : i32
    return %c0_i32, %c0_i32_0 : i32, i32
  }
  func.func @transform_2(%arg0: i32) -> (i32, i32) {
    %c0_i32 = arith.constant 0 : i32
    %c0_i32_0 = arith.constant 0 : i32
    return %arg0, %c0_i32 : i32, i32
  }
  func.func @transform_3(%arg0: i32) -> (i32, i32) {
    %c0_i32 = arith.constant 0 : i32
    %c0_i32_0 = arith.constant 0 : i32
    return %arg0, %c0_i32 : i32, i32
  }
  func.func @transform_4(%arg0: i32) -> (i32, i32) {
    %c0_i32 = arith.constant 0 : i32
    %c0_i32_0 = arith.constant 0 : i32
    return %arg0, %c0_i32 : i32, i32
  }
}

module attributes {stable_mosaic.version = 14 : i64} {
  func.func @_mm2_body(%arg0: i32, %arg1: memref<2000x128xf32, #tpu.memory_space<vmem>>, %arg2: memref<2000x128xf32, #tpu.memory_space<vmem>>, %arg3: memref<2000x128xf32, #tpu.memory_space<vmem>>, %arg4: memref<2000x1xf32, #tpu.memory_space<vmem>>, %arg5: memref<2000x1xf32, #tpu.memory_space<vmem>>, %arg6: memref<1x128xf32, #tpu.memory_space<vmem>>, %arg7: memref<128x128xf32, #tpu.memory_space<vmem>>, %arg8: memref<2000x128xf32, #tpu.memory_space<vmem>>) attributes {dimension_semantics = [#tpu.dimension_semantics<arbitrary>], iteration_bounds = array<i64: 5>, scalar_prefetch = 0 : i64, scratch_operands = 0 : i64, tpu.core_type = #tpu.core_type<tc>, window_params = [{transform_indices = @transform_0, window_bounds = array<i64: 2000, 128>}, {transform_indices = @transform_1, window_bounds = array<i64: 2000, 128>}, {transform_indices = @transform_2, window_bounds = array<i64: 2000, 128>}, {transform_indices = @transform_3, window_bounds = array<i64: 2000, 1>}, {transform_indices = @transform_4, window_bounds = array<i64: 2000, 1>}, {pipeline_mode = #tpu.pipeline_mode<synchronous>, transform_indices = @transform_5, window_bounds = array<i64: 1, 128>}, {pipeline_mode = #tpu.pipeline_mode<synchronous>, transform_indices = @transform_6, window_bounds = array<i64: 128, 128>}, {transform_indices = @transform_7, window_bounds = array<i64: 2000, 128>}]} {
    %get3A = arith.constant 0 : index
    %get3A_0 = arith.constant 0 : index
    %get3A_1 = vector.load %arg4[%get3A, %get3A_0] : memref<2000x1xf32, #tpu.memory_space<vmem>>, vector<2000x1xf32>
    %add3A = arith.constant 1.000000e+00 : f32
    %add3A_2 = vector.broadcast %add3A : f32 to vector<2000x1xf32>
    %add3A_3 = arith.addf %add3A_2, %get3A_1 : vector<2000x1xf32>
    %get3A_4 = arith.constant 0 : index
    %get3A_5 = arith.constant 0 : index
    %get3A_6 = vector.load %arg5[%get3A_4, %get3A_5] : memref<2000x1xf32, #tpu.memory_space<vmem>>, vector<2000x1xf32>
    %add3A_7 = arith.addf %add3A_3, %get3A_6 : vector<2000x1xf32>
    %rsqrt3A = math.rsqrt %add3A_7 : vector<2000x1xf32>
    %get3A_8 = arith.constant 0 : index
    %get3A_9 = arith.constant 0 : index
    %get3A_10 = vector.load %arg1[%get3A_8, %get3A_9] : memref<2000x128xf32, #tpu.memory_space<vmem>>, vector<2000x128xf32>
    %get3A_11 = arith.constant 0 : index
    %get3A_12 = arith.constant 0 : index
    %get3A_13 = vector.load %arg2[%get3A_11, %get3A_12] : memref<2000x128xf32, #tpu.memory_space<vmem>>, vector<2000x128xf32>
    %add3A_14 = arith.addf %get3A_10, %get3A_13 : vector<2000x128xf32>
    %get3A_15 = arith.constant 0 : index
    %get3A_16 = arith.constant 0 : index
    %get3A_17 = vector.load %arg3[%get3A_15, %get3A_16] : memref<2000x128xf32, #tpu.memory_space<vmem>>, vector<2000x128xf32>
    %add3A_18 = arith.addf %add3A_14, %get3A_17 : vector<2000x128xf32>
    %mul3A = vector.broadcast %rsqrt3A : vector<2000x1xf32> to vector<2000x128xf32>
    %mul3A_19 = arith.mulf %mul3A, %add3A_18 : vector<2000x128xf32>
    %get3A_20 = arith.constant 0 : index
    %get3A_21 = arith.constant 0 : index
    %get3A_22 = vector.load %arg6[%get3A_20, %get3A_21] : memref<1x128xf32, #tpu.memory_space<vmem>>, vector<1x128xf32>
    %add3A_23 = vector.broadcast %get3A_22 : vector<1x128xf32> to vector<2000x128xf32>
    %add3A_24 = arith.addf %mul3A_19, %add3A_23 : vector<2000x128xf32>
    %max3A = arith.constant 0.000000e+00 : f32
    %max3A_25 = vector.broadcast %max3A : f32 to vector<2000x128xf32>
    %max3A_26 = arith.maximumf %add3A_24, %max3A_25 : vector<2000x128xf32>
    %get3A_27 = arith.constant 0 : index
    %get3A_28 = arith.constant 0 : index
    %get3A_29 = vector.load %arg7[%get3A_27, %get3A_28] : memref<128x128xf32, #tpu.memory_space<vmem>>, vector<128x128xf32>
    %dot_general3A = arith.constant dense<0.000000e+00> : vector<2000x128xf32>
    %dot_general3A_30 = tpu.matmul %max3A_26, %get3A_29, %dot_general3A {dimension_numbers = #tpu.dot_dimension_numbers<[1], [0], [0], [1], [0, 0, 1, 1], [], []>, transpose_lhs_hint = false} : vector<2000x128xf32>, vector<128x128xf32>, vector<2000x128xf32> -> vector<2000x128xf32>
    %mul3A_31 = vector.broadcast %rsqrt3A : vector<2000x1xf32> to vector<2000x128xf32>
    %mul3A_32 = arith.mulf %dot_general3A_30, %mul3A_31 : vector<2000x128xf32>
    %swap3A = arith.constant 0 : index
    %swap3A_33 = arith.constant 0 : index
    %swap3A_34 = vector.load %arg8[%swap3A, %swap3A_33] : memref<2000x128xf32, #tpu.memory_space<vmem>>, vector<2000x128xf32>
    tpu.vector_store %arg8[%swap3A, %swap3A_33], %mul3A_32 {strides = array<i32>} : memref<2000x128xf32, #tpu.memory_space<vmem>>, vector<2000x128xf32>,
    return
  }
  func.func @transform_0(%arg0: i32) -> (i32, i32) {
    %c0_i32 = arith.constant 0 : i32
    %c0_i32_0 = arith.constant 0 : i32
    return %arg0, %c0_i32 : i32, i32
  }
  func.func @transform_1(%arg0: i32) -> (i32, i32) {
    %c0_i32 = arith.constant 0 : i32
    %c0_i32_0 = arith.constant 0 : i32
    return %arg0, %c0_i32 : i32, i32
  }
  func.func @transform_2(%arg0: i32) -> (i32, i32) {
    %c0_i32 = arith.constant 0 : i32
    %c0_i32_0 = arith.constant 0 : i32
    return %arg0, %c0_i32 : i32, i32
  }
  func.func @transform_3(%arg0: i32) -> (i32, i32) {
    %c0_i32 = arith.constant 0 : i32
    %c0_i32_0 = arith.constant 0 : i32
    return %arg0, %c0_i32 : i32, i32
  }
  func.func @transform_4(%arg0: i32) -> (i32, i32) {
    %c0_i32 = arith.constant 0 : i32
    %c0_i32_0 = arith.constant 0 : i32
    return %arg0, %c0_i32 : i32, i32
  }
  func.func @transform_5(%arg0: i32) -> (i32, i32) {
    %c0_i32 = arith.constant 0 : i32
    %c0_i32_0 = arith.constant 0 : i32
    %c0_i32_1 = arith.constant 0 : i32
    return %c0_i32, %c0_i32_0 : i32, i32
  }
  func.func @transform_6(%arg0: i32) -> (i32, i32) {
    %c0_i32 = arith.constant 0 : i32
    %c0_i32_0 = arith.constant 0 : i32
    %c0_i32_1 = arith.constant 0 : i32
    return %c0_i32, %c0_i32_0 : i32, i32
  }
  func.func @transform_7(%arg0: i32) -> (i32, i32) {
    %c0_i32 = arith.constant 0 : i32
    %c0_i32_0 = arith.constant 0 : i32
    return %arg0, %c0_i32 : i32, i32
  }
}

module attributes {stable_mosaic.version = 14 : i64} {
  func.func @_head_body(%arg0: i32, %arg1: memref<2000x128xf32, #tpu.memory_space<vmem>>, %arg2: memref<2000x128xf32, #tpu.memory_space<vmem>>, %arg3: memref<2000x128xf32, #tpu.memory_space<vmem>>, %arg4: memref<2000x1xf32, #tpu.memory_space<vmem>>, %arg5: memref<2000x1xf32, #tpu.memory_space<vmem>>, %arg6: memref<1x128xf32, #tpu.memory_space<vmem>>, %arg7: memref<128x32xf32, #tpu.memory_space<vmem>>, %arg8: memref<1x32xf32, #tpu.memory_space<vmem>>, %arg9: memref<32x1xf32, #tpu.memory_space<vmem>>, %arg10: memref<1x1xf32, #tpu.memory_space<vmem>>, %arg11: memref<2000x1xf32, #tpu.memory_space<vmem>>) attributes {dimension_semantics = [#tpu.dimension_semantics<arbitrary>], iteration_bounds = array<i64: 5>, scalar_prefetch = 0 : i64, scratch_operands = 0 : i64, tpu.core_type = #tpu.core_type<tc>, window_params = [{transform_indices = @transform_0, window_bounds = array<i64: 2000, 128>}, {transform_indices = @transform_1, window_bounds = array<i64: 2000, 128>}, {transform_indices = @transform_2, window_bounds = array<i64: 2000, 128>}, {transform_indices = @transform_3, window_bounds = array<i64: 2000, 1>}, {transform_indices = @transform_4, window_bounds = array<i64: 2000, 1>}, {pipeline_mode = #tpu.pipeline_mode<synchronous>, transform_indices = @transform_5, window_bounds = array<i64: 1, 128>}, {pipeline_mode = #tpu.pipeline_mode<synchronous>, transform_indices = @transform_6, window_bounds = array<i64: 128, 32>}, {pipeline_mode = #tpu.pipeline_mode<synchronous>, transform_indices = @transform_7, window_bounds = array<i64: 1, 32>}, {pipeline_mode = #tpu.pipeline_mode<synchronous>, transform_indices = @transform_8, window_bounds = array<i64: 32, 1>}, {pipeline_mode = #tpu.pipeline_mode<synchronous>, transform_indices = @transform_9, window_bounds = array<i64: 1, 1>}, {transform_indices = @transform_10, window_bounds = array<i64: 2000, 1>}]} {
    %get3A = arith.constant 0 : index
    %get3A_0 = arith.constant 0 : index
    %get3A_1 = vector.load %arg4[%get3A, %get3A_0] : memref<2000x1xf32, #tpu.memory_space<vmem>>, vector<2000x1xf32>
    %add3A = arith.constant 1.000000e+00 : f32
    %add3A_2 = vector.broadcast %add3A : f32 to vector<2000x1xf32>
    %add3A_3 = arith.addf %add3A_2, %get3A_1 : vector<2000x1xf32>
    %get3A_4 = arith.constant 0 : index
    %get3A_5 = arith.constant 0 : index
    %get3A_6 = vector.load %arg5[%get3A_4, %get3A_5] : memref<2000x1xf32, #tpu.memory_space<vmem>>, vector<2000x1xf32>
    %add3A_7 = arith.addf %add3A_3, %get3A_6 : vector<2000x1xf32>
    %rsqrt3A = math.rsqrt %add3A_7 : vector<2000x1xf32>
    %get3A_8 = arith.constant 0 : index
    %get3A_9 = arith.constant 0 : index
    %get3A_10 = vector.load %arg1[%get3A_8, %get3A_9] : memref<2000x128xf32, #tpu.memory_space<vmem>>, vector<2000x128xf32>
    %get3A_11 = arith.constant 0 : index
    %get3A_12 = arith.constant 0 : index
    %get3A_13 = vector.load %arg2[%get3A_11, %get3A_12] : memref<2000x128xf32, #tpu.memory_space<vmem>>, vector<2000x128xf32>
    %add3A_14 = arith.addf %get3A_10, %get3A_13 : vector<2000x128xf32>
    %get3A_15 = arith.constant 0 : index
    %get3A_16 = arith.constant 0 : index
    %get3A_17 = vector.load %arg3[%get3A_15, %get3A_16] : memref<2000x128xf32, #tpu.memory_space<vmem>>, vector<2000x128xf32>
    %add3A_18 = arith.addf %add3A_14, %get3A_17 : vector<2000x128xf32>
    %mul3A = vector.broadcast %rsqrt3A : vector<2000x1xf32> to vector<2000x128xf32>
    %mul3A_19 = arith.mulf %mul3A, %add3A_18 : vector<2000x128xf32>
    %get3A_20 = arith.constant 0 : index
    %get3A_21 = arith.constant 0 : index
    %get3A_22 = vector.load %arg6[%get3A_20, %get3A_21] : memref<1x128xf32, #tpu.memory_space<vmem>>, vector<1x128xf32>
    %add3A_23 = vector.broadcast %get3A_22 : vector<1x128xf32> to vector<2000x128xf32>
    %add3A_24 = arith.addf %mul3A_19, %add3A_23 : vector<2000x128xf32>
    %max3A = arith.constant 0.000000e+00 : f32
    %max3A_25 = vector.broadcast %max3A : f32 to vector<2000x128xf32>
    %max3A_26 = arith.maximumf %add3A_24, %max3A_25 : vector<2000x128xf32>
    %get3A_27 = arith.constant 0 : index
    %get3A_28 = arith.constant 0 : index
    %get3A_29 = vector.load %arg7[%get3A_27, %get3A_28] : memref<128x32xf32, #tpu.memory_space<vmem>>, vector<128x32xf32>
    %dot_general3A = arith.constant dense<0.000000e+00> : vector<2000x32xf32>
    %dot_general3A_30 = tpu.matmul %max3A_26, %get3A_29, %dot_general3A {dimension_numbers = #tpu.dot_dimension_numbers<[1], [0], [0], [1], [0, 0, 1, 1], [], []>, transpose_lhs_hint = false} : vector<2000x128xf32>, vector<128x32xf32>, vector<2000x32xf32> -> vector<2000x32xf32>
    %get3A_31 = arith.constant 0 : index
    %get3A_32 = arith.constant 0 : index
    %get3A_33 = vector.load %arg8[%get3A_31, %get3A_32] : memref<1x32xf32, #tpu.memory_space<vmem>>, vector<1x32xf32>
    %add3A_34 = vector.broadcast %get3A_33 : vector<1x32xf32> to vector<2000x32xf32>
    %add3A_35 = arith.addf %dot_general3A_30, %add3A_34 : vector<2000x32xf32>
    %max3A_36 = arith.constant 0.000000e+00 : f32
    %max3A_37 = vector.broadcast %max3A_36 : f32 to vector<2000x32xf32>
    %max3A_38 = arith.maximumf %add3A_35, %max3A_37 : vector<2000x32xf32>
    %get3A_39 = arith.constant 0 : index
    %get3A_40 = arith.constant 0 : index
    %get3A_41 = vector.load %arg9[%get3A_39, %get3A_40] : memref<32x1xf32, #tpu.memory_space<vmem>>, vector<32x1xf32>
    %dot_general3A_42 = arith.constant dense<0.000000e+00> : vector<2000x1xf32>
    %dot_general3A_43 = tpu.matmul %max3A_38, %get3A_41, %dot_general3A_42 {dimension_numbers = #tpu.dot_dimension_numbers<[1], [0], [0], [1], [0, 0, 1, 1], [], []>, transpose_lhs_hint = false} : vector<2000x32xf32>, vector<32x1xf32>, vector<2000x1xf32> -> vector<2000x1xf32>
    %get3A_44 = arith.constant 0 : index
    %get3A_45 = arith.constant 0 : index
    %get3A_46 = vector.load %arg10[%get3A_44, %get3A_45] : memref<1x1xf32, #tpu.memory_space<vmem>>, vector<1x1xf32>
    %add3A_47 = vector.broadcast %get3A_46 : vector<1x1xf32> to vector<2000x1xf32>
    %add3A_48 = arith.addf %dot_general3A_43, %add3A_47 : vector<2000x1xf32>
    %swap3A = arith.constant 0 : index
    %swap3A_49 = arith.constant 0 : index
    %swap3A_50 = vector.load %arg11[%swap3A, %swap3A_49] : memref<2000x1xf32, #tpu.memory_space<vmem>>, vector<2000x1xf32>
    tpu.vector_store %arg11[%swap3A, %swap3A_49], %add3A_48 {strides = array<i32>} : memref<2000x1xf32, #tpu.memory_space<vmem>>, vector<2000x1xf32>,
    return
  }
  func.func @transform_0(%arg0: i32) -> (i32, i32) {
    %c0_i32 = arith.constant 0 : i32
    %c0_i32_0 = arith.constant 0 : i32
    return %arg0, %c0_i32 : i32, i32
  }
  func.func @transform_1(%arg0: i32) -> (i32, i32) {
    %c0_i32 = arith.constant 0 : i32
    %c0_i32_0 = arith.constant 0 : i32
    return %arg0, %c0_i32 : i32, i32
  }
  func.func @transform_2(%arg0: i32) -> (i32, i32) {
    %c0_i32 = arith.constant 0 : i32
    %c0_i32_0 = arith.constant 0 : i32
    return %arg0, %c0_i32 : i32, i32
  }
  func.func @transform_3(%arg0: i32) -> (i32, i32) {
    %c0_i32 = arith.constant 0 : i32
    %c0_i32_0 = arith.constant 0 : i32
    return %arg0, %c0_i32 : i32, i32
  }
  func.func @transform_4(%arg0: i32) -> (i32, i32) {
    %c0_i32 = arith.constant 0 : i32
    %c0_i32_0 = arith.constant 0 : i32
    return %arg0, %c0_i32 : i32, i32
  }
  func.func @transform_5(%arg0: i32) -> (i32, i32) {
    %c0_i32 = arith.constant 0 : i32
    %c0_i32_0 = arith.constant 0 : i32
    %c0_i32_1 = arith.constant 0 : i32
    return %c0_i32, %c0_i32_0 : i32, i32
  }
  func.func @transform_6(%arg0: i32) -> (i32, i32) {
    %c0_i32 = arith.constant 0 : i32
    %c0_i32_0 = arith.constant 0 : i32
    %c0_i32_1 = arith.constant 0 : i32
    return %c0_i32, %c0_i32_0 : i32, i32
  }
  func.func @transform_7(%arg0: i32) -> (i32, i32) {
    %c0_i32 = arith.constant 0 : i32
    %c0_i32_0 = arith.constant 0 : i32
    %c0_i32_1 = arith.constant 0 : i32
    return %c0_i32, %c0_i32_0 : i32, i32
  }
  func.func @transform_8(%arg0: i32) -> (i32, i32) {
    %c0_i32 = arith.constant 0 : i32
    %c0_i32_0 = arith.constant 0 : i32
    %c0_i32_1 = arith.constant 0 : i32
    return %c0_i32, %c0_i32_0 : i32, i32
  }
  func.func @transform_9(%arg0: i32) -> (i32, i32) {
    %c0_i32 = arith.constant 0 : i32
    %c0_i32_0 = arith.constant 0 : i32
    %c0_i32_1 = arith.constant 0 : i32
    return %c0_i32, %c0_i32_0 : i32, i32
  }
  func.func @transform_10(%arg0: i32) -> (i32, i32) {
    %c0_i32 = arith.constant 0 : i32
    %c0_i32_0 = arith.constant 0 : i32
    return %arg0, %c0_i32 : i32, i32
  }
}

</mosaic_0001>

<sc_bundles>
// kernel: kernel.11.cloned.1.call-start
scs
__scs_entry_jumppad:
0x0: {  	(pc) =	sbr.rel $0x88, $3  }
0x1: {  	(tag) =	ssettag $0x0;
	lr =	simm.s32 $0x1  }
0x2: {  	[smem:$0x3F97] =	sst lr;
	_ =	strace $0xD0000000  }
0x3: {  	_ = 	snop  }
0x4: {  	_ = 	snop  }
0x5: {  	_ = 	snop  }
0x6: {  	_ = 	snop  }
0x7: {  	_ = 	snop  }
__scs_overlays_trampoline_lowered:
0x8: {  	[smem:$0x3FA6] =	sst s0  }
0x9: {  	[smem:$0x3FA7] =	sst s1  }
0xa: {  	[smem:$0x3FA8] =	sst s2  }
0xb: {  	[smem:$0x3FA9] =	sst s3  }
0xc: {  	[smem:$0x3FAA] =	sst s4  }
0xd: {  	[smem:$0x3FAB] =	sst s5  }
0xe: {  	[smem:$0x3FAC] =	sst s6  }
0xf: {  	[smem:$0x3FAD] =	sst s7  }
0x10: {  	[smem:$0x3FAE] =	sst s8  }
0x11: {  	[smem:$0x3FAF] =	sst s9;
	s0 =	simm.s32 @!p0 $0x0  }
0x12: {  	s1 =	sld [smem:$0x3F95];
	s0 =	simm.s32 @p0 $0x1  }
0x13: {  	[smem:$0x3FB0] =	sst s0;
	s0 =	simm.s32 @!p1 $0x0  }
0x14: {  	s2 =	sld [smem:$0x3F94];
	s0 =	simm.s32 @p1 $0x1  }
0x15: {  	[smem:$0x3FB1] =	sst s0;
	s0 =	simm.s32 @!p2 $0x0  }
0x16: {  	s3 =	sld [smem:$0x3FDB];
	s0 =	simm.s32 @p2 $0x1  }
0x17: {  	s4 =	simm.s32 $0x1BF5;
	[smem:$0x3FB3] =	sst s0  }
0x18: {  	s0 =	sld [smem:$0x3F96];
	_ =	swait.ge [sflag:s4], $0x0  }
0x19: {  	s7 =	sld [smem:$0x3F97]  }
0x1a: {  	s8 =	sadd.s32 $0xFFFFE003, lr  }
0x1b: {  	s9 =	sadd.s32 $0xFFFFFEF7, lr;
	s5 =	simm.s32 $0xFFFFFFFF;
	p2 =	slt.u32 s8, $0xFFFFF086  }
0x1c: {  	p1 =	slt.u32 s9, $0xF7A;
	s5 =	simm.s32 @!p2 $0x0  }
0x1d: {  	s5 =	simm.s32 @p1 $0x1;
	p0 =	seq.s32 s7, s2  }
0x1e: {  	s7 =	smul.u32 @!p0 $0xF7A, s2;
	p2 =	seq.s32 @!p0 s5, $0x0  }
0x1f: {  	s9 =	smul.u32 $0xF7A, s1;
	s8 =	simm.s32 @!p0 $0x1BF5;
	p2 =	por !p2, p0  }
0x20: {  	[sflag:s8] =	ssyncset.s32 @!p0 $0xFFFFF086;
	s6 =	sadd.s32 @!p0 s3, s7;
	s7 =	simm.s32 @!p0 $0x108  }
0x21: {  	s3 =	sadd.s32 s3, s9;
	s6 =	sadd.s32 @!p0 $0x88, s6;
	s7 =	simm.s32 @p2 $0x1082  }
0x22: {  	[simem:s7], [sflag:s8] =	dma.local @!p0 [hbm:s6], $0xF7A  }
0x23: {  	s9 =	sor.u32 $0xD0000000, s2;
	s6 =	simm.s32 $0x108;
	_ =	swait.ge @!p0 [sflag:s8], $0x0  }
0x24: {  	s3 =	sadd.s32 $0x88, s3;
	s6 =	simm.s32 @!p1 $0x1082;
	[sflag:s4] =	ssyncset.s32 $0xFFFFF086  }
0x25: {  	[simem:s6], [sflag:s4] =	dma.local [hbm:s3], $0xF7A  }
0x26: {  	[smem:$0x3F97] =	sst s1;
	(tag) =	ssettag s2;
	_ =	strace s9  }
0x27: {  	s1 =	sld [smem:$0x3FA7]  }
0x28: {  	s2 =	sld [smem:$0x3FA8]  }
0x29: {  	s4 =	sld [smem:$0x3FAA]  }
0x2a: {  	p0 =	seq.s32 s5, $0x0;
	s5 =	sld [smem:$0x3FAB]  }
0x2b: {  	s6 =	sld [smem:$0x3FAC]  }
0x2c: {  	s7 =	sld [smem:$0x3FAD]  }
0x2d: {  	s3 =	simm.s32 $0x108;
	s8 =	sld [smem:$0x3FAE]  }
0x2e: {  	s3 =	simm.s32 @!p0 $0x1082;
	s9 =	sld [smem:$0x3FAF]  }
0x2f: {  	lr =	sadd.s32 s0, s3;
	s0 =	sld [smem:$0x3FA6]  }
0x30: {  	s3 =	sld [smem:$0x3FA9]  }
0x31: {  	[smem:$0x3FB2] =	sst s10  }
0x32: {  	s10 =	sld [smem:$0x3FB0];
	_ =	sdelay $0x3  }
0x33: {  	p0 =	seq.s32 s10, $0x1;
	s10 =	sld [smem:$0x3FB2];
	_ =	sdelay $0x3  }
0x34: {  	[smem:$0x3FB2] =	sst s10  }
0x35: {  	s10 =	sld [smem:$0x3FB1];
	_ =	sdelay $0x3  }
0x36: {  	p1 =	seq.s32 s10, $0x1;
	s10 =	sld [smem:$0x3FB2];
	_ =	sdelay $0x3  }
0x37: {  	[smem:$0x3FB2] =	sst s10  }
0x38: {  	s10 =	sld [smem:$0x3FB3]  }
0x39: {  	_ = 	snop;
	(pc) =	sbr.ind lr, $3  }
0x3a: {  	_ = 	snop  }
0x3b: {  	_ = 	snop  }
0x3c: {  	p2 =	seq.s32 s10, $0x1;
	s10 =	sld [smem:$0x3FB2]  }
0x3d: {  	_ =	shalt  }
0x3e: {  	_ =	shalt  }
0x3f: {  	_ =	shalt  }
0x40: {  	_ =	shalt  }
0x41: {  	_ =	shalt  }
0x42: {  	_ =	shalt  }
0x43: {  	_ =	shalt  }
0x44: {  	_ =	shalt  }
0x45: {  	_ =	shalt  }
0x46: {  	_ =	shalt  }
0x47: {  	_ =	shalt  }
0x48: {  	_ =	shalt  }
0x49: {  	_ =	shalt  }
0x4a: {  	_ =	shalt  }
0x4b: {  	_ =	shalt  }
0x4c: {  	_ =	shalt  }
0x4d: {  	_ =	shalt  }
0x4e: {  	_ =	shalt  }
0x4f: {  	_ =	shalt  }
0x50: {  	_ =	shalt  }
0x51: {  	_ =	shalt  }
0x52: {  	_ =	shalt  }
0x53: {  	_ =	shalt  }
0x54: {  	_ =	shalt  }
0x55: {  	_ =	shalt  }
0x56: {  	_ =	shalt  }
0x57: {  	_ =	shalt  }
0x58: {  	_ =	shalt  }
0x59: {  	_ =	shalt  }
0x5a: {  	_ =	shalt  }
0x5b: {  	_ =	shalt  }
0x5c: {  	_ =	shalt  }
0x5d: {  	_ =	shalt  }
0x5e: {  	_ =	shalt  }
0x5f: {  	_ =	shalt  }
0x60: {  	_ =	shalt  }
0x61: {  	_ =	shalt  }
0x62: {  	_ =	shalt  }
0x63: {  	_ =	shalt  }
0x64: {  	_ =	shalt  }
0x65: {  	_ =	shalt  }
0x66: {  	_ =	shalt  }
0x67: {  	_ =	shalt  }
0x68: {  	_ =	shalt  }
0x69: {  	_ =	shalt  }
0x6a: {  	_ =	shalt  }
0x6b: {  	_ =	shalt  }
0x6c: {  	_ =	shalt  }
0x6d: {  	_ =	shalt  }
0x6e: {  	_ =	shalt  }
0x6f: {  	_ =	shalt  }
0x70: {  	_ =	shalt  }
0x71: {  	_ =	shalt  }
0x72: {  	_ =	shalt  }
0x73: {  	_ =	shalt  }
0x74: {  	_ =	shalt  }
0x75: {  	_ =	shalt  }
0x76: {  	_ =	shalt  }
0x77: {  	_ =	shalt  }
0x78: {  	_ =	shalt  }
0x79: {  	_ =	shalt  }
0x7a: {  	_ =	shalt  }
0x7b: {  	_ =	shalt  }
0x7c: {  	_ =	shalt  }
0x7d: {  	_ =	shalt  }
0x7e: {  	_ =	shalt  }
0x7f: {  	_ =	shalt  }
0x80: {  	_ =	shalt  }
0x81: {  	_ =	shalt  }
0x82: {  	_ =	shalt  }
0x83: {  	_ =	shalt  }
0x84: {  	_ =	shalt  }
0x85: {  	_ =	shalt  }
0x86: {  	_ =	shalt  }
0x87: {  	_ =	shalt  }
.Lfunc_end0:
.L_simem_size_0:
called_computation.1_lowered:
.L_overlay_start_0:
0x88: {  	s2 =	sld [smem:$0x3FD9]  }
0x89: {  	s3 =	sld [smem:$0x3FFE];
	_ =	sdelay $0x1  }
0x8a: {  	s1 =	srdreg.scid  }
0x8b: {  	s0 =	sand.u32 $0x1, s1  }
0x8c: {  	s16 =	sshll.u32 s0, $0xA;
	s2 =	sadd.s32 s3, s2  }
0x8d: {  	s2 =	sadd.s32 s2, s16  }
0x8e: {  	[smem:$0x3FBE] =	sst s2  }
0x8f: {  	_ = 	snop  }
0x90: {  	(tm) =	ssettm $0x1  }
0x91: {  	s17 =	sld [smem:$0x3FFB];
	_ =	sdelay $0x3  }
0x92: {  	_ =	strace s17  }
0x93: {  	s2 =	sld [smem:$0x3FFC];
	_ =	sdelay $0x3  }
0x94: {  	_ =	strace s2  }
0x95: {  	s2 =	sld [smem:$0x3FFD];
	_ =	sdelay $0x3  }
0x96: {  	_ =	strace s2  }
0x97: {  	_ =	strace $0x8FFFFFFF  }
0x98: {  	s18 =	sld [smem:$0x3FDB];
	_ =	sdelay $0x1  }
0x99: {  	s19 =	simm.s32 $_scs_section_size  }
0x9a: {  	s4 =	simm.s32 $_size__tile_overlayer_lowered;
	s5 =	simm.s32 $_tile_overlayer_lowered  }
0x9b: {  	s22 =	simm.s32 $0x1BFF;
	s21 =	sshll.u32 s5, $0x1;
	s2 =	sadd.s32 s19, s18  }
0x9c: {  	s6 =	simm.s32 $0x0;
	s20 =	sshll.u32 s4, $0x1;
	s4 =	sadd.s32 s21, s2  }
0x9d: {  	[timem:s6], [sflag:s22] =	dma.local [hbm:s4], s20  }
0x9e: {  	_ =	swait.ge [sflag:s22], s20  }
0x9f: {  	s3 =	ssub.s32 $0x0, s20;
	[sflag:s22] =	ssyncset.done $0x0  }
0xa0: {  	[sflag:s22] =	ssyncadd.s32 s3;
	_ =	sdelay $0x1  }
0xa1: {  	s23 =	simm.s32 $0x1B8B  }
0xa2: {  	_ =	swait.ge [sflag:s23], $0x1  }
0xa3: {  	[sflag:s23] =	ssyncset.done $0x0  }
0xa4: {  	s25 =	simm.s32 $0x1B8E;
	s24 =	sld [smem:$0x3FFE];
	[sflag:s23] =	ssyncadd.s32 $0xFFFFFFFF  }
0xa5: {  	s26 =	simm.s32 $execute0_lowered;
	[smem:$0x3FD2] =	sst s25  }
0xa6: {  	s4 =	sshll.u32 s26, $0x1;
	_ =	strace $0x80000049;
	[dreg:$0x1] =	wrdreg $0xFFFFFFFF  }
0xa7: {  	s28 =	simm.s32 $_size_execute0_lowered;
	s2 =	sadd.s32 s2, s4;
	[dreg:$0x0] =	wrdreg $0x0  }
0xa8: {  	s4 =	sshll.u32 s28, $0x1;
	[dreg:$0x2] =	wrdreg s2  }
0xa9: {  	[dreg:$0x3] =	wrdreg s4  }
0xaa: {  	[dreg:$0x4] =	wrdreg $0xC0  }
0xab: {  	_ =	task [dreg:s6], $0x5FFFF  }
0xac: {  	[dreg:$0x1] =	wrdreg $0xFFFFFFFF  }
0xad: {  	[dreg:$0x0] =	wrdreg $0x60  }
0xae: {  	[dreg:$0x2] =	wrdreg s24  }
0xaf: {  	[dreg:$0x3] =	wrdreg $0xA8000  }
0xb0: {  	[dreg:$0x4] =	wrdreg $0x9  }
0xb1: {  	_ =	task.clear_ibuf [dreg:s6], $0x5FFFF;
	_ =	strace $0x90000049  }
0xb2: {  	s29 =	simm.s32 $0x9;
	_ =	strace $0x8000004B  }
0xb3: {  	_ =	swait.ge [sflag:s29], $0x1  }
0xb4: {  	[sflag:s29] =	ssyncadd.s32 $0xFFFFFFFF  }
0xb5: {  	_ =	strace $0x9000004B  }
0xb6: {  	_ =	sfence  }
0xb7: {  	s30 =	sld [smem:$0x0];
	_ =	sdelay $0x2  }
0xb8: {  	s31 =	sshll.u32 s1, $0xD;
	s1 =	sshrl.u32 s1, $0x2  }
0xb9: {  	s3 =	sand.u32 $0x4000, s31;
	s1 =	sadd.s32 s1, s30  }
0xba: {  	s0 =	sor.u32 s3, s0;
	s1 =	sshll.u32 s1, $0x11  }
0xbb: {  	s0 =	sor.u32 s1, s0  }
0xbc: {  	s0 =	sadd.s32 $0x8F2B, s0  }
0xbd: {  	[sflag:s0] =	ssyncadd.remote.s32 $0x1  }
0xbe: {  	_ =	sfence.sel $0xFFFF  }
0xbf: {  	[dreg:$0x0] =	wrdreg $0xFFFFFFFF;
	(pc) =	sbr.abs _section_cstart, $3  }
0xc0: {  	[dreg:$0x1] =	wrdreg $0xFFFFFFFF  }
0xc1: {  	_ =	task.clear_ibuf [dreg:s6], $0x2FFFF;
	_ =	strace $0x9FFFFFFF  }
0xc2: {  	(tm) =	ssettm $0x7FFFFFFF  }
0xc3: {  	_ =	shalt  }
tec
execute0_lowered:
.L_overlay_start_1:
0x0: {  	(tag) =	ssettag $0x1  }
0x1: {  	s0 =	rddreg [dreg:$0x0]  }
0x2: {  	s1 =	rddreg [dreg:$0x1]  }
0x3: {  	s3 =	simm.s32 $0x0;
	s2 =	srdreg.scid;
	s15 =	stileid.u32  }
0x4: {  	s28 =	simm.s32 $0x0;
	[smem:$0x7FF] =	sst s3;
	s2 =	sand.u32 $0x1, s2  }
0x5: {  	s4 =	sadd.s32 $0xD800, s0;
	s5 =	smul.u32 $0x50000, s15;
	s6 =	sadd.s32 $0x3800, s0  }
0x6: {  	s9 =	sadd.s32 $0x3EA00, s0;
	s11 =	sadd.s32 $0x66400, s0;
	s18 =	smul.u32 $0x280, s15  }
0x7: {  	s19 =	smul.u32 $0x2800, s15;
	s16 =	sadd.s32 $0x64200, s0;
	p0 =	seq.s32 s15, $0xF  }
0x8: {  	_ =	strace $0x8000004A;
	s17 =	sshll.u32 s2, $0x4;
	s7 =	ssub.s32 $0x2, s2  }
0x9: {  	p4 =	seq.s32 s2, $0x1;
	[dreg:$0x11] =	wrdreg s16;
	s16 =	simm.s32 $0x1  }
0xa: {  	s3 =	sor.u32 s15, s17;
	s10 =	sshrl.u32 s7, $0x1;
	s5 =	sshrl.u32 s5, $0x2  }
0xb: {  	s20 =	sadd.s32 $0x80, s18;
	s21 =	sadd.s32 s9, s19;
	s24 =	sadd.s32 $0x100, s18  }
0xc: {  	s25 =	sadd.s32 $0x180, s18;
	s17 =	sadd.s32 $0x64A00, s0;
	p2 =	seq.s32 @p4 s15, $0xF  }
0xd: {  	p5 =	seq.s32 @!p4 s15, $0xF;
	s15 =	simm.s32 $0x2800;
	s8 =	smul.u32 $0x500, s3  }
0xe: {  	s3 =	smul.u32 $0x2800, s3;
	s7 =	ssub.s32 s7, s10;
	[dreg:$0x7] =	wrdreg s21  }
0xf: {  	s22 =	sshll.u32 s20, $0x4;
	s26 =	sshll.u32 s24, $0x4;
	s13 =	sshll.u32 s25, $0x4  }
0x10: {  	s10 =	sadd.s32 $0x200, s18;
	s18 =	sadd.s32 $0x17800, s0;
	[dreg:$0x12] =	wrdreg s17  }
0x11: {  	p1 =	por !p2, !p4;
	p2 =	por p2, !p4;
	p3 =	por !p5, p4  }
0x12: {  	p4 =	por p5, p4;
	s17 =	simm.s32 $0x6800;
	s23 =	sadd.s32 s9, s22  }
0x13: {  	s14 =	sadd.s32 s9, s26;
	s29 =	sadd.s32 s9, s13;
	[dreg:$0x8] =	wrdreg s23  }
0x14: {  	s30 =	sshll.u32 s10, $0x4;
	s2 =	sadd.s32 s11, s22;
	[dreg:$0x9] =	wrdreg s14  }
0x15: {  	s31 =	sadd.s32 s11, s26;
	s26 =	sadd.s32 $0x8BC00, s0;
	[dreg:$0xa] =	wrdreg s29  }
0x16: {  	s12 =	sadd.s32 s4, s8;
	s3 =	sshrl.u32 s3, $0x3;
	[dreg:$0xd] =	wrdreg s2  }
0x17: {  	s8 =	sadd.s32 s6, s8;
	s9 =	sadd.s32 s9, s30;
	[dreg:$0xe] =	wrdreg s31  }
0x18: {  	s14 =	sshll.u32 s10, $0x7;
	[dreg:$0x15] =	wrdreg s26;
	s29 =	sadd.s32 $0x8C400, s0  }
0x19: {  	s31 =	smax.u32 s7, $0x1;
	s10 =	sadd.s32 $0x134000, s1;
	[dreg:$0x3] =	wrdreg s12  }
0x1a: {  	s26 =	simm.s32 $0x2780;
	[dreg:$0x4] =	wrdreg s8;
	s3 =	sadd.s32 $0x280, s3  }
0x1b: {  	[dreg:$0xb] =	wrdreg s9;
	s8 =	sadd.s32 s11, s19;
	s9 =	sadd.s32 s11, s30  }
0x1c: {  	s19 =	sadd.s32 s5, s1;
	s12 =	sshll.u32 s24, $0x7;
	[dreg:$0x16] =	wrdreg s29  }
0x1d: {  	s23 =	sadd.s32 s14, s1;
	s24 =	sadd.s32 $0x65200, s0;
	[dreg:$0x19] =	wrdreg s31  }
0x1e: {  	s30 =	sadd.s32 $0x8CC00, s0;
	s14 =	simm.s32 $0x80;
	[dreg:$0xc] =	wrdreg s8  }
0x1f: {  	s4 =	sadd.s32 s4, s3;
	s3 =	sadd.s32 s6, s3;
	[dreg:$0x10] =	wrdreg s9  }
0x20: {  	s8 =	sadd.s32 s11, s13;
	s11 =	sshll.u32 s20, $0x7;
	[dreg:$0x13] =	wrdreg s24  }
0x21: {  	s13 =	sshll.u32 s25, $0x7;
	s21 =	sadd.s32 s12, s1;
	[dreg:$0x17] =	wrdreg s30  }
0x22: {  	s25 =	sadd.s32 $0x65A00, s0;
	s0 =	sadd.s32 $0x8D400, s0;
	[dreg:$0x5] =	wrdreg s4  }
0x23: {  	s5 =	sadd.s32 $0x8000, s19;
	s6 =	sadd.s32 $0xC000, s19;
	[dreg:$0x6] =	wrdreg s3  }
0x24: {  	s7 =	sadd.s32 $0x10000, s19;
	s9 =	sadd.s32 $0x130000, s1;
	[dreg:$0xf] =	wrdreg s8  }
0x25: {  	s12 =	simm.s32 $0x3;
	s24 =	simm.s32 $0x1380;
	[dreg:$0x14] =	wrdreg s25  }
0x26: {  	s20 =	sadd.s32 s11, s1;
	s22 =	sadd.s32 s13, s1;
	[dreg:$0x18] =	wrdreg s0  }
0x27: {  	s4 =	sadd.s32 $0x4000, s19;
	s8 =	sadd.s32 $0x12C000, s1;
	s11 =	sadd.s32 $0x138000, s1  }
0x28: {  	v0 =	vimm.f32 $0.0e+00;
	s13 =	simm.s32 $0x1400;
	s3 =	simm.s32 $0x2;
	s25 =	simm.s32 $0x2700  }
.LBB2_1:
0x29: {  	s0 =	simm.s32 $0x0  }
0x2a: {  	s29 =	sand.u32 $0xFE00, s0  }
0x2b: {  	s30 =	sand.u32 $0x70, s0;
	s31 =	sshrl.u32 s29, $0x2  }
0x2c: {  	s29 =	simm.s32 $0x40;
	s31 =	sor.u32 s30, s31;
	s30 =	simm.s32 $0x0  }
.LBB2_2:
0x2d: {  	p5 =	sne.s32 s29, $0xFFC0  }
0x2e: {  	[tilespmem:s31+$0x2800] =	vst v0;
	s30 =	sadd.s32 $0x10, s30;
	s31 =	smov.u32 s29;
	s29 =	sadd.s32 $0x40, s29  }
.Ltmp0:
0x2f: {  	(pc) =	sbr.rel @p5 .LBB2_2-.Ltmp0, $4  }
0x30: {  	_ = 	snop  }
0x31: {  	s31 =	sand.u32 $0xFE00, s31  }
0x32: {  	s0 =	sand.u32 $0x70, s30;
	s31 =	sshrl.u32 s31, $0x2  }
0x33: {  	s31 =	sor.u32 s0, s31  }
0x34: {  	[tilespmem:s31+$0x2800] =	vst v0;
	s0 =	simm.s32 @p0 $0x2800;
	s29 =	simm.s32 @p0 $0x3  }
0x35: {  	[spmem:s8] =	stream.linear.scatter @p0 [tilespmem:s0], [sflag:$0x3], $0x4000, $0x38;
	[tilespmem:$0x1E480] =	vst v63  }
0x36: {  	_ =	swait.ge @p0 [sflag:s29], $0x4000  }
0x37: {  	[sflag:s29] =	ssyncset.done @p0 $0x0  }
0x38: {  	[sflag:s29] =	ssyncadd.s32 @p0 $0xFFFFC000  }
0x39: {  	[spmem:s9] =	stream.linear.scatter @p0 [tilespmem:s0], [sflag:$0x3], $0x4000, $0x38;
	[tilespmem:$0x1E480] =	vst v63  }
0x3a: {  	_ =	swait.ge @p0 [sflag:s29], $0x4000  }
0x3b: {  	[sflag:s29] =	ssyncset.done @p0 $0x0  }
0x3c: {  	[sflag:s29] =	ssyncadd.s32 @p0 $0xFFFFC000  }
0x3d: {  	[spmem:s10] =	stream.linear.scatter @p0 [tilespmem:s0], [sflag:$0x3], $0x4000, $0x38;
	[tilespmem:$0x1E480] =	vst v63  }
0x3e: {  	_ =	swait.ge @p0 [sflag:s29], $0x4000  }
0x3f: {  	[sflag:s29] =	ssyncset.done @p0 $0x0  }
0x40: {  	[sflag:s29] =	ssyncadd.s32 @p0 $0xFFFFC000  }
0x41: {  	[spmem:s11] =	stream.linear.scatter @p0 [tilespmem:s0], [sflag:$0x3], $0x1000, $0x38;
	[tilespmem:$0x1E480] =	vst v63  }
0x42: {  	_ =	swait.ge @p0 [sflag:s29], $0x1000  }
0x43: {  	[sflag:s29] =	ssyncset.done @p0 $0x0  }
0x44: {  	s0 =	simm.s32 @!p0 $0x2800;
	[sflag:s29] =	ssyncadd.s32 @p0 $0xFFFFF000;
	s29 =	simm.s32 @!p0 $0x3  }
0x45: {  	[spmem:s19] =	stream.linear.scatter @!p0 [tilespmem:s0], [sflag:$0x3], $0x4000, $0x38;
	[tilespmem:$0x1E480] =	vst v63  }
0x46: {  	_ =	swait.ge @!p0 [sflag:s29], $0x4000  }
0x47: {  	[sflag:s29] =	ssyncset.done @!p0 $0x0  }
0x48: {  	[sflag:s29] =	ssyncadd.s32 @!p0 $0xFFFFC000  }
0x49: {  	[spmem:s4] =	stream.linear.scatter @!p0 [tilespmem:s0], [sflag:$0x3], $0x4000, $0x38;
	[tilespmem:$0x1E480] =	vst v63  }
0x4a: {  	_ =	swait.ge @!p0 [sflag:s29], $0x4000  }
0x4b: {  	[sflag:s29] =	ssyncset.done @!p0 $0x0  }
0x4c: {  	[sflag:s29] =	ssyncadd.s32 @!p0 $0xFFFFC000  }
0x4d: {  	[spmem:s5] =	stream.linear.scatter @!p0 [tilespmem:s0], [sflag:$0x3], $0x4000, $0x38;
	[tilespmem:$0x1E480] =	vst v63  }
0x4e: {  	_ =	swait.ge @!p0 [sflag:s29], $0x4000  }
0x4f: {  	[sflag:s29] =	ssyncset.done @!p0 $0x0  }
0x50: {  	[sflag:s29] =	ssyncadd.s32 @!p0 $0xFFFFC000  }
0x51: {  	[spmem:s6] =	stream.linear.scatter @!p0 [tilespmem:s0], [sflag:$0x3], $0x4000, $0x38;
	[tilespmem:$0x1E480] =	vst v63  }
0x52: {  	_ =	swait.ge @!p0 [sflag:s29], $0x4000  }
0x53: {  	[sflag:s29] =	ssyncset.done @!p0 $0x0  }
0x54: {  	[sflag:s29] =	ssyncadd.s32 @!p0 $0xFFFFC000  }
0x55: {  	[spmem:s7] =	stream.linear.scatter @!p0 [tilespmem:s0], [sflag:$0x3], $0x4000, $0x38;
	[tilespmem:$0x1E480] =	vst v63  }
0x56: {  	_ =	swait.ge @!p0 [sflag:s29], $0x4000  }
0x57: {  	[sflag:s29] =	ssyncset.done @!p0 $0x0  }
0x58: {  	[sflag:s29] =	ssyncadd.s32 @!p0 $0xFFFFC000  }
0x59: {  	[bflag:$0x0] =	sbarrier.arrive $0xFFFF  }
0x5a: {  	s0 =	simm.s32 $0x0;
	s2 =	rddreg [dreg:$0x3]  }
0x5b: {  	[tilespmem:s0], [sflag:$0x3] =	stream.linear.gather [hbm4b:s2+s0], $0x1400, $0x38;
	[tilespmem:$0x1E480] =	vst v63  }
0x5c: {  	_ =	swait.ge [sflag:s12], $0x1400  }
0x5d: {  	[sflag:s12] =	ssyncset.done $0x0  }
0x5e: {  	s31 =	rddreg [dreg:$0x4];
	[sflag:s12] =	ssyncadd.s32 $0xFFFFEC00  }
0x5f: {  	[tilespmem:s13], [sflag:$0x3] =	stream.linear.gather [hbm4b:s31+s0], $0x1400, $0x38;
	[tilespmem:$0x1E480] =	vst v63  }
0x60: {  	_ =	swait.ge [sflag:s12], $0x1400  }
0x61: {  	[sflag:s12] =	ssyncset.done $0x0  }
0x62: {  	[sflag:s12] =	ssyncadd.s32 $0xFFFFEC00  }
0x63: {  	[tilespmem:s15], [sflag:$0x1] =	stream.indirect.gather [hbm4b:s18+s14], $0x80, s0, s14, $0xb8;
	[tilespmem:$0x1E480] =	vst v63  }
0x64: {  	_ =	swait.ge [sflag:s16], $0x4000  }
0x65: {  	[sflag:s16] =	ssyncset.done $0x0  }
0x66: {  	s2 =	simm.s32 $0x80;
	[sflag:s16] =	ssyncadd.s32 $0xFFFFC000  }
0x67: {  	[tilespmem:s17], [sflag:$0x2] =	stream.indirect.gather [hbm4b:s18+s14], $0x80, s2, s14, $0xb8;
	[tilespmem:$0x1E480] =	vst v63  }
0x68: {  	s31 =	simm.s32 $0x1400  }
0x69: {  	[spmem:s1] =	stream.indirect.scatter.add.f32 [tilespmem:s15], [sflag:$0x3], $0x80, s31, s14, $0xb8;
	[tilespmem:$0x1E480] =	vst v63  }
0x6a: {  	_ =	swait.ge [sflag:s12], $0x4000  }
0x6b: {  	[sflag:s12] =	ssyncset.done $0x0  }
0x6c: {  	[sflag:s12] =	ssyncadd.s32 $0xFFFFC000  }
0x6d: {  	_ =	swait.ge [sflag:s3], $0x4000  }
0x6e: {  	[sflag:s3] =	ssyncset.done $0x0  }
0x6f: {  	s2 =	simm.s32 $0x100;
	[sflag:s3] =	ssyncadd.s32 $0xFFFFC000  }
0x70: {  	[tilespmem:s15], [sflag:$0x1] =	stream.indirect.gather [hbm4b:s18+s14], $0x80, s2, s14, $0xb8;
	[tilespmem:$0x1E480] =	vst v63  }
0x71: {  	s31 =	simm.s32 $0x1480  }
0x72: {  	[spmem:s1] =	stream.indirect.scatter.add.f32 [tilespmem:s17], [sflag:$0x3], $0x80, s31, s14, $0xb8;
	[tilespmem:$0x1E480] =	vst v63  }
0x73: {  	_ =	swait.ge [sflag:s12], $0x4000  }
0x74: {  	[sflag:s12] =	ssyncset.done $0x0  }
0x75: {  	[sflag:s12] =	ssyncadd.s32 $0xFFFFC000  }
0x76: {  	_ =	swait.ge [sflag:s16], $0x4000  }
0x77: {  	s30 =	simm.s32 $0x800;
	s29 =	simm.s32 $0x100;
	[sflag:s16] =	ssyncset.done $0x0  }
.LBB2_4:
0x78: {  	s0 =	sadd.s32 $0x80, s29  }
0x79: {  	[sflag:s16] =	ssyncadd.s32 $0xFFFFC000;
	s31 =	smov.u32 s30;
	s2 =	sadd.s32 $0x400, s30  }
0x7a: {  	[tilespmem:s17], [sflag:$0x2] =	stream.indirect.gather [hbm4b:s18+s14], $0x80, s0, s14, $0xb8;
	[tilespmem:$0x1E480] =	vst v63  }
0x7b: {  	p5 =	sne.s32 s30, $0x4800;
	s0 =	sadd.s32 $0x1400, s29  }
0x7c: {  	[spmem:s1] =	stream.indirect.scatter.add.f32 [tilespmem:s15], [sflag:$0x3], $0x80, s0, s14, $0xb8;
	[tilespmem:$0x1E480] =	vst v63  }
0x7d: {  	_ =	swait.ge [sflag:s12], $0x4000  }
0x7e: {  	[sflag:s12] =	ssyncset.done $0x0  }
0x7f: {  	[sflag:s12] =	ssyncadd.s32 $0xFFFFC000  }
0x80: {  	_ =	swait.ge [sflag:s3], $0x4000  }
0x81: {  	[sflag:s3] =	ssyncset.done $0x0  }
0x82: {  	s0 =	sadd.s32 $0x100, s29;
	[sflag:s3] =	ssyncadd.s32 $0xFFFFC000  }
0x83: {  	[tilespmem:s15], [sflag:$0x1] =	stream.indirect.gather [hbm4b:s18+s14], $0x80, s0, s14, $0xb8;
	[tilespmem:$0x1E480] =	vst v63  }
0x84: {  	s0 =	sadd.s32 $0x1480, s29  }
0x85: {  	[spmem:s1] =	stream.indirect.scatter.add.f32 [tilespmem:s17], [sflag:$0x3], $0x80, s0, s14, $0xb8;
	[tilespmem:$0x1E480] =	vst v63  }
.Ltmp1:
0x86: {  	_ =	swait.ge [sflag:s12], $0x4000;
	(pc) =	sbr.rel @p5 .LBB2_4-.Ltmp1, $4  }
0x87: {  	[sflag:s12] =	ssyncset.done $0x0  }
0x88: {  	[sflag:s12] =	ssyncadd.s32 $0xFFFFC000  }
0x89: {  	_ =	swait.ge [sflag:s16], $0x4000  }
0x8a: {  	s30 =	smov.u32 s2;
	s29 =	sshra.s32 s31, $0x2;
	[sflag:s16] =	ssyncset.done $0x0  }
0x8b: {  	s0 =	sadd.s32 $0x80, s29;
	[sflag:s16] =	ssyncadd.s32 $0xFFFFC000  }
0x8c: {  	[tilespmem:s17], [sflag:$0x2] =	stream.indirect.gather [hbm4b:s18+s14], $0x80, s0, s14, $0xb8;
	[tilespmem:$0x1E480] =	vst v63  }
0x8d: {  	s2 =	sadd.s32 $0x1400, s29  }
0x8e: {  	[spmem:s1] =	stream.indirect.scatter.add.f32 [tilespmem:s15], [sflag:$0x3], $0x80, s2, s14, $0xb8;
	[tilespmem:$0x1E480] =	vst v63  }
0x8f: {  	_ =	swait.ge [sflag:s12], $0x4000  }
0x90: {  	[sflag:s12] =	ssyncset.done $0x0  }
0x91: {  	[sflag:s12] =	ssyncadd.s32 $0xFFFFC000  }
0x92: {  	_ =	swait.ge [sflag:s3], $0x4000  }
0x93: {  	[sflag:s3] =	ssyncset.done $0x0  }
0x94: {  	s31 =	sadd.s32 $0x100, s29;
	[sflag:s3] =	ssyncadd.s32 $0xFFFFC000  }
0x95: {  	[tilespmem:s15], [sflag:$0x1] =	stream.indirect.gather [hbm4b:s18+s14], $0x80, s31, s14, $0xb8;
	[tilespmem:$0x1E480] =	vst v63  }
0x96: {  	s2 =	sadd.s32 $0x1480, s29  }
0x97: {  	[spmem:s1] =	stream.indirect.scatter.add.f32 [tilespmem:s17], [sflag:$0x3], $0x80, s2, s14, $0xb8;
	[tilespmem:$0x1E480] =	vst v63  }
0x98: {  	_ =	swait.ge [sflag:s12], $0x4000  }
0x99: {  	[sflag:s12] =	ssyncset.done $0x0  }
0x9a: {  	[sflag:s12] =	ssyncadd.s32 $0xFFFFC000  }
0x9b: {  	_ =	swait.ge [sflag:s16], $0x4000  }
0x9c: {  	[sflag:s16] =	ssyncset.done $0x0  }
0x9d: {  	[sflag:s16] =	ssyncadd.s32 $0xFFFFC000  }
0x9e: {  	[tilespmem:s17], [sflag:$0x2] =	stream.indirect.gather [hbm4b:s18+s14], $0x80, s24, s14, $0xb8;
	[tilespmem:$0x1E480] =	vst v63  }
0x9f: {  	_ = 	snop  }
0xa0: {  	[spmem:s1] =	stream.indirect.scatter.add.f32 [tilespmem:s15], [sflag:$0x3], $0x80, s25, s14, $0xb8;
	[tilespmem:$0x1E480] =	vst v63  }
0xa1: {  	_ =	swait.ge [sflag:s12], $0x4000  }
0xa2: {  	[sflag:s12] =	ssyncset.done $0x0  }
0xa3: {  	[sflag:s12] =	ssyncadd.s32 $0xFFFFC000  }
0xa4: {  	_ =	swait.ge [sflag:s3], $0x4000  }
0xa5: {  	[sflag:s3] =	ssyncset.done $0x0  }
0xa6: {  	[sflag:s3] =	ssyncadd.s32 $0xFFFFC000  }
0xa7: {  	[spmem:s1] =	stream.indirect.scatter.add.f32 [tilespmem:s17], [sflag:$0x3], $0x80, s26, s14, $0xb8;
	[tilespmem:$0x1E480] =	vst v63  }
0xa8: {  	_ =	swait.ge [sflag:s12], $0x4000  }
0xa9: {  	[sflag:s12] =	ssyncset.done $0x0  }
0xaa: {  	s0 =	simm.s32 $0x0;
	s2 =	rddreg [dreg:$0x5];
	[sflag:s12] =	ssyncadd.s32 $0xFFFFC000  }
0xab: {  	[tilespmem:s0], [sflag:$0x3] =	stream.linear.gather [hbm4b:s2+s0], $0x1400, $0x38;
	[tilespmem:$0x1E480] =	vst v63  }
0xac: {  	_ =	swait.ge [sflag:s12], $0x1400  }
0xad: {  	[sflag:s12] =	ssyncset.done $0x0  }
0xae: {  	s31 =	rddreg [dreg:$0x6];
	[sflag:s12] =	ssyncadd.s32 $0xFFFFEC00  }
0xaf: {  	[tilespmem:s13], [sflag:$0x3] =	stream.linear.gather [hbm4b:s31+s0], $0x1400, $0x38;
	[tilespmem:$0x1E480] =	vst v63  }
0xb0: {  	_ =	swait.ge [sflag:s12], $0x1400  }
0xb1: {  	[sflag:s12] =	ssyncset.done $0x0  }
0xb2: {  	[sflag:s12] =	ssyncadd.s32 $0xFFFFEC00  }
0xb3: {  	[tilespmem:s15], [sflag:$0x1] =	stream.indirect.gather [hbm4b:s18+s14], $0x80, s0, s14, $0xb8;
	[tilespmem:$0x1E480] =	vst v63  }
0xb4: {  	_ =	swait.ge [sflag:s16], $0x4000  }
0xb5: {  	[sflag:s16] =	ssyncset.done $0x0  }
0xb6: {  	s2 =	simm.s32 $0x80;
	[sflag:s16] =	ssyncadd.s32 $0xFFFFC000  }
0xb7: {  	[tilespmem:s17], [sflag:$0x2] =	stream.indirect.gather [hbm4b:s18+s14], $0x80, s2, s14, $0xb8;
	[tilespmem:$0x1E480] =	vst v63  }
0xb8: {  	s31 =	simm.s32 $0x1400  }
0xb9: {  	[spmem:s1] =	stream.indirect.scatter.add.f32 [tilespmem:s15], [sflag:$0x3], $0x80, s31, s14, $0xb8;
	[tilespmem:$0x1E480] =	vst v63  }
0xba: {  	_ =	swait.ge [sflag:s12], $0x4000  }
0xbb: {  	[sflag:s12] =	ssyncset.done $0x0  }
0xbc: {  	[sflag:s12] =	ssyncadd.s32 $0xFFFFC000  }
0xbd: {  	_ =	swait.ge [sflag:s3], $0x4000  }
0xbe: {  	[sflag:s3] =	ssyncset.done $0x0  }
0xbf: {  	s2 =	simm.s32 $0x100;
	[sflag:s3] =	ssyncadd.s32 $0xFFFFC000  }
0xc0: {  	[tilespmem:s15], [sflag:$0x1] =	stream.indirect.gather [hbm4b:s18+s14], $0x80, s2, s14, $0xb8;
	[tilespmem:$0x1E480] =	vst v63  }
0xc1: {  	s31 =	simm.s32 $0x1480  }
0xc2: {  	[spmem:s1] =	stream.indirect.scatter.add.f32 [tilespmem:s17], [sflag:$0x3], $0x80, s31, s14, $0xb8;
	[tilespmem:$0x1E480] =	vst v63  }
0xc3: {  	_ =	swait.ge [sflag:s12], $0x4000  }
0xc4: {  	[sflag:s12] =	ssyncset.done $0x0  }
0xc5: {  	[sflag:s12] =	ssyncadd.s32 $0xFFFFC000  }
0xc6: {  	_ =	swait.ge [sflag:s16], $0x4000  }
0xc7: {  	s30 =	simm.s32 $0x800;
	s29 =	simm.s32 $0x100;
	[sflag:s16] =	ssyncset.done $0x0  }
.LBB2_6:
0xc8: {  	s0 =	sadd.s32 $0x80, s29  }
0xc9: {  	[sflag:s16] =	ssyncadd.s32 $0xFFFFC000;
	s2 =	smov.u32 s30;
	s31 =	sadd.s32 $0x400, s30  }
0xca: {  	[tilespmem:s17], [sflag:$0x2] =	stream.indirect.gather [hbm4b:s18+s14], $0x80, s0, s14, $0xb8;
	[tilespmem:$0x1E480] =	vst v63  }
0xcb: {  	p5 =	sne.s32 s30, $0x4800;
	s0 =	sadd.s32 $0x1400, s29  }
0xcc: {  	[spmem:s1] =	stream.indirect.scatter.add.f32 [tilespmem:s15], [sflag:$0x3], $0x80, s0, s14, $0xb8;
	[tilespmem:$0x1E480] =	vst v63  }
0xcd: {  	_ =	swait.ge [sflag:s12], $0x4000  }
0xce: {  	[sflag:s12] =	ssyncset.done $0x0  }
0xcf: {  	[sflag:s12] =	ssyncadd.s32 $0xFFFFC000  }
0xd0: {  	_ =	swait.ge [sflag:s3], $0x4000  }
0xd1: {  	[sflag:s3] =	ssyncset.done $0x0  }
0xd2: {  	s0 =	sadd.s32 $0x100, s29;
	[sflag:s3] =	ssyncadd.s32 $0xFFFFC000  }
0xd3: {  	[tilespmem:s15], [sflag:$0x1] =	stream.indirect.gather [hbm4b:s18+s14], $0x80, s0, s14, $0xb8;
	[tilespmem:$0x1E480] =	vst v63  }
0xd4: {  	s0 =	sadd.s32 $0x1480, s29  }
0xd5: {  	[spmem:s1] =	stream.indirect.scatter.add.f32 [tilespmem:s17], [sflag:$0x3], $0x80, s0, s14, $0xb8;
	[tilespmem:$0x1E480] =	vst v63  }
.Ltmp2:
0xd6: {  	_ =	swait.ge [sflag:s12], $0x4000;
	(pc) =	sbr.rel @p5 .LBB2_6-.Ltmp2, $4  }
0xd7: {  	[sflag:s12] =	ssyncset.done $0x0  }
0xd8: {  	[sflag:s12] =	ssyncadd.s32 $0xFFFFC000  }
0xd9: {  	_ =	swait.ge [sflag:s16], $0x4000  }
0xda: {  	s30 =	smov.u32 s31;
	s29 =	sshra.s32 s2, $0x2;
	[sflag:s16] =	ssyncset.done $0x0  }
0xdb: {  	s0 =	sadd.s32 $0x80, s29;
	[sflag:s16] =	ssyncadd.s32 $0xFFFFC000  }
0xdc: {  	[tilespmem:s17], [sflag:$0x2] =	stream.indirect.gather [hbm4b:s18+s14], $0x80, s0, s14, $0xb8;
	[tilespmem:$0x1E480] =	vst v63  }
0xdd: {  	s31 =	sadd.s32 $0x1400, s29  }
0xde: {  	[spmem:s1] =	stream.indirect.scatter.add.f32 [tilespmem:s15], [sflag:$0x3], $0x80, s31, s14, $0xb8;
	[tilespmem:$0x1E480] =	vst v63  }
0xdf: {  	_ =	swait.ge [sflag:s12], $0x4000  }
0xe0: {  	[sflag:s12] =	ssyncset.done $0x0  }
0xe1: {  	[sflag:s12] =	ssyncadd.s32 $0xFFFFC000  }
0xe2: {  	_ =	swait.ge [sflag:s3], $0x4000  }
0xe3: {  	[sflag:s3] =	ssyncset.done $0x0  }
0xe4: {  	s2 =	sadd.s32 $0x100, s29;
	[sflag:s3] =	ssyncadd.s32 $0xFFFFC000  }
0xe5: {  	[tilespmem:s15], [sflag:$0x1] =	stream.indirect.gather [hbm4b:s18+s14], $0x80, s2, s14, $0xb8;
	[tilespmem:$0x1E480] =	vst v63  }
0xe6: {  	s29 =	sadd.s32 $0x1480, s29  }
0xe7: {  	[spmem:s1] =	stream.indirect.scatter.add.f32 [tilespmem:s17], [sflag:$0x3], $0x80, s29, s14, $0xb8;
	[tilespmem:$0x1E480] =	vst v63  }
0xe8: {  	_ =	swait.ge [sflag:s12], $0x4000  }
0xe9: {  	[sflag:s12] =	ssyncset.done $0x0  }
0xea: {  	[sflag:s12] =	ssyncadd.s32 $0xFFFFC000  }
0xeb: {  	_ =	swait.ge [sflag:s16], $0x4000  }
0xec: {  	[sflag:s16] =	ssyncset.done $0x0  }
0xed: {  	[sflag:s16] =	ssyncadd.s32 $0xFFFFC000  }
0xee: {  	[tilespmem:s17], [sflag:$0x2] =	stream.indirect.gather [hbm4b:s18+s14], $0x80, s24, s14, $0xb8;
	[tilespmem:$0x1E480] =	vst v63  }
0xef: {  	_ = 	snop  }
0xf0: {  	[spmem:s1] =	stream.indirect.scatter.add.f32 [tilespmem:s15], [sflag:$0x3], $0x80, s25, s14, $0xb8;
	[tilespmem:$0x1E480] =	vst v63  }
0xf1: {  	_ =	swait.ge [sflag:s12], $0x4000  }
0xf2: {  	[sflag:s12] =	ssyncset.done $0x0  }
0xf3: {  	[sflag:s12] =	ssyncadd.s32 $0xFFFFC000  }
0xf4: {  	_ =	swait.ge [sflag:s3], $0x4000  }
0xf5: {  	[sflag:s3] =	ssyncset.done $0x0  }
0xf6: {  	[sflag:s3] =	ssyncadd.s32 $0xFFFFC000  }
0xf7: {  	[spmem:s1] =	stream.indirect.scatter.add.f32 [tilespmem:s17], [sflag:$0x3], $0x80, s26, s14, $0xb8;
	[tilespmem:$0x1E480] =	vst v63  }
0xf8: {  	_ =	swait.ge [sflag:s12], $0x4000  }
0xf9: {  	[sflag:s12] =	ssyncset.done $0x0  }
0xfa: {  	[sflag:s12] =	ssyncadd.s32 $0xFFFFC000  }
0xfb: {  	[bflag:$0x0] =	sbarrier.arrive $0xFFFF  }
0xfc: {  	s0 =	sshrl.u32 @!p1 s8, $0x3;
	s2 =	simm.s32 @!p1 $0x1FC3;
	s29 =	rddreg [dreg:$0x15]  }
0xfd: {  	[hbm:s29], [sflag:s2] =	dma.local @!p1 [spmem:s0], $0x800  }
0xfe: {  	s0 =	simm.s32 @!p1 $0x3  }
0xff: {  	_ =	swait.ge @!p1 [sflag:s0], $0x800  }
0x100: {  	[sflag:s0] =	ssyncset.done @!p1 $0x0  }
0x101: {  	s29 =	sshrl.u32 @!p1 s9, $0x3;
	s30 =	rddreg [dreg:$0x16];
	[sflag:s0] =	ssyncadd.s32 @!p1 $0xFFFFF800  }
0x102: {  	[hbm:s30], [sflag:s2] =	dma.local @!p1 [spmem:s29], $0x800  }
0x103: {  	_ =	swait.ge @!p1 [sflag:s0], $0x800  }
0x104: {  	[sflag:s0] =	ssyncset.done @!p1 $0x0  }
0x105: {  	s29 =	sshrl.u32 @!p1 s10, $0x3;
	s30 =	rddreg [dreg:$0x17];
	[sflag:s0] =	ssyncadd.s32 @!p1 $0xFFFFF800  }
0x106: {  	[hbm:s30], [sflag:s2] =	dma.local @!p1 [spmem:s29], $0x800  }
0x107: {  	_ =	swait.ge @!p1 [sflag:s0], $0x800  }
0x108: {  	[sflag:s0] =	ssyncset.done @!p1 $0x0  }
0x109: {  	s29 =	sshrl.u32 @!p1 s11, $0x3;
	s30 =	rddreg [dreg:$0x18];
	[sflag:s0] =	ssyncadd.s32 @!p1 $0xFFFFF800  }
0x10a: {  	[hbm:s30], [sflag:s2] =	dma.local @!p1 [spmem:s29], $0x100  }
0x10b: {  	s31 =	stileid.u32;
	_ =	swait.ge @!p1 [sflag:s0], $0x100  }
0x10c: {  	s2 =	sshll.u32 @!p2 s31, $0x6;
	[sflag:s0] =	ssyncset.done @!p1 $0x0;
	s29 =	rddreg [dreg:$0xc]  }
0x10d: {  	[sflag:s0] =	ssyncadd.s32 @!p1 $0xFFFFFF00;
	s0 =	sor.u32 @!p2 $0x1C03, s2;
	s2 =	sshrl.u32 @!p2 s19, $0x3  }
0x10e: {  	[hbm:s29], [sflag:s0] =	dma.local @!p2 [spmem:s2], $0x800  }
0x10f: {  	s2 =	simm.s32 @!p2 $0x3  }
0x110: {  	_ =	swait.ge @!p2 [sflag:s2], $0x800  }
0x111: {  	[sflag:s2] =	ssyncset.done @!p2 $0x0  }
0x112: {  	s29 =	sshrl.u32 @!p2 s20, $0x3;
	s30 =	rddreg [dreg:$0xd];
	[sflag:s2] =	ssyncadd.s32 @!p2 $0xFFFFF800  }
0x113: {  	[hbm:s30], [sflag:s0] =	dma.local @!p2 [spmem:s29], $0x800  }
0x114: {  	_ =	swait.ge @!p2 [sflag:s2], $0x800  }
0x115: {  	[sflag:s2] =	ssyncset.done @!p2 $0x0  }
0x116: {  	s29 =	sshrl.u32 @!p2 s21, $0x3;
	s30 =	rddreg [dreg:$0xe];
	[sflag:s2] =	ssyncadd.s32 @!p2 $0xFFFFF800  }
0x117: {  	[hbm:s30], [sflag:s0] =	dma.local @!p2 [spmem:s29], $0x800  }
0x118: {  	_ =	swait.ge @!p2 [sflag:s2], $0x800  }
0x119: {  	[sflag:s2] =	ssyncset.done @!p2 $0x0  }
0x11a: {  	s29 =	sshrl.u32 @!p2 s22, $0x3;
	s30 =	rddreg [dreg:$0xf];
	[sflag:s2] =	ssyncadd.s32 @!p2 $0xFFFFF800  }
0x11b: {  	[hbm:s30], [sflag:s0] =	dma.local @!p2 [spmem:s29], $0x800  }
0x11c: {  	_ =	swait.ge @!p2 [sflag:s2], $0x800  }
0x11d: {  	[sflag:s2] =	ssyncset.done @!p2 $0x0  }
0x11e: {  	s29 =	sshrl.u32 @!p2 s23, $0x3;
	s30 =	rddreg [dreg:$0x10];
	[sflag:s2] =	ssyncadd.s32 @!p2 $0xFFFFF800  }
0x11f: {  	[hbm:s30], [sflag:s0] =	dma.local @!p2 [spmem:s29], $0x800  }
0x120: {  	_ =	swait.ge @!p2 [sflag:s2], $0x800  }
0x121: {  	s0 =	sshrl.u32 @!p3 s8, $0x3;
	[sflag:s2] =	ssyncset.done @!p2 $0x0  }
0x122: {  	s29 =	rddreg [dreg:$0x11];
	[sflag:s2] =	ssyncadd.s32 @!p2 $0xFFFFF800;
	s2 =	simm.s32 @!p3 $0x1FC3  }
0x123: {  	[hbm:s29], [sflag:s2] =	dma.local @!p3 [spmem:s0], $0x800  }
0x124: {  	s0 =	simm.s32 @!p3 $0x3  }
0x125: {  	_ =	swait.ge @!p3 [sflag:s0], $0x800  }
0x126: {  	[sflag:s0] =	ssyncset.done @!p3 $0x0  }
0x127: {  	s29 =	sshrl.u32 @!p3 s9, $0x3;
	s30 =	rddreg [dreg:$0x12];
	[sflag:s0] =	ssyncadd.s32 @!p3 $0xFFFFF800  }
0x128: {  	[hbm:s30], [sflag:s2] =	dma.local @!p3 [spmem:s29], $0x800  }
0x129: {  	_ =	swait.ge @!p3 [sflag:s0], $0x800  }
0x12a: {  	[sflag:s0] =	ssyncset.done @!p3 $0x0  }
0x12b: {  	s29 =	sshrl.u32 @!p3 s10, $0x3;
	s30 =	rddreg [dreg:$0x13];
	[sflag:s0] =	ssyncadd.s32 @!p3 $0xFFFFF800  }
0x12c: {  	[hbm:s30], [sflag:s2] =	dma.local @!p3 [spmem:s29], $0x800  }
0x12d: {  	_ =	swait.ge @!p3 [sflag:s0], $0x800  }
0x12e: {  	[sflag:s0] =	ssyncset.done @!p3 $0x0  }
0x12f: {  	s29 =	sshrl.u32 @!p3 s11, $0x3;
	s30 =	rddreg [dreg:$0x14];
	[sflag:s0] =	ssyncadd.s32 @!p3 $0xFFFFF800  }
0x130: {  	[hbm:s30], [sflag:s2] =	dma.local @!p3 [spmem:s29], $0x100  }
0x131: {  	_ =	swait.ge @!p3 [sflag:s0], $0x100  }
0x132: {  	s2 =	sshll.u32 @!p4 s31, $0x6;
	[sflag:s0] =	ssyncset.done @!p3 $0x0;
	s29 =	rddreg [dreg:$0x7]  }
0x133: {  	[sflag:s0] =	ssyncadd.s32 @!p3 $0xFFFFFF00;
	s0 =	sor.u32 @!p4 $0x1C03, s2;
	s2 =	sshrl.u32 @!p4 s19, $0x3  }
0x134: {  	[hbm:s29], [sflag:s0] =	dma.local @!p4 [spmem:s2], $0x800  }
0x135: {  	s2 =	simm.s32 @!p4 $0x3  }
0x136: {  	_ =	swait.ge @!p4 [sflag:s2], $0x800  }
0x137: {  	[sflag:s2] =	ssyncset.done @!p4 $0x0  }
0x138: {  	s29 =	sshrl.u32 @!p4 s20, $0x3;
	s31 =	rddreg [dreg:$0x8];
	[sflag:s2] =	ssyncadd.s32 @!p4 $0xFFFFF800  }
0x139: {  	[hbm:s31], [sflag:s0] =	dma.local @!p4 [spmem:s29], $0x800  }
0x13a: {  	_ =	swait.ge @!p4 [sflag:s2], $0x800  }
0x13b: {  	[sflag:s2] =	ssyncset.done @!p4 $0x0  }
0x13c: {  	s29 =	sshrl.u32 @!p4 s21, $0x3;
	s31 =	rddreg [dreg:$0x9];
	[sflag:s2] =	ssyncadd.s32 @!p4 $0xFFFFF800  }
0x13d: {  	[hbm:s31], [sflag:s0] =	dma.local @!p4 [spmem:s29], $0x800  }
0x13e: {  	_ =	swait.ge @!p4 [sflag:s2], $0x800  }
0x13f: {  	[sflag:s2] =	ssyncset.done @!p4 $0x0  }
0x140: {  	s29 =	sshrl.u32 @!p4 s22, $0x3;
	s31 =	rddreg [dreg:$0xa];
	[sflag:s2] =	ssyncadd.s32 @!p4 $0xFFFFF800  }
0x141: {  	[hbm:s31], [sflag:s0] =	dma.local @!p4 [spmem:s29], $0x800  }
0x142: {  	_ =	swait.ge @!p4 [sflag:s2], $0x800  }
0x143: {  	[sflag:s2] =	ssyncset.done @!p4 $0x0  }
0x144: {  	s29 =	sshrl.u32 @!p4 s23, $0x3;
	s31 =	rddreg [dreg:$0xb];
	[sflag:s2] =	ssyncadd.s32 @!p4 $0xFFFFF800  }
0x145: {  	[hbm:s31], [sflag:s0] =	dma.local @!p4 [spmem:s29], $0x800  }
0x146: {  	_ =	swait.ge @!p4 [sflag:s2], $0x800  }
0x147: {  	s28 =	sadd.s32 $0x1, s28;
	s31 =	rddreg [dreg:$0x19]  }
0x148: {  	p5 =	sne.s32 s28, s31  }
.Ltmp3:
0x149: {  	_ = 	snop;
	(pc) =	sbr.rel @p5 .LBB2_1-.Ltmp3, $3  }
0x14a: {  	_ =	sdelay $0x1  }
0x14b: {  	[sflag:s2] =	ssyncset.done @!p4 $0x0  }
0x14c: {  	s30 =	stileid.u32;
	[sflag:s2] =	ssyncadd.s32 @!p4 $0xFFFFF800  }
0x14d: {  	_ =	sfence.sel $0x180000  }
0x14e: {  	[bflag:$0x0] =	sbarrier.arrive $0xFFFF  }
0x14f: {  	_ =	strace $0x9000004A  }
0x150: {  	[bflag:$0x2] =	sbarrier.arrive $0xFFFF  }
0x151: {  	p0 =	sne.s32 s30, $0x0;
	s0 =	rddreg [dreg:$0x2]  }
0x152: {  	s0 =	sadd.s32 @!p0 $0x100000, s0  }
0x153: {  	[sflag:s0] =	ssyncadd.tile.s32 @!p0 $0x1;
	_ =	shalt  }
.Lfunc_end2:
_tile_overlayer_lowered:
.L_overlay_start_2:
0x154: {  	(tag) =	ssettag $0x2  }
0x155: {  	s0 =	rddreg [dreg:$0x0];
	s2 =	stileid.u32  }
0x156: {  	s1 =	rddreg [dreg:$0x1];
	p0 =	sne.s32 s2, $0x0  }
0x157: {  	s3 =	rddreg [dreg:$0x2];
	[bflag:$0x3] =	sbarrier.arrive $0xFFFF;
	s2 =	simm.s32 @!p0 $0x1C03  }
0x158: {  	[timem:s3], [sflag:s2] =	dma.local @!p0 [hbm:s0], s1  }
0x159: {  	s0 =	simm.s32 @!p0 $0x3  }
0x15a: {  	_ =	swait.ge @!p0 [sflag:s0], s1  }
0x15b: {  	s1 =	ssub.s32 @!p0 $0x0, s1;
	[sflag:s0] =	ssyncset.done @!p0 $0x0  }
0x15c: {  	[sflag:s0] =	ssyncadd.s32 @!p0 s1  }
0x15d: {  	[bflag:$0x3] =	sbarrier.arrive $0xFFFF  }
0x15e: {  	_ =	shalt  }

// kernel: kernel.14.cloned.1.call-start
scs
__scs_entry_jumppad:
0x0: {  	(pc) =	sbr.rel $0x88, $3  }
0x1: {  	(tag) =	ssettag $0x0;
	lr =	simm.s32 $0x1  }
0x2: {  	[smem:$0x3F97] =	sst lr;
	_ =	strace $0xD0000000  }
0x3: {  	_ = 	snop  }
0x4: {  	_ = 	snop  }
0x5: {  	_ = 	snop  }
0x6: {  	_ = 	snop  }
0x7: {  	_ = 	snop  }
__scs_overlays_trampoline_lowered:
0x8: {  	[smem:$0x3FA6] =	sst s0  }
0x9: {  	[smem:$0x3FA7] =	sst s1  }
0xa: {  	[smem:$0x3FA8] =	sst s2  }
0xb: {  	[smem:$0x3FA9] =	sst s3  }
0xc: {  	[smem:$0x3FAA] =	sst s4  }
0xd: {  	[smem:$0x3FAB] =	sst s5  }
0xe: {  	[smem:$0x3FAC] =	sst s6  }
0xf: {  	[smem:$0x3FAD] =	sst s7  }
0x10: {  	[smem:$0x3FAE] =	sst s8  }
0x11: {  	[smem:$0x3FAF] =	sst s9;
	s0 =	simm.s32 @!p0 $0x0  }
0x12: {  	s1 =	sld [smem:$0x3F95];
	s0 =	simm.s32 @p0 $0x1  }
0x13: {  	[smem:$0x3FB0] =	sst s0;
	s0 =	simm.s32 @!p1 $0x0  }
0x14: {  	s2 =	sld [smem:$0x3F94];
	s0 =	simm.s32 @p1 $0x1  }
0x15: {  	[smem:$0x3FB1] =	sst s0;
	s0 =	simm.s32 @!p2 $0x0  }
0x16: {  	s3 =	sld [smem:$0x3FDB];
	s0 =	simm.s32 @p2 $0x1  }
0x17: {  	s4 =	simm.s32 $0x1BF5;
	[smem:$0x3FB3] =	sst s0  }
0x18: {  	s0 =	sld [smem:$0x3F96];
	_ =	swait.ge [sflag:s4], $0x0  }
0x19: {  	s7 =	sld [smem:$0x3F97]  }
0x1a: {  	s8 =	sadd.s32 $0xFFFFE003, lr  }
0x1b: {  	s9 =	sadd.s32 $0xFFFFFEF7, lr;
	s5 =	simm.s32 $0xFFFFFFFF;
	p2 =	slt.u32 s8, $0xFFFFF086  }
0x1c: {  	p1 =	slt.u32 s9, $0xF7A;
	s5 =	simm.s32 @!p2 $0x0  }
0x1d: {  	s5 =	simm.s32 @p1 $0x1;
	p0 =	seq.s32 s7, s2  }
0x1e: {  	s7 =	smul.u32 @!p0 $0xF7A, s2;
	p2 =	seq.s32 @!p0 s5, $0x0  }
0x1f: {  	s9 =	smul.u32 $0xF7A, s1;
	s8 =	simm.s32 @!p0 $0x1BF5;
	p2 =	por !p2, p0  }
0x20: {  	[sflag:s8] =	ssyncset.s32 @!p0 $0xFFFFF086;
	s6 =	sadd.s32 @!p0 s3, s7;
	s7 =	simm.s32 @!p0 $0x108  }
0x21: {  	s3 =	sadd.s32 s3, s9;
	s6 =	sadd.s32 @!p0 $0x88, s6;
	s7 =	simm.s32 @p2 $0x1082  }
0x22: {  	[simem:s7], [sflag:s8] =	dma.local @!p0 [hbm:s6], $0xF7A  }
0x23: {  	s9 =	sor.u32 $0xD0000000, s2;
	s6 =	simm.s32 $0x108;
	_ =	swait.ge @!p0 [sflag:s8], $0x0  }
0x24: {  	s3 =	sadd.s32 $0x88, s3;
	s6 =	simm.s32 @!p1 $0x1082;
	[sflag:s4] =	ssyncset.s32 $0xFFFFF086  }
0x25: {  	[simem:s6], [sflag:s4] =	dma.local [hbm:s3], $0xF7A  }
0x26: {  	[smem:$0x3F97] =	sst s1;
	(tag) =	ssettag s2;
	_ =	strace s9  }
0x27: {  	s1 =	sld [smem:$0x3FA7]  }
0x28: {  	s2 =	sld [smem:$0x3FA8]  }
0x29: {  	s4 =	sld [smem:$0x3FAA]  }
0x2a: {  	p0 =	seq.s32 s5, $0x0;
	s5 =	sld [smem:$0x3FAB]  }
0x2b: {  	s6 =	sld [smem:$0x3FAC]  }
0x2c: {  	s7 =	sld [smem:$0x3FAD]  }
0x2d: {  	s3 =	simm.s32 $0x108;
	s8 =	sld [smem:$0x3FAE]  }
0x2e: {  	s3 =	simm.s32 @!p0 $0x1082;
	s9 =	sld [smem:$0x3FAF]  }
0x2f: {  	lr =	sadd.s32 s0, s3;
	s0 =	sld [smem:$0x3FA6]  }
0x30: {  	s3 =	sld [smem:$0x3FA9]  }
0x31: {  	[smem:$0x3FB2] =	sst s10  }
0x32: {  	s10 =	sld [smem:$0x3FB0];
	_ =	sdelay $0x3  }
0x33: {  	p0 =	seq.s32 s10, $0x1;
	s10 =	sld [smem:$0x3FB2];
	_ =	sdelay $0x3  }
0x34: {  	[smem:$0x3FB2] =	sst s10  }
0x35: {  	s10 =	sld [smem:$0x3FB1];
	_ =	sdelay $0x3  }
0x36: {  	p1 =	seq.s32 s10, $0x1;
	s10 =	sld [smem:$0x3FB2];
	_ =	sdelay $0x3  }
0x37: {  	[smem:$0x3FB2] =	sst s10  }
0x38: {  	s10 =	sld [smem:$0x3FB3]  }
0x39: {  	_ = 	snop;
	(pc) =	sbr.ind lr, $3  }
0x3a: {  	_ = 	snop  }
0x3b: {  	_ = 	snop  }
0x3c: {  	p2 =	seq.s32 s10, $0x1;
	s10 =	sld [smem:$0x3FB2]  }
0x3d: {  	_ =	shalt  }
0x3e: {  	_ =	shalt  }
0x3f: {  	_ =	shalt  }
0x40: {  	_ =	shalt  }
0x41: {  	_ =	shalt  }
0x42: {  	_ =	shalt  }
0x43: {  	_ =	shalt  }
0x44: {  	_ =	shalt  }
0x45: {  	_ =	shalt  }
0x46: {  	_ =	shalt  }
0x47: {  	_ =	shalt  }
0x48: {  	_ =	shalt  }
0x49: {  	_ =	shalt  }
0x4a: {  	_ =	shalt  }
0x4b: {  	_ =	shalt  }
0x4c: {  	_ =	shalt  }
0x4d: {  	_ =	shalt  }
0x4e: {  	_ =	shalt  }
0x4f: {  	_ =	shalt  }
0x50: {  	_ =	shalt  }
0x51: {  	_ =	shalt  }
0x52: {  	_ =	shalt  }
0x53: {  	_ =	shalt  }
0x54: {  	_ =	shalt  }
0x55: {  	_ =	shalt  }
0x56: {  	_ =	shalt  }
0x57: {  	_ =	shalt  }
0x58: {  	_ =	shalt  }
0x59: {  	_ =	shalt  }
0x5a: {  	_ =	shalt  }
0x5b: {  	_ =	shalt  }
0x5c: {  	_ =	shalt  }
0x5d: {  	_ =	shalt  }
0x5e: {  	_ =	shalt  }
0x5f: {  	_ =	shalt  }
0x60: {  	_ =	shalt  }
0x61: {  	_ =	shalt  }
0x62: {  	_ =	shalt  }
0x63: {  	_ =	shalt  }
0x64: {  	_ =	shalt  }
0x65: {  	_ =	shalt  }
0x66: {  	_ =	shalt  }
0x67: {  	_ =	shalt  }
0x68: {  	_ =	shalt  }
0x69: {  	_ =	shalt  }
0x6a: {  	_ =	shalt  }
0x6b: {  	_ =	shalt  }
0x6c: {  	_ =	shalt  }
0x6d: {  	_ =	shalt  }
0x6e: {  	_ =	shalt  }
0x6f: {  	_ =	shalt  }
0x70: {  	_ =	shalt  }
0x71: {  	_ =	shalt  }
0x72: {  	_ =	shalt  }
0x73: {  	_ =	shalt  }
0x74: {  	_ =	shalt  }
0x75: {  	_ =	shalt  }
0x76: {  	_ =	shalt  }
0x77: {  	_ =	shalt  }
0x78: {  	_ =	shalt  }
0x79: {  	_ =	shalt  }
0x7a: {  	_ =	shalt  }
0x7b: {  	_ =	shalt  }
0x7c: {  	_ =	shalt  }
0x7d: {  	_ =	shalt  }
0x7e: {  	_ =	shalt  }
0x7f: {  	_ =	shalt  }
0x80: {  	_ =	shalt  }
0x81: {  	_ =	shalt  }
0x82: {  	_ =	shalt  }
0x83: {  	_ =	shalt  }
0x84: {  	_ =	shalt  }
0x85: {  	_ =	shalt  }
0x86: {  	_ =	shalt  }
0x87: {  	_ =	shalt  }
.Lfunc_end0:
.L_simem_size_0:
called_computation.2_lowered:
.L_overlay_start_0:
0x88: {  	s2 =	sld [smem:$0x3FD9]  }
0x89: {  	s3 =	sld [smem:$0x3FFE];
	_ =	sdelay $0x1  }
0x8a: {  	s1 =	srdreg.scid  }
0x8b: {  	s0 =	sand.u32 $0x1, s1  }
0x8c: {  	s16 =	sshll.u32 s0, $0xA;
	s2 =	sadd.s32 s3, s2  }
0x8d: {  	s2 =	sadd.s32 s2, s16  }
0x8e: {  	[smem:$0x3FBE] =	sst s2  }
0x8f: {  	_ = 	snop  }
0x90: {  	(tm) =	ssettm $0x1  }
0x91: {  	s17 =	sld [smem:$0x3FFB];
	_ =	sdelay $0x3  }
0x92: {  	_ =	strace s17  }
0x93: {  	s2 =	sld [smem:$0x3FFC];
	_ =	sdelay $0x3  }
0x94: {  	_ =	strace s2  }
0x95: {  	s2 =	sld [smem:$0x3FFD];
	_ =	sdelay $0x3  }
0x96: {  	_ =	strace s2  }
0x97: {  	_ =	strace $0x8FFFFFFF  }
0x98: {  	s18 =	sld [smem:$0x3FDB];
	_ =	sdelay $0x1  }
0x99: {  	s19 =	simm.s32 $_scs_section_size  }
0x9a: {  	s4 =	simm.s32 $_size__tile_overlayer_lowered;
	s5 =	simm.s32 $_tile_overlayer_lowered  }
0x9b: {  	s22 =	simm.s32 $0x1BFF;
	s21 =	sshll.u32 s5, $0x1;
	s2 =	sadd.s32 s19, s18  }
0x9c: {  	s6 =	simm.s32 $0x0;
	s20 =	sshll.u32 s4, $0x1;
	s4 =	sadd.s32 s21, s2  }
0x9d: {  	[timem:s6], [sflag:s22] =	dma.local [hbm:s4], s20  }
0x9e: {  	_ =	swait.ge [sflag:s22], s20  }
0x9f: {  	s3 =	ssub.s32 $0x0, s20;
	[sflag:s22] =	ssyncset.done $0x0  }
0xa0: {  	[sflag:s22] =	ssyncadd.s32 s3;
	_ =	sdelay $0x1  }
0xa1: {  	s23 =	simm.s32 $0x1B8B  }
0xa2: {  	_ =	swait.ge [sflag:s23], $0x1  }
0xa3: {  	[sflag:s23] =	ssyncset.done $0x0  }
0xa4: {  	s25 =	simm.s32 $0x1B8E;
	s24 =	sld [smem:$0x3FFE];
	[sflag:s23] =	ssyncadd.s32 $0xFFFFFFFF  }
0xa5: {  	s26 =	simm.s32 $execute0_lowered;
	[smem:$0x3FD2] =	sst s25  }
0xa6: {  	s4 =	sshll.u32 s26, $0x1;
	_ =	strace $0x8000004C;
	[dreg:$0x1] =	wrdreg $0xFFFFFFFF  }
0xa7: {  	s28 =	simm.s32 $_size_execute0_lowered;
	s2 =	sadd.s32 s2, s4;
	[dreg:$0x0] =	wrdreg $0x0  }
0xa8: {  	s4 =	sshll.u32 s28, $0x1;
	[dreg:$0x2] =	wrdreg s2  }
0xa9: {  	[dreg:$0x3] =	wrdreg s4  }
0xaa: {  	[dreg:$0x4] =	wrdreg $0xC0  }
0xab: {  	_ =	task [dreg:s6], $0x5FFFF  }
0xac: {  	[dreg:$0x1] =	wrdreg $0xFFFFFFFF  }
0xad: {  	[dreg:$0x0] =	wrdreg $0x60  }
0xae: {  	[dreg:$0x2] =	wrdreg s24  }
0xaf: {  	[dreg:$0x3] =	wrdreg $0xA8000  }
0xb0: {  	[dreg:$0x4] =	wrdreg $0x9  }
0xb1: {  	_ =	task.clear_ibuf [dreg:s6], $0x5FFFF;
	_ =	strace $0x9000004C  }
0xb2: {  	s29 =	simm.s32 $0x9;
	_ =	strace $0x8000004E  }
0xb3: {  	_ =	swait.ge [sflag:s29], $0x1  }
0xb4: {  	[sflag:s29] =	ssyncadd.s32 $0xFFFFFFFF  }
0xb5: {  	_ =	strace $0x9000004E  }
0xb6: {  	_ =	sfence  }
0xb7: {  	s30 =	sld [smem:$0x0];
	_ =	sdelay $0x2  }
0xb8: {  	s31 =	sshll.u32 s1, $0xD;
	s1 =	sshrl.u32 s1, $0x2  }
0xb9: {  	s3 =	sand.u32 $0x4000, s31;
	s1 =	sadd.s32 s1, s30  }
0xba: {  	s0 =	sor.u32 s3, s0;
	s1 =	sshll.u32 s1, $0x11  }
0xbb: {  	s0 =	sor.u32 s1, s0  }
0xbc: {  	s0 =	sadd.s32 $0x8F2B, s0  }
0xbd: {  	[sflag:s0] =	ssyncadd.remote.s32 $0x1  }
0xbe: {  	_ =	sfence.sel $0xFFFF  }
0xbf: {  	[dreg:$0x0] =	wrdreg $0xFFFFFFFF;
	(pc) =	sbr.abs _section_cstart, $3  }
0xc0: {  	[dreg:$0x1] =	wrdreg $0xFFFFFFFF  }
0xc1: {  	_ =	task.clear_ibuf [dreg:s6], $0x2FFFF;
	_ =	strace $0x9FFFFFFF  }
0xc2: {  	(tm) =	ssettm $0x7FFFFFFF  }
0xc3: {  	_ =	shalt  }
tec
execute0_lowered:
.L_overlay_start_1:
0x0: {  	(tag) =	ssettag $0x1  }
0x1: {  	s0 =	rddreg [dreg:$0x0]  }
0x2: {  	s1 =	rddreg [dreg:$0x1]  }
0x3: {  	s3 =	simm.s32 $0x0;
	s2 =	srdreg.scid;
	s15 =	stileid.u32  }
0x4: {  	s28 =	simm.s32 $0x0;
	[smem:$0x7FF] =	sst s3;
	s2 =	sand.u32 $0x1, s2  }
0x5: {  	s4 =	sadd.s32 $0xD800, s0;
	s5 =	smul.u32 $0x50000, s15;
	s6 =	sadd.s32 $0x3800, s0  }
0x6: {  	s9 =	sadd.s32 $0x3EA00, s0;
	s11 =	sadd.s32 $0x66400, s0;
	s18 =	smul.u32 $0x280, s15  }
0x7: {  	s19 =	smul.u32 $0x2800, s15;
	s16 =	sadd.s32 $0x64200, s0;
	p0 =	seq.s32 s15, $0xF  }
0x8: {  	_ =	strace $0x8000004D;
	s17 =	sshll.u32 s2, $0x4;
	s7 =	ssub.s32 $0x2, s2  }
0x9: {  	p4 =	seq.s32 s2, $0x1;
	[dreg:$0x11] =	wrdreg s16;
	s16 =	simm.s32 $0x1  }
0xa: {  	s3 =	sor.u32 s15, s17;
	s10 =	sshrl.u32 s7, $0x1;
	s5 =	sshrl.u32 s5, $0x2  }
0xb: {  	s20 =	sadd.s32 $0x80, s18;
	s21 =	sadd.s32 s9, s19;
	s24 =	sadd.s32 $0x100, s18  }
0xc: {  	s25 =	sadd.s32 $0x180, s18;
	s17 =	sadd.s32 $0x64A00, s0;
	p2 =	seq.s32 @p4 s15, $0xF  }
0xd: {  	p5 =	seq.s32 @!p4 s15, $0xF;
	s15 =	simm.s32 $0x2800;
	s8 =	smul.u32 $0x500, s3  }
0xe: {  	s3 =	smul.u32 $0x2800, s3;
	s7 =	ssub.s32 s7, s10;
	[dreg:$0x7] =	wrdreg s21  }
0xf: {  	s22 =	sshll.u32 s20, $0x4;
	s26 =	sshll.u32 s24, $0x4;
	s13 =	sshll.u32 s25, $0x4  }
0x10: {  	s10 =	sadd.s32 $0x200, s18;
	s18 =	sadd.s32 $0x17800, s0;
	[dreg:$0x12] =	wrdreg s17  }
0x11: {  	p1 =	por !p2, !p4;
	p2 =	por p2, !p4;
	p3 =	por !p5, p4  }
0x12: {  	p4 =	por p5, p4;
	s17 =	simm.s32 $0x6800;
	s23 =	sadd.s32 s9, s22  }
0x13: {  	s14 =	sadd.s32 s9, s26;
	s29 =	sadd.s32 s9, s13;
	[dreg:$0x8] =	wrdreg s23  }
0x14: {  	s30 =	sshll.u32 s10, $0x4;
	s2 =	sadd.s32 s11, s22;
	[dreg:$0x9] =	wrdreg s14  }
0x15: {  	s31 =	sadd.s32 s11, s26;
	s26 =	sadd.s32 $0x8BC00, s0;
	[dreg:$0xa] =	wrdreg s29  }
0x16: {  	s12 =	sadd.s32 s4, s8;
	s3 =	sshrl.u32 s3, $0x3;
	[dreg:$0xd] =	wrdreg s2  }
0x17: {  	s8 =	sadd.s32 s6, s8;
	s9 =	sadd.s32 s9, s30;
	[dreg:$0xe] =	wrdreg s31  }
0x18: {  	s14 =	sshll.u32 s10, $0x7;
	[dreg:$0x15] =	wrdreg s26;
	s29 =	sadd.s32 $0x8C400, s0  }
0x19: {  	s31 =	smax.u32 s7, $0x1;
	s10 =	sadd.s32 $0x134000, s1;
	[dreg:$0x3] =	wrdreg s12  }
0x1a: {  	s26 =	simm.s32 $0x2780;
	[dreg:$0x4] =	wrdreg s8;
	s3 =	sadd.s32 $0x280, s3  }
0x1b: {  	[dreg:$0xb] =	wrdreg s9;
	s8 =	sadd.s32 s11, s19;
	s9 =	sadd.s32 s11, s30  }
0x1c: {  	s19 =	sadd.s32 s5, s1;
	s12 =	sshll.u32 s24, $0x7;
	[dreg:$0x16] =	wrdreg s29  }
0x1d: {  	s23 =	sadd.s32 s14, s1;
	s24 =	sadd.s32 $0x65200, s0;
	[dreg:$0x19] =	wrdreg s31  }
0x1e: {  	s30 =	sadd.s32 $0x8CC00, s0;
	s14 =	simm.s32 $0x80;
	[dreg:$0xc] =	wrdreg s8  }
0x1f: {  	s4 =	sadd.s32 s4, s3;
	s3 =	sadd.s32 s6, s3;
	[dreg:$0x10] =	wrdreg s9  }
0x20: {  	s8 =	sadd.s32 s11, s13;
	s11 =	sshll.u32 s20, $0x7;
	[dreg:$0x13] =	wrdreg s24  }
0x21: {  	s13 =	sshll.u32 s25, $0x7;
	s21 =	sadd.s32 s12, s1;
	[dreg:$0x17] =	wrdreg s30  }
0x22: {  	s25 =	sadd.s32 $0x65A00, s0;
	s0 =	sadd.s32 $0x8D400, s0;
	[dreg:$0x5] =	wrdreg s4  }
0x23: {  	s5 =	sadd.s32 $0x8000, s19;
	s6 =	sadd.s32 $0xC000, s19;
	[dreg:$0x6] =	wrdreg s3  }
0x24: {  	s7 =	sadd.s32 $0x10000, s19;
	s9 =	sadd.s32 $0x130000, s1;
	[dreg:$0xf] =	wrdreg s8  }
0x25: {  	s12 =	simm.s32 $0x3;
	s24 =	simm.s32 $0x1380;
	[dreg:$0x14] =	wrdreg s25  }
0x26: {  	s20 =	sadd.s32 s11, s1;
	s22 =	sadd.s32 s13, s1;
	[dreg:$0x18] =	wrdreg s0  }
0x27: {  	s4 =	sadd.s32 $0x4000, s19;
	s8 =	sadd.s32 $0x12C000, s1;
	s11 =	sadd.s32 $0x138000, s1  }
0x28: {  	v0 =	vimm.f32 $0.0e+00;
	s13 =	simm.s32 $0x1400;
	s3 =	simm.s32 $0x2;
	s25 =	simm.s32 $0x2700  }
.LBB2_1:
0x29: {  	s0 =	simm.s32 $0x0  }
0x2a: {  	s29 =	sand.u32 $0xFE00, s0  }
0x2b: {  	s30 =	sand.u32 $0x70, s0;
	s31 =	sshrl.u32 s29, $0x2  }
0x2c: {  	s29 =	simm.s32 $0x40;
	s31 =	sor.u32 s30, s31;
	s30 =	simm.s32 $0x0  }
.LBB2_2:
0x2d: {  	p5 =	sne.s32 s29, $0xFFC0  }
0x2e: {  	[tilespmem:s31+$0x2800] =	vst v0;
	s30 =	sadd.s32 $0x10, s30;
	s31 =	smov.u32 s29;
	s29 =	sadd.s32 $0x40, s29  }
.Ltmp0:
0x2f: {  	(pc) =	sbr.rel @p5 .LBB2_2-.Ltmp0, $4  }
0x30: {  	_ = 	snop  }
0x31: {  	s31 =	sand.u32 $0xFE00, s31  }
0x32: {  	s0 =	sand.u32 $0x70, s30;
	s31 =	sshrl.u32 s31, $0x2  }
0x33: {  	s31 =	sor.u32 s0, s31  }
0x34: {  	[tilespmem:s31+$0x2800] =	vst v0;
	s0 =	simm.s32 @p0 $0x2800;
	s29 =	simm.s32 @p0 $0x3  }
0x35: {  	[spmem:s8] =	stream.linear.scatter @p0 [tilespmem:s0], [sflag:$0x3], $0x4000, $0x38;
	[tilespmem:$0x1E480] =	vst v63  }
0x36: {  	_ =	swait.ge @p0 [sflag:s29], $0x4000  }
0x37: {  	[sflag:s29] =	ssyncset.done @p0 $0x0  }
0x38: {  	[sflag:s29] =	ssyncadd.s32 @p0 $0xFFFFC000  }
0x39: {  	[spmem:s9] =	stream.linear.scatter @p0 [tilespmem:s0], [sflag:$0x3], $0x4000, $0x38;
	[tilespmem:$0x1E480] =	vst v63  }
0x3a: {  	_ =	swait.ge @p0 [sflag:s29], $0x4000  }
0x3b: {  	[sflag:s29] =	ssyncset.done @p0 $0x0  }
0x3c: {  	[sflag:s29] =	ssyncadd.s32 @p0 $0xFFFFC000  }
0x3d: {  	[spmem:s10] =	stream.linear.scatter @p0 [tilespmem:s0], [sflag:$0x3], $0x4000, $0x38;
	[tilespmem:$0x1E480] =	vst v63  }
0x3e: {  	_ =	swait.ge @p0 [sflag:s29], $0x4000  }
0x3f: {  	[sflag:s29] =	ssyncset.done @p0 $0x0  }
0x40: {  	[sflag:s29] =	ssyncadd.s32 @p0 $0xFFFFC000  }
0x41: {  	[spmem:s11] =	stream.linear.scatter @p0 [tilespmem:s0], [sflag:$0x3], $0x1000, $0x38;
	[tilespmem:$0x1E480] =	vst v63  }
0x42: {  	_ =	swait.ge @p0 [sflag:s29], $0x1000  }
0x43: {  	[sflag:s29] =	ssyncset.done @p0 $0x0  }
0x44: {  	s0 =	simm.s32 @!p0 $0x2800;
	[sflag:s29] =	ssyncadd.s32 @p0 $0xFFFFF000;
	s29 =	simm.s32 @!p0 $0x3  }
0x45: {  	[spmem:s19] =	stream.linear.scatter @!p0 [tilespmem:s0], [sflag:$0x3], $0x4000, $0x38;
	[tilespmem:$0x1E480] =	vst v63  }
0x46: {  	_ =	swait.ge @!p0 [sflag:s29], $0x4000  }
0x47: {  	[sflag:s29] =	ssyncset.done @!p0 $0x0  }
0x48: {  	[sflag:s29] =	ssyncadd.s32 @!p0 $0xFFFFC000  }
0x49: {  	[spmem:s4] =	stream.linear.scatter @!p0 [tilespmem:s0], [sflag:$0x3], $0x4000, $0x38;
	[tilespmem:$0x1E480] =	vst v63  }
0x4a: {  	_ =	swait.ge @!p0 [sflag:s29], $0x4000  }
0x4b: {  	[sflag:s29] =	ssyncset.done @!p0 $0x0  }
0x4c: {  	[sflag:s29] =	ssyncadd.s32 @!p0 $0xFFFFC000  }
0x4d: {  	[spmem:s5] =	stream.linear.scatter @!p0 [tilespmem:s0], [sflag:$0x3], $0x4000, $0x38;
	[tilespmem:$0x1E480] =	vst v63  }
0x4e: {  	_ =	swait.ge @!p0 [sflag:s29], $0x4000  }
0x4f: {  	[sflag:s29] =	ssyncset.done @!p0 $0x0  }
0x50: {  	[sflag:s29] =	ssyncadd.s32 @!p0 $0xFFFFC000  }
0x51: {  	[spmem:s6] =	stream.linear.scatter @!p0 [tilespmem:s0], [sflag:$0x3], $0x4000, $0x38;
	[tilespmem:$0x1E480] =	vst v63  }
0x52: {  	_ =	swait.ge @!p0 [sflag:s29], $0x4000  }
0x53: {  	[sflag:s29] =	ssyncset.done @!p0 $0x0  }
0x54: {  	[sflag:s29] =	ssyncadd.s32 @!p0 $0xFFFFC000  }
0x55: {  	[spmem:s7] =	stream.linear.scatter @!p0 [tilespmem:s0], [sflag:$0x3], $0x4000, $0x38;
	[tilespmem:$0x1E480] =	vst v63  }
0x56: {  	_ =	swait.ge @!p0 [sflag:s29], $0x4000  }
0x57: {  	[sflag:s29] =	ssyncset.done @!p0 $0x0  }
0x58: {  	[sflag:s29] =	ssyncadd.s32 @!p0 $0xFFFFC000  }
0x59: {  	[bflag:$0x0] =	sbarrier.arrive $0xFFFF  }
0x5a: {  	s0 =	simm.s32 $0x0;
	s2 =	rddreg [dreg:$0x3]  }
0x5b: {  	[tilespmem:s0], [sflag:$0x3] =	stream.linear.gather [hbm4b:s2+s0], $0x1400, $0x38;
	[tilespmem:$0x1E480] =	vst v63  }
0x5c: {  	_ =	swait.ge [sflag:s12], $0x1400  }
0x5d: {  	[sflag:s12] =	ssyncset.done $0x0  }
0x5e: {  	s31 =	rddreg [dreg:$0x4];
	[sflag:s12] =	ssyncadd.s32 $0xFFFFEC00  }
0x5f: {  	[tilespmem:s13], [sflag:$0x3] =	stream.linear.gather [hbm4b:s31+s0], $0x1400, $0x38;
	[tilespmem:$0x1E480] =	vst v63  }
0x60: {  	_ =	swait.ge [sflag:s12], $0x1400  }
0x61: {  	[sflag:s12] =	ssyncset.done $0x0  }
0x62: {  	[sflag:s12] =	ssyncadd.s32 $0xFFFFEC00  }
0x63: {  	[tilespmem:s15], [sflag:$0x1] =	stream.indirect.gather [hbm4b:s18+s14], $0x80, s0, s14, $0xb8;
	[tilespmem:$0x1E480] =	vst v63  }
0x64: {  	_ =	swait.ge [sflag:s16], $0x4000  }
0x65: {  	[sflag:s16] =	ssyncset.done $0x0  }
0x66: {  	s2 =	simm.s32 $0x80;
	[sflag:s16] =	ssyncadd.s32 $0xFFFFC000  }
0x67: {  	[tilespmem:s17], [sflag:$0x2] =	stream.indirect.gather [hbm4b:s18+s14], $0x80, s2, s14, $0xb8;
	[tilespmem:$0x1E480] =	vst v63  }
0x68: {  	s31 =	simm.s32 $0x1400  }
0x69: {  	[spmem:s1] =	stream.indirect.scatter.add.f32 [tilespmem:s15], [sflag:$0x3], $0x80, s31, s14, $0xb8;
	[tilespmem:$0x1E480] =	vst v63  }
0x6a: {  	_ =	swait.ge [sflag:s12], $0x4000  }
0x6b: {  	[sflag:s12] =	ssyncset.done $0x0  }
0x6c: {  	[sflag:s12] =	ssyncadd.s32 $0xFFFFC000  }
0x6d: {  	_ =	swait.ge [sflag:s3], $0x4000  }
0x6e: {  	[sflag:s3] =	ssyncset.done $0x0  }
0x6f: {  	s2 =	simm.s32 $0x100;
	[sflag:s3] =	ssyncadd.s32 $0xFFFFC000  }
0x70: {  	[tilespmem:s15], [sflag:$0x1] =	stream.indirect.gather [hbm4b:s18+s14], $0x80, s2, s14, $0xb8;
	[tilespmem:$0x1E480] =	vst v63  }
0x71: {  	s31 =	simm.s32 $0x1480  }
0x72: {  	[spmem:s1] =	stream.indirect.scatter.add.f32 [tilespmem:s17], [sflag:$0x3], $0x80, s31, s14, $0xb8;
	[tilespmem:$0x1E480] =	vst v63  }
0x73: {  	_ =	swait.ge [sflag:s12], $0x4000  }
0x74: {  	[sflag:s12] =	ssyncset.done $0x0  }
0x75: {  	[sflag:s12] =	ssyncadd.s32 $0xFFFFC000  }
0x76: {  	_ =	swait.ge [sflag:s16], $0x4000  }
0x77: {  	s30 =	simm.s32 $0x800;
	s29 =	simm.s32 $0x100;
	[sflag:s16] =	ssyncset.done $0x0  }
.LBB2_4:
0x78: {  	s0 =	sadd.s32 $0x80, s29  }
0x79: {  	[sflag:s16] =	ssyncadd.s32 $0xFFFFC000;
	s31 =	smov.u32 s30;
	s2 =	sadd.s32 $0x400, s30  }
0x7a: {  	[tilespmem:s17], [sflag:$0x2] =	stream.indirect.gather [hbm4b:s18+s14], $0x80, s0, s14, $0xb8;
	[tilespmem:$0x1E480] =	vst v63  }
0x7b: {  	p5 =	sne.s32 s30, $0x4800;
	s0 =	sadd.s32 $0x1400, s29  }
0x7c: {  	[spmem:s1] =	stream.indirect.scatter.add.f32 [tilespmem:s15], [sflag:$0x3], $0x80, s0, s14, $0xb8;
	[tilespmem:$0x1E480] =	vst v63  }
0x7d: {  	_ =	swait.ge [sflag:s12], $0x4000  }
0x7e: {  	[sflag:s12] =	ssyncset.done $0x0  }
0x7f: {  	[sflag:s12] =	ssyncadd.s32 $0xFFFFC000  }
0x80: {  	_ =	swait.ge [sflag:s3], $0x4000  }
0x81: {  	[sflag:s3] =	ssyncset.done $0x0  }
0x82: {  	s0 =	sadd.s32 $0x100, s29;
	[sflag:s3] =	ssyncadd.s32 $0xFFFFC000  }
0x83: {  	[tilespmem:s15], [sflag:$0x1] =	stream.indirect.gather [hbm4b:s18+s14], $0x80, s0, s14, $0xb8;
	[tilespmem:$0x1E480] =	vst v63  }
0x84: {  	s0 =	sadd.s32 $0x1480, s29  }
0x85: {  	[spmem:s1] =	stream.indirect.scatter.add.f32 [tilespmem:s17], [sflag:$0x3], $0x80, s0, s14, $0xb8;
	[tilespmem:$0x1E480] =	vst v63  }
.Ltmp1:
0x86: {  	_ =	swait.ge [sflag:s12], $0x4000;
	(pc) =	sbr.rel @p5 .LBB2_4-.Ltmp1, $4  }
0x87: {  	[sflag:s12] =	ssyncset.done $0x0  }
0x88: {  	[sflag:s12] =	ssyncadd.s32 $0xFFFFC000  }
0x89: {  	_ =	swait.ge [sflag:s16], $0x4000  }
0x8a: {  	s30 =	smov.u32 s2;
	s29 =	sshra.s32 s31, $0x2;
	[sflag:s16] =	ssyncset.done $0x0  }
0x8b: {  	s0 =	sadd.s32 $0x80, s29;
	[sflag:s16] =	ssyncadd.s32 $0xFFFFC000  }
0x8c: {  	[tilespmem:s17], [sflag:$0x2] =	stream.indirect.gather [hbm4b:s18+s14], $0x80, s0, s14, $0xb8;
	[tilespmem:$0x1E480] =	vst v63  }
0x8d: {  	s2 =	sadd.s32 $0x1400, s29  }
0x8e: {  	[spmem:s1] =	stream.indirect.scatter.add.f32 [tilespmem:s15], [sflag:$0x3], $0x80, s2, s14, $0xb8;
	[tilespmem:$0x1E480] =	vst v63  }
0x8f: {  	_ =	swait.ge [sflag:s12], $0x4000  }
0x90: {  	[sflag:s12] =	ssyncset.done $0x0  }
0x91: {  	[sflag:s12] =	ssyncadd.s32 $0xFFFFC000  }
0x92: {  	_ =	swait.ge [sflag:s3], $0x4000  }
0x93: {  	[sflag:s3] =	ssyncset.done $0x0  }
0x94: {  	s31 =	sadd.s32 $0x100, s29;
	[sflag:s3] =	ssyncadd.s32 $0xFFFFC000  }
0x95: {  	[tilespmem:s15], [sflag:$0x1] =	stream.indirect.gather [hbm4b:s18+s14], $0x80, s31, s14, $0xb8;
	[tilespmem:$0x1E480] =	vst v63  }
0x96: {  	s2 =	sadd.s32 $0x1480, s29  }
0x97: {  	[spmem:s1] =	stream.indirect.scatter.add.f32 [tilespmem:s17], [sflag:$0x3], $0x80, s2, s14, $0xb8;
	[tilespmem:$0x1E480] =	vst v63  }
0x98: {  	_ =	swait.ge [sflag:s12], $0x4000  }
0x99: {  	[sflag:s12] =	ssyncset.done $0x0  }
0x9a: {  	[sflag:s12] =	ssyncadd.s32 $0xFFFFC000  }
0x9b: {  	_ =	swait.ge [sflag:s16], $0x4000  }
0x9c: {  	[sflag:s16] =	ssyncset.done $0x0  }
0x9d: {  	[sflag:s16] =	ssyncadd.s32 $0xFFFFC000  }
0x9e: {  	[tilespmem:s17], [sflag:$0x2] =	stream.indirect.gather [hbm4b:s18+s14], $0x80, s24, s14, $0xb8;
	[tilespmem:$0x1E480] =	vst v63  }
0x9f: {  	_ = 	snop  }
0xa0: {  	[spmem:s1] =	stream.indirect.scatter.add.f32 [tilespmem:s15], [sflag:$0x3], $0x80, s25, s14, $0xb8;
	[tilespmem:$0x1E480] =	vst v63  }
0xa1: {  	_ =	swait.ge [sflag:s12], $0x4000  }
0xa2: {  	[sflag:s12] =	ssyncset.done $0x0  }
0xa3: {  	[sflag:s12] =	ssyncadd.s32 $0xFFFFC000  }
0xa4: {  	_ =	swait.ge [sflag:s3], $0x4000  }
0xa5: {  	[sflag:s3] =	ssyncset.done $0x0  }
0xa6: {  	[sflag:s3] =	ssyncadd.s32 $0xFFFFC000  }
0xa7: {  	[spmem:s1] =	stream.indirect.scatter.add.f32 [tilespmem:s17], [sflag:$0x3], $0x80, s26, s14, $0xb8;
	[tilespmem:$0x1E480] =	vst v63  }
0xa8: {  	_ =	swait.ge [sflag:s12], $0x4000  }
0xa9: {  	[sflag:s12] =	ssyncset.done $0x0  }
0xaa: {  	s0 =	simm.s32 $0x0;
	s2 =	rddreg [dreg:$0x5];
	[sflag:s12] =	ssyncadd.s32 $0xFFFFC000  }
0xab: {  	[tilespmem:s0], [sflag:$0x3] =	stream.linear.gather [hbm4b:s2+s0], $0x1400, $0x38;
	[tilespmem:$0x1E480] =	vst v63  }
0xac: {  	_ =	swait.ge [sflag:s12], $0x1400  }
0xad: {  	[sflag:s12] =	ssyncset.done $0x0  }
0xae: {  	s31 =	rddreg [dreg:$0x6];
	[sflag:s12] =	ssyncadd.s32 $0xFFFFEC00  }
0xaf: {  	[tilespmem:s13], [sflag:$0x3] =	stream.linear.gather [hbm4b:s31+s0], $0x1400, $0x38;
	[tilespmem:$0x1E480] =	vst v63  }
0xb0: {  	_ =	swait.ge [sflag:s12], $0x1400  }
0xb1: {  	[sflag:s12] =	ssyncset.done $0x0  }
0xb2: {  	[sflag:s12] =	ssyncadd.s32 $0xFFFFEC00  }
0xb3: {  	[tilespmem:s15], [sflag:$0x1] =	stream.indirect.gather [hbm4b:s18+s14], $0x80, s0, s14, $0xb8;
	[tilespmem:$0x1E480] =	vst v63  }
0xb4: {  	_ =	swait.ge [sflag:s16], $0x4000  }
0xb5: {  	[sflag:s16] =	ssyncset.done $0x0  }
0xb6: {  	s2 =	simm.s32 $0x80;
	[sflag:s16] =	ssyncadd.s32 $0xFFFFC000  }
0xb7: {  	[tilespmem:s17], [sflag:$0x2] =	stream.indirect.gather [hbm4b:s18+s14], $0x80, s2, s14, $0xb8;
	[tilespmem:$0x1E480] =	vst v63  }
0xb8: {  	s31 =	simm.s32 $0x1400  }
0xb9: {  	[spmem:s1] =	stream.indirect.scatter.add.f32 [tilespmem:s15], [sflag:$0x3], $0x80, s31, s14, $0xb8;
	[tilespmem:$0x1E480] =	vst v63  }
0xba: {  	_ =	swait.ge [sflag:s12], $0x4000  }
0xbb: {  	[sflag:s12] =	ssyncset.done $0x0  }
0xbc: {  	[sflag:s12] =	ssyncadd.s32 $0xFFFFC000  }
0xbd: {  	_ =	swait.ge [sflag:s3], $0x4000  }
0xbe: {  	[sflag:s3] =	ssyncset.done $0x0  }
0xbf: {  	s2 =	simm.s32 $0x100;
	[sflag:s3] =	ssyncadd.s32 $0xFFFFC000  }
0xc0: {  	[tilespmem:s15], [sflag:$0x1] =	stream.indirect.gather [hbm4b:s18+s14], $0x80, s2, s14, $0xb8;
	[tilespmem:$0x1E480] =	vst v63  }
0xc1: {  	s31 =	simm.s32 $0x1480  }
0xc2: {  	[spmem:s1] =	stream.indirect.scatter.add.f32 [tilespmem:s17], [sflag:$0x3], $0x80, s31, s14, $0xb8;
	[tilespmem:$0x1E480] =	vst v63  }
0xc3: {  	_ =	swait.ge [sflag:s12], $0x4000  }
0xc4: {  	[sflag:s12] =	ssyncset.done $0x0  }
0xc5: {  	[sflag:s12] =	ssyncadd.s32 $0xFFFFC000  }
0xc6: {  	_ =	swait.ge [sflag:s16], $0x4000  }
0xc7: {  	s30 =	simm.s32 $0x800;
	s29 =	simm.s32 $0x100;
	[sflag:s16] =	ssyncset.done $0x0  }
.LBB2_6:
0xc8: {  	s0 =	sadd.s32 $0x80, s29  }
0xc9: {  	[sflag:s16] =	ssyncadd.s32 $0xFFFFC000;
	s2 =	smov.u32 s30;
	s31 =	sadd.s32 $0x400, s30  }
0xca: {  	[tilespmem:s17], [sflag:$0x2] =	stream.indirect.gather [hbm4b:s18+s14], $0x80, s0, s14, $0xb8;
	[tilespmem:$0x1E480] =	vst v63  }
0xcb: {  	p5 =	sne.s32 s30, $0x4800;
	s0 =	sadd.s32 $0x1400, s29  }
0xcc: {  	[spmem:s1] =	stream.indirect.scatter.add.f32 [tilespmem:s15], [sflag:$0x3], $0x80, s0, s14, $0xb8;
	[tilespmem:$0x1E480] =	vst v63  }
0xcd: {  	_ =	swait.ge [sflag:s12], $0x4000  }
0xce: {  	[sflag:s12] =	ssyncset.done $0x0  }
0xcf: {  	[sflag:s12] =	ssyncadd.s32 $0xFFFFC000  }
0xd0: {  	_ =	swait.ge [sflag:s3], $0x4000  }
0xd1: {  	[sflag:s3] =	ssyncset.done $0x0  }
0xd2: {  	s0 =	sadd.s32 $0x100, s29;
	[sflag:s3] =	ssyncadd.s32 $0xFFFFC000  }
0xd3: {  	[tilespmem:s15], [sflag:$0x1] =	stream.indirect.gather [hbm4b:s18+s14], $0x80, s0, s14, $0xb8;
	[tilespmem:$0x1E480] =	vst v63  }
0xd4: {  	s0 =	sadd.s32 $0x1480, s29  }
0xd5: {  	[spmem:s1] =	stream.indirect.scatter.add.f32 [tilespmem:s17], [sflag:$0x3], $0x80, s0, s14, $0xb8;
	[tilespmem:$0x1E480] =	vst v63  }
.Ltmp2:
0xd6: {  	_ =	swait.ge [sflag:s12], $0x4000;
	(pc) =	sbr.rel @p5 .LBB2_6-.Ltmp2, $4  }
0xd7: {  	[sflag:s12] =	ssyncset.done $0x0  }
0xd8: {  	[sflag:s12] =	ssyncadd.s32 $0xFFFFC000  }
0xd9: {  	_ =	swait.ge [sflag:s16], $0x4000  }
0xda: {  	s30 =	smov.u32 s31;
	s29 =	sshra.s32 s2, $0x2;
	[sflag:s16] =	ssyncset.done $0x0  }
0xdb: {  	s0 =	sadd.s32 $0x80, s29;
	[sflag:s16] =	ssyncadd.s32 $0xFFFFC000  }
0xdc: {  	[tilespmem:s17], [sflag:$0x2] =	stream.indirect.gather [hbm4b:s18+s14], $0x80, s0, s14, $0xb8;
	[tilespmem:$0x1E480] =	vst v63  }
0xdd: {  	s31 =	sadd.s32 $0x1400, s29  }
0xde: {  	[spmem:s1] =	stream.indirect.scatter.add.f32 [tilespmem:s15], [sflag:$0x3], $0x80, s31, s14, $0xb8;
	[tilespmem:$0x1E480] =	vst v63  }
0xdf: {  	_ =	swait.ge [sflag:s12], $0x4000  }
0xe0: {  	[sflag:s12] =	ssyncset.done $0x0  }
0xe1: {  	[sflag:s12] =	ssyncadd.s32 $0xFFFFC000  }
0xe2: {  	_ =	swait.ge [sflag:s3], $0x4000  }
0xe3: {  	[sflag:s3] =	ssyncset.done $0x0  }
0xe4: {  	s2 =	sadd.s32 $0x100, s29;
	[sflag:s3] =	ssyncadd.s32 $0xFFFFC000  }
0xe5: {  	[tilespmem:s15], [sflag:$0x1] =	stream.indirect.gather [hbm4b:s18+s14], $0x80, s2, s14, $0xb8;
	[tilespmem:$0x1E480] =	vst v63  }
0xe6: {  	s29 =	sadd.s32 $0x1480, s29  }
0xe7: {  	[spmem:s1] =	stream.indirect.scatter.add.f32 [tilespmem:s17], [sflag:$0x3], $0x80, s29, s14, $0xb8;
	[tilespmem:$0x1E480] =	vst v63  }
0xe8: {  	_ =	swait.ge [sflag:s12], $0x4000  }
0xe9: {  	[sflag:s12] =	ssyncset.done $0x0  }
0xea: {  	[sflag:s12] =	ssyncadd.s32 $0xFFFFC000  }
0xeb: {  	_ =	swait.ge [sflag:s16], $0x4000  }
0xec: {  	[sflag:s16] =	ssyncset.done $0x0  }
0xed: {  	[sflag:s16] =	ssyncadd.s32 $0xFFFFC000  }
0xee: {  	[tilespmem:s17], [sflag:$0x2] =	stream.indirect.gather [hbm4b:s18+s14], $0x80, s24, s14, $0xb8;
	[tilespmem:$0x1E480] =	vst v63  }
0xef: {  	_ = 	snop  }
0xf0: {  	[spmem:s1] =	stream.indirect.scatter.add.f32 [tilespmem:s15], [sflag:$0x3], $0x80, s25, s14, $0xb8;
	[tilespmem:$0x1E480] =	vst v63  }
0xf1: {  	_ =	swait.ge [sflag:s12], $0x4000  }
0xf2: {  	[sflag:s12] =	ssyncset.done $0x0  }
0xf3: {  	[sflag:s12] =	ssyncadd.s32 $0xFFFFC000  }
0xf4: {  	_ =	swait.ge [sflag:s3], $0x4000  }
0xf5: {  	[sflag:s3] =	ssyncset.done $0x0  }
0xf6: {  	[sflag:s3] =	ssyncadd.s32 $0xFFFFC000  }
0xf7: {  	[spmem:s1] =	stream.indirect.scatter.add.f32 [tilespmem:s17], [sflag:$0x3], $0x80, s26, s14, $0xb8;
	[tilespmem:$0x1E480] =	vst v63  }
0xf8: {  	_ =	swait.ge [sflag:s12], $0x4000  }
0xf9: {  	[sflag:s12] =	ssyncset.done $0x0  }
0xfa: {  	[sflag:s12] =	ssyncadd.s32 $0xFFFFC000  }
0xfb: {  	[bflag:$0x0] =	sbarrier.arrive $0xFFFF  }
0xfc: {  	s0 =	sshrl.u32 @!p1 s8, $0x3;
	s2 =	simm.s32 @!p1 $0x1FC3;
	s29 =	rddreg [dreg:$0x15]  }
0xfd: {  	[hbm:s29], [sflag:s2] =	dma.local @!p1 [spmem:s0], $0x800  }
0xfe: {  	s0 =	simm.s32 @!p1 $0x3  }
0xff: {  	_ =	swait.ge @!p1 [sflag:s0], $0x800  }
0x100: {  	[sflag:s0] =	ssyncset.done @!p1 $0x0  }
0x101: {  	s29 =	sshrl.u32 @!p1 s9, $0x3;
	s30 =	rddreg [dreg:$0x16];
	[sflag:s0] =	ssyncadd.s32 @!p1 $0xFFFFF800  }
0x102: {  	[hbm:s30], [sflag:s2] =	dma.local @!p1 [spmem:s29], $0x800  }
0x103: {  	_ =	swait.ge @!p1 [sflag:s0], $0x800  }
0x104: {  	[sflag:s0] =	ssyncset.done @!p1 $0x0  }
0x105: {  	s29 =	sshrl.u32 @!p1 s10, $0x3;
	s30 =	rddreg [dreg:$0x17];
	[sflag:s0] =	ssyncadd.s32 @!p1 $0xFFFFF800  }
0x106: {  	[hbm:s30], [sflag:s2] =	dma.local @!p1 [spmem:s29], $0x800  }
0x107: {  	_ =	swait.ge @!p1 [sflag:s0], $0x800  }
0x108: {  	[sflag:s0] =	ssyncset.done @!p1 $0x0  }
0x109: {  	s29 =	sshrl.u32 @!p1 s11, $0x3;
	s30 =	rddreg [dreg:$0x18];
	[sflag:s0] =	ssyncadd.s32 @!p1 $0xFFFFF800  }
0x10a: {  	[hbm:s30], [sflag:s2] =	dma.local @!p1 [spmem:s29], $0x100  }
0x10b: {  	s31 =	stileid.u32;
	_ =	swait.ge @!p1 [sflag:s0], $0x100  }
0x10c: {  	s2 =	sshll.u32 @!p2 s31, $0x6;
	[sflag:s0] =	ssyncset.done @!p1 $0x0;
	s29 =	rddreg [dreg:$0xc]  }
0x10d: {  	[sflag:s0] =	ssyncadd.s32 @!p1 $0xFFFFFF00;
	s0 =	sor.u32 @!p2 $0x1C03, s2;
	s2 =	sshrl.u32 @!p2 s19, $0x3  }
0x10e: {  	[hbm:s29], [sflag:s0] =	dma.local @!p2 [spmem:s2], $0x800  }
0x10f: {  	s2 =	simm.s32 @!p2 $0x3  }
0x110: {  	_ =	swait.ge @!p2 [sflag:s2], $0x800  }
0x111: {  	[sflag:s2] =	ssyncset.done @!p2 $0x0  }
0x112: {  	s29 =	sshrl.u32 @!p2 s20, $0x3;
	s30 =	rddreg [dreg:$0xd];
	[sflag:s2] =	ssyncadd.s32 @!p2 $0xFFFFF800  }
0x113: {  	[hbm:s30], [sflag:s0] =	dma.local @!p2 [spmem:s29], $0x800  }
0x114: {  	_ =	swait.ge @!p2 [sflag:s2], $0x800  }
0x115: {  	[sflag:s2] =	ssyncset.done @!p2 $0x0  }
0x116: {  	s29 =	sshrl.u32 @!p2 s21, $0x3;
	s30 =	rddreg [dreg:$0xe];
	[sflag:s2] =	ssyncadd.s32 @!p2 $0xFFFFF800  }
0x117: {  	[hbm:s30], [sflag:s0] =	dma.local @!p2 [spmem:s29], $0x800  }
0x118: {  	_ =	swait.ge @!p2 [sflag:s2], $0x800  }
0x119: {  	[sflag:s2] =	ssyncset.done @!p2 $0x0  }
0x11a: {  	s29 =	sshrl.u32 @!p2 s22, $0x3;
	s30 =	rddreg [dreg:$0xf];
	[sflag:s2] =	ssyncadd.s32 @!p2 $0xFFFFF800  }
0x11b: {  	[hbm:s30], [sflag:s0] =	dma.local @!p2 [spmem:s29], $0x800  }
0x11c: {  	_ =	swait.ge @!p2 [sflag:s2], $0x800  }
0x11d: {  	[sflag:s2] =	ssyncset.done @!p2 $0x0  }
0x11e: {  	s29 =	sshrl.u32 @!p2 s23, $0x3;
	s30 =	rddreg [dreg:$0x10];
	[sflag:s2] =	ssyncadd.s32 @!p2 $0xFFFFF800  }
0x11f: {  	[hbm:s30], [sflag:s0] =	dma.local @!p2 [spmem:s29], $0x800  }
0x120: {  	_ =	swait.ge @!p2 [sflag:s2], $0x800  }
0x121: {  	s0 =	sshrl.u32 @!p3 s8, $0x3;
	[sflag:s2] =	ssyncset.done @!p2 $0x0  }
0x122: {  	s29 =	rddreg [dreg:$0x11];
	[sflag:s2] =	ssyncadd.s32 @!p2 $0xFFFFF800;
	s2 =	simm.s32 @!p3 $0x1FC3  }
0x123: {  	[hbm:s29], [sflag:s2] =	dma.local @!p3 [spmem:s0], $0x800  }
0x124: {  	s0 =	simm.s32 @!p3 $0x3  }
0x125: {  	_ =	swait.ge @!p3 [sflag:s0], $0x800  }
0x126: {  	[sflag:s0] =	ssyncset.done @!p3 $0x0  }
0x127: {  	s29 =	sshrl.u32 @!p3 s9, $0x3;
	s30 =	rddreg [dreg:$0x12];
	[sflag:s0] =	ssyncadd.s32 @!p3 $0xFFFFF800  }
0x128: {  	[hbm:s30], [sflag:s2] =	dma.local @!p3 [spmem:s29], $0x800  }
0x129: {  	_ =	swait.ge @!p3 [sflag:s0], $0x800  }
0x12a: {  	[sflag:s0] =	ssyncset.done @!p3 $0x0  }
0x12b: {  	s29 =	sshrl.u32 @!p3 s10, $0x3;
	s30 =	rddreg [dreg:$0x13];
	[sflag:s0] =	ssyncadd.s32 @!p3 $0xFFFFF800  }
0x12c: {  	[hbm:s30], [sflag:s2] =	dma.local @!p3 [spmem:s29], $0x800  }
0x12d: {  	_ =	swait.ge @!p3 [sflag:s0], $0x800  }
0x12e: {  	[sflag:s0] =	ssyncset.done @!p3 $0x0  }
0x12f: {  	s29 =	sshrl.u32 @!p3 s11, $0x3;
	s30 =	rddreg [dreg:$0x14];
	[sflag:s0] =	ssyncadd.s32 @!p3 $0xFFFFF800  }
0x130: {  	[hbm:s30], [sflag:s2] =	dma.local @!p3 [spmem:s29], $0x100  }
0x131: {  	_ =	swait.ge @!p3 [sflag:s0], $0x100  }
0x132: {  	s2 =	sshll.u32 @!p4 s31, $0x6;
	[sflag:s0] =	ssyncset.done @!p3 $0x0;
	s29 =	rddreg [dreg:$0x7]  }
0x133: {  	[sflag:s0] =	ssyncadd.s32 @!p3 $0xFFFFFF00;
	s0 =	sor.u32 @!p4 $0x1C03, s2;
	s2 =	sshrl.u32 @!p4 s19, $0x3  }
0x134: {  	[hbm:s29], [sflag:s0] =	dma.local @!p4 [spmem:s2], $0x800  }
0x135: {  	s2 =	simm.s32 @!p4 $0x3  }
0x136: {  	_ =	swait.ge @!p4 [sflag:s2], $0x800  }
0x137: {  	[sflag:s2] =	ssyncset.done @!p4 $0x0  }
0x138: {  	s29 =	sshrl.u32 @!p4 s20, $0x3;
	s31 =	rddreg [dreg:$0x8];
	[sflag:s2] =	ssyncadd.s32 @!p4 $0xFFFFF800  }
0x139: {  	[hbm:s31], [sflag:s0] =	dma.local @!p4 [spmem:s29], $0x800  }
0x13a: {  	_ =	swait.ge @!p4 [sflag:s2], $0x800  }
0x13b: {  	[sflag:s2] =	ssyncset.done @!p4 $0x0  }
0x13c: {  	s29 =	sshrl.u32 @!p4 s21, $0x3;
	s31 =	rddreg [dreg:$0x9];
	[sflag:s2] =	ssyncadd.s32 @!p4 $0xFFFFF800  }
0x13d: {  	[hbm:s31], [sflag:s0] =	dma.local @!p4 [spmem:s29], $0x800  }
0x13e: {  	_ =	swait.ge @!p4 [sflag:s2], $0x800  }
0x13f: {  	[sflag:s2] =	ssyncset.done @!p4 $0x0  }
0x140: {  	s29 =	sshrl.u32 @!p4 s22, $0x3;
	s31 =	rddreg [dreg:$0xa];
	[sflag:s2] =	ssyncadd.s32 @!p4 $0xFFFFF800  }
0x141: {  	[hbm:s31], [sflag:s0] =	dma.local @!p4 [spmem:s29], $0x800  }
0x142: {  	_ =	swait.ge @!p4 [sflag:s2], $0x800  }
0x143: {  	[sflag:s2] =	ssyncset.done @!p4 $0x0  }
0x144: {  	s29 =	sshrl.u32 @!p4 s23, $0x3;
	s31 =	rddreg [dreg:$0xb];
	[sflag:s2] =	ssyncadd.s32 @!p4 $0xFFFFF800  }
0x145: {  	[hbm:s31], [sflag:s0] =	dma.local @!p4 [spmem:s29], $0x800  }
0x146: {  	_ =	swait.ge @!p4 [sflag:s2], $0x800  }
0x147: {  	s28 =	sadd.s32 $0x1, s28;
	s31 =	rddreg [dreg:$0x19]  }
0x148: {  	p5 =	sne.s32 s28, s31  }
.Ltmp3:
0x149: {  	_ = 	snop;
	(pc) =	sbr.rel @p5 .LBB2_1-.Ltmp3, $3  }
0x14a: {  	_ =	sdelay $0x1  }
0x14b: {  	[sflag:s2] =	ssyncset.done @!p4 $0x0  }
0x14c: {  	s30 =	stileid.u32;
	[sflag:s2] =	ssyncadd.s32 @!p4 $0xFFFFF800  }
0x14d: {  	_ =	sfence.sel $0x180000  }
0x14e: {  	[bflag:$0x0] =	sbarrier.arrive $0xFFFF  }
0x14f: {  	_ =	strace $0x9000004D  }
0x150: {  	[bflag:$0x2] =	sbarrier.arrive $0xFFFF  }
0x151: {  	p0 =	sne.s32 s30, $0x0;
	s0 =	rddreg [dreg:$0x2]  }
0x152: {  	s0 =	sadd.s32 @!p0 $0x100000, s0  }
0x153: {  	[sflag:s0] =	ssyncadd.tile.s32 @!p0 $0x1;
	_ =	shalt  }
.Lfunc_end2:
_tile_overlayer_lowered:
.L_overlay_start_2:
0x154: {  	(tag) =	ssettag $0x2  }
0x155: {  	s0 =	rddreg [dreg:$0x0];
	s2 =	stileid.u32  }
0x156: {  	s1 =	rddreg [dreg:$0x1];
	p0 =	sne.s32 s2, $0x0  }
0x157: {  	s3 =	rddreg [dreg:$0x2];
	[bflag:$0x3] =	sbarrier.arrive $0xFFFF;
	s2 =	simm.s32 @!p0 $0x1C03  }
0x158: {  	[timem:s3], [sflag:s2] =	dma.local @!p0 [hbm:s0], s1  }
0x159: {  	s0 =	simm.s32 @!p0 $0x3  }
0x15a: {  	_ =	swait.ge @!p0 [sflag:s0], s1  }
0x15b: {  	s1 =	ssub.s32 @!p0 $0x0, s1;
	[sflag:s0] =	ssyncset.done @!p0 $0x0  }
0x15c: {  	[sflag:s0] =	ssyncadd.s32 @!p0 s1  }
0x15d: {  	[bflag:$0x3] =	sbarrier.arrive $0xFFFF  }
0x15e: {  	_ =	shalt  }

// kernel: kernel.8.cloned.1.call-start
scs
__scs_entry_jumppad:
0x0: {  	(pc) =	sbr.rel $0x88, $3  }
0x1: {  	(tag) =	ssettag $0x0;
	lr =	simm.s32 $0x1  }
0x2: {  	[smem:$0x3F97] =	sst lr;
	_ =	strace $0xD0000000  }
0x3: {  	_ = 	snop  }
0x4: {  	_ = 	snop  }
0x5: {  	_ = 	snop  }
0x6: {  	_ = 	snop  }
0x7: {  	_ = 	snop  }
__scs_overlays_trampoline_lowered:
0x8: {  	[smem:$0x3FA6] =	sst s0  }
0x9: {  	[smem:$0x3FA7] =	sst s1  }
0xa: {  	[smem:$0x3FA8] =	sst s2  }
0xb: {  	[smem:$0x3FA9] =	sst s3  }
0xc: {  	[smem:$0x3FAA] =	sst s4  }
0xd: {  	[smem:$0x3FAB] =	sst s5  }
0xe: {  	[smem:$0x3FAC] =	sst s6  }
0xf: {  	[smem:$0x3FAD] =	sst s7  }
0x10: {  	[smem:$0x3FAE] =	sst s8  }
0x11: {  	[smem:$0x3FAF] =	sst s9;
	s0 =	simm.s32 @!p0 $0x0  }
0x12: {  	s1 =	sld [smem:$0x3F95];
	s0 =	simm.s32 @p0 $0x1  }
0x13: {  	[smem:$0x3FB0] =	sst s0;
	s0 =	simm.s32 @!p1 $0x0  }
0x14: {  	s2 =	sld [smem:$0x3F94];
	s0 =	simm.s32 @p1 $0x1  }
0x15: {  	[smem:$0x3FB1] =	sst s0;
	s0 =	simm.s32 @!p2 $0x0  }
0x16: {  	s3 =	sld [smem:$0x3FDB];
	s0 =	simm.s32 @p2 $0x1  }
0x17: {  	s4 =	simm.s32 $0x1BF5;
	[smem:$0x3FB3] =	sst s0  }
0x18: {  	s0 =	sld [smem:$0x3F96];
	_ =	swait.ge [sflag:s4], $0x0  }
0x19: {  	s7 =	sld [smem:$0x3F97]  }
0x1a: {  	s8 =	sadd.s32 $0xFFFFE003, lr  }
0x1b: {  	s9 =	sadd.s32 $0xFFFFFEF7, lr;
	s5 =	simm.s32 $0xFFFFFFFF;
	p2 =	slt.u32 s8, $0xFFFFF086  }
0x1c: {  	p1 =	slt.u32 s9, $0xF7A;
	s5 =	simm.s32 @!p2 $0x0  }
0x1d: {  	s5 =	simm.s32 @p1 $0x1;
	p0 =	seq.s32 s7, s2  }
0x1e: {  	s7 =	smul.u32 @!p0 $0xF7A, s2;
	p2 =	seq.s32 @!p0 s5, $0x0  }
0x1f: {  	s9 =	smul.u32 $0xF7A, s1;
	s8 =	simm.s32 @!p0 $0x1BF5;
	p2 =	por !p2, p0  }
0x20: {  	[sflag:s8] =	ssyncset.s32 @!p0 $0xFFFFF086;
	s6 =	sadd.s32 @!p0 s3, s7;
	s7 =	simm.s32 @!p0 $0x108  }
0x21: {  	s3 =	sadd.s32 s3, s9;
	s6 =	sadd.s32 @!p0 $0x88, s6;
	s7 =	simm.s32 @p2 $0x1082  }
0x22: {  	[simem:s7], [sflag:s8] =	dma.local @!p0 [hbm:s6], $0xF7A  }
0x23: {  	s9 =	sor.u32 $0xD0000000, s2;
	s6 =	simm.s32 $0x108;
	_ =	swait.ge @!p0 [sflag:s8], $0x0  }
0x24: {  	s3 =	sadd.s32 $0x88, s3;
	s6 =	simm.s32 @!p1 $0x1082;
	[sflag:s4] =	ssyncset.s32 $0xFFFFF086  }
0x25: {  	[simem:s6], [sflag:s4] =	dma.local [hbm:s3], $0xF7A  }
0x26: {  	[smem:$0x3F97] =	sst s1;
	(tag) =	ssettag s2;
	_ =	strace s9  }
0x27: {  	s1 =	sld [smem:$0x3FA7]  }
0x28: {  	s2 =	sld [smem:$0x3FA8]  }
0x29: {  	s4 =	sld [smem:$0x3FAA]  }
0x2a: {  	p0 =	seq.s32 s5, $0x0;
	s5 =	sld [smem:$0x3FAB]  }
0x2b: {  	s6 =	sld [smem:$0x3FAC]  }
0x2c: {  	s7 =	sld [smem:$0x3FAD]  }
0x2d: {  	s3 =	simm.s32 $0x108;
	s8 =	sld [smem:$0x3FAE]  }
0x2e: {  	s3 =	simm.s32 @!p0 $0x1082;
	s9 =	sld [smem:$0x3FAF]  }
0x2f: {  	lr =	sadd.s32 s0, s3;
	s0 =	sld [smem:$0x3FA6]  }
0x30: {  	s3 =	sld [smem:$0x3FA9]  }
0x31: {  	[smem:$0x3FB2] =	sst s10  }
0x32: {  	s10 =	sld [smem:$0x3FB0];
	_ =	sdelay $0x3  }
0x33: {  	p0 =	seq.s32 s10, $0x1;
	s10 =	sld [smem:$0x3FB2];
	_ =	sdelay $0x3  }
0x34: {  	[smem:$0x3FB2] =	sst s10  }
0x35: {  	s10 =	sld [smem:$0x3FB1];
	_ =	sdelay $0x3  }
0x36: {  	p1 =	seq.s32 s10, $0x1;
	s10 =	sld [smem:$0x3FB2];
	_ =	sdelay $0x3  }
0x37: {  	[smem:$0x3FB2] =	sst s10  }
0x38: {  	s10 =	sld [smem:$0x3FB3]  }
0x39: {  	_ = 	snop;
	(pc) =	sbr.ind lr, $3  }
0x3a: {  	_ = 	snop  }
0x3b: {  	_ = 	snop  }
0x3c: {  	p2 =	seq.s32 s10, $0x1;
	s10 =	sld [smem:$0x3FB2]  }
0x3d: {  	_ =	shalt  }
0x3e: {  	_ =	shalt  }
0x3f: {  	_ =	shalt  }
0x40: {  	_ =	shalt  }
0x41: {  	_ =	shalt  }
0x42: {  	_ =	shalt  }
0x43: {  	_ =	shalt  }
0x44: {  	_ =	shalt  }
0x45: {  	_ =	shalt  }
0x46: {  	_ =	shalt  }
0x47: {  	_ =	shalt  }
0x48: {  	_ =	shalt  }
0x49: {  	_ =	shalt  }
0x4a: {  	_ =	shalt  }
0x4b: {  	_ =	shalt  }
0x4c: {  	_ =	shalt  }
0x4d: {  	_ =	shalt  }
0x4e: {  	_ =	shalt  }
0x4f: {  	_ =	shalt  }
0x50: {  	_ =	shalt  }
0x51: {  	_ =	shalt  }
0x52: {  	_ =	shalt  }
0x53: {  	_ =	shalt  }
0x54: {  	_ =	shalt  }
0x55: {  	_ =	shalt  }
0x56: {  	_ =	shalt  }
0x57: {  	_ =	shalt  }
0x58: {  	_ =	shalt  }
0x59: {  	_ =	shalt  }
0x5a: {  	_ =	shalt  }
0x5b: {  	_ =	shalt  }
0x5c: {  	_ =	shalt  }
0x5d: {  	_ =	shalt  }
0x5e: {  	_ =	shalt  }
0x5f: {  	_ =	shalt  }
0x60: {  	_ =	shalt  }
0x61: {  	_ =	shalt  }
0x62: {  	_ =	shalt  }
0x63: {  	_ =	shalt  }
0x64: {  	_ =	shalt  }
0x65: {  	_ =	shalt  }
0x66: {  	_ =	shalt  }
0x67: {  	_ =	shalt  }
0x68: {  	_ =	shalt  }
0x69: {  	_ =	shalt  }
0x6a: {  	_ =	shalt  }
0x6b: {  	_ =	shalt  }
0x6c: {  	_ =	shalt  }
0x6d: {  	_ =	shalt  }
0x6e: {  	_ =	shalt  }
0x6f: {  	_ =	shalt  }
0x70: {  	_ =	shalt  }
0x71: {  	_ =	shalt  }
0x72: {  	_ =	shalt  }
0x73: {  	_ =	shalt  }
0x74: {  	_ =	shalt  }
0x75: {  	_ =	shalt  }
0x76: {  	_ =	shalt  }
0x77: {  	_ =	shalt  }
0x78: {  	_ =	shalt  }
0x79: {  	_ =	shalt  }
0x7a: {  	_ =	shalt  }
0x7b: {  	_ =	shalt  }
0x7c: {  	_ =	shalt  }
0x7d: {  	_ =	shalt  }
0x7e: {  	_ =	shalt  }
0x7f: {  	_ =	shalt  }
0x80: {  	_ =	shalt  }
0x81: {  	_ =	shalt  }
0x82: {  	_ =	shalt  }
0x83: {  	_ =	shalt  }
0x84: {  	_ =	shalt  }
0x85: {  	_ =	shalt  }
0x86: {  	_ =	shalt  }
0x87: {  	_ =	shalt  }
.Lfunc_end0:
.L_simem_size_0:
called_computation_lowered:
.L_overlay_start_0:
0x88: {  	s2 =	sld [smem:$0x3FD9]  }
0x89: {  	s3 =	sld [smem:$0x3FFE];
	_ =	sdelay $0x1  }
0x8a: {  	s1 =	srdreg.scid  }
0x8b: {  	s0 =	sand.u32 $0x1, s1  }
0x8c: {  	s16 =	sshll.u32 s0, $0xA;
	s2 =	sadd.s32 s3, s2  }
0x8d: {  	s2 =	sadd.s32 s2, s16  }
0x8e: {  	[smem:$0x3FBE] =	sst s2  }
0x8f: {  	_ = 	snop  }
0x90: {  	(tm) =	ssettm $0x1  }
0x91: {  	s17 =	sld [smem:$0x3FFB];
	_ =	sdelay $0x3  }
0x92: {  	_ =	strace s17  }
0x93: {  	s2 =	sld [smem:$0x3FFC];
	_ =	sdelay $0x3  }
0x94: {  	_ =	strace s2  }
0x95: {  	s2 =	sld [smem:$0x3FFD];
	_ =	sdelay $0x3  }
0x96: {  	_ =	strace s2  }
0x97: {  	_ =	strace $0x8FFFFFFF  }
0x98: {  	s18 =	sld [smem:$0x3FDB];
	_ =	sdelay $0x1  }
0x99: {  	s19 =	simm.s32 $_scs_section_size  }
0x9a: {  	s4 =	simm.s32 $_size__tile_overlayer_lowered;
	s5 =	simm.s32 $_tile_overlayer_lowered  }
0x9b: {  	s22 =	simm.s32 $0x1BFF;
	s21 =	sshll.u32 s5, $0x1;
	s2 =	sadd.s32 s19, s18  }
0x9c: {  	s6 =	simm.s32 $0x0;
	s20 =	sshll.u32 s4, $0x1;
	s4 =	sadd.s32 s21, s2  }
0x9d: {  	[timem:s6], [sflag:s22] =	dma.local [hbm:s4], s20  }
0x9e: {  	_ =	swait.ge [sflag:s22], s20  }
0x9f: {  	s3 =	ssub.s32 $0x0, s20;
	[sflag:s22] =	ssyncset.done $0x0  }
0xa0: {  	[sflag:s22] =	ssyncadd.s32 s3;
	_ =	sdelay $0x1  }
0xa1: {  	s23 =	simm.s32 $0x1B8B  }
0xa2: {  	_ =	swait.ge [sflag:s23], $0x1  }
0xa3: {  	[sflag:s23] =	ssyncset.done $0x0  }
0xa4: {  	s25 =	simm.s32 $0x1B8E;
	s24 =	sld [smem:$0x3FFE];
	[sflag:s23] =	ssyncadd.s32 $0xFFFFFFFF  }
0xa5: {  	s26 =	simm.s32 $execute0_lowered;
	[smem:$0x3FD2] =	sst s25  }
0xa6: {  	s4 =	sshll.u32 s26, $0x1;
	_ =	strace $0x80000046;
	[dreg:$0x1] =	wrdreg $0xFFFFFFFF  }
0xa7: {  	s28 =	simm.s32 $_size_execute0_lowered;
	s2 =	sadd.s32 s2, s4;
	[dreg:$0x0] =	wrdreg $0x0  }
0xa8: {  	s4 =	sshll.u32 s28, $0x1;
	[dreg:$0x2] =	wrdreg s2  }
0xa9: {  	[dreg:$0x3] =	wrdreg s4  }
0xaa: {  	[dreg:$0x4] =	wrdreg $0xC0  }
0xab: {  	_ =	task [dreg:s6], $0x5FFFF  }
0xac: {  	[dreg:$0x1] =	wrdreg $0xFFFFFFFF  }
0xad: {  	[dreg:$0x0] =	wrdreg $0x60  }
0xae: {  	[dreg:$0x2] =	wrdreg s24  }
0xaf: {  	[dreg:$0x3] =	wrdreg $0x2B000  }
0xb0: {  	[dreg:$0x4] =	wrdreg $0x9  }
0xb1: {  	_ =	task.clear_ibuf [dreg:s6], $0x5FFFF;
	_ =	strace $0x90000046  }
0xb2: {  	s29 =	simm.s32 $0x9;
	_ =	strace $0x80000048  }
0xb3: {  	_ =	swait.ge [sflag:s29], $0x1  }
0xb4: {  	[sflag:s29] =	ssyncadd.s32 $0xFFFFFFFF  }
0xb5: {  	_ =	strace $0x90000048  }
0xb6: {  	_ =	sfence  }
0xb7: {  	s30 =	sld [smem:$0x0];
	_ =	sdelay $0x2  }
0xb8: {  	s31 =	sshll.u32 s1, $0xD;
	s1 =	sshrl.u32 s1, $0x2  }
0xb9: {  	s3 =	sand.u32 $0x4000, s31;
	s1 =	sadd.s32 s1, s30  }
0xba: {  	s0 =	sor.u32 s3, s0;
	s1 =	sshll.u32 s1, $0x11  }
0xbb: {  	s0 =	sor.u32 s1, s0  }
0xbc: {  	s0 =	sadd.s32 $0x8F2B, s0  }
0xbd: {  	[sflag:s0] =	ssyncadd.remote.s32 $0x1  }
0xbe: {  	_ =	sfence.sel $0xFFFF  }
0xbf: {  	[dreg:$0x0] =	wrdreg $0xFFFFFFFF;
	(pc) =	sbr.abs _section_cstart, $3  }
0xc0: {  	[dreg:$0x1] =	wrdreg $0xFFFFFFFF  }
0xc1: {  	_ =	task.clear_ibuf [dreg:s6], $0x2FFFF;
	_ =	strace $0x9FFFFFFF  }
0xc2: {  	(tm) =	ssettm $0x7FFFFFFF  }
0xc3: {  	_ =	shalt  }
tec
execute0_lowered:
.L_overlay_start_1:
0x0: {  	(tag) =	ssettag $0x1  }
0x1: {  	s0 =	srdreg.scid;
	s7 =	rddreg [dreg:$0x0]  }
0x2: {  	s2 =	rddreg [dreg:$0x1];
	s1 =	stileid.u32  }
0x3: {  	s3 =	simm.s32 $0x0;
	s10 =	simm.s32 $0x80;
	s11 =	simm.s32 $0x2800  }
0x4: {  	s14 =	simm.s32 $0x0;
	s4 =	sand.u32 $0x1, s0;
	s0 =	rddreg [dreg:$0x2]  }
0x5: {  	[smem:$0x7FF] =	sst s3;
	s9 =	smul.u32 $0x280, s1;
	s12 =	sshll.u32 s1, $0x6  }
0x6: {  	s5 =	sshll.u32 s4, $0x4;
	_ =	strace $0x80000047;
	s6 =	ssub.s32 $0x2, s4  }
0x7: {  	p0 =	seq.s32 s4, $0x1;
	s12 =	sor.u32 $0x1C01, s12;
	s5 =	sor.u32 s1, s5  }
0x8: {  	s8 =	sshrl.u32 s6, $0x1;
	s4 =	sadd.s32 s9, s2;
	s9 =	sshrl.u32 s9, $0x3  }
0x9: {  	s5 =	smul.u32 $0x500, s5;
	s6 =	ssub.s32 s6, s8;
	s8 =	simm.s32 $0x17E00  }
0xa: {  	s13 =	sshrl.u32 s4, $0x3;
	s8 =	simm.s32 @!p0 $0x17800;
	s6 =	smax.u32 s6, $0x1  }
0xb: {  	s5 =	sadd.s32 s5, s7;
	s7 =	sadd.s32 s8, s7;
	s8 =	simm.s32 $0x2880  }
0xc: {  	v0 =	vimm.f32 $1.000000000e+00;
	v1 =	vimm.f32 $0.0e+00;
	s5 =	sadd.s32 $0x3800, s5;
	s7 =	sadd.s32 s7, s9;
	s9 =	simm.s32 $0x1  }
.LBB2_1:
0xd: {  	[tilespmem:$0x2800] =	vst v0  }
0xe: {  	[tilespmem:$0x2810] =	vst v0  }
0xf: {  	[tilespmem:$0x2820] =	vst v0  }
0x10: {  	[tilespmem:$0x2830] =	vst v0  }
0x11: {  	[tilespmem:$0x2840] =	vst v0  }
0x12: {  	[tilespmem:$0x2850] =	vst v0  }
0x13: {  	[tilespmem:$0x2860] =	vst v0  }
0x14: {  	[tilespmem:$0x2870] =	vst v0  }
0x15: {  	[tilespmem:$0x2880] =	vst v1  }
0x16: {  	[tilespmem:$0x2890] =	vst v1  }
0x17: {  	[tilespmem:$0x28A0] =	vst v1  }
0x18: {  	[tilespmem:$0x28B0] =	vst v1  }
0x19: {  	[tilespmem:$0x28C0] =	vst v1  }
0x1a: {  	[tilespmem:$0x28D0] =	vst v1  }
0x1b: {  	[tilespmem:$0x28E0] =	vst v1  }
0x1c: {  	[tilespmem:$0x28F0] =	vst v1  }
0x1d: {  	[tilespmem:$0x2900] =	vst v1  }
0x1e: {  	[tilespmem:$0x2910] =	vst v1  }
0x1f: {  	[tilespmem:$0x2920] =	vst v1  }
0x20: {  	[tilespmem:$0x2930] =	vst v1  }
0x21: {  	[tilespmem:$0x2940] =	vst v1  }
0x22: {  	[tilespmem:$0x2950] =	vst v1  }
0x23: {  	[tilespmem:$0x2960] =	vst v1  }
0x24: {  	[tilespmem:$0x2970] =	vst v1  }
0x25: {  	[tilespmem:$0x2980] =	vst v1  }
0x26: {  	[tilespmem:$0x2990] =	vst v1  }
0x27: {  	[tilespmem:$0x29A0] =	vst v1  }
0x28: {  	[tilespmem:$0x29B0] =	vst v1  }
0x29: {  	[tilespmem:$0x29C0] =	vst v1  }
0x2a: {  	[tilespmem:$0x29D0] =	vst v1  }
0x2b: {  	[tilespmem:$0x29E0] =	vst v1  }
0x2c: {  	[tilespmem:$0x29F0] =	vst v1  }
0x2d: {  	[tilespmem:$0x2A00] =	vst v1  }
0x2e: {  	[tilespmem:$0x2A10] =	vst v1  }
0x2f: {  	[tilespmem:$0x2A20] =	vst v1  }
0x30: {  	[tilespmem:$0x2A30] =	vst v1  }
0x31: {  	[tilespmem:$0x2A40] =	vst v1  }
0x32: {  	[tilespmem:$0x2A50] =	vst v1  }
0x33: {  	[tilespmem:$0x2A60] =	vst v1  }
0x34: {  	[tilespmem:$0x2A70] =	vst v1  }
0x35: {  	[tilespmem:$0x2A80] =	vst v1  }
0x36: {  	[tilespmem:$0x2A90] =	vst v1  }
0x37: {  	[tilespmem:$0x2AA0] =	vst v1  }
0x38: {  	[tilespmem:$0x2AB0] =	vst v1  }
0x39: {  	[tilespmem:$0x2AC0] =	vst v1  }
0x3a: {  	[tilespmem:$0x2AD0] =	vst v1  }
0x3b: {  	[tilespmem:$0x2AE0] =	vst v1  }
0x3c: {  	[tilespmem:$0x2AF0] =	vst v1  }
0x3d: {  	[spmem:s4] =	stream.linear.scatter [tilespmem:s8], [sflag:$0x1], $0x280, $0x38;
	[tilespmem:$0x2D80] =	vst v63  }
0x3e: {  	_ =	swait.ge [sflag:s9], $0x280  }
0x3f: {  	[sflag:s9] =	ssyncset.done $0x0  }
0x40: {  	[sflag:s9] =	ssyncadd.s32 $0xFFFFFD80  }
0x41: {  	[tilespmem:s3], [sflag:$0x1] =	stream.linear.gather [hbm4b:s5+s3], $0x2800, $0x38;
	[tilespmem:$0x2D80] =	vst v63  }
0x42: {  	_ =	swait.ge [sflag:s9], $0x2800  }
0x43: {  	[sflag:s9] =	ssyncset.done $0x0  }
0x44: {  	[sflag:s9] =	ssyncadd.s32 $0xFFFFD800  }
0x45: {  	s15 =	simm.s32 $0x0;
	[bflag:$0x0] =	sbarrier.arrive $0xFFFF  }
0x46: {  	[spmem:s2] =	stream.indirect.scatter.add.f32 [tilespmem:s11], [sflag:$0x1], $0x1, s15, s10, $0xb8;
	[tilespmem:$0x2D80] =	vst v63  }
0x47: {  	_ =	swait.ge [sflag:s9], $0x80  }
0x48: {  	s15 =	simm.s32 $0x200;
	[sflag:s9] =	ssyncset.done $0x0  }
.LBB2_2:
0x49: {  	s16 =	sshra.s32 s15, $0x2;
	[sflag:s9] =	ssyncadd.s32 $0xFFFFFF80;
	p0 =	sne.s32 s15, $0x9E00  }
0x4a: {  	[spmem:s2] =	stream.indirect.scatter.add.f32 [tilespmem:s11], [sflag:$0x1], $0x1, s16, s10, $0xb8;
	[tilespmem:$0x2D80] =	vst v63  }
.Ltmp0:
0x4b: {  	_ = 	snop;
	(pc) =	sbr.rel @p0 .LBB2_2-.Ltmp0, $4  }
0x4c: {  	_ = 	snop  }
0x4d: {  	s15 =	sadd.s32 $0x200, s15  }
0x4e: {  	_ =	swait.ge [sflag:s9], $0x80  }
0x4f: {  	[sflag:s9] =	ssyncset.done $0x0  }
0x50: {  	s14 =	sadd.s32 $0x1, s14  }
0x51: {  	[sflag:s9] =	ssyncadd.s32 $0xFFFFFF80;
	p0 =	sne.s32 s14, s6  }
.Ltmp1:
0x52: {  	[bflag:$0x0] =	sbarrier.arrive $0xFFFF;
	(pc) =	sbr.rel @p0 .LBB2_1-.Ltmp1, $4  }
0x53: {  	[hbm:s7], [sflag:s12] =	dma.local [spmem:s13], $0x50  }
0x54: {  	_ =	swait.ge [sflag:s9], $0x50  }
0x55: {  	[sflag:s9] =	ssyncset.done $0x0  }
0x56: {  	[sflag:s9] =	ssyncadd.s32 $0xFFFFFFB0  }
0x57: {  	_ =	sfence.sel $0x180000  }
0x58: {  	[bflag:$0x0] =	sbarrier.arrive $0xFFFF  }
0x59: {  	p0 =	sne.s32 s1, $0x0;
	_ =	strace $0x90000047  }
0x5a: {  	s0 =	sadd.s32 @!p0 $0x100000, s0;
	[bflag:$0x2] =	sbarrier.arrive $0xFFFF  }
0x5b: {  	[sflag:s0] =	ssyncadd.tile.s32 @!p0 $0x1;
	_ =	shalt  }
.Lfunc_end2:
_tile_overlayer_lowered:
.L_overlay_start_2:
0x5c: {  	(tag) =	ssettag $0x2  }
0x5d: {  	s0 =	rddreg [dreg:$0x0];
	s2 =	stileid.u32  }
0x5e: {  	s1 =	rddreg [dreg:$0x1];
	p0 =	sne.s32 s2, $0x0  }
0x5f: {  	s3 =	rddreg [dreg:$0x2];
	[bflag:$0x3] =	sbarrier.arrive $0xFFFF;
	s2 =	simm.s32 @!p0 $0x1C01  }
0x60: {  	[timem:s3], [sflag:s2] =	dma.local @!p0 [hbm:s0], s1  }
0x61: {  	s0 =	simm.s32 @!p0 $0x1  }
0x62: {  	_ =	swait.ge @!p0 [sflag:s0], s1  }
0x63: {  	s1 =	ssub.s32 @!p0 $0x0, s1;
	[sflag:s0] =	ssyncset.done @!p0 $0x0  }
0x64: {  	[sflag:s0] =	ssyncadd.s32 @!p0 s1  }
0x65: {  	[bflag:$0x3] =	sbarrier.arrive $0xFFFF  }
0x66: {  	_ =	shalt  }

</sc_bundles>
